<compile_context>
chip_gen: v7x
topology: tpu7x:2x2x1
jax: 0.10.2.dev20260603
libtpu: 0.0.44.dev20260713+nightly
codegen_flags: <defaults>
</compile_context>

<pallas_src>
import functools

import jax
import jax.numpy as jnp
from jax import lax
from jax.experimental import pallas as pl
from jax.experimental.pallas import tpu as pltpu
from jax.experimental.pallas import tpu_sc as plsc

N = 10000
E = 320000
D = 128

NC = 2
NS = 16
NW = NC * NS
EPT = E // NW
K = 100
NCH = EPT // K
NPAIR = NCH // 2
NPAD = 10240
RPT = NPAD // NS
DEG_W = 16

_mesh = plsc.VectorSubcoreMesh(core_axis_name="c", subcore_axis_name="s")



KD = 125
NCHD = EPT // KD
DEG_WIN = 2


@functools.partial(
    pl.kernel,
    out_type=jax.ShapeDtypeStruct((NC, NPAD, DEG_W), jnp.float32),
    mesh=_mesh,
    scratch_types=[
        pltpu.VMEM((NCHD, KD), jnp.int32),
        pltpu.VMEM((KD, DEG_W), jnp.float32),
        pltpu.SemaphoreType.DMA,
        pltpu.VMEM_SHARED((NPAD, DEG_W), jnp.float32),
    ],
)
def _deg_kernel(dst_hbm, z_hbm, out_hbm, dst_v, ones_v, sem, deg_sh):
    c_id = lax.axis_index("c")
    s_id = lax.axis_index("s")
    wid = c_id * NS + s_id

    pltpu.sync_copy(dst_hbm.at[wid], dst_v)

    @pl.when(s_id == 0)
    def _():
        pltpu.sync_copy(z_hbm, deg_sh)

    def fill(i, carry):
        ones_v[i] = jnp.ones((DEG_W,), jnp.float32)
        return carry

    lax.fori_loop(0, KD, fill, 0)
    plsc.subcore_barrier()

    def step(i, carry):
        pltpu.async_copy(ones_v, deg_sh.at[dst_v.at[i]], sem, add=True)

        @pl.when(i >= DEG_WIN)
        def _():
            pltpu.make_async_copy(ones_v, deg_sh.at[dst_v.at[0]], sem).wait()

        return carry

    lax.fori_loop(0, NCHD, step, 0)

    def drain(i, carry):
        pltpu.make_async_copy(ones_v, deg_sh.at[dst_v.at[0]], sem).wait()
        return carry

    lax.fori_loop(0, DEG_WIN, drain, 0)
    plsc.subcore_barrier()

    pltpu.sync_copy(
        deg_sh.at[pl.ds(s_id * RPT, RPT)],
        out_hbm.at[c_id, pl.ds(s_id * RPT, RPT)],
    )


KA = 125
NCHA = EPT // KA
NBLKA = 4
BCA = NCHA // NBLKA
PAIRA = BCA // 2


@functools.partial(
    pl.kernel,
    out_type=jax.ShapeDtypeStruct((NC, NPAD, D), jnp.float32),
    mesh=_mesh,
    scratch_types=[
        pltpu.VMEM((BCA, KA), jnp.int32),
        pltpu.VMEM((BCA, KA), jnp.int32),
        pltpu.VMEM((BCA, KA), jnp.int32),
        pltpu.VMEM((BCA, KA), jnp.int32),
        pltpu.VMEM((KA, D), jnp.float32),
        pltpu.VMEM((KA, D), jnp.float32),
        pltpu.SemaphoreType.DMA,
        pltpu.SemaphoreType.DMA,
        pltpu.SemaphoreType.DMA,
        pltpu.SemaphoreType.DMA,
        pltpu.SemaphoreType.DMA,
        pltpu.VMEM_SHARED((NPAD, D), jnp.float32),
    ],
)
def _agg_kernel(h_hbm, src_hbm, dst_hbm, z_hbm, out_hbm,
                src_b0, src_b1, dst_b0, dst_b1, rows0, rows1,
                gsem0, gsem1, ssem0, ssem1, isem, agg_sh):
    src_bufs = (src_b0, src_b1)
    dst_bufs = (dst_b0, dst_b1)
    ring = ((rows0, gsem0, ssem0), (rows1, gsem1, ssem1))
    c_id = lax.axis_index("c")
    s_id = lax.axis_index("s")
    wid = c_id * NS + s_id

    pltpu.sync_copy(src_hbm.at[wid, 0], src_b0)
    pltpu.sync_copy(dst_hbm.at[wid, 0], dst_b0)

    @pl.when(s_id == 0)
    def _():
        pltpu.sync_copy(z_hbm, agg_sh)

    plsc.subcore_barrier()

    for j, (rb, gs, _) in enumerate(ring):
        pltpu.async_copy(h_hbm.at[src_b0.at[j]], rb, gs)

    for b in range(NBLKA):
        sv = src_bufs[b % 2]
        dv = dst_bufs[b % 2]
        svn = src_bufs[(b + 1) % 2]
        dvn = dst_bufs[(b + 1) % 2]
        if b + 1 < NBLKA:
            pltpu.async_copy(src_hbm.at[wid, b + 1], svn, isem)
            pltpu.async_copy(dst_hbm.at[wid, b + 1], dvn, isem)

        def pair(t, carry):
            base = 2 * t
            for j, (rb, gs, ss) in enumerate(ring):
                pltpu.make_async_copy(h_hbm.at[sv.at[base + j]], rb, gs).wait()
                pltpu.async_copy(rb, agg_sh.at[dv.at[base + j]], ss, add=True)

            @pl.when(t + 1 < PAIRA)
            def _():
                for j, (rb, gs, ss) in enumerate(ring):
                    pltpu.make_async_copy(rb, agg_sh.at[dv.at[base + j]], ss).wait()
                    pltpu.async_copy(h_hbm.at[sv.at[base + 2 + j]], rb, gs)

            return carry

        lax.fori_loop(0, PAIRA, pair, 0)

        if b + 1 < NBLKA:
            pltpu.make_async_copy(src_hbm.at[wid, b + 1], svn, isem).wait()
            pltpu.make_async_copy(dst_hbm.at[wid, b + 1], dvn, isem).wait()
            for j, (rb, gs, ss) in enumerate(ring):
                pltpu.make_async_copy(rb, agg_sh.at[dv.at[BCA - 2 + j]], ss).wait()
                pltpu.async_copy(h_hbm.at[svn.at[j]], rb, gs)
        else:
            for j, (rb, gs, ss) in enumerate(ring):
                pltpu.make_async_copy(rb, agg_sh.at[dv.at[BCA - 2 + j]], ss).wait()

    plsc.subcore_barrier()

    pltpu.sync_copy(
        agg_sh.at[pl.ds(s_id * RPT, RPT)],
        out_hbm.at[c_id, pl.ds(s_id * RPT, RPT)],
    )



BN = 1000
NB = N // BN


def _dinv_of(deg_ref):
    deg = deg_ref[0][:, 0:1] + deg_ref[1][:, 0:1] + 1.0
    return lax.rsqrt(deg)


def _tc1_body(deg_ref, x_ref, xp_ref):
    xp_ref[...] = x_ref[...] * _dinv_of(deg_ref)


def _tc2_body(p_ref, x_ref, deg_ref, b_ref, w1_ref, w2_ref, h2_ref, h2p_ref):
    dinv = _dinv_of(deg_ref)
    a = p_ref[0] + p_ref[1]
    u = a * dinv + x_ref[...] * (dinv * dinv)
    y = jnp.dot(u, w1_ref[...], preferred_element_type=jnp.float32)
    y = jnp.maximum(y + b_ref[...], 0.0)
    h2 = jnp.dot(y, w2_ref[...], preferred_element_type=jnp.float32)
    h2_ref[...] = h2
    h2p_ref[...] = h2 * dinv


def _tc3_body(p_ref, h2_ref, deg_ref, b_ref, wo_ref, bo_ref, out_ref):
    dinv = _dinv_of(deg_ref)
    a = p_ref[0] + p_ref[1]
    y = a * dinv + h2_ref[...] * (dinv * dinv) + b_ref[...]
    out_ref[...] = (
        jnp.dot(y, wo_ref[...], preferred_element_type=jnp.float32)
        + bo_ref[...]
    )


_deg_spec = pl.BlockSpec((2, BN, DEG_W), lambda i: (0, i, 0))
_row_spec = pl.BlockSpec((BN, D), lambda i: (i, 0))
_p_spec = pl.BlockSpec((2, BN, D), lambda i: (0, i, 0))
_w_spec = pl.BlockSpec((D, D), lambda i: (0, 0))
_b_spec = pl.BlockSpec((1, D), lambda i: (0, 0))

_tc1 = pl.pallas_call(
    _tc1_body,
    grid=(NB,),
    in_specs=[_deg_spec, _row_spec],
    out_specs=_row_spec,
    out_shape=jax.ShapeDtypeStruct((N, D), jnp.float32),
)

_tc2 = pl.pallas_call(
    _tc2_body,
    grid=(NB,),
    in_specs=[_p_spec, _row_spec, _deg_spec, _b_spec, _w_spec, _w_spec],
    out_specs=[_row_spec, _row_spec],
    out_shape=[
        jax.ShapeDtypeStruct((N, D), jnp.float32),
        jax.ShapeDtypeStruct((N, D), jnp.float32),
    ],
)

_tc3 = pl.pallas_call(
    _tc3_body,
    grid=(NB,),
    in_specs=[
        _p_spec, _row_spec, _deg_spec, _b_spec,
        pl.BlockSpec((D, 1), lambda i: (0, 0)),
        pl.BlockSpec((1, 1), lambda i: (0, 0)),
    ],
    out_specs=pl.BlockSpec((BN, 1), lambda i: (i, 0)),
    out_shape=jax.ShapeDtypeStruct((N, 1), jnp.float32),
)


def kernel(x, edge_index, W1, b1, W2, b2, W_out, b_out):
    src = edge_index[0].reshape(NW, NBLKA, BCA, KA)
    dst = edge_index[1].reshape(NW, NBLKA, BCA, KA)
    dst_deg = edge_index[1].reshape(NW, NCHD, KD)
    z128 = jnp.zeros((NPAD, D), jnp.float32)
    z16 = jnp.zeros((NPAD, DEG_W), jnp.float32)

    degp = _deg_kernel(dst_deg, z16)
    xp = _tc1(degp, x)
    p1 = _agg_kernel(xp, src, dst, z128)
    h2, h2p = _tc2(p1, x, degp, b1.reshape(1, D), W1, W2)
    p2 = _agg_kernel(h2p, src, dst, z128)
    out = _tc3(p2, h2, degp, b2.reshape(1, D), W_out, b_out.reshape(1, 1))
    return out

# --- scband reference (transcript-rebuilt; emitter-appended) ---
"""Pipeline reference for scband-gnnsurrogate-11269994184763 (READ-ONLY COPY).

The authoritative reference and input builder live on the scoring server;
editing this copy changes nothing except your own understanding.
"""

import jax, jax.numpy as jnp
import numpy as np

N = 10000
E = 320000
D = 128


def setup_inputs(seed: int = 0) -> dict:
    key = jax.random.key(seed)
    ks = jax.random.split(key, 8)
    x = jax.random.normal(ks[0], (N, D), dtype=jnp.float32)
    edge_index = jax.random.randint(ks[1], (2, E), 0, N, dtype=jnp.int32)
    W1 = jax.random.normal(ks[2], (D, D), dtype=jnp.float32) * 0.05
    b1 = jnp.zeros((D,), dtype=jnp.float32)
    W2 = jax.random.normal(ks[3], (D, D), dtype=jnp.float32) * 0.05
    b2 = jnp.zeros((D,), dtype=jnp.float32)
    W_out = jax.random.normal(ks[4], (D, 1), dtype=jnp.float32) * 0.05
    b_out = jnp.zeros((1,), dtype=jnp.float32)
    return {"x": x, "edge_index": edge_index, "W1": W1, "b1": b1, "W2": W2, "b2": b2, "W_out": W_out, "b_out": b_out}


def gcn_conv(x, edge_index, W, b):
    # Standard GCNConv: add self-loops, symmetric degree normalization,
    # linear transform, scatter-add aggregation.
    n = x.shape[0]
    src = edge_index[0]
    dst = edge_index[1]
    loop = jnp.arange(n, dtype=src.dtype)
    src = jnp.concatenate([src, loop])
    dst = jnp.concatenate([dst, loop])
    deg = jnp.zeros((n,), dtype=x.dtype).at[dst].add(1.0)
    dinv = jnp.where(deg > 0, 1.0 / jnp.sqrt(deg), 0.0)
    norm = dinv[src] * dinv[dst]
    h = x @ W
    msg = h[src] * norm[:, None]
    out = jnp.zeros_like(h).at[dst].add(msg)
    return out + b


def reference(x, edge_index, W1, b1, W2, b2, W_out, b_out):
    # GNNSurrogate.forward: conv1 -> relu -> conv2 -> fc_out
    h = gcn_conv(x, edge_index, W1, b1)
    h = jax.nn.relu(h)
    h = gcn_conv(h, edge_index, W2, b2)
    out = h @ W_out + b_out
    return out

if __name__ == "__main__":
    import jax
    _d = setup_inputs()
    print(jax.jit(kernel)(*tuple(_d.values())))

</pallas_src>

<mosaic_0001>
#map = affine_map<(d0, d1) -> (0, 0, 0)>
#map1 = affine_map<(d0, d1) -> (0, 0)>
module attributes {stable_mosaic.version = 14 : i64} {
  func.func @_deg_kernel(%arg0: i32, %arg1: i32, %arg2: memref<32x80x125xi32, #tpu.memory_space<hbm>>, %arg3: memref<10240x16xf32, #tpu.memory_space<hbm>>, %arg4: memref<2x10240x16xf32, #tpu.memory_space<hbm>>, %arg5: memref<80x125xi32, #tpu.memory_space<vmem>>, %arg6: memref<125x16xf32, #tpu.memory_space<vmem>>, %arg7: memref<!tpu.dma_semaphore, #tpu.memory_space<semaphore_mem>>, %arg8: memref<10240x16xf32, #tpu.memory_space<vmem_shared>>) attributes {dimension_semantics = [#tpu.dimension_semantics<core_parallel>, #tpu.dimension_semantics<subcore_parallel>], iteration_bounds = array<i64: 2, 16>, scalar_prefetch = 0 : i64, scratch_operands = 4 : i64, tpu.core_type = #tpu.core_type<sc_vector_subcore>, window_params = [{transform_indices = #map}, {transform_indices = #map1}, {transform_indices = #map}]} {
    %mul3A = arith.constant 16 : i32
    %mul3A_0 = arith.muli %arg0, %mul3A : i32
    %add3A = arith.addi %mul3A_0, %arg1 : i32
    "tpu.region"() ({
      %run_scoped3A = tpu.sem_alloc : memref<!tpu.dma_semaphore, #tpu.memory_space<semaphore_mem>>
      %dma_start3A = arith.constant 0 : i32
      %dma_start3A_25 = arith.constant 0 : i32
      %dma_start3A_26 = tpu.memref_slice %arg2[%add3A, %dma_start3A, %dma_start3A_25] : memref<32x80x125xi32, #tpu.memory_space<hbm>> -> memref<1x80x125xi32, #tpu.memory_space<hbm>>
      %dma_start3A_27 = tpu.memref_squeeze %dma_start3A_26 : memref<1x80x125xi32, #tpu.memory_space<hbm>> -> memref<80x125xi32, #tpu.memory_space<hbm>>
      %dma_start3A_28 = arith.constant 0 : i32
      %dma_start3A_29 = arith.constant 0 : i32
      %dma_start3A_30 = tpu.memref_slice %arg2[%add3A, %dma_start3A_28, %dma_start3A_29] : memref<32x80x125xi32, #tpu.memory_space<hbm>> -> memref<1x80x125xi32, #tpu.memory_space<hbm>>
      %dma_start3A_31 = tpu.memref_squeeze %dma_start3A_30 : memref<1x80x125xi32, #tpu.memory_space<hbm>> -> memref<80x125xi32, #tpu.memory_space<hbm>>
      tpu.enqueue_dma source(%dma_start3A_31 : memref<80x125xi32, #tpu.memory_space<hbm>>) target(%arg5 : memref<80x125xi32, #tpu.memory_space<vmem>>) target_semaphore(%run_scoped3A : memref<!tpu.dma_semaphore, #tpu.memory_space<semaphore_mem>>)
      %dma_wait3A = arith.constant 0 : i32
      %dma_wait3A_32 = arith.constant 0 : i32
      %dma_wait3A_33 = tpu.memref_slice %arg2[%add3A, %dma_wait3A, %dma_wait3A_32] : memref<32x80x125xi32, #tpu.memory_space<hbm>> -> memref<1x80x125xi32, #tpu.memory_space<hbm>>
      %dma_wait3A_34 = tpu.memref_squeeze %dma_wait3A_33 : memref<1x80x125xi32, #tpu.memory_space<hbm>> -> memref<80x125xi32, #tpu.memory_space<hbm>>
      %dma_wait3A_35 = arith.constant 0 : i32
      %dma_wait3A_36 = arith.constant 0 : i32
      %dma_wait3A_37 = tpu.memref_slice %arg2[%add3A, %dma_wait3A_35, %dma_wait3A_36] : memref<32x80x125xi32, #tpu.memory_space<hbm>> -> memref<1x80x125xi32, #tpu.memory_space<hbm>>
      %dma_wait3A_38 = tpu.memref_squeeze %dma_wait3A_37 : memref<1x80x125xi32, #tpu.memory_space<hbm>> -> memref<80x125xi32, #tpu.memory_space<hbm>>
      tpu.wait_dma2 semaphore(%run_scoped3A : memref<!tpu.dma_semaphore, #tpu.memory_space<semaphore_mem>>) src(%dma_wait3A_38 : memref<80x125xi32, #tpu.memory_space<hbm>>) dst(%arg5 : memref<80x125xi32, #tpu.memory_space<vmem>>)
      tpu.yield
    }) : () -> ()
    %eq3A = arith.constant 0 : i32
    %eq3A_1 = arith.cmpi eq, %arg1, %eq3A : i32
    %convert_element_type3A = arith.extui %eq3A_1 : i1 to i32
    %cond3A = arith.constant 0 : i32
    %cond3A_2 = arith.cmpi ne, %convert_element_type3A, %cond3A : i32
    scf.if %cond3A_2 {
      "tpu.region"() ({
        %run_scoped3A = tpu.sem_alloc : memref<!tpu.dma_semaphore, #tpu.memory_space<semaphore_mem>>
        tpu.enqueue_dma source(%arg3 : memref<10240x16xf32, #tpu.memory_space<hbm>>) target(%arg8 : memref<10240x16xf32, #tpu.memory_space<vmem_shared>>) target_semaphore(%run_scoped3A : memref<!tpu.dma_semaphore, #tpu.memory_space<semaphore_mem>>)
        tpu.wait_dma2 semaphore(%run_scoped3A : memref<!tpu.dma_semaphore, #tpu.memory_space<semaphore_mem>>) src(%arg3 : memref<10240x16xf32, #tpu.memory_space<hbm>>) dst(%arg8 : memref<10240x16xf32, #tpu.memory_space<vmem_shared>>)
        tpu.yield
      }) : () -> ()
    } else {
    }
    %scan3A = arith.constant 0 : i32
    %scan3A_3 = arith.constant 0 : i32
    %scan3A_4 = arith.constant 125 : i32
    %scan3A_5 = arith.addi %scan3A_3, %scan3A_4 : i32
    %scan3A_6 = arith.constant 1 : i32
    scf.for %scan3A_25 = %scan3A_3 to %scan3A_5 step %scan3A_6  : i32 {
      %broadcast_in_dim3A = arith.constant 1.000000e+00 : f32
      %broadcast_in_dim3A_26 = vector.broadcast %broadcast_in_dim3A : f32 to vector<16xf32>
      %swap3A = arith.index_cast %scan3A_25 : i32 to index
      %swap3A_27 = arith.constant 0 : index
      %swap3A_28 = tpu.vector_load %arg6[%swap3A, %swap3A_27] {strides = array<i32>} : memref<125x16xf32, #tpu.memory_space<vmem>>, vector<1x16xf32>,
      %swap3A_29 = vector.shape_cast %swap3A_28 : vector<1x16xf32> to vector<16xf32>
      %swap3A_30 = vector.shape_cast %broadcast_in_dim3A_26 : vector<16xf32> to vector<1x16xf32>
      tpu.vector_store %arg6[%swap3A, %swap3A_27], %swap3A_30 {strides = array<i32>} : memref<125x16xf32, #tpu.memory_space<vmem>>, vector<1x16xf32>,
    }
    %scan3A_7 = arith.constant 125 : i32
    %barrier3A = arith.constant 0 : index
    tpu.barrier barrier_id(%barrier3A)
    %scan3A_8 = arith.constant 0 : i32
    %scan3A_9 = arith.constant 0 : i32
    %scan3A_10 = arith.constant 80 : i32
    %scan3A_11 = arith.addi %scan3A_9, %scan3A_10 : i32
    %scan3A_12 = arith.constant 1 : i32
    scf.for %scan3A_25 = %scan3A_9 to %scan3A_11 step %scan3A_12  : i32 {
      %dma_start3A = arith.constant 0 : i32
      %dma_start3A_26 = tpu.memref_slice %arg5[%scan3A_25, %dma_start3A] : memref<80x125xi32, #tpu.memory_space<vmem>> -> memref<1x125xi32, #tpu.memory_space<vmem>>
      %dma_start3A_27 = tpu.memref_squeeze %dma_start3A_26 : memref<1x125xi32, #tpu.memory_space<vmem>> -> memref<125xi32, #tpu.memory_space<vmem>>
      %dma_start3A_28 = arith.constant 0 : i32
      %dma_start3A_29 = arith.constant 0 : i32
      %dma_start3A_30 = tpu.memref_slice %arg8[%dma_start3A_28, %dma_start3A_29] : memref<10240x16xf32, #tpu.memory_space<vmem_shared>> -> memref<10240x16xf32, #tpu.memory_space<vmem_shared>>
      tpu.enqueue_indirect_dma source(%arg6 : memref<125x16xf32, #tpu.memory_space<vmem>>) target(%dma_start3A_30 : memref<10240x16xf32, #tpu.memory_space<vmem_shared>>) offsets(%dma_start3A_27 : memref<125xi32, #tpu.memory_space<vmem>>) semaphore(%arg7 : memref<!tpu.dma_semaphore, #tpu.memory_space<semaphore_mem>>) {add = true}
      %ge3A = arith.constant 2 : i32
      %ge3A_31 = arith.cmpi sge, %scan3A_25, %ge3A : i32
      %convert_element_type3A_32 = arith.extui %ge3A_31 : i1 to i32
      %cond3A_33 = arith.constant 0 : i32
      %cond3A_34 = arith.cmpi ne, %convert_element_type3A_32, %cond3A_33 : i32
      scf.if %cond3A_34 {
        %dma_wait3A = arith.constant 0 : i32
        %dma_wait3A_35 = arith.constant 0 : i32
        %dma_wait3A_36 = tpu.memref_slice %arg5[%dma_wait3A, %dma_wait3A_35] : memref<80x125xi32, #tpu.memory_space<vmem>> -> memref<1x125xi32, #tpu.memory_space<vmem>>
        %dma_wait3A_37 = tpu.memref_squeeze %dma_wait3A_36 : memref<1x125xi32, #tpu.memory_space<vmem>> -> memref<125xi32, #tpu.memory_space<vmem>>
        %dma_wait3A_38 = arith.constant 0 : i32
        %dma_wait3A_39 = arith.constant 0 : i32
        %dma_wait3A_40 = tpu.memref_slice %arg8[%dma_wait3A_38, %dma_wait3A_39] : memref<10240x16xf32, #tpu.memory_space<vmem_shared>> -> memref<10240x16xf32, #tpu.memory_space<vmem_shared>>
        tpu.wait_indirect_dma semaphore(%arg7 : memref<!tpu.dma_semaphore, #tpu.memory_space<semaphore_mem>>) src(%arg6 : memref<125x16xf32, #tpu.memory_space<vmem>>) dst(%dma_wait3A_40 : memref<10240x16xf32, #tpu.memory_space<vmem_shared>>)
      } else {
      }
    }
    %scan3A_13 = arith.constant 80 : i32
    %scan3A_14 = arith.constant 0 : i32
    %scan3A_15 = arith.constant 0 : i32
    %scan3A_16 = arith.constant 2 : i32
    %scan3A_17 = arith.addi %scan3A_15, %scan3A_16 : i32
    %scan3A_18 = arith.constant 1 : i32
    scf.for %scan3A_25 = %scan3A_15 to %scan3A_17 step %scan3A_18  : i32 {
      %dma_wait3A = arith.constant 0 : i32
      %dma_wait3A_26 = arith.constant 0 : i32
      %dma_wait3A_27 = tpu.memref_slice %arg5[%dma_wait3A, %dma_wait3A_26] : memref<80x125xi32, #tpu.memory_space<vmem>> -> memref<1x125xi32, #tpu.memory_space<vmem>>
      %dma_wait3A_28 = tpu.memref_squeeze %dma_wait3A_27 : memref<1x125xi32, #tpu.memory_space<vmem>> -> memref<125xi32, #tpu.memory_space<vmem>>
      %dma_wait3A_29 = arith.constant 0 : i32
      %dma_wait3A_30 = arith.constant 0 : i32
      %dma_wait3A_31 = tpu.memref_slice %arg8[%dma_wait3A_29, %dma_wait3A_30] : memref<10240x16xf32, #tpu.memory_space<vmem_shared>> -> memref<10240x16xf32, #tpu.memory_space<vmem_shared>>
      tpu.wait_indirect_dma semaphore(%arg7 : memref<!tpu.dma_semaphore, #tpu.memory_space<semaphore_mem>>) src(%arg6 : memref<125x16xf32, #tpu.memory_space<vmem>>) dst(%dma_wait3A_31 : memref<10240x16xf32, #tpu.memory_space<vmem_shared>>)
    }
    %scan3A_19 = arith.constant 2 : i32
    %barrier3A_20 = arith.constant 0 : index
    tpu.barrier barrier_id(%barrier3A_20)
    %mul3A_21 = arith.constant 640 : i32
    %mul3A_22 = arith.muli %arg1, %mul3A_21 : i32
    %mul3A_23 = arith.constant 640 : i32
    %mul3A_24 = arith.muli %arg1, %mul3A_23 : i32
    "tpu.region"() ({
      %run_scoped3A = tpu.sem_alloc : memref<!tpu.dma_semaphore, #tpu.memory_space<semaphore_mem>>
      %dma_start3A = arith.constant 0 : i32
      %dma_start3A_25 = tpu.memref_slice %arg4[%arg0, %mul3A_24, %dma_start3A] : memref<2x10240x16xf32, #tpu.memory_space<hbm>> -> memref<1x640x16xf32, #tpu.memory_space<hbm>>
      %dma_start3A_26 = tpu.memref_squeeze %dma_start3A_25 : memref<1x640x16xf32, #tpu.memory_space<hbm>> -> memref<640x16xf32, #tpu.memory_space<hbm>>
      %dma_start3A_27 = arith.constant 0 : i32
      %dma_start3A_28 = tpu.memref_slice %arg8[%mul3A_22, %dma_start3A_27] : memref<10240x16xf32, #tpu.memory_space<vmem_shared>> -> memref<640x16xf32, #tpu.memory_space<vmem_shared>>
      tpu.enqueue_dma source(%dma_start3A_28 : memref<640x16xf32, #tpu.memory_space<vmem_shared>>) target(%dma_start3A_26 : memref<640x16xf32, #tpu.memory_space<hbm>>) target_semaphore(%run_scoped3A : memref<!tpu.dma_semaphore, #tpu.memory_space<semaphore_mem>>)
      %dma_wait3A = arith.constant 0 : i32
      %dma_wait3A_29 = tpu.memref_slice %arg4[%arg0, %mul3A_24, %dma_wait3A] : memref<2x10240x16xf32, #tpu.memory_space<hbm>> -> memref<1x640x16xf32, #tpu.memory_space<hbm>>
      %dma_wait3A_30 = tpu.memref_squeeze %dma_wait3A_29 : memref<1x640x16xf32, #tpu.memory_space<hbm>> -> memref<640x16xf32, #tpu.memory_space<hbm>>
      %dma_wait3A_31 = arith.constant 0 : i32
      %dma_wait3A_32 = tpu.memref_slice %arg8[%mul3A_22, %dma_wait3A_31] : memref<10240x16xf32, #tpu.memory_space<vmem_shared>> -> memref<640x16xf32, #tpu.memory_space<vmem_shared>>
      tpu.wait_dma2 semaphore(%run_scoped3A : memref<!tpu.dma_semaphore, #tpu.memory_space<semaphore_mem>>) src(%dma_wait3A_32 : memref<640x16xf32, #tpu.memory_space<vmem_shared>>) dst(%dma_wait3A_30 : memref<640x16xf32, #tpu.memory_space<hbm>>)
      tpu.yield
    }) : () -> ()
    return
  }
}

#map = affine_map<(d0, d1) -> (0, 0)>
#map1 = affine_map<(d0, d1) -> (0, 0, 0, 0)>
#map2 = affine_map<(d0, d1) -> (0, 0, 0)>
module attributes {stable_mosaic.version = 14 : i64} {
  func.func @_agg_kernel(%arg0: i32, %arg1: i32, %arg2: memref<10000x128xf32, #tpu.memory_space<hbm>>, %arg3: memref<32x4x20x125xi32, #tpu.memory_space<hbm>>, %arg4: memref<32x4x20x125xi32, #tpu.memory_space<hbm>>, %arg5: memref<10240x128xf32, #tpu.memory_space<hbm>>, %arg6: memref<2x10240x128xf32, #tpu.memory_space<hbm>>, %arg7: memref<20x125xi32, #tpu.memory_space<vmem>>, %arg8: memref<20x125xi32, #tpu.memory_space<vmem>>, %arg9: memref<20x125xi32, #tpu.memory_space<vmem>>, %arg10: memref<20x125xi32, #tpu.memory_space<vmem>>, %arg11: memref<125x128xf32, #tpu.memory_space<vmem>>, %arg12: memref<125x128xf32, #tpu.memory_space<vmem>>, %arg13: memref<!tpu.dma_semaphore, #tpu.memory_space<semaphore_mem>>, %arg14: memref<!tpu.dma_semaphore, #tpu.memory_space<semaphore_mem>>, %arg15: memref<!tpu.dma_semaphore, #tpu.memory_space<semaphore_mem>>, %arg16: memref<!tpu.dma_semaphore, #tpu.memory_space<semaphore_mem>>, %arg17: memref<!tpu.dma_semaphore, #tpu.memory_space<semaphore_mem>>, %arg18: memref<10240x128xf32, #tpu.memory_space<vmem_shared>>) attributes {dimension_semantics = [#tpu.dimension_semantics<core_parallel>, #tpu.dimension_semantics<subcore_parallel>], iteration_bounds = array<i64: 2, 16>, scalar_prefetch = 0 : i64, scratch_operands = 12 : i64, tpu.core_type = #tpu.core_type<sc_vector_subcore>, window_params = [{transform_indices = #map}, {transform_indices = #map1}, {transform_indices = #map1}, {transform_indices = #map}, {transform_indices = #map2}]} {
    %mul3A = arith.constant 16 : i32
    %mul3A_0 = arith.muli %arg0, %mul3A : i32
    %add3A = arith.addi %mul3A_0, %arg1 : i32
    %run_scoped3A = arith.constant 0 : i32
    "tpu.region"() ({
      %run_scoped3A_250 = tpu.sem_alloc : memref<!tpu.dma_semaphore, #tpu.memory_space<semaphore_mem>>
      %dma_start3A_251 = arith.constant 0 : i32
      %dma_start3A_252 = arith.constant 0 : i32
      %dma_start3A_253 = tpu.memref_slice %arg3[%add3A, %run_scoped3A, %dma_start3A_251, %dma_start3A_252] : memref<32x4x20x125xi32, #tpu.memory_space<hbm>> -> memref<1x1x20x125xi32, #tpu.memory_space<hbm>>
      %dma_start3A_254 = tpu.memref_squeeze %dma_start3A_253 : memref<1x1x20x125xi32, #tpu.memory_space<hbm>> -> memref<20x125xi32, #tpu.memory_space<hbm>>
      %dma_start3A_255 = arith.constant 0 : i32
      %dma_start3A_256 = arith.constant 0 : i32
      %dma_start3A_257 = tpu.memref_slice %arg3[%add3A, %run_scoped3A, %dma_start3A_255, %dma_start3A_256] : memref<32x4x20x125xi32, #tpu.memory_space<hbm>> -> memref<1x1x20x125xi32, #tpu.memory_space<hbm>>
      %dma_start3A_258 = tpu.memref_squeeze %dma_start3A_257 : memref<1x1x20x125xi32, #tpu.memory_space<hbm>> -> memref<20x125xi32, #tpu.memory_space<hbm>>
      tpu.enqueue_dma source(%dma_start3A_258 : memref<20x125xi32, #tpu.memory_space<hbm>>) target(%arg7 : memref<20x125xi32, #tpu.memory_space<vmem>>) target_semaphore(%run_scoped3A_250 : memref<!tpu.dma_semaphore, #tpu.memory_space<semaphore_mem>>)
      %dma_wait3A_259 = arith.constant 0 : i32
      %dma_wait3A_260 = arith.constant 0 : i32
      %dma_wait3A_261 = tpu.memref_slice %arg3[%add3A, %run_scoped3A, %dma_wait3A_259, %dma_wait3A_260] : memref<32x4x20x125xi32, #tpu.memory_space<hbm>> -> memref<1x1x20x125xi32, #tpu.memory_space<hbm>>
      %dma_wait3A_262 = tpu.memref_squeeze %dma_wait3A_261 : memref<1x1x20x125xi32, #tpu.memory_space<hbm>> -> memref<20x125xi32, #tpu.memory_space<hbm>>
      %dma_wait3A_263 = arith.constant 0 : i32
      %dma_wait3A_264 = arith.constant 0 : i32
      %dma_wait3A_265 = tpu.memref_slice %arg3[%add3A, %run_scoped3A, %dma_wait3A_263, %dma_wait3A_264] : memref<32x4x20x125xi32, #tpu.memory_space<hbm>> -> memref<1x1x20x125xi32, #tpu.memory_space<hbm>>
      %dma_wait3A_266 = tpu.memref_squeeze %dma_wait3A_265 : memref<1x1x20x125xi32, #tpu.memory_space<hbm>> -> memref<20x125xi32, #tpu.memory_space<hbm>>
      tpu.wait_dma2 semaphore(%run_scoped3A_250 : memref<!tpu.dma_semaphore, #tpu.memory_space<semaphore_mem>>) src(%dma_wait3A_266 : memref<20x125xi32, #tpu.memory_space<hbm>>) dst(%arg7 : memref<20x125xi32, #tpu.memory_space<vmem>>)
      tpu.yield
    }) : () -> ()
    %run_scoped3A_1 = arith.constant 0 : i32
    "tpu.region"() ({
      %run_scoped3A_250 = tpu.sem_alloc : memref<!tpu.dma_semaphore, #tpu.memory_space<semaphore_mem>>
      %dma_start3A_251 = arith.constant 0 : i32
      %dma_start3A_252 = arith.constant 0 : i32
      %dma_start3A_253 = tpu.memref_slice %arg4[%add3A, %run_scoped3A_1, %dma_start3A_251, %dma_start3A_252] : memref<32x4x20x125xi32, #tpu.memory_space<hbm>> -> memref<1x1x20x125xi32, #tpu.memory_space<hbm>>
      %dma_start3A_254 = tpu.memref_squeeze %dma_start3A_253 : memref<1x1x20x125xi32, #tpu.memory_space<hbm>> -> memref<20x125xi32, #tpu.memory_space<hbm>>
      %dma_start3A_255 = arith.constant 0 : i32
      %dma_start3A_256 = arith.constant 0 : i32
      %dma_start3A_257 = tpu.memref_slice %arg4[%add3A, %run_scoped3A_1, %dma_start3A_255, %dma_start3A_256] : memref<32x4x20x125xi32, #tpu.memory_space<hbm>> -> memref<1x1x20x125xi32, #tpu.memory_space<hbm>>
      %dma_start3A_258 = tpu.memref_squeeze %dma_start3A_257 : memref<1x1x20x125xi32, #tpu.memory_space<hbm>> -> memref<20x125xi32, #tpu.memory_space<hbm>>
      tpu.enqueue_dma source(%dma_start3A_258 : memref<20x125xi32, #tpu.memory_space<hbm>>) target(%arg9 : memref<20x125xi32, #tpu.memory_space<vmem>>) target_semaphore(%run_scoped3A_250 : memref<!tpu.dma_semaphore, #tpu.memory_space<semaphore_mem>>)
      %dma_wait3A_259 = arith.constant 0 : i32
      %dma_wait3A_260 = arith.constant 0 : i32
      %dma_wait3A_261 = tpu.memref_slice %arg4[%add3A, %run_scoped3A_1, %dma_wait3A_259, %dma_wait3A_260] : memref<32x4x20x125xi32, #tpu.memory_space<hbm>> -> memref<1x1x20x125xi32, #tpu.memory_space<hbm>>
      %dma_wait3A_262 = tpu.memref_squeeze %dma_wait3A_261 : memref<1x1x20x125xi32, #tpu.memory_space<hbm>> -> memref<20x125xi32, #tpu.memory_space<hbm>>
      %dma_wait3A_263 = arith.constant 0 : i32
      %dma_wait3A_264 = arith.constant 0 : i32
      %dma_wait3A_265 = tpu.memref_slice %arg4[%add3A, %run_scoped3A_1, %dma_wait3A_263, %dma_wait3A_264] : memref<32x4x20x125xi32, #tpu.memory_space<hbm>> -> memref<1x1x20x125xi32, #tpu.memory_space<hbm>>
      %dma_wait3A_266 = tpu.memref_squeeze %dma_wait3A_265 : memref<1x1x20x125xi32, #tpu.memory_space<hbm>> -> memref<20x125xi32, #tpu.memory_space<hbm>>
      tpu.wait_dma2 semaphore(%run_scoped3A_250 : memref<!tpu.dma_semaphore, #tpu.memory_space<semaphore_mem>>) src(%dma_wait3A_266 : memref<20x125xi32, #tpu.memory_space<hbm>>) dst(%arg9 : memref<20x125xi32, #tpu.memory_space<vmem>>)
      tpu.yield
    }) : () -> ()
    %eq3A = arith.constant 0 : i32
    %eq3A_2 = arith.cmpi eq, %arg1, %eq3A : i32
    %convert_element_type3A = arith.extui %eq3A_2 : i1 to i32
    %cond3A = arith.constant 0 : i32
    %cond3A_3 = arith.cmpi ne, %convert_element_type3A, %cond3A : i32
    scf.if %cond3A_3 {
      "tpu.region"() ({
        %run_scoped3A_250 = tpu.sem_alloc : memref<!tpu.dma_semaphore, #tpu.memory_space<semaphore_mem>>
        tpu.enqueue_dma source(%arg5 : memref<10240x128xf32, #tpu.memory_space<hbm>>) target(%arg18 : memref<10240x128xf32, #tpu.memory_space<vmem_shared>>) target_semaphore(%run_scoped3A_250 : memref<!tpu.dma_semaphore, #tpu.memory_space<semaphore_mem>>)
        tpu.wait_dma2 semaphore(%run_scoped3A_250 : memref<!tpu.dma_semaphore, #tpu.memory_space<semaphore_mem>>) src(%arg5 : memref<10240x128xf32, #tpu.memory_space<hbm>>) dst(%arg18 : memref<10240x128xf32, #tpu.memory_space<vmem_shared>>)
        tpu.yield
      }) : () -> ()
    } else {
    }
    %barrier3A = arith.constant 0 : index
    tpu.barrier barrier_id(%barrier3A)
    %dma_start3A = arith.constant 0 : i32
    %dma_start3A_4 = arith.constant 0 : i32
    %dma_start3A_5 = tpu.memref_slice %arg7[%dma_start3A, %dma_start3A_4] : memref<20x125xi32, #tpu.memory_space<vmem>> -> memref<1x125xi32, #tpu.memory_space<vmem>>
    %dma_start3A_6 = tpu.memref_squeeze %dma_start3A_5 : memref<1x125xi32, #tpu.memory_space<vmem>> -> memref<125xi32, #tpu.memory_space<vmem>>
    %dma_start3A_7 = arith.constant 0 : i32
    %dma_start3A_8 = arith.constant 0 : i32
    %dma_start3A_9 = tpu.memref_slice %arg2[%dma_start3A_7, %dma_start3A_8] : memref<10000x128xf32, #tpu.memory_space<hbm>> -> memref<10000x128xf32, #tpu.memory_space<hbm>>
    tpu.enqueue_indirect_dma source(%dma_start3A_9 : memref<10000x128xf32, #tpu.memory_space<hbm>>) target(%arg11 : memref<125x128xf32, #tpu.memory_space<vmem>>) offsets(%dma_start3A_6 : memref<125xi32, #tpu.memory_space<vmem>>) semaphore(%arg13 : memref<!tpu.dma_semaphore, #tpu.memory_space<semaphore_mem>>)
    %dma_start3A_10 = arith.constant 1 : i32
    %dma_start3A_11 = arith.constant 0 : i32
    %dma_start3A_12 = tpu.memref_slice %arg7[%dma_start3A_10, %dma_start3A_11] : memref<20x125xi32, #tpu.memory_space<vmem>> -> memref<1x125xi32, #tpu.memory_space<vmem>>
    %dma_start3A_13 = tpu.memref_squeeze %dma_start3A_12 : memref<1x125xi32, #tpu.memory_space<vmem>> -> memref<125xi32, #tpu.memory_space<vmem>>
    %dma_start3A_14 = arith.constant 0 : i32
    %dma_start3A_15 = arith.constant 0 : i32
    %dma_start3A_16 = tpu.memref_slice %arg2[%dma_start3A_14, %dma_start3A_15] : memref<10000x128xf32, #tpu.memory_space<hbm>> -> memref<10000x128xf32, #tpu.memory_space<hbm>>
    tpu.enqueue_indirect_dma source(%dma_start3A_16 : memref<10000x128xf32, #tpu.memory_space<hbm>>) target(%arg12 : memref<125x128xf32, #tpu.memory_space<vmem>>) offsets(%dma_start3A_13 : memref<125xi32, #tpu.memory_space<vmem>>) semaphore(%arg14 : memref<!tpu.dma_semaphore, #tpu.memory_space<semaphore_mem>>)
    %dma_start3A_17 = arith.constant 1 : i32
    %dma_start3A_18 = arith.constant 0 : i32
    %dma_start3A_19 = arith.constant 0 : i32
    %dma_start3A_20 = tpu.memref_slice %arg3[%add3A, %dma_start3A_17, %dma_start3A_18, %dma_start3A_19] : memref<32x4x20x125xi32, #tpu.memory_space<hbm>> -> memref<1x1x20x125xi32, #tpu.memory_space<hbm>>
    %dma_start3A_21 = tpu.memref_squeeze %dma_start3A_20 : memref<1x1x20x125xi32, #tpu.memory_space<hbm>> -> memref<20x125xi32, #tpu.memory_space<hbm>>
    %dma_start3A_22 = arith.constant 0 : i32
    %dma_start3A_23 = arith.constant 0 : i32
    %dma_start3A_24 = tpu.memref_slice %arg3[%add3A, %dma_start3A_17, %dma_start3A_22, %dma_start3A_23] : memref<32x4x20x125xi32, #tpu.memory_space<hbm>> -> memref<1x1x20x125xi32, #tpu.memory_space<hbm>>
    %dma_start3A_25 = tpu.memref_squeeze %dma_start3A_24 : memref<1x1x20x125xi32, #tpu.memory_space<hbm>> -> memref<20x125xi32, #tpu.memory_space<hbm>>
    tpu.enqueue_dma source(%dma_start3A_25 : memref<20x125xi32, #tpu.memory_space<hbm>>) target(%arg8 : memref<20x125xi32, #tpu.memory_space<vmem>>) target_semaphore(%arg17 : memref<!tpu.dma_semaphore, #tpu.memory_space<semaphore_mem>>)
    %dma_start3A_26 = arith.constant 1 : i32
    %dma_start3A_27 = arith.constant 0 : i32
    %dma_start3A_28 = arith.constant 0 : i32
    %dma_start3A_29 = tpu.memref_slice %arg4[%add3A, %dma_start3A_26, %dma_start3A_27, %dma_start3A_28] : memref<32x4x20x125xi32, #tpu.memory_space<hbm>> -> memref<1x1x20x125xi32, #tpu.memory_space<hbm>>
    %dma_start3A_30 = tpu.memref_squeeze %dma_start3A_29 : memref<1x1x20x125xi32, #tpu.memory_space<hbm>> -> memref<20x125xi32, #tpu.memory_space<hbm>>
    %dma_start3A_31 = arith.constant 0 : i32
    %dma_start3A_32 = arith.constant 0 : i32
    %dma_start3A_33 = tpu.memref_slice %arg4[%add3A, %dma_start3A_26, %dma_start3A_31, %dma_start3A_32] : memref<32x4x20x125xi32, #tpu.memory_space<hbm>> -> memref<1x1x20x125xi32, #tpu.memory_space<hbm>>
    %dma_start3A_34 = tpu.memref_squeeze %dma_start3A_33 : memref<1x1x20x125xi32, #tpu.memory_space<hbm>> -> memref<20x125xi32, #tpu.memory_space<hbm>>
    tpu.enqueue_dma source(%dma_start3A_34 : memref<20x125xi32, #tpu.memory_space<hbm>>) target(%arg10 : memref<20x125xi32, #tpu.memory_space<vmem>>) target_semaphore(%arg17 : memref<!tpu.dma_semaphore, #tpu.memory_space<semaphore_mem>>)
    %scan3A = arith.constant 0 : i32
    %scan3A_35 = arith.constant 0 : i32
    %scan3A_36 = arith.constant 10 : i32
    %scan3A_37 = arith.addi %scan3A_35, %scan3A_36 : i32
    %scan3A_38 = arith.constant 1 : i32
    scf.for %scan3A_250 = %scan3A_35 to %scan3A_37 step %scan3A_38  : i32 {
      %mul3A_251 = arith.constant 2 : i32
      %mul3A_252 = arith.muli %mul3A_251, %scan3A_250 : i32
      %add3A_253 = arith.constant 0 : i32
      %add3A_254 = arith.addi %mul3A_252, %add3A_253 : i32
      %dma_wait3A_255 = arith.constant 0 : i32
      %dma_wait3A_256 = tpu.memref_slice %arg7[%add3A_254, %dma_wait3A_255] : memref<20x125xi32, #tpu.memory_space<vmem>> -> memref<1x125xi32, #tpu.memory_space<vmem>>
      %dma_wait3A_257 = tpu.memref_squeeze %dma_wait3A_256 : memref<1x125xi32, #tpu.memory_space<vmem>> -> memref<125xi32, #tpu.memory_space<vmem>>
      %dma_wait3A_258 = arith.constant 0 : i32
      %dma_wait3A_259 = arith.constant 0 : i32
      %dma_wait3A_260 = tpu.memref_slice %arg2[%dma_wait3A_258, %dma_wait3A_259] : memref<10000x128xf32, #tpu.memory_space<hbm>> -> memref<10000x128xf32, #tpu.memory_space<hbm>>
      tpu.wait_indirect_dma semaphore(%arg13 : memref<!tpu.dma_semaphore, #tpu.memory_space<semaphore_mem>>) src(%dma_wait3A_260 : memref<10000x128xf32, #tpu.memory_space<hbm>>) dst(%arg11 : memref<125x128xf32, #tpu.memory_space<vmem>>)
      %add3A_261 = arith.constant 0 : i32
      %add3A_262 = arith.addi %mul3A_252, %add3A_261 : i32
      %dma_start3A_263 = arith.constant 0 : i32
      %dma_start3A_264 = tpu.memref_slice %arg9[%add3A_262, %dma_start3A_263] : memref<20x125xi32, #tpu.memory_space<vmem>> -> memref<1x125xi32, #tpu.memory_space<vmem>>
      %dma_start3A_265 = tpu.memref_squeeze %dma_start3A_264 : memref<1x125xi32, #tpu.memory_space<vmem>> -> memref<125xi32, #tpu.memory_space<vmem>>
      %dma_start3A_266 = arith.constant 0 : i32
      %dma_start3A_267 = arith.constant 0 : i32
      %dma_start3A_268 = tpu.memref_slice %arg18[%dma_start3A_266, %dma_start3A_267] : memref<10240x128xf32, #tpu.memory_space<vmem_shared>> -> memref<10240x128xf32, #tpu.memory_space<vmem_shared>>
      tpu.enqueue_indirect_dma source(%arg11 : memref<125x128xf32, #tpu.memory_space<vmem>>) target(%dma_start3A_268 : memref<10240x128xf32, #tpu.memory_space<vmem_shared>>) offsets(%dma_start3A_265 : memref<125xi32, #tpu.memory_space<vmem>>) semaphore(%arg15 : memref<!tpu.dma_semaphore, #tpu.memory_space<semaphore_mem>>) {add = true}
      %add3A_269 = arith.constant 1 : i32
      %add3A_270 = arith.addi %mul3A_252, %add3A_269 : i32
      %dma_wait3A_271 = arith.constant 0 : i32
      %dma_wait3A_272 = tpu.memref_slice %arg7[%add3A_270, %dma_wait3A_271] : memref<20x125xi32, #tpu.memory_space<vmem>> -> memref<1x125xi32, #tpu.memory_space<vmem>>
      %dma_wait3A_273 = tpu.memref_squeeze %dma_wait3A_272 : memref<1x125xi32, #tpu.memory_space<vmem>> -> memref<125xi32, #tpu.memory_space<vmem>>
      %dma_wait3A_274 = arith.constant 0 : i32
      %dma_wait3A_275 = arith.constant 0 : i32
      %dma_wait3A_276 = tpu.memref_slice %arg2[%dma_wait3A_274, %dma_wait3A_275] : memref<10000x128xf32, #tpu.memory_space<hbm>> -> memref<10000x128xf32, #tpu.memory_space<hbm>>
      tpu.wait_indirect_dma semaphore(%arg14 : memref<!tpu.dma_semaphore, #tpu.memory_space<semaphore_mem>>) src(%dma_wait3A_276 : memref<10000x128xf32, #tpu.memory_space<hbm>>) dst(%arg12 : memref<125x128xf32, #tpu.memory_space<vmem>>)
      %add3A_277 = arith.constant 1 : i32
      %add3A_278 = arith.addi %mul3A_252, %add3A_277 : i32
      %dma_start3A_279 = arith.constant 0 : i32
      %dma_start3A_280 = tpu.memref_slice %arg9[%add3A_278, %dma_start3A_279] : memref<20x125xi32, #tpu.memory_space<vmem>> -> memref<1x125xi32, #tpu.memory_space<vmem>>
      %dma_start3A_281 = tpu.memref_squeeze %dma_start3A_280 : memref<1x125xi32, #tpu.memory_space<vmem>> -> memref<125xi32, #tpu.memory_space<vmem>>
      %dma_start3A_282 = arith.constant 0 : i32
      %dma_start3A_283 = arith.constant 0 : i32
      %dma_start3A_284 = tpu.memref_slice %arg18[%dma_start3A_282, %dma_start3A_283] : memref<10240x128xf32, #tpu.memory_space<vmem_shared>> -> memref<10240x128xf32, #tpu.memory_space<vmem_shared>>
      tpu.enqueue_indirect_dma source(%arg12 : memref<125x128xf32, #tpu.memory_space<vmem>>) target(%dma_start3A_284 : memref<10240x128xf32, #tpu.memory_space<vmem_shared>>) offsets(%dma_start3A_281 : memref<125xi32, #tpu.memory_space<vmem>>) semaphore(%arg16 : memref<!tpu.dma_semaphore, #tpu.memory_space<semaphore_mem>>) {add = true}
      %add3A_285 = arith.constant 1 : i32
      %add3A_286 = arith.addi %scan3A_250, %add3A_285 : i32
      %lt3A = arith.constant 10 : i32
      %lt3A_287 = arith.cmpi slt, %add3A_286, %lt3A : i32
      %convert_element_type3A_288 = arith.extui %lt3A_287 : i1 to i32
      %cond3A_289 = arith.constant 0 : i32
      %cond3A_290 = arith.cmpi ne, %convert_element_type3A_288, %cond3A_289 : i32
      scf.if %cond3A_290 {
        %add3A_291 = arith.constant 0 : i32
        %add3A_292 = arith.addi %mul3A_252, %add3A_291 : i32
        %dma_wait3A_293 = arith.constant 0 : i32
        %dma_wait3A_294 = tpu.memref_slice %arg9[%add3A_292, %dma_wait3A_293] : memref<20x125xi32, #tpu.memory_space<vmem>> -> memref<1x125xi32, #tpu.memory_space<vmem>>
        %dma_wait3A_295 = tpu.memref_squeeze %dma_wait3A_294 : memref<1x125xi32, #tpu.memory_space<vmem>> -> memref<125xi32, #tpu.memory_space<vmem>>
        %dma_wait3A_296 = arith.constant 0 : i32
        %dma_wait3A_297 = arith.constant 0 : i32
        %dma_wait3A_298 = tpu.memref_slice %arg18[%dma_wait3A_296, %dma_wait3A_297] : memref<10240x128xf32, #tpu.memory_space<vmem_shared>> -> memref<10240x128xf32, #tpu.memory_space<vmem_shared>>
        tpu.wait_indirect_dma semaphore(%arg15 : memref<!tpu.dma_semaphore, #tpu.memory_space<semaphore_mem>>) src(%arg11 : memref<125x128xf32, #tpu.memory_space<vmem>>) dst(%dma_wait3A_298 : memref<10240x128xf32, #tpu.memory_space<vmem_shared>>)
        %add3A_299 = arith.constant 2 : i32
        %add3A_300 = arith.addi %mul3A_252, %add3A_299 : i32
        %add3A_301 = arith.constant 0 : i32
        %add3A_302 = arith.addi %add3A_300, %add3A_301 : i32
        %dma_start3A_303 = arith.constant 0 : i32
        %dma_start3A_304 = tpu.memref_slice %arg7[%add3A_302, %dma_start3A_303] : memref<20x125xi32, #tpu.memory_space<vmem>> -> memref<1x125xi32, #tpu.memory_space<vmem>>
        %dma_start3A_305 = tpu.memref_squeeze %dma_start3A_304 : memref<1x125xi32, #tpu.memory_space<vmem>> -> memref<125xi32, #tpu.memory_space<vmem>>
        %dma_start3A_306 = arith.constant 0 : i32
        %dma_start3A_307 = arith.constant 0 : i32
        %dma_start3A_308 = tpu.memref_slice %arg2[%dma_start3A_306, %dma_start3A_307] : memref<10000x128xf32, #tpu.memory_space<hbm>> -> memref<10000x128xf32, #tpu.memory_space<hbm>>
        tpu.enqueue_indirect_dma source(%dma_start3A_308 : memref<10000x128xf32, #tpu.memory_space<hbm>>) target(%arg11 : memref<125x128xf32, #tpu.memory_space<vmem>>) offsets(%dma_start3A_305 : memref<125xi32, #tpu.memory_space<vmem>>) semaphore(%arg13 : memref<!tpu.dma_semaphore, #tpu.memory_space<semaphore_mem>>)
        %add3A_309 = arith.constant 1 : i32
        %add3A_310 = arith.addi %mul3A_252, %add3A_309 : i32
        %dma_wait3A_311 = arith.constant 0 : i32
        %dma_wait3A_312 = tpu.memref_slice %arg9[%add3A_310, %dma_wait3A_311] : memref<20x125xi32, #tpu.memory_space<vmem>> -> memref<1x125xi32, #tpu.memory_space<vmem>>
        %dma_wait3A_313 = tpu.memref_squeeze %dma_wait3A_312 : memref<1x125xi32, #tpu.memory_space<vmem>> -> memref<125xi32, #tpu.memory_space<vmem>>
        %dma_wait3A_314 = arith.constant 0 : i32
        %dma_wait3A_315 = arith.constant 0 : i32
        %dma_wait3A_316 = tpu.memref_slice %arg18[%dma_wait3A_314, %dma_wait3A_315] : memref<10240x128xf32, #tpu.memory_space<vmem_shared>> -> memref<10240x128xf32, #tpu.memory_space<vmem_shared>>
        tpu.wait_indirect_dma semaphore(%arg16 : memref<!tpu.dma_semaphore, #tpu.memory_space<semaphore_mem>>) src(%arg12 : memref<125x128xf32, #tpu.memory_space<vmem>>) dst(%dma_wait3A_316 : memref<10240x128xf32, #tpu.memory_space<vmem_shared>>)
        %add3A_317 = arith.constant 2 : i32
        %add3A_318 = arith.addi %mul3A_252, %add3A_317 : i32
        %add3A_319 = arith.constant 1 : i32
        %add3A_320 = arith.addi %add3A_318, %add3A_319 : i32
        %dma_start3A_321 = arith.constant 0 : i32
        %dma_start3A_322 = tpu.memref_slice %arg7[%add3A_320, %dma_start3A_321] : memref<20x125xi32, #tpu.memory_space<vmem>> -> memref<1x125xi32, #tpu.memory_space<vmem>>
        %dma_start3A_323 = tpu.memref_squeeze %dma_start3A_322 : memref<1x125xi32, #tpu.memory_space<vmem>> -> memref<125xi32, #tpu.memory_space<vmem>>
        %dma_start3A_324 = arith.constant 0 : i32
        %dma_start3A_325 = arith.constant 0 : i32
        %dma_start3A_326 = tpu.memref_slice %arg2[%dma_start3A_324, %dma_start3A_325] : memref<10000x128xf32, #tpu.memory_space<hbm>> -> memref<10000x128xf32, #tpu.memory_space<hbm>>
        tpu.enqueue_indirect_dma source(%dma_start3A_326 : memref<10000x128xf32, #tpu.memory_space<hbm>>) target(%arg12 : memref<125x128xf32, #tpu.memory_space<vmem>>) offsets(%dma_start3A_323 : memref<125xi32, #tpu.memory_space<vmem>>) semaphore(%arg14 : memref<!tpu.dma_semaphore, #tpu.memory_space<semaphore_mem>>)
      } else {
      }
    }
    %scan3A_39 = arith.constant 10 : i32
    %dma_wait3A = arith.constant 1 : i32
    %dma_wait3A_40 = arith.constant 0 : i32
    %dma_wait3A_41 = arith.constant 0 : i32
    %dma_wait3A_42 = tpu.memref_slice %arg3[%add3A, %dma_wait3A, %dma_wait3A_40, %dma_wait3A_41] : memref<32x4x20x125xi32, #tpu.memory_space<hbm>> -> memref<1x1x20x125xi32, #tpu.memory_space<hbm>>
    %dma_wait3A_43 = tpu.memref_squeeze %dma_wait3A_42 : memref<1x1x20x125xi32, #tpu.memory_space<hbm>> -> memref<20x125xi32, #tpu.memory_space<hbm>>
    %dma_wait3A_44 = arith.constant 0 : i32
    %dma_wait3A_45 = arith.constant 0 : i32
    %dma_wait3A_46 = tpu.memref_slice %arg3[%add3A, %dma_wait3A, %dma_wait3A_44, %dma_wait3A_45] : memref<32x4x20x125xi32, #tpu.memory_space<hbm>> -> memref<1x1x20x125xi32, #tpu.memory_space<hbm>>
    %dma_wait3A_47 = tpu.memref_squeeze %dma_wait3A_46 : memref<1x1x20x125xi32, #tpu.memory_space<hbm>> -> memref<20x125xi32, #tpu.memory_space<hbm>>
    tpu.wait_dma2 semaphore(%arg17 : memref<!tpu.dma_semaphore, #tpu.memory_space<semaphore_mem>>) src(%dma_wait3A_47 : memref<20x125xi32, #tpu.memory_space<hbm>>) dst(%arg8 : memref<20x125xi32, #tpu.memory_space<vmem>>)
    %dma_wait3A_48 = arith.constant 1 : i32
    %dma_wait3A_49 = arith.constant 0 : i32
    %dma_wait3A_50 = arith.constant 0 : i32
    %dma_wait3A_51 = tpu.memref_slice %arg4[%add3A, %dma_wait3A_48, %dma_wait3A_49, %dma_wait3A_50] : memref<32x4x20x125xi32, #tpu.memory_space<hbm>> -> memref<1x1x20x125xi32, #tpu.memory_space<hbm>>
    %dma_wait3A_52 = tpu.memref_squeeze %dma_wait3A_51 : memref<1x1x20x125xi32, #tpu.memory_space<hbm>> -> memref<20x125xi32, #tpu.memory_space<hbm>>
    %dma_wait3A_53 = arith.constant 0 : i32
    %dma_wait3A_54 = arith.constant 0 : i32
    %dma_wait3A_55 = tpu.memref_slice %arg4[%add3A, %dma_wait3A_48, %dma_wait3A_53, %dma_wait3A_54] : memref<32x4x20x125xi32, #tpu.memory_space<hbm>> -> memref<1x1x20x125xi32, #tpu.memory_space<hbm>>
    %dma_wait3A_56 = tpu.memref_squeeze %dma_wait3A_55 : memref<1x1x20x125xi32, #tpu.memory_space<hbm>> -> memref<20x125xi32, #tpu.memory_space<hbm>>
    tpu.wait_dma2 semaphore(%arg17 : memref<!tpu.dma_semaphore, #tpu.memory_space<semaphore_mem>>) src(%dma_wait3A_56 : memref<20x125xi32, #tpu.memory_space<hbm>>) dst(%arg10 : memref<20x125xi32, #tpu.memory_space<vmem>>)
    %dma_wait3A_57 = arith.constant 18 : i32
    %dma_wait3A_58 = arith.constant 0 : i32
    %dma_wait3A_59 = tpu.memref_slice %arg9[%dma_wait3A_57, %dma_wait3A_58] : memref<20x125xi32, #tpu.memory_space<vmem>> -> memref<1x125xi32, #tpu.memory_space<vmem>>
    %dma_wait3A_60 = tpu.memref_squeeze %dma_wait3A_59 : memref<1x125xi32, #tpu.memory_space<vmem>> -> memref<125xi32, #tpu.memory_space<vmem>>
    %dma_wait3A_61 = arith.constant 0 : i32
    %dma_wait3A_62 = arith.constant 0 : i32
    %dma_wait3A_63 = tpu.memref_slice %arg18[%dma_wait3A_61, %dma_wait3A_62] : memref<10240x128xf32, #tpu.memory_space<vmem_shared>> -> memref<10240x128xf32, #tpu.memory_space<vmem_shared>>
    tpu.wait_indirect_dma semaphore(%arg15 : memref<!tpu.dma_semaphore, #tpu.memory_space<semaphore_mem>>) src(%arg11 : memref<125x128xf32, #tpu.memory_space<vmem>>) dst(%dma_wait3A_63 : memref<10240x128xf32, #tpu.memory_space<vmem_shared>>)
    %dma_start3A_64 = arith.constant 0 : i32
    %dma_start3A_65 = arith.constant 0 : i32
    %dma_start3A_66 = tpu.memref_slice %arg8[%dma_start3A_64, %dma_start3A_65] : memref<20x125xi32, #tpu.memory_space<vmem>> -> memref<1x125xi32, #tpu.memory_space<vmem>>
    %dma_start3A_67 = tpu.memref_squeeze %dma_start3A_66 : memref<1x125xi32, #tpu.memory_space<vmem>> -> memref<125xi32, #tpu.memory_space<vmem>>
    %dma_start3A_68 = arith.constant 0 : i32
    %dma_start3A_69 = arith.constant 0 : i32
    %dma_start3A_70 = tpu.memref_slice %arg2[%dma_start3A_68, %dma_start3A_69] : memref<10000x128xf32, #tpu.memory_space<hbm>> -> memref<10000x128xf32, #tpu.memory_space<hbm>>
    tpu.enqueue_indirect_dma source(%dma_start3A_70 : memref<10000x128xf32, #tpu.memory_space<hbm>>) target(%arg11 : memref<125x128xf32, #tpu.memory_space<vmem>>) offsets(%dma_start3A_67 : memref<125xi32, #tpu.memory_space<vmem>>) semaphore(%arg13 : memref<!tpu.dma_semaphore, #tpu.memory_space<semaphore_mem>>)
    %dma_wait3A_71 = arith.constant 19 : i32
    %dma_wait3A_72 = arith.constant 0 : i32
    %dma_wait3A_73 = tpu.memref_slice %arg9[%dma_wait3A_71, %dma_wait3A_72] : memref<20x125xi32, #tpu.memory_space<vmem>> -> memref<1x125xi32, #tpu.memory_space<vmem>>
    %dma_wait3A_74 = tpu.memref_squeeze %dma_wait3A_73 : memref<1x125xi32, #tpu.memory_space<vmem>> -> memref<125xi32, #tpu.memory_space<vmem>>
    %dma_wait3A_75 = arith.constant 0 : i32
    %dma_wait3A_76 = arith.constant 0 : i32
    %dma_wait3A_77 = tpu.memref_slice %arg18[%dma_wait3A_75, %dma_wait3A_76] : memref<10240x128xf32, #tpu.memory_space<vmem_shared>> -> memref<10240x128xf32, #tpu.memory_space<vmem_shared>>
    tpu.wait_indirect_dma semaphore(%arg16 : memref<!tpu.dma_semaphore, #tpu.memory_space<semaphore_mem>>) src(%arg12 : memref<125x128xf32, #tpu.memory_space<vmem>>) dst(%dma_wait3A_77 : memref<10240x128xf32, #tpu.memory_space<vmem_shared>>)
    %dma_start3A_78 = arith.constant 1 : i32
    %dma_start3A_79 = arith.constant 0 : i32
    %dma_start3A_80 = tpu.memref_slice %arg8[%dma_start3A_78, %dma_start3A_79] : memref<20x125xi32, #tpu.memory_space<vmem>> -> memref<1x125xi32, #tpu.memory_space<vmem>>
    %dma_start3A_81 = tpu.memref_squeeze %dma_start3A_80 : memref<1x125xi32, #tpu.memory_space<vmem>> -> memref<125xi32, #tpu.memory_space<vmem>>
    %dma_start3A_82 = arith.constant 0 : i32
    %dma_start3A_83 = arith.constant 0 : i32
    %dma_start3A_84 = tpu.memref_slice %arg2[%dma_start3A_82, %dma_start3A_83] : memref<10000x128xf32, #tpu.memory_space<hbm>> -> memref<10000x128xf32, #tpu.memory_space<hbm>>
    tpu.enqueue_indirect_dma source(%dma_start3A_84 : memref<10000x128xf32, #tpu.memory_space<hbm>>) target(%arg12 : memref<125x128xf32, #tpu.memory_space<vmem>>) offsets(%dma_start3A_81 : memref<125xi32, #tpu.memory_space<vmem>>) semaphore(%arg14 : memref<!tpu.dma_semaphore, #tpu.memory_space<semaphore_mem>>)
    %dma_start3A_85 = arith.constant 2 : i32
    %dma_start3A_86 = arith.constant 0 : i32
    %dma_start3A_87 = arith.constant 0 : i32
    %dma_start3A_88 = tpu.memref_slice %arg3[%add3A, %dma_start3A_85, %dma_start3A_86, %dma_start3A_87] : memref<32x4x20x125xi32, #tpu.memory_space<hbm>> -> memref<1x1x20x125xi32, #tpu.memory_space<hbm>>
    %dma_start3A_89 = tpu.memref_squeeze %dma_start3A_88 : memref<1x1x20x125xi32, #tpu.memory_space<hbm>> -> memref<20x125xi32, #tpu.memory_space<hbm>>
    %dma_start3A_90 = arith.constant 0 : i32
    %dma_start3A_91 = arith.constant 0 : i32
    %dma_start3A_92 = tpu.memref_slice %arg3[%add3A, %dma_start3A_85, %dma_start3A_90, %dma_start3A_91] : memref<32x4x20x125xi32, #tpu.memory_space<hbm>> -> memref<1x1x20x125xi32, #tpu.memory_space<hbm>>
    %dma_start3A_93 = tpu.memref_squeeze %dma_start3A_92 : memref<1x1x20x125xi32, #tpu.memory_space<hbm>> -> memref<20x125xi32, #tpu.memory_space<hbm>>
    tpu.enqueue_dma source(%dma_start3A_93 : memref<20x125xi32, #tpu.memory_space<hbm>>) target(%arg7 : memref<20x125xi32, #tpu.memory_space<vmem>>) target_semaphore(%arg17 : memref<!tpu.dma_semaphore, #tpu.memory_space<semaphore_mem>>)
    %dma_start3A_94 = arith.constant 2 : i32
    %dma_start3A_95 = arith.constant 0 : i32
    %dma_start3A_96 = arith.constant 0 : i32
    %dma_start3A_97 = tpu.memref_slice %arg4[%add3A, %dma_start3A_94, %dma_start3A_95, %dma_start3A_96] : memref<32x4x20x125xi32, #tpu.memory_space<hbm>> -> memref<1x1x20x125xi32, #tpu.memory_space<hbm>>
    %dma_start3A_98 = tpu.memref_squeeze %dma_start3A_97 : memref<1x1x20x125xi32, #tpu.memory_space<hbm>> -> memref<20x125xi32, #tpu.memory_space<hbm>>
    %dma_start3A_99 = arith.constant 0 : i32
    %dma_start3A_100 = arith.constant 0 : i32
    %dma_start3A_101 = tpu.memref_slice %arg4[%add3A, %dma_start3A_94, %dma_start3A_99, %dma_start3A_100] : memref<32x4x20x125xi32, #tpu.memory_space<hbm>> -> memref<1x1x20x125xi32, #tpu.memory_space<hbm>>
    %dma_start3A_102 = tpu.memref_squeeze %dma_start3A_101 : memref<1x1x20x125xi32, #tpu.memory_space<hbm>> -> memref<20x125xi32, #tpu.memory_space<hbm>>
    tpu.enqueue_dma source(%dma_start3A_102 : memref<20x125xi32, #tpu.memory_space<hbm>>) target(%arg9 : memref<20x125xi32, #tpu.memory_space<vmem>>) target_semaphore(%arg17 : memref<!tpu.dma_semaphore, #tpu.memory_space<semaphore_mem>>)
    %scan3A_103 = arith.constant 0 : i32
    %scan3A_104 = arith.constant 0 : i32
    %scan3A_105 = arith.constant 10 : i32
    %scan3A_106 = arith.addi %scan3A_104, %scan3A_105 : i32
    %scan3A_107 = arith.constant 1 : i32
    scf.for %scan3A_250 = %scan3A_104 to %scan3A_106 step %scan3A_107  : i32 {
      %mul3A_251 = arith.constant 2 : i32
      %mul3A_252 = arith.muli %mul3A_251, %scan3A_250 : i32
      %add3A_253 = arith.constant 0 : i32
      %add3A_254 = arith.addi %mul3A_252, %add3A_253 : i32
      %dma_wait3A_255 = arith.constant 0 : i32
      %dma_wait3A_256 = tpu.memref_slice %arg8[%add3A_254, %dma_wait3A_255] : memref<20x125xi32, #tpu.memory_space<vmem>> -> memref<1x125xi32, #tpu.memory_space<vmem>>
      %dma_wait3A_257 = tpu.memref_squeeze %dma_wait3A_256 : memref<1x125xi32, #tpu.memory_space<vmem>> -> memref<125xi32, #tpu.memory_space<vmem>>
      %dma_wait3A_258 = arith.constant 0 : i32
      %dma_wait3A_259 = arith.constant 0 : i32
      %dma_wait3A_260 = tpu.memref_slice %arg2[%dma_wait3A_258, %dma_wait3A_259] : memref<10000x128xf32, #tpu.memory_space<hbm>> -> memref<10000x128xf32, #tpu.memory_space<hbm>>
      tpu.wait_indirect_dma semaphore(%arg13 : memref<!tpu.dma_semaphore, #tpu.memory_space<semaphore_mem>>) src(%dma_wait3A_260 : memref<10000x128xf32, #tpu.memory_space<hbm>>) dst(%arg11 : memref<125x128xf32, #tpu.memory_space<vmem>>)
      %add3A_261 = arith.constant 0 : i32
      %add3A_262 = arith.addi %mul3A_252, %add3A_261 : i32
      %dma_start3A_263 = arith.constant 0 : i32
      %dma_start3A_264 = tpu.memref_slice %arg10[%add3A_262, %dma_start3A_263] : memref<20x125xi32, #tpu.memory_space<vmem>> -> memref<1x125xi32, #tpu.memory_space<vmem>>
      %dma_start3A_265 = tpu.memref_squeeze %dma_start3A_264 : memref<1x125xi32, #tpu.memory_space<vmem>> -> memref<125xi32, #tpu.memory_space<vmem>>
      %dma_start3A_266 = arith.constant 0 : i32
      %dma_start3A_267 = arith.constant 0 : i32
      %dma_start3A_268 = tpu.memref_slice %arg18[%dma_start3A_266, %dma_start3A_267] : memref<10240x128xf32, #tpu.memory_space<vmem_shared>> -> memref<10240x128xf32, #tpu.memory_space<vmem_shared>>
      tpu.enqueue_indirect_dma source(%arg11 : memref<125x128xf32, #tpu.memory_space<vmem>>) target(%dma_start3A_268 : memref<10240x128xf32, #tpu.memory_space<vmem_shared>>) offsets(%dma_start3A_265 : memref<125xi32, #tpu.memory_space<vmem>>) semaphore(%arg15 : memref<!tpu.dma_semaphore, #tpu.memory_space<semaphore_mem>>) {add = true}
      %add3A_269 = arith.constant 1 : i32
      %add3A_270 = arith.addi %mul3A_252, %add3A_269 : i32
      %dma_wait3A_271 = arith.constant 0 : i32
      %dma_wait3A_272 = tpu.memref_slice %arg8[%add3A_270, %dma_wait3A_271] : memref<20x125xi32, #tpu.memory_space<vmem>> -> memref<1x125xi32, #tpu.memory_space<vmem>>
      %dma_wait3A_273 = tpu.memref_squeeze %dma_wait3A_272 : memref<1x125xi32, #tpu.memory_space<vmem>> -> memref<125xi32, #tpu.memory_space<vmem>>
      %dma_wait3A_274 = arith.constant 0 : i32
      %dma_wait3A_275 = arith.constant 0 : i32
      %dma_wait3A_276 = tpu.memref_slice %arg2[%dma_wait3A_274, %dma_wait3A_275] : memref<10000x128xf32, #tpu.memory_space<hbm>> -> memref<10000x128xf32, #tpu.memory_space<hbm>>
      tpu.wait_indirect_dma semaphore(%arg14 : memref<!tpu.dma_semaphore, #tpu.memory_space<semaphore_mem>>) src(%dma_wait3A_276 : memref<10000x128xf32, #tpu.memory_space<hbm>>) dst(%arg12 : memref<125x128xf32, #tpu.memory_space<vmem>>)
      %add3A_277 = arith.constant 1 : i32
      %add3A_278 = arith.addi %mul3A_252, %add3A_277 : i32
      %dma_start3A_279 = arith.constant 0 : i32
      %dma_start3A_280 = tpu.memref_slice %arg10[%add3A_278, %dma_start3A_279] : memref<20x125xi32, #tpu.memory_space<vmem>> -> memref<1x125xi32, #tpu.memory_space<vmem>>
      %dma_start3A_281 = tpu.memref_squeeze %dma_start3A_280 : memref<1x125xi32, #tpu.memory_space<vmem>> -> memref<125xi32, #tpu.memory_space<vmem>>
      %dma_start3A_282 = arith.constant 0 : i32
      %dma_start3A_283 = arith.constant 0 : i32
      %dma_start3A_284 = tpu.memref_slice %arg18[%dma_start3A_282, %dma_start3A_283] : memref<10240x128xf32, #tpu.memory_space<vmem_shared>> -> memref<10240x128xf32, #tpu.memory_space<vmem_shared>>
      tpu.enqueue_indirect_dma source(%arg12 : memref<125x128xf32, #tpu.memory_space<vmem>>) target(%dma_start3A_284 : memref<10240x128xf32, #tpu.memory_space<vmem_shared>>) offsets(%dma_start3A_281 : memref<125xi32, #tpu.memory_space<vmem>>) semaphore(%arg16 : memref<!tpu.dma_semaphore, #tpu.memory_space<semaphore_mem>>) {add = true}
      %add3A_285 = arith.constant 1 : i32
      %add3A_286 = arith.addi %scan3A_250, %add3A_285 : i32
      %lt3A = arith.constant 10 : i32
      %lt3A_287 = arith.cmpi slt, %add3A_286, %lt3A : i32
      %convert_element_type3A_288 = arith.extui %lt3A_287 : i1 to i32
      %cond3A_289 = arith.constant 0 : i32
      %cond3A_290 = arith.cmpi ne, %convert_element_type3A_288, %cond3A_289 : i32
      scf.if %cond3A_290 {
        %add3A_291 = arith.constant 0 : i32
        %add3A_292 = arith.addi %mul3A_252, %add3A_291 : i32
        %dma_wait3A_293 = arith.constant 0 : i32
        %dma_wait3A_294 = tpu.memref_slice %arg10[%add3A_292, %dma_wait3A_293] : memref<20x125xi32, #tpu.memory_space<vmem>> -> memref<1x125xi32, #tpu.memory_space<vmem>>
        %dma_wait3A_295 = tpu.memref_squeeze %dma_wait3A_294 : memref<1x125xi32, #tpu.memory_space<vmem>> -> memref<125xi32, #tpu.memory_space<vmem>>
        %dma_wait3A_296 = arith.constant 0 : i32
        %dma_wait3A_297 = arith.constant 0 : i32
        %dma_wait3A_298 = tpu.memref_slice %arg18[%dma_wait3A_296, %dma_wait3A_297] : memref<10240x128xf32, #tpu.memory_space<vmem_shared>> -> memref<10240x128xf32, #tpu.memory_space<vmem_shared>>
        tpu.wait_indirect_dma semaphore(%arg15 : memref<!tpu.dma_semaphore, #tpu.memory_space<semaphore_mem>>) src(%arg11 : memref<125x128xf32, #tpu.memory_space<vmem>>) dst(%dma_wait3A_298 : memref<10240x128xf32, #tpu.memory_space<vmem_shared>>)
        %add3A_299 = arith.constant 2 : i32
        %add3A_300 = arith.addi %mul3A_252, %add3A_299 : i32
        %add3A_301 = arith.constant 0 : i32
        %add3A_302 = arith.addi %add3A_300, %add3A_301 : i32
        %dma_start3A_303 = arith.constant 0 : i32
        %dma_start3A_304 = tpu.memref_slice %arg8[%add3A_302, %dma_start3A_303] : memref<20x125xi32, #tpu.memory_space<vmem>> -> memref<1x125xi32, #tpu.memory_space<vmem>>
        %dma_start3A_305 = tpu.memref_squeeze %dma_start3A_304 : memref<1x125xi32, #tpu.memory_space<vmem>> -> memref<125xi32, #tpu.memory_space<vmem>>
        %dma_start3A_306 = arith.constant 0 : i32
        %dma_start3A_307 = arith.constant 0 : i32
        %dma_start3A_308 = tpu.memref_slice %arg2[%dma_start3A_306, %dma_start3A_307] : memref<10000x128xf32, #tpu.memory_space<hbm>> -> memref<10000x128xf32, #tpu.memory_space<hbm>>
        tpu.enqueue_indirect_dma source(%dma_start3A_308 : memref<10000x128xf32, #tpu.memory_space<hbm>>) target(%arg11 : memref<125x128xf32, #tpu.memory_space<vmem>>) offsets(%dma_start3A_305 : memref<125xi32, #tpu.memory_space<vmem>>) semaphore(%arg13 : memref<!tpu.dma_semaphore, #tpu.memory_space<semaphore_mem>>)
        %add3A_309 = arith.constant 1 : i32
        %add3A_310 = arith.addi %mul3A_252, %add3A_309 : i32
        %dma_wait3A_311 = arith.constant 0 : i32
        %dma_wait3A_312 = tpu.memref_slice %arg10[%add3A_310, %dma_wait3A_311] : memref<20x125xi32, #tpu.memory_space<vmem>> -> memref<1x125xi32, #tpu.memory_space<vmem>>
        %dma_wait3A_313 = tpu.memref_squeeze %dma_wait3A_312 : memref<1x125xi32, #tpu.memory_space<vmem>> -> memref<125xi32, #tpu.memory_space<vmem>>
        %dma_wait3A_314 = arith.constant 0 : i32
        %dma_wait3A_315 = arith.constant 0 : i32
        %dma_wait3A_316 = tpu.memref_slice %arg18[%dma_wait3A_314, %dma_wait3A_315] : memref<10240x128xf32, #tpu.memory_space<vmem_shared>> -> memref<10240x128xf32, #tpu.memory_space<vmem_shared>>
        tpu.wait_indirect_dma semaphore(%arg16 : memref<!tpu.dma_semaphore, #tpu.memory_space<semaphore_mem>>) src(%arg12 : memref<125x128xf32, #tpu.memory_space<vmem>>) dst(%dma_wait3A_316 : memref<10240x128xf32, #tpu.memory_space<vmem_shared>>)
        %add3A_317 = arith.constant 2 : i32
        %add3A_318 = arith.addi %mul3A_252, %add3A_317 : i32
        %add3A_319 = arith.constant 1 : i32
        %add3A_320 = arith.addi %add3A_318, %add3A_319 : i32
        %dma_start3A_321 = arith.constant 0 : i32
        %dma_start3A_322 = tpu.memref_slice %arg8[%add3A_320, %dma_start3A_321] : memref<20x125xi32, #tpu.memory_space<vmem>> -> memref<1x125xi32, #tpu.memory_space<vmem>>
        %dma_start3A_323 = tpu.memref_squeeze %dma_start3A_322 : memref<1x125xi32, #tpu.memory_space<vmem>> -> memref<125xi32, #tpu.memory_space<vmem>>
        %dma_start3A_324 = arith.constant 0 : i32
        %dma_start3A_325 = arith.constant 0 : i32
        %dma_start3A_326 = tpu.memref_slice %arg2[%dma_start3A_324, %dma_start3A_325] : memref<10000x128xf32, #tpu.memory_space<hbm>> -> memref<10000x128xf32, #tpu.memory_space<hbm>>
        tpu.enqueue_indirect_dma source(%dma_start3A_326 : memref<10000x128xf32, #tpu.memory_space<hbm>>) target(%arg12 : memref<125x128xf32, #tpu.memory_space<vmem>>) offsets(%dma_start3A_323 : memref<125xi32, #tpu.memory_space<vmem>>) semaphore(%arg14 : memref<!tpu.dma_semaphore, #tpu.memory_space<semaphore_mem>>)
      } else {
      }
    }
    %scan3A_108 = arith.constant 10 : i32
    %dma_wait3A_109 = arith.constant 2 : i32
    %dma_wait3A_110 = arith.constant 0 : i32
    %dma_wait3A_111 = arith.constant 0 : i32
    %dma_wait3A_112 = tpu.memref_slice %arg3[%add3A, %dma_wait3A_109, %dma_wait3A_110, %dma_wait3A_111] : memref<32x4x20x125xi32, #tpu.memory_space<hbm>> -> memref<1x1x20x125xi32, #tpu.memory_space<hbm>>
    %dma_wait3A_113 = tpu.memref_squeeze %dma_wait3A_112 : memref<1x1x20x125xi32, #tpu.memory_space<hbm>> -> memref<20x125xi32, #tpu.memory_space<hbm>>
    %dma_wait3A_114 = arith.constant 0 : i32
    %dma_wait3A_115 = arith.constant 0 : i32
    %dma_wait3A_116 = tpu.memref_slice %arg3[%add3A, %dma_wait3A_109, %dma_wait3A_114, %dma_wait3A_115] : memref<32x4x20x125xi32, #tpu.memory_space<hbm>> -> memref<1x1x20x125xi32, #tpu.memory_space<hbm>>
    %dma_wait3A_117 = tpu.memref_squeeze %dma_wait3A_116 : memref<1x1x20x125xi32, #tpu.memory_space<hbm>> -> memref<20x125xi32, #tpu.memory_space<hbm>>
    tpu.wait_dma2 semaphore(%arg17 : memref<!tpu.dma_semaphore, #tpu.memory_space<semaphore_mem>>) src(%dma_wait3A_117 : memref<20x125xi32, #tpu.memory_space<hbm>>) dst(%arg7 : memref<20x125xi32, #tpu.memory_space<vmem>>)
    %dma_wait3A_118 = arith.constant 2 : i32
    %dma_wait3A_119 = arith.constant 0 : i32
    %dma_wait3A_120 = arith.constant 0 : i32
    %dma_wait3A_121 = tpu.memref_slice %arg4[%add3A, %dma_wait3A_118, %dma_wait3A_119, %dma_wait3A_120] : memref<32x4x20x125xi32, #tpu.memory_space<hbm>> -> memref<1x1x20x125xi32, #tpu.memory_space<hbm>>
    %dma_wait3A_122 = tpu.memref_squeeze %dma_wait3A_121 : memref<1x1x20x125xi32, #tpu.memory_space<hbm>> -> memref<20x125xi32, #tpu.memory_space<hbm>>
    %dma_wait3A_123 = arith.constant 0 : i32
    %dma_wait3A_124 = arith.constant 0 : i32
    %dma_wait3A_125 = tpu.memref_slice %arg4[%add3A, %dma_wait3A_118, %dma_wait3A_123, %dma_wait3A_124] : memref<32x4x20x125xi32, #tpu.memory_space<hbm>> -> memref<1x1x20x125xi32, #tpu.memory_space<hbm>>
    %dma_wait3A_126 = tpu.memref_squeeze %dma_wait3A_125 : memref<1x1x20x125xi32, #tpu.memory_space<hbm>> -> memref<20x125xi32, #tpu.memory_space<hbm>>
    tpu.wait_dma2 semaphore(%arg17 : memref<!tpu.dma_semaphore, #tpu.memory_space<semaphore_mem>>) src(%dma_wait3A_126 : memref<20x125xi32, #tpu.memory_space<hbm>>) dst(%arg9 : memref<20x125xi32, #tpu.memory_space<vmem>>)
    %dma_wait3A_127 = arith.constant 18 : i32
    %dma_wait3A_128 = arith.constant 0 : i32
    %dma_wait3A_129 = tpu.memref_slice %arg10[%dma_wait3A_127, %dma_wait3A_128] : memref<20x125xi32, #tpu.memory_space<vmem>> -> memref<1x125xi32, #tpu.memory_space<vmem>>
    %dma_wait3A_130 = tpu.memref_squeeze %dma_wait3A_129 : memref<1x125xi32, #tpu.memory_space<vmem>> -> memref<125xi32, #tpu.memory_space<vmem>>
    %dma_wait3A_131 = arith.constant 0 : i32
    %dma_wait3A_132 = arith.constant 0 : i32
    %dma_wait3A_133 = tpu.memref_slice %arg18[%dma_wait3A_131, %dma_wait3A_132] : memref<10240x128xf32, #tpu.memory_space<vmem_shared>> -> memref<10240x128xf32, #tpu.memory_space<vmem_shared>>
    tpu.wait_indirect_dma semaphore(%arg15 : memref<!tpu.dma_semaphore, #tpu.memory_space<semaphore_mem>>) src(%arg11 : memref<125x128xf32, #tpu.memory_space<vmem>>) dst(%dma_wait3A_133 : memref<10240x128xf32, #tpu.memory_space<vmem_shared>>)
    %dma_start3A_134 = arith.constant 0 : i32
    %dma_start3A_135 = arith.constant 0 : i32
    %dma_start3A_136 = tpu.memref_slice %arg7[%dma_start3A_134, %dma_start3A_135] : memref<20x125xi32, #tpu.memory_space<vmem>> -> memref<1x125xi32, #tpu.memory_space<vmem>>
    %dma_start3A_137 = tpu.memref_squeeze %dma_start3A_136 : memref<1x125xi32, #tpu.memory_space<vmem>> -> memref<125xi32, #tpu.memory_space<vmem>>
    %dma_start3A_138 = arith.constant 0 : i32
    %dma_start3A_139 = arith.constant 0 : i32
    %dma_start3A_140 = tpu.memref_slice %arg2[%dma_start3A_138, %dma_start3A_139] : memref<10000x128xf32, #tpu.memory_space<hbm>> -> memref<10000x128xf32, #tpu.memory_space<hbm>>
    tpu.enqueue_indirect_dma source(%dma_start3A_140 : memref<10000x128xf32, #tpu.memory_space<hbm>>) target(%arg11 : memref<125x128xf32, #tpu.memory_space<vmem>>) offsets(%dma_start3A_137 : memref<125xi32, #tpu.memory_space<vmem>>) semaphore(%arg13 : memref<!tpu.dma_semaphore, #tpu.memory_space<semaphore_mem>>)
    %dma_wait3A_141 = arith.constant 19 : i32
    %dma_wait3A_142 = arith.constant 0 : i32
    %dma_wait3A_143 = tpu.memref_slice %arg10[%dma_wait3A_141, %dma_wait3A_142] : memref<20x125xi32, #tpu.memory_space<vmem>> -> memref<1x125xi32, #tpu.memory_space<vmem>>
    %dma_wait3A_144 = tpu.memref_squeeze %dma_wait3A_143 : memref<1x125xi32, #tpu.memory_space<vmem>> -> memref<125xi32, #tpu.memory_space<vmem>>
    %dma_wait3A_145 = arith.constant 0 : i32
    %dma_wait3A_146 = arith.constant 0 : i32
    %dma_wait3A_147 = tpu.memref_slice %arg18[%dma_wait3A_145, %dma_wait3A_146] : memref<10240x128xf32, #tpu.memory_space<vmem_shared>> -> memref<10240x128xf32, #tpu.memory_space<vmem_shared>>
    tpu.wait_indirect_dma semaphore(%arg16 : memref<!tpu.dma_semaphore, #tpu.memory_space<semaphore_mem>>) src(%arg12 : memref<125x128xf32, #tpu.memory_space<vmem>>) dst(%dma_wait3A_147 : memref<10240x128xf32, #tpu.memory_space<vmem_shared>>)
    %dma_start3A_148 = arith.constant 1 : i32
    %dma_start3A_149 = arith.constant 0 : i32
    %dma_start3A_150 = tpu.memref_slice %arg7[%dma_start3A_148, %dma_start3A_149] : memref<20x125xi32, #tpu.memory_space<vmem>> -> memref<1x125xi32, #tpu.memory_space<vmem>>
    %dma_start3A_151 = tpu.memref_squeeze %dma_start3A_150 : memref<1x125xi32, #tpu.memory_space<vmem>> -> memref<125xi32, #tpu.memory_space<vmem>>
    %dma_start3A_152 = arith.constant 0 : i32
    %dma_start3A_153 = arith.constant 0 : i32
    %dma_start3A_154 = tpu.memref_slice %arg2[%dma_start3A_152, %dma_start3A_153] : memref<10000x128xf32, #tpu.memory_space<hbm>> -> memref<10000x128xf32, #tpu.memory_space<hbm>>
    tpu.enqueue_indirect_dma source(%dma_start3A_154 : memref<10000x128xf32, #tpu.memory_space<hbm>>) target(%arg12 : memref<125x128xf32, #tpu.memory_space<vmem>>) offsets(%dma_start3A_151 : memref<125xi32, #tpu.memory_space<vmem>>) semaphore(%arg14 : memref<!tpu.dma_semaphore, #tpu.memory_space<semaphore_mem>>)
    %dma_start3A_155 = arith.constant 3 : i32
    %dma_start3A_156 = arith.constant 0 : i32
    %dma_start3A_157 = arith.constant 0 : i32
    %dma_start3A_158 = tpu.memref_slice %arg3[%add3A, %dma_start3A_155, %dma_start3A_156, %dma_start3A_157] : memref<32x4x20x125xi32, #tpu.memory_space<hbm>> -> memref<1x1x20x125xi32, #tpu.memory_space<hbm>>
    %dma_start3A_159 = tpu.memref_squeeze %dma_start3A_158 : memref<1x1x20x125xi32, #tpu.memory_space<hbm>> -> memref<20x125xi32, #tpu.memory_space<hbm>>
    %dma_start3A_160 = arith.constant 0 : i32
    %dma_start3A_161 = arith.constant 0 : i32
    %dma_start3A_162 = tpu.memref_slice %arg3[%add3A, %dma_start3A_155, %dma_start3A_160, %dma_start3A_161] : memref<32x4x20x125xi32, #tpu.memory_space<hbm>> -> memref<1x1x20x125xi32, #tpu.memory_space<hbm>>
    %dma_start3A_163 = tpu.memref_squeeze %dma_start3A_162 : memref<1x1x20x125xi32, #tpu.memory_space<hbm>> -> memref<20x125xi32, #tpu.memory_space<hbm>>
    tpu.enqueue_dma source(%dma_start3A_163 : memref<20x125xi32, #tpu.memory_space<hbm>>) target(%arg8 : memref<20x125xi32, #tpu.memory_space<vmem>>) target_semaphore(%arg17 : memref<!tpu.dma_semaphore, #tpu.memory_space<semaphore_mem>>)
    %dma_start3A_164 = arith.constant 3 : i32
    %dma_start3A_165 = arith.constant 0 : i32
    %dma_start3A_166 = arith.constant 0 : i32
    %dma_start3A_167 = tpu.memref_slice %arg4[%add3A, %dma_start3A_164, %dma_start3A_165, %dma_start3A_166] : memref<32x4x20x125xi32, #tpu.memory_space<hbm>> -> memref<1x1x20x125xi32, #tpu.memory_space<hbm>>
    %dma_start3A_168 = tpu.memref_squeeze %dma_start3A_167 : memref<1x1x20x125xi32, #tpu.memory_space<hbm>> -> memref<20x125xi32, #tpu.memory_space<hbm>>
    %dma_start3A_169 = arith.constant 0 : i32
    %dma_start3A_170 = arith.constant 0 : i32
    %dma_start3A_171 = tpu.memref_slice %arg4[%add3A, %dma_start3A_164, %dma_start3A_169, %dma_start3A_170] : memref<32x4x20x125xi32, #tpu.memory_space<hbm>> -> memref<1x1x20x125xi32, #tpu.memory_space<hbm>>
    %dma_start3A_172 = tpu.memref_squeeze %dma_start3A_171 : memref<1x1x20x125xi32, #tpu.memory_space<hbm>> -> memref<20x125xi32, #tpu.memory_space<hbm>>
    tpu.enqueue_dma source(%dma_start3A_172 : memref<20x125xi32, #tpu.memory_space<hbm>>) target(%arg10 : memref<20x125xi32, #tpu.memory_space<vmem>>) target_semaphore(%arg17 : memref<!tpu.dma_semaphore, #tpu.memory_space<semaphore_mem>>)
    %scan3A_173 = arith.constant 0 : i32
    %scan3A_174 = arith.constant 0 : i32
    %scan3A_175 = arith.constant 10 : i32
    %scan3A_176 = arith.addi %scan3A_174, %scan3A_175 : i32
    %scan3A_177 = arith.constant 1 : i32
    scf.for %scan3A_250 = %scan3A_174 to %scan3A_176 step %scan3A_177  : i32 {
      %mul3A_251 = arith.constant 2 : i32
      %mul3A_252 = arith.muli %mul3A_251, %scan3A_250 : i32
      %add3A_253 = arith.constant 0 : i32
      %add3A_254 = arith.addi %mul3A_252, %add3A_253 : i32
      %dma_wait3A_255 = arith.constant 0 : i32
      %dma_wait3A_256 = tpu.memref_slice %arg7[%add3A_254, %dma_wait3A_255] : memref<20x125xi32, #tpu.memory_space<vmem>> -> memref<1x125xi32, #tpu.memory_space<vmem>>
      %dma_wait3A_257 = tpu.memref_squeeze %dma_wait3A_256 : memref<1x125xi32, #tpu.memory_space<vmem>> -> memref<125xi32, #tpu.memory_space<vmem>>
      %dma_wait3A_258 = arith.constant 0 : i32
      %dma_wait3A_259 = arith.constant 0 : i32
      %dma_wait3A_260 = tpu.memref_slice %arg2[%dma_wait3A_258, %dma_wait3A_259] : memref<10000x128xf32, #tpu.memory_space<hbm>> -> memref<10000x128xf32, #tpu.memory_space<hbm>>
      tpu.wait_indirect_dma semaphore(%arg13 : memref<!tpu.dma_semaphore, #tpu.memory_space<semaphore_mem>>) src(%dma_wait3A_260 : memref<10000x128xf32, #tpu.memory_space<hbm>>) dst(%arg11 : memref<125x128xf32, #tpu.memory_space<vmem>>)
      %add3A_261 = arith.constant 0 : i32
      %add3A_262 = arith.addi %mul3A_252, %add3A_261 : i32
      %dma_start3A_263 = arith.constant 0 : i32
      %dma_start3A_264 = tpu.memref_slice %arg9[%add3A_262, %dma_start3A_263] : memref<20x125xi32, #tpu.memory_space<vmem>> -> memref<1x125xi32, #tpu.memory_space<vmem>>
      %dma_start3A_265 = tpu.memref_squeeze %dma_start3A_264 : memref<1x125xi32, #tpu.memory_space<vmem>> -> memref<125xi32, #tpu.memory_space<vmem>>
      %dma_start3A_266 = arith.constant 0 : i32
      %dma_start3A_267 = arith.constant 0 : i32
      %dma_start3A_268 = tpu.memref_slice %arg18[%dma_start3A_266, %dma_start3A_267] : memref<10240x128xf32, #tpu.memory_space<vmem_shared>> -> memref<10240x128xf32, #tpu.memory_space<vmem_shared>>
      tpu.enqueue_indirect_dma source(%arg11 : memref<125x128xf32, #tpu.memory_space<vmem>>) target(%dma_start3A_268 : memref<10240x128xf32, #tpu.memory_space<vmem_shared>>) offsets(%dma_start3A_265 : memref<125xi32, #tpu.memory_space<vmem>>) semaphore(%arg15 : memref<!tpu.dma_semaphore, #tpu.memory_space<semaphore_mem>>) {add = true}
      %add3A_269 = arith.constant 1 : i32
      %add3A_270 = arith.addi %mul3A_252, %add3A_269 : i32
      %dma_wait3A_271 = arith.constant 0 : i32
      %dma_wait3A_272 = tpu.memref_slice %arg7[%add3A_270, %dma_wait3A_271] : memref<20x125xi32, #tpu.memory_space<vmem>> -> memref<1x125xi32, #tpu.memory_space<vmem>>
      %dma_wait3A_273 = tpu.memref_squeeze %dma_wait3A_272 : memref<1x125xi32, #tpu.memory_space<vmem>> -> memref<125xi32, #tpu.memory_space<vmem>>
      %dma_wait3A_274 = arith.constant 0 : i32
      %dma_wait3A_275 = arith.constant 0 : i32
      %dma_wait3A_276 = tpu.memref_slice %arg2[%dma_wait3A_274, %dma_wait3A_275] : memref<10000x128xf32, #tpu.memory_space<hbm>> -> memref<10000x128xf32, #tpu.memory_space<hbm>>
      tpu.wait_indirect_dma semaphore(%arg14 : memref<!tpu.dma_semaphore, #tpu.memory_space<semaphore_mem>>) src(%dma_wait3A_276 : memref<10000x128xf32, #tpu.memory_space<hbm>>) dst(%arg12 : memref<125x128xf32, #tpu.memory_space<vmem>>)
      %add3A_277 = arith.constant 1 : i32
      %add3A_278 = arith.addi %mul3A_252, %add3A_277 : i32
      %dma_start3A_279 = arith.constant 0 : i32
      %dma_start3A_280 = tpu.memref_slice %arg9[%add3A_278, %dma_start3A_279] : memref<20x125xi32, #tpu.memory_space<vmem>> -> memref<1x125xi32, #tpu.memory_space<vmem>>
      %dma_start3A_281 = tpu.memref_squeeze %dma_start3A_280 : memref<1x125xi32, #tpu.memory_space<vmem>> -> memref<125xi32, #tpu.memory_space<vmem>>
      %dma_start3A_282 = arith.constant 0 : i32
      %dma_start3A_283 = arith.constant 0 : i32
      %dma_start3A_284 = tpu.memref_slice %arg18[%dma_start3A_282, %dma_start3A_283] : memref<10240x128xf32, #tpu.memory_space<vmem_shared>> -> memref<10240x128xf32, #tpu.memory_space<vmem_shared>>
      tpu.enqueue_indirect_dma source(%arg12 : memref<125x128xf32, #tpu.memory_space<vmem>>) target(%dma_start3A_284 : memref<10240x128xf32, #tpu.memory_space<vmem_shared>>) offsets(%dma_start3A_281 : memref<125xi32, #tpu.memory_space<vmem>>) semaphore(%arg16 : memref<!tpu.dma_semaphore, #tpu.memory_space<semaphore_mem>>) {add = true}
      %add3A_285 = arith.constant 1 : i32
      %add3A_286 = arith.addi %scan3A_250, %add3A_285 : i32
      %lt3A = arith.constant 10 : i32
      %lt3A_287 = arith.cmpi slt, %add3A_286, %lt3A : i32
      %convert_element_type3A_288 = arith.extui %lt3A_287 : i1 to i32
      %cond3A_289 = arith.constant 0 : i32
      %cond3A_290 = arith.cmpi ne, %convert_element_type3A_288, %cond3A_289 : i32
      scf.if %cond3A_290 {
        %add3A_291 = arith.constant 0 : i32
        %add3A_292 = arith.addi %mul3A_252, %add3A_291 : i32
        %dma_wait3A_293 = arith.constant 0 : i32
        %dma_wait3A_294 = tpu.memref_slice %arg9[%add3A_292, %dma_wait3A_293] : memref<20x125xi32, #tpu.memory_space<vmem>> -> memref<1x125xi32, #tpu.memory_space<vmem>>
        %dma_wait3A_295 = tpu.memref_squeeze %dma_wait3A_294 : memref<1x125xi32, #tpu.memory_space<vmem>> -> memref<125xi32, #tpu.memory_space<vmem>>
        %dma_wait3A_296 = arith.constant 0 : i32
        %dma_wait3A_297 = arith.constant 0 : i32
        %dma_wait3A_298 = tpu.memref_slice %arg18[%dma_wait3A_296, %dma_wait3A_297] : memref<10240x128xf32, #tpu.memory_space<vmem_shared>> -> memref<10240x128xf32, #tpu.memory_space<vmem_shared>>
        tpu.wait_indirect_dma semaphore(%arg15 : memref<!tpu.dma_semaphore, #tpu.memory_space<semaphore_mem>>) src(%arg11 : memref<125x128xf32, #tpu.memory_space<vmem>>) dst(%dma_wait3A_298 : memref<10240x128xf32, #tpu.memory_space<vmem_shared>>)
        %add3A_299 = arith.constant 2 : i32
        %add3A_300 = arith.addi %mul3A_252, %add3A_299 : i32
        %add3A_301 = arith.constant 0 : i32
        %add3A_302 = arith.addi %add3A_300, %add3A_301 : i32
        %dma_start3A_303 = arith.constant 0 : i32
        %dma_start3A_304 = tpu.memref_slice %arg7[%add3A_302, %dma_start3A_303] : memref<20x125xi32, #tpu.memory_space<vmem>> -> memref<1x125xi32, #tpu.memory_space<vmem>>
        %dma_start3A_305 = tpu.memref_squeeze %dma_start3A_304 : memref<1x125xi32, #tpu.memory_space<vmem>> -> memref<125xi32, #tpu.memory_space<vmem>>
        %dma_start3A_306 = arith.constant 0 : i32
        %dma_start3A_307 = arith.constant 0 : i32
        %dma_start3A_308 = tpu.memref_slice %arg2[%dma_start3A_306, %dma_start3A_307] : memref<10000x128xf32, #tpu.memory_space<hbm>> -> memref<10000x128xf32, #tpu.memory_space<hbm>>
        tpu.enqueue_indirect_dma source(%dma_start3A_308 : memref<10000x128xf32, #tpu.memory_space<hbm>>) target(%arg11 : memref<125x128xf32, #tpu.memory_space<vmem>>) offsets(%dma_start3A_305 : memref<125xi32, #tpu.memory_space<vmem>>) semaphore(%arg13 : memref<!tpu.dma_semaphore, #tpu.memory_space<semaphore_mem>>)
        %add3A_309 = arith.constant 1 : i32
        %add3A_310 = arith.addi %mul3A_252, %add3A_309 : i32
        %dma_wait3A_311 = arith.constant 0 : i32
        %dma_wait3A_312 = tpu.memref_slice %arg9[%add3A_310, %dma_wait3A_311] : memref<20x125xi32, #tpu.memory_space<vmem>> -> memref<1x125xi32, #tpu.memory_space<vmem>>
        %dma_wait3A_313 = tpu.memref_squeeze %dma_wait3A_312 : memref<1x125xi32, #tpu.memory_space<vmem>> -> memref<125xi32, #tpu.memory_space<vmem>>
        %dma_wait3A_314 = arith.constant 0 : i32
        %dma_wait3A_315 = arith.constant 0 : i32
        %dma_wait3A_316 = tpu.memref_slice %arg18[%dma_wait3A_314, %dma_wait3A_315] : memref<10240x128xf32, #tpu.memory_space<vmem_shared>> -> memref<10240x128xf32, #tpu.memory_space<vmem_shared>>
        tpu.wait_indirect_dma semaphore(%arg16 : memref<!tpu.dma_semaphore, #tpu.memory_space<semaphore_mem>>) src(%arg12 : memref<125x128xf32, #tpu.memory_space<vmem>>) dst(%dma_wait3A_316 : memref<10240x128xf32, #tpu.memory_space<vmem_shared>>)
        %add3A_317 = arith.constant 2 : i32
        %add3A_318 = arith.addi %mul3A_252, %add3A_317 : i32
        %add3A_319 = arith.constant 1 : i32
        %add3A_320 = arith.addi %add3A_318, %add3A_319 : i32
        %dma_start3A_321 = arith.constant 0 : i32
        %dma_start3A_322 = tpu.memref_slice %arg7[%add3A_320, %dma_start3A_321] : memref<20x125xi32, #tpu.memory_space<vmem>> -> memref<1x125xi32, #tpu.memory_space<vmem>>
        %dma_start3A_323 = tpu.memref_squeeze %dma_start3A_322 : memref<1x125xi32, #tpu.memory_space<vmem>> -> memref<125xi32, #tpu.memory_space<vmem>>
        %dma_start3A_324 = arith.constant 0 : i32
        %dma_start3A_325 = arith.constant 0 : i32
        %dma_start3A_326 = tpu.memref_slice %arg2[%dma_start3A_324, %dma_start3A_325] : memref<10000x128xf32, #tpu.memory_space<hbm>> -> memref<10000x128xf32, #tpu.memory_space<hbm>>
        tpu.enqueue_indirect_dma source(%dma_start3A_326 : memref<10000x128xf32, #tpu.memory_space<hbm>>) target(%arg12 : memref<125x128xf32, #tpu.memory_space<vmem>>) offsets(%dma_start3A_323 : memref<125xi32, #tpu.memory_space<vmem>>) semaphore(%arg14 : memref<!tpu.dma_semaphore, #tpu.memory_space<semaphore_mem>>)
      } else {
      }
    }
    %scan3A_178 = arith.constant 10 : i32
    %dma_wait3A_179 = arith.constant 3 : i32
    %dma_wait3A_180 = arith.constant 0 : i32
    %dma_wait3A_181 = arith.constant 0 : i32
    %dma_wait3A_182 = tpu.memref_slice %arg3[%add3A, %dma_wait3A_179, %dma_wait3A_180, %dma_wait3A_181] : memref<32x4x20x125xi32, #tpu.memory_space<hbm>> -> memref<1x1x20x125xi32, #tpu.memory_space<hbm>>
    %dma_wait3A_183 = tpu.memref_squeeze %dma_wait3A_182 : memref<1x1x20x125xi32, #tpu.memory_space<hbm>> -> memref<20x125xi32, #tpu.memory_space<hbm>>
    %dma_wait3A_184 = arith.constant 0 : i32
    %dma_wait3A_185 = arith.constant 0 : i32
    %dma_wait3A_186 = tpu.memref_slice %arg3[%add3A, %dma_wait3A_179, %dma_wait3A_184, %dma_wait3A_185] : memref<32x4x20x125xi32, #tpu.memory_space<hbm>> -> memref<1x1x20x125xi32, #tpu.memory_space<hbm>>
    %dma_wait3A_187 = tpu.memref_squeeze %dma_wait3A_186 : memref<1x1x20x125xi32, #tpu.memory_space<hbm>> -> memref<20x125xi32, #tpu.memory_space<hbm>>
    tpu.wait_dma2 semaphore(%arg17 : memref<!tpu.dma_semaphore, #tpu.memory_space<semaphore_mem>>) src(%dma_wait3A_187 : memref<20x125xi32, #tpu.memory_space<hbm>>) dst(%arg8 : memref<20x125xi32, #tpu.memory_space<vmem>>)
    %dma_wait3A_188 = arith.constant 3 : i32
    %dma_wait3A_189 = arith.constant 0 : i32
    %dma_wait3A_190 = arith.constant 0 : i32
    %dma_wait3A_191 = tpu.memref_slice %arg4[%add3A, %dma_wait3A_188, %dma_wait3A_189, %dma_wait3A_190] : memref<32x4x20x125xi32, #tpu.memory_space<hbm>> -> memref<1x1x20x125xi32, #tpu.memory_space<hbm>>
    %dma_wait3A_192 = tpu.memref_squeeze %dma_wait3A_191 : memref<1x1x20x125xi32, #tpu.memory_space<hbm>> -> memref<20x125xi32, #tpu.memory_space<hbm>>
    %dma_wait3A_193 = arith.constant 0 : i32
    %dma_wait3A_194 = arith.constant 0 : i32
    %dma_wait3A_195 = tpu.memref_slice %arg4[%add3A, %dma_wait3A_188, %dma_wait3A_193, %dma_wait3A_194] : memref<32x4x20x125xi32, #tpu.memory_space<hbm>> -> memref<1x1x20x125xi32, #tpu.memory_space<hbm>>
    %dma_wait3A_196 = tpu.memref_squeeze %dma_wait3A_195 : memref<1x1x20x125xi32, #tpu.memory_space<hbm>> -> memref<20x125xi32, #tpu.memory_space<hbm>>
    tpu.wait_dma2 semaphore(%arg17 : memref<!tpu.dma_semaphore, #tpu.memory_space<semaphore_mem>>) src(%dma_wait3A_196 : memref<20x125xi32, #tpu.memory_space<hbm>>) dst(%arg10 : memref<20x125xi32, #tpu.memory_space<vmem>>)
    %dma_wait3A_197 = arith.constant 18 : i32
    %dma_wait3A_198 = arith.constant 0 : i32
    %dma_wait3A_199 = tpu.memref_slice %arg9[%dma_wait3A_197, %dma_wait3A_198] : memref<20x125xi32, #tpu.memory_space<vmem>> -> memref<1x125xi32, #tpu.memory_space<vmem>>
    %dma_wait3A_200 = tpu.memref_squeeze %dma_wait3A_199 : memref<1x125xi32, #tpu.memory_space<vmem>> -> memref<125xi32, #tpu.memory_space<vmem>>
    %dma_wait3A_201 = arith.constant 0 : i32
    %dma_wait3A_202 = arith.constant 0 : i32
    %dma_wait3A_203 = tpu.memref_slice %arg18[%dma_wait3A_201, %dma_wait3A_202] : memref<10240x128xf32, #tpu.memory_space<vmem_shared>> -> memref<10240x128xf32, #tpu.memory_space<vmem_shared>>
    tpu.wait_indirect_dma semaphore(%arg15 : memref<!tpu.dma_semaphore, #tpu.memory_space<semaphore_mem>>) src(%arg11 : memref<125x128xf32, #tpu.memory_space<vmem>>) dst(%dma_wait3A_203 : memref<10240x128xf32, #tpu.memory_space<vmem_shared>>)
    %dma_start3A_204 = arith.constant 0 : i32
    %dma_start3A_205 = arith.constant 0 : i32
    %dma_start3A_206 = tpu.memref_slice %arg8[%dma_start3A_204, %dma_start3A_205] : memref<20x125xi32, #tpu.memory_space<vmem>> -> memref<1x125xi32, #tpu.memory_space<vmem>>
    %dma_start3A_207 = tpu.memref_squeeze %dma_start3A_206 : memref<1x125xi32, #tpu.memory_space<vmem>> -> memref<125xi32, #tpu.memory_space<vmem>>
    %dma_start3A_208 = arith.constant 0 : i32
    %dma_start3A_209 = arith.constant 0 : i32
    %dma_start3A_210 = tpu.memref_slice %arg2[%dma_start3A_208, %dma_start3A_209] : memref<10000x128xf32, #tpu.memory_space<hbm>> -> memref<10000x128xf32, #tpu.memory_space<hbm>>
    tpu.enqueue_indirect_dma source(%dma_start3A_210 : memref<10000x128xf32, #tpu.memory_space<hbm>>) target(%arg11 : memref<125x128xf32, #tpu.memory_space<vmem>>) offsets(%dma_start3A_207 : memref<125xi32, #tpu.memory_space<vmem>>) semaphore(%arg13 : memref<!tpu.dma_semaphore, #tpu.memory_space<semaphore_mem>>)
    %dma_wait3A_211 = arith.constant 19 : i32
    %dma_wait3A_212 = arith.constant 0 : i32
    %dma_wait3A_213 = tpu.memref_slice %arg9[%dma_wait3A_211, %dma_wait3A_212] : memref<20x125xi32, #tpu.memory_space<vmem>> -> memref<1x125xi32, #tpu.memory_space<vmem>>
    %dma_wait3A_214 = tpu.memref_squeeze %dma_wait3A_213 : memref<1x125xi32, #tpu.memory_space<vmem>> -> memref<125xi32, #tpu.memory_space<vmem>>
    %dma_wait3A_215 = arith.constant 0 : i32
    %dma_wait3A_216 = arith.constant 0 : i32
    %dma_wait3A_217 = tpu.memref_slice %arg18[%dma_wait3A_215, %dma_wait3A_216] : memref<10240x128xf32, #tpu.memory_space<vmem_shared>> -> memref<10240x128xf32, #tpu.memory_space<vmem_shared>>
    tpu.wait_indirect_dma semaphore(%arg16 : memref<!tpu.dma_semaphore, #tpu.memory_space<semaphore_mem>>) src(%arg12 : memref<125x128xf32, #tpu.memory_space<vmem>>) dst(%dma_wait3A_217 : memref<10240x128xf32, #tpu.memory_space<vmem_shared>>)
    %dma_start3A_218 = arith.constant 1 : i32
    %dma_start3A_219 = arith.constant 0 : i32
    %dma_start3A_220 = tpu.memref_slice %arg8[%dma_start3A_218, %dma_start3A_219] : memref<20x125xi32, #tpu.memory_space<vmem>> -> memref<1x125xi32, #tpu.memory_space<vmem>>
    %dma_start3A_221 = tpu.memref_squeeze %dma_start3A_220 : memref<1x125xi32, #tpu.memory_space<vmem>> -> memref<125xi32, #tpu.memory_space<vmem>>
    %dma_start3A_222 = arith.constant 0 : i32
    %dma_start3A_223 = arith.constant 0 : i32
    %dma_start3A_224 = tpu.memref_slice %arg2[%dma_start3A_222, %dma_start3A_223] : memref<10000x128xf32, #tpu.memory_space<hbm>> -> memref<10000x128xf32, #tpu.memory_space<hbm>>
    tpu.enqueue_indirect_dma source(%dma_start3A_224 : memref<10000x128xf32, #tpu.memory_space<hbm>>) target(%arg12 : memref<125x128xf32, #tpu.memory_space<vmem>>) offsets(%dma_start3A_221 : memref<125xi32, #tpu.memory_space<vmem>>) semaphore(%arg14 : memref<!tpu.dma_semaphore, #tpu.memory_space<semaphore_mem>>)
    %scan3A_225 = arith.constant 0 : i32
    %scan3A_226 = arith.constant 0 : i32
    %scan3A_227 = arith.constant 10 : i32
    %scan3A_228 = arith.addi %scan3A_226, %scan3A_227 : i32
    %scan3A_229 = arith.constant 1 : i32
    scf.for %scan3A_250 = %scan3A_226 to %scan3A_228 step %scan3A_229  : i32 {
      %mul3A_251 = arith.constant 2 : i32
      %mul3A_252 = arith.muli %mul3A_251, %scan3A_250 : i32
      %add3A_253 = arith.constant 0 : i32
      %add3A_254 = arith.addi %mul3A_252, %add3A_253 : i32
      %dma_wait3A_255 = arith.constant 0 : i32
      %dma_wait3A_256 = tpu.memref_slice %arg8[%add3A_254, %dma_wait3A_255] : memref<20x125xi32, #tpu.memory_space<vmem>> -> memref<1x125xi32, #tpu.memory_space<vmem>>
      %dma_wait3A_257 = tpu.memref_squeeze %dma_wait3A_256 : memref<1x125xi32, #tpu.memory_space<vmem>> -> memref<125xi32, #tpu.memory_space<vmem>>
      %dma_wait3A_258 = arith.constant 0 : i32
      %dma_wait3A_259 = arith.constant 0 : i32
      %dma_wait3A_260 = tpu.memref_slice %arg2[%dma_wait3A_258, %dma_wait3A_259] : memref<10000x128xf32, #tpu.memory_space<hbm>> -> memref<10000x128xf32, #tpu.memory_space<hbm>>
      tpu.wait_indirect_dma semaphore(%arg13 : memref<!tpu.dma_semaphore, #tpu.memory_space<semaphore_mem>>) src(%dma_wait3A_260 : memref<10000x128xf32, #tpu.memory_space<hbm>>) dst(%arg11 : memref<125x128xf32, #tpu.memory_space<vmem>>)
      %add3A_261 = arith.constant 0 : i32
      %add3A_262 = arith.addi %mul3A_252, %add3A_261 : i32
      %dma_start3A_263 = arith.constant 0 : i32
      %dma_start3A_264 = tpu.memref_slice %arg10[%add3A_262, %dma_start3A_263] : memref<20x125xi32, #tpu.memory_space<vmem>> -> memref<1x125xi32, #tpu.memory_space<vmem>>
      %dma_start3A_265 = tpu.memref_squeeze %dma_start3A_264 : memref<1x125xi32, #tpu.memory_space<vmem>> -> memref<125xi32, #tpu.memory_space<vmem>>
      %dma_start3A_266 = arith.constant 0 : i32
      %dma_start3A_267 = arith.constant 0 : i32
      %dma_start3A_268 = tpu.memref_slice %arg18[%dma_start3A_266, %dma_start3A_267] : memref<10240x128xf32, #tpu.memory_space<vmem_shared>> -> memref<10240x128xf32, #tpu.memory_space<vmem_shared>>
      tpu.enqueue_indirect_dma source(%arg11 : memref<125x128xf32, #tpu.memory_space<vmem>>) target(%dma_start3A_268 : memref<10240x128xf32, #tpu.memory_space<vmem_shared>>) offsets(%dma_start3A_265 : memref<125xi32, #tpu.memory_space<vmem>>) semaphore(%arg15 : memref<!tpu.dma_semaphore, #tpu.memory_space<semaphore_mem>>) {add = true}
      %add3A_269 = arith.constant 1 : i32
      %add3A_270 = arith.addi %mul3A_252, %add3A_269 : i32
      %dma_wait3A_271 = arith.constant 0 : i32
      %dma_wait3A_272 = tpu.memref_slice %arg8[%add3A_270, %dma_wait3A_271] : memref<20x125xi32, #tpu.memory_space<vmem>> -> memref<1x125xi32, #tpu.memory_space<vmem>>
      %dma_wait3A_273 = tpu.memref_squeeze %dma_wait3A_272 : memref<1x125xi32, #tpu.memory_space<vmem>> -> memref<125xi32, #tpu.memory_space<vmem>>
      %dma_wait3A_274 = arith.constant 0 : i32
      %dma_wait3A_275 = arith.constant 0 : i32
      %dma_wait3A_276 = tpu.memref_slice %arg2[%dma_wait3A_274, %dma_wait3A_275] : memref<10000x128xf32, #tpu.memory_space<hbm>> -> memref<10000x128xf32, #tpu.memory_space<hbm>>
      tpu.wait_indirect_dma semaphore(%arg14 : memref<!tpu.dma_semaphore, #tpu.memory_space<semaphore_mem>>) src(%dma_wait3A_276 : memref<10000x128xf32, #tpu.memory_space<hbm>>) dst(%arg12 : memref<125x128xf32, #tpu.memory_space<vmem>>)
      %add3A_277 = arith.constant 1 : i32
      %add3A_278 = arith.addi %mul3A_252, %add3A_277 : i32
      %dma_start3A_279 = arith.constant 0 : i32
      %dma_start3A_280 = tpu.memref_slice %arg10[%add3A_278, %dma_start3A_279] : memref<20x125xi32, #tpu.memory_space<vmem>> -> memref<1x125xi32, #tpu.memory_space<vmem>>
      %dma_start3A_281 = tpu.memref_squeeze %dma_start3A_280 : memref<1x125xi32, #tpu.memory_space<vmem>> -> memref<125xi32, #tpu.memory_space<vmem>>
      %dma_start3A_282 = arith.constant 0 : i32
      %dma_start3A_283 = arith.constant 0 : i32
      %dma_start3A_284 = tpu.memref_slice %arg18[%dma_start3A_282, %dma_start3A_283] : memref<10240x128xf32, #tpu.memory_space<vmem_shared>> -> memref<10240x128xf32, #tpu.memory_space<vmem_shared>>
      tpu.enqueue_indirect_dma source(%arg12 : memref<125x128xf32, #tpu.memory_space<vmem>>) target(%dma_start3A_284 : memref<10240x128xf32, #tpu.memory_space<vmem_shared>>) offsets(%dma_start3A_281 : memref<125xi32, #tpu.memory_space<vmem>>) semaphore(%arg16 : memref<!tpu.dma_semaphore, #tpu.memory_space<semaphore_mem>>) {add = true}
      %add3A_285 = arith.constant 1 : i32
      %add3A_286 = arith.addi %scan3A_250, %add3A_285 : i32
      %lt3A = arith.constant 10 : i32
      %lt3A_287 = arith.cmpi slt, %add3A_286, %lt3A : i32
      %convert_element_type3A_288 = arith.extui %lt3A_287 : i1 to i32
      %cond3A_289 = arith.constant 0 : i32
      %cond3A_290 = arith.cmpi ne, %convert_element_type3A_288, %cond3A_289 : i32
      scf.if %cond3A_290 {
        %add3A_291 = arith.constant 0 : i32
        %add3A_292 = arith.addi %mul3A_252, %add3A_291 : i32
        %dma_wait3A_293 = arith.constant 0 : i32
        %dma_wait3A_294 = tpu.memref_slice %arg10[%add3A_292, %dma_wait3A_293] : memref<20x125xi32, #tpu.memory_space<vmem>> -> memref<1x125xi32, #tpu.memory_space<vmem>>
        %dma_wait3A_295 = tpu.memref_squeeze %dma_wait3A_294 : memref<1x125xi32, #tpu.memory_space<vmem>> -> memref<125xi32, #tpu.memory_space<vmem>>
        %dma_wait3A_296 = arith.constant 0 : i32
        %dma_wait3A_297 = arith.constant 0 : i32
        %dma_wait3A_298 = tpu.memref_slice %arg18[%dma_wait3A_296, %dma_wait3A_297] : memref<10240x128xf32, #tpu.memory_space<vmem_shared>> -> memref<10240x128xf32, #tpu.memory_space<vmem_shared>>
        tpu.wait_indirect_dma semaphore(%arg15 : memref<!tpu.dma_semaphore, #tpu.memory_space<semaphore_mem>>) src(%arg11 : memref<125x128xf32, #tpu.memory_space<vmem>>) dst(%dma_wait3A_298 : memref<10240x128xf32, #tpu.memory_space<vmem_shared>>)
        %add3A_299 = arith.constant 2 : i32
        %add3A_300 = arith.addi %mul3A_252, %add3A_299 : i32
        %add3A_301 = arith.constant 0 : i32
        %add3A_302 = arith.addi %add3A_300, %add3A_301 : i32
        %dma_start3A_303 = arith.constant 0 : i32
        %dma_start3A_304 = tpu.memref_slice %arg8[%add3A_302, %dma_start3A_303] : memref<20x125xi32, #tpu.memory_space<vmem>> -> memref<1x125xi32, #tpu.memory_space<vmem>>
        %dma_start3A_305 = tpu.memref_squeeze %dma_start3A_304 : memref<1x125xi32, #tpu.memory_space<vmem>> -> memref<125xi32, #tpu.memory_space<vmem>>
        %dma_start3A_306 = arith.constant 0 : i32
        %dma_start3A_307 = arith.constant 0 : i32
        %dma_start3A_308 = tpu.memref_slice %arg2[%dma_start3A_306, %dma_start3A_307] : memref<10000x128xf32, #tpu.memory_space<hbm>> -> memref<10000x128xf32, #tpu.memory_space<hbm>>
        tpu.enqueue_indirect_dma source(%dma_start3A_308 : memref<10000x128xf32, #tpu.memory_space<hbm>>) target(%arg11 : memref<125x128xf32, #tpu.memory_space<vmem>>) offsets(%dma_start3A_305 : memref<125xi32, #tpu.memory_space<vmem>>) semaphore(%arg13 : memref<!tpu.dma_semaphore, #tpu.memory_space<semaphore_mem>>)
        %add3A_309 = arith.constant 1 : i32
        %add3A_310 = arith.addi %mul3A_252, %add3A_309 : i32
        %dma_wait3A_311 = arith.constant 0 : i32
        %dma_wait3A_312 = tpu.memref_slice %arg10[%add3A_310, %dma_wait3A_311] : memref<20x125xi32, #tpu.memory_space<vmem>> -> memref<1x125xi32, #tpu.memory_space<vmem>>
        %dma_wait3A_313 = tpu.memref_squeeze %dma_wait3A_312 : memref<1x125xi32, #tpu.memory_space<vmem>> -> memref<125xi32, #tpu.memory_space<vmem>>
        %dma_wait3A_314 = arith.constant 0 : i32
        %dma_wait3A_315 = arith.constant 0 : i32
        %dma_wait3A_316 = tpu.memref_slice %arg18[%dma_wait3A_314, %dma_wait3A_315] : memref<10240x128xf32, #tpu.memory_space<vmem_shared>> -> memref<10240x128xf32, #tpu.memory_space<vmem_shared>>
        tpu.wait_indirect_dma semaphore(%arg16 : memref<!tpu.dma_semaphore, #tpu.memory_space<semaphore_mem>>) src(%arg12 : memref<125x128xf32, #tpu.memory_space<vmem>>) dst(%dma_wait3A_316 : memref<10240x128xf32, #tpu.memory_space<vmem_shared>>)
        %add3A_317 = arith.constant 2 : i32
        %add3A_318 = arith.addi %mul3A_252, %add3A_317 : i32
        %add3A_319 = arith.constant 1 : i32
        %add3A_320 = arith.addi %add3A_318, %add3A_319 : i32
        %dma_start3A_321 = arith.constant 0 : i32
        %dma_start3A_322 = tpu.memref_slice %arg8[%add3A_320, %dma_start3A_321] : memref<20x125xi32, #tpu.memory_space<vmem>> -> memref<1x125xi32, #tpu.memory_space<vmem>>
        %dma_start3A_323 = tpu.memref_squeeze %dma_start3A_322 : memref<1x125xi32, #tpu.memory_space<vmem>> -> memref<125xi32, #tpu.memory_space<vmem>>
        %dma_start3A_324 = arith.constant 0 : i32
        %dma_start3A_325 = arith.constant 0 : i32
        %dma_start3A_326 = tpu.memref_slice %arg2[%dma_start3A_324, %dma_start3A_325] : memref<10000x128xf32, #tpu.memory_space<hbm>> -> memref<10000x128xf32, #tpu.memory_space<hbm>>
        tpu.enqueue_indirect_dma source(%dma_start3A_326 : memref<10000x128xf32, #tpu.memory_space<hbm>>) target(%arg12 : memref<125x128xf32, #tpu.memory_space<vmem>>) offsets(%dma_start3A_323 : memref<125xi32, #tpu.memory_space<vmem>>) semaphore(%arg14 : memref<!tpu.dma_semaphore, #tpu.memory_space<semaphore_mem>>)
      } else {
      }
    }
    %scan3A_230 = arith.constant 10 : i32
    %dma_wait3A_231 = arith.constant 18 : i32
    %dma_wait3A_232 = arith.constant 0 : i32
    %dma_wait3A_233 = tpu.memref_slice %arg10[%dma_wait3A_231, %dma_wait3A_232] : memref<20x125xi32, #tpu.memory_space<vmem>> -> memref<1x125xi32, #tpu.memory_space<vmem>>
    %dma_wait3A_234 = tpu.memref_squeeze %dma_wait3A_233 : memref<1x125xi32, #tpu.memory_space<vmem>> -> memref<125xi32, #tpu.memory_space<vmem>>
    %dma_wait3A_235 = arith.constant 0 : i32
    %dma_wait3A_236 = arith.constant 0 : i32
    %dma_wait3A_237 = tpu.memref_slice %arg18[%dma_wait3A_235, %dma_wait3A_236] : memref<10240x128xf32, #tpu.memory_space<vmem_shared>> -> memref<10240x128xf32, #tpu.memory_space<vmem_shared>>
    tpu.wait_indirect_dma semaphore(%arg15 : memref<!tpu.dma_semaphore, #tpu.memory_space<semaphore_mem>>) src(%arg11 : memref<125x128xf32, #tpu.memory_space<vmem>>) dst(%dma_wait3A_237 : memref<10240x128xf32, #tpu.memory_space<vmem_shared>>)
    %dma_wait3A_238 = arith.constant 19 : i32
    %dma_wait3A_239 = arith.constant 0 : i32
    %dma_wait3A_240 = tpu.memref_slice %arg10[%dma_wait3A_238, %dma_wait3A_239] : memref<20x125xi32, #tpu.memory_space<vmem>> -> memref<1x125xi32, #tpu.memory_space<vmem>>
    %dma_wait3A_241 = tpu.memref_squeeze %dma_wait3A_240 : memref<1x125xi32, #tpu.memory_space<vmem>> -> memref<125xi32, #tpu.memory_space<vmem>>
    %dma_wait3A_242 = arith.constant 0 : i32
    %dma_wait3A_243 = arith.constant 0 : i32
    %dma_wait3A_244 = tpu.memref_slice %arg18[%dma_wait3A_242, %dma_wait3A_243] : memref<10240x128xf32, #tpu.memory_space<vmem_shared>> -> memref<10240x128xf32, #tpu.memory_space<vmem_shared>>
    tpu.wait_indirect_dma semaphore(%arg16 : memref<!tpu.dma_semaphore, #tpu.memory_space<semaphore_mem>>) src(%arg12 : memref<125x128xf32, #tpu.memory_space<vmem>>) dst(%dma_wait3A_244 : memref<10240x128xf32, #tpu.memory_space<vmem_shared>>)
    %barrier3A_245 = arith.constant 0 : index
    tpu.barrier barrier_id(%barrier3A_245)
    %mul3A_246 = arith.constant 640 : i32
    %mul3A_247 = arith.muli %arg1, %mul3A_246 : i32
    %mul3A_248 = arith.constant 640 : i32
    %mul3A_249 = arith.muli %arg1, %mul3A_248 : i32
    "tpu.region"() ({
      %run_scoped3A_250 = tpu.sem_alloc : memref<!tpu.dma_semaphore, #tpu.memory_space<semaphore_mem>>
      %dma_start3A_251 = arith.constant 0 : i32
      %dma_start3A_252 = tpu.memref_slice %arg6[%arg0, %mul3A_249, %dma_start3A_251] : memref<2x10240x128xf32, #tpu.memory_space<hbm>> -> memref<1x640x128xf32, #tpu.memory_space<hbm>>
      %dma_start3A_253 = tpu.memref_squeeze %dma_start3A_252 : memref<1x640x128xf32, #tpu.memory_space<hbm>> -> memref<640x128xf32, #tpu.memory_space<hbm>>
      %dma_start3A_254 = arith.constant 0 : i32
      %dma_start3A_255 = tpu.memref_slice %arg18[%mul3A_247, %dma_start3A_254] : memref<10240x128xf32, #tpu.memory_space<vmem_shared>> -> memref<640x128xf32, #tpu.memory_space<vmem_shared>>
      tpu.enqueue_dma source(%dma_start3A_255 : memref<640x128xf32, #tpu.memory_space<vmem_shared>>) target(%dma_start3A_253 : memref<640x128xf32, #tpu.memory_space<hbm>>) target_semaphore(%run_scoped3A_250 : memref<!tpu.dma_semaphore, #tpu.memory_space<semaphore_mem>>)
      %dma_wait3A_256 = arith.constant 0 : i32
      %dma_wait3A_257 = tpu.memref_slice %arg6[%arg0, %mul3A_249, %dma_wait3A_256] : memref<2x10240x128xf32, #tpu.memory_space<hbm>> -> memref<1x640x128xf32, #tpu.memory_space<hbm>>
      %dma_wait3A_258 = tpu.memref_squeeze %dma_wait3A_257 : memref<1x640x128xf32, #tpu.memory_space<hbm>> -> memref<640x128xf32, #tpu.memory_space<hbm>>
      %dma_wait3A_259 = arith.constant 0 : i32
      %dma_wait3A_260 = tpu.memref_slice %arg18[%mul3A_247, %dma_wait3A_259] : memref<10240x128xf32, #tpu.memory_space<vmem_shared>> -> memref<640x128xf32, #tpu.memory_space<vmem_shared>>
      tpu.wait_dma2 semaphore(%run_scoped3A_250 : memref<!tpu.dma_semaphore, #tpu.memory_space<semaphore_mem>>) src(%dma_wait3A_260 : memref<640x128xf32, #tpu.memory_space<vmem_shared>>) dst(%dma_wait3A_258 : memref<640x128xf32, #tpu.memory_space<hbm>>)
      tpu.yield
    }) : () -> ()
    return
  }
}

#map = affine_map<(d0, d1) -> (0, 0)>
#map1 = affine_map<(d0, d1) -> (0, 0, 0, 0)>
#map2 = affine_map<(d0, d1) -> (0, 0, 0)>
module attributes {stable_mosaic.version = 14 : i64} {
  func.func @_agg_kernel(%arg0: i32, %arg1: i32, %arg2: memref<10000x128xf32, #tpu.memory_space<hbm>>, %arg3: memref<32x4x20x125xi32, #tpu.memory_space<hbm>>, %arg4: memref<32x4x20x125xi32, #tpu.memory_space<hbm>>, %arg5: memref<10240x128xf32, #tpu.memory_space<hbm>>, %arg6: memref<2x10240x128xf32, #tpu.memory_space<hbm>>, %arg7: memref<20x125xi32, #tpu.memory_space<vmem>>, %arg8: memref<20x125xi32, #tpu.memory_space<vmem>>, %arg9: memref<20x125xi32, #tpu.memory_space<vmem>>, %arg10: memref<20x125xi32, #tpu.memory_space<vmem>>, %arg11: memref<125x128xf32, #tpu.memory_space<vmem>>, %arg12: memref<125x128xf32, #tpu.memory_space<vmem>>, %arg13: memref<!tpu.dma_semaphore, #tpu.memory_space<semaphore_mem>>, %arg14: memref<!tpu.dma_semaphore, #tpu.memory_space<semaphore_mem>>, %arg15: memref<!tpu.dma_semaphore, #tpu.memory_space<semaphore_mem>>, %arg16: memref<!tpu.dma_semaphore, #tpu.memory_space<semaphore_mem>>, %arg17: memref<!tpu.dma_semaphore, #tpu.memory_space<semaphore_mem>>, %arg18: memref<10240x128xf32, #tpu.memory_space<vmem_shared>>) attributes {dimension_semantics = [#tpu.dimension_semantics<core_parallel>, #tpu.dimension_semantics<subcore_parallel>], iteration_bounds = array<i64: 2, 16>, scalar_prefetch = 0 : i64, scratch_operands = 12 : i64, tpu.core_type = #tpu.core_type<sc_vector_subcore>, window_params = [{transform_indices = #map}, {transform_indices = #map1}, {transform_indices = #map1}, {transform_indices = #map}, {transform_indices = #map2}]} {
    %mul3A = arith.constant 16 : i32
    %mul3A_0 = arith.muli %arg0, %mul3A : i32
    %add3A = arith.addi %mul3A_0, %arg1 : i32
    %run_scoped3A = arith.constant 0 : i32
    "tpu.region"() ({
      %run_scoped3A_250 = tpu.sem_alloc : memref<!tpu.dma_semaphore, #tpu.memory_space<semaphore_mem>>
      %dma_start3A_251 = arith.constant 0 : i32
      %dma_start3A_252 = arith.constant 0 : i32
      %dma_start3A_253 = tpu.memref_slice %arg3[%add3A, %run_scoped3A, %dma_start3A_251, %dma_start3A_252] : memref<32x4x20x125xi32, #tpu.memory_space<hbm>> -> memref<1x1x20x125xi32, #tpu.memory_space<hbm>>
      %dma_start3A_254 = tpu.memref_squeeze %dma_start3A_253 : memref<1x1x20x125xi32, #tpu.memory_space<hbm>> -> memref<20x125xi32, #tpu.memory_space<hbm>>
      %dma_start3A_255 = arith.constant 0 : i32
      %dma_start3A_256 = arith.constant 0 : i32
      %dma_start3A_257 = tpu.memref_slice %arg3[%add3A, %run_scoped3A, %dma_start3A_255, %dma_start3A_256] : memref<32x4x20x125xi32, #tpu.memory_space<hbm>> -> memref<1x1x20x125xi32, #tpu.memory_space<hbm>>
      %dma_start3A_258 = tpu.memref_squeeze %dma_start3A_257 : memref<1x1x20x125xi32, #tpu.memory_space<hbm>> -> memref<20x125xi32, #tpu.memory_space<hbm>>
      tpu.enqueue_dma source(%dma_start3A_258 : memref<20x125xi32, #tpu.memory_space<hbm>>) target(%arg7 : memref<20x125xi32, #tpu.memory_space<vmem>>) target_semaphore(%run_scoped3A_250 : memref<!tpu.dma_semaphore, #tpu.memory_space<semaphore_mem>>)
      %dma_wait3A_259 = arith.constant 0 : i32
      %dma_wait3A_260 = arith.constant 0 : i32
      %dma_wait3A_261 = tpu.memref_slice %arg3[%add3A, %run_scoped3A, %dma_wait3A_259, %dma_wait3A_260] : memref<32x4x20x125xi32, #tpu.memory_space<hbm>> -> memref<1x1x20x125xi32, #tpu.memory_space<hbm>>
      %dma_wait3A_262 = tpu.memref_squeeze %dma_wait3A_261 : memref<1x1x20x125xi32, #tpu.memory_space<hbm>> -> memref<20x125xi32, #tpu.memory_space<hbm>>
      %dma_wait3A_263 = arith.constant 0 : i32
      %dma_wait3A_264 = arith.constant 0 : i32
      %dma_wait3A_265 = tpu.memref_slice %arg3[%add3A, %run_scoped3A, %dma_wait3A_263, %dma_wait3A_264] : memref<32x4x20x125xi32, #tpu.memory_space<hbm>> -> memref<1x1x20x125xi32, #tpu.memory_space<hbm>>
      %dma_wait3A_266 = tpu.memref_squeeze %dma_wait3A_265 : memref<1x1x20x125xi32, #tpu.memory_space<hbm>> -> memref<20x125xi32, #tpu.memory_space<hbm>>
      tpu.wait_dma2 semaphore(%run_scoped3A_250 : memref<!tpu.dma_semaphore, #tpu.memory_space<semaphore_mem>>) src(%dma_wait3A_266 : memref<20x125xi32, #tpu.memory_space<hbm>>) dst(%arg7 : memref<20x125xi32, #tpu.memory_space<vmem>>)
      tpu.yield
    }) : () -> ()
    %run_scoped3A_1 = arith.constant 0 : i32
    "tpu.region"() ({
      %run_scoped3A_250 = tpu.sem_alloc : memref<!tpu.dma_semaphore, #tpu.memory_space<semaphore_mem>>
      %dma_start3A_251 = arith.constant 0 : i32
      %dma_start3A_252 = arith.constant 0 : i32
      %dma_start3A_253 = tpu.memref_slice %arg4[%add3A, %run_scoped3A_1, %dma_start3A_251, %dma_start3A_252] : memref<32x4x20x125xi32, #tpu.memory_space<hbm>> -> memref<1x1x20x125xi32, #tpu.memory_space<hbm>>
      %dma_start3A_254 = tpu.memref_squeeze %dma_start3A_253 : memref<1x1x20x125xi32, #tpu.memory_space<hbm>> -> memref<20x125xi32, #tpu.memory_space<hbm>>
      %dma_start3A_255 = arith.constant 0 : i32
      %dma_start3A_256 = arith.constant 0 : i32
      %dma_start3A_257 = tpu.memref_slice %arg4[%add3A, %run_scoped3A_1, %dma_start3A_255, %dma_start3A_256] : memref<32x4x20x125xi32, #tpu.memory_space<hbm>> -> memref<1x1x20x125xi32, #tpu.memory_space<hbm>>
      %dma_start3A_258 = tpu.memref_squeeze %dma_start3A_257 : memref<1x1x20x125xi32, #tpu.memory_space<hbm>> -> memref<20x125xi32, #tpu.memory_space<hbm>>
      tpu.enqueue_dma source(%dma_start3A_258 : memref<20x125xi32, #tpu.memory_space<hbm>>) target(%arg9 : memref<20x125xi32, #tpu.memory_space<vmem>>) target_semaphore(%run_scoped3A_250 : memref<!tpu.dma_semaphore, #tpu.memory_space<semaphore_mem>>)
      %dma_wait3A_259 = arith.constant 0 : i32
      %dma_wait3A_260 = arith.constant 0 : i32
      %dma_wait3A_261 = tpu.memref_slice %arg4[%add3A, %run_scoped3A_1, %dma_wait3A_259, %dma_wait3A_260] : memref<32x4x20x125xi32, #tpu.memory_space<hbm>> -> memref<1x1x20x125xi32, #tpu.memory_space<hbm>>
      %dma_wait3A_262 = tpu.memref_squeeze %dma_wait3A_261 : memref<1x1x20x125xi32, #tpu.memory_space<hbm>> -> memref<20x125xi32, #tpu.memory_space<hbm>>
      %dma_wait3A_263 = arith.constant 0 : i32
      %dma_wait3A_264 = arith.constant 0 : i32
      %dma_wait3A_265 = tpu.memref_slice %arg4[%add3A, %run_scoped3A_1, %dma_wait3A_263, %dma_wait3A_264] : memref<32x4x20x125xi32, #tpu.memory_space<hbm>> -> memref<1x1x20x125xi32, #tpu.memory_space<hbm>>
      %dma_wait3A_266 = tpu.memref_squeeze %dma_wait3A_265 : memref<1x1x20x125xi32, #tpu.memory_space<hbm>> -> memref<20x125xi32, #tpu.memory_space<hbm>>
      tpu.wait_dma2 semaphore(%run_scoped3A_250 : memref<!tpu.dma_semaphore, #tpu.memory_space<semaphore_mem>>) src(%dma_wait3A_266 : memref<20x125xi32, #tpu.memory_space<hbm>>) dst(%arg9 : memref<20x125xi32, #tpu.memory_space<vmem>>)
      tpu.yield
    }) : () -> ()
    %eq3A = arith.constant 0 : i32
    %eq3A_2 = arith.cmpi eq, %arg1, %eq3A : i32
    %convert_element_type3A = arith.extui %eq3A_2 : i1 to i32
    %cond3A = arith.constant 0 : i32
    %cond3A_3 = arith.cmpi ne, %convert_element_type3A, %cond3A : i32
    scf.if %cond3A_3 {
      "tpu.region"() ({
        %run_scoped3A_250 = tpu.sem_alloc : memref<!tpu.dma_semaphore, #tpu.memory_space<semaphore_mem>>
        tpu.enqueue_dma source(%arg5 : memref<10240x128xf32, #tpu.memory_space<hbm>>) target(%arg18 : memref<10240x128xf32, #tpu.memory_space<vmem_shared>>) target_semaphore(%run_scoped3A_250 : memref<!tpu.dma_semaphore, #tpu.memory_space<semaphore_mem>>)
        tpu.wait_dma2 semaphore(%run_scoped3A_250 : memref<!tpu.dma_semaphore, #tpu.memory_space<semaphore_mem>>) src(%arg5 : memref<10240x128xf32, #tpu.memory_space<hbm>>) dst(%arg18 : memref<10240x128xf32, #tpu.memory_space<vmem_shared>>)
        tpu.yield
      }) : () -> ()
    } else {
    }
    %barrier3A = arith.constant 0 : index
    tpu.barrier barrier_id(%barrier3A)
    %dma_start3A = arith.constant 0 : i32
    %dma_start3A_4 = arith.constant 0 : i32
    %dma_start3A_5 = tpu.memref_slice %arg7[%dma_start3A, %dma_start3A_4] : memref<20x125xi32, #tpu.memory_space<vmem>> -> memref<1x125xi32, #tpu.memory_space<vmem>>
    %dma_start3A_6 = tpu.memref_squeeze %dma_start3A_5 : memref<1x125xi32, #tpu.memory_space<vmem>> -> memref<125xi32, #tpu.memory_space<vmem>>
    %dma_start3A_7 = arith.constant 0 : i32
    %dma_start3A_8 = arith.constant 0 : i32
    %dma_start3A_9 = tpu.memref_slice %arg2[%dma_start3A_7, %dma_start3A_8] : memref<10000x128xf32, #tpu.memory_space<hbm>> -> memref<10000x128xf32, #tpu.memory_space<hbm>>
    tpu.enqueue_indirect_dma source(%dma_start3A_9 : memref<10000x128xf32, #tpu.memory_space<hbm>>) target(%arg11 : memref<125x128xf32, #tpu.memory_space<vmem>>) offsets(%dma_start3A_6 : memref<125xi32, #tpu.memory_space<vmem>>) semaphore(%arg13 : memref<!tpu.dma_semaphore, #tpu.memory_space<semaphore_mem>>)
    %dma_start3A_10 = arith.constant 1 : i32
    %dma_start3A_11 = arith.constant 0 : i32
    %dma_start3A_12 = tpu.memref_slice %arg7[%dma_start3A_10, %dma_start3A_11] : memref<20x125xi32, #tpu.memory_space<vmem>> -> memref<1x125xi32, #tpu.memory_space<vmem>>
    %dma_start3A_13 = tpu.memref_squeeze %dma_start3A_12 : memref<1x125xi32, #tpu.memory_space<vmem>> -> memref<125xi32, #tpu.memory_space<vmem>>
    %dma_start3A_14 = arith.constant 0 : i32
    %dma_start3A_15 = arith.constant 0 : i32
    %dma_start3A_16 = tpu.memref_slice %arg2[%dma_start3A_14, %dma_start3A_15] : memref<10000x128xf32, #tpu.memory_space<hbm>> -> memref<10000x128xf32, #tpu.memory_space<hbm>>
    tpu.enqueue_indirect_dma source(%dma_start3A_16 : memref<10000x128xf32, #tpu.memory_space<hbm>>) target(%arg12 : memref<125x128xf32, #tpu.memory_space<vmem>>) offsets(%dma_start3A_13 : memref<125xi32, #tpu.memory_space<vmem>>) semaphore(%arg14 : memref<!tpu.dma_semaphore, #tpu.memory_space<semaphore_mem>>)
    %dma_start3A_17 = arith.constant 1 : i32
    %dma_start3A_18 = arith.constant 0 : i32
    %dma_start3A_19 = arith.constant 0 : i32
    %dma_start3A_20 = tpu.memref_slice %arg3[%add3A, %dma_start3A_17, %dma_start3A_18, %dma_start3A_19] : memref<32x4x20x125xi32, #tpu.memory_space<hbm>> -> memref<1x1x20x125xi32, #tpu.memory_space<hbm>>
    %dma_start3A_21 = tpu.memref_squeeze %dma_start3A_20 : memref<1x1x20x125xi32, #tpu.memory_space<hbm>> -> memref<20x125xi32, #tpu.memory_space<hbm>>
    %dma_start3A_22 = arith.constant 0 : i32
    %dma_start3A_23 = arith.constant 0 : i32
    %dma_start3A_24 = tpu.memref_slice %arg3[%add3A, %dma_start3A_17, %dma_start3A_22, %dma_start3A_23] : memref<32x4x20x125xi32, #tpu.memory_space<hbm>> -> memref<1x1x20x125xi32, #tpu.memory_space<hbm>>
    %dma_start3A_25 = tpu.memref_squeeze %dma_start3A_24 : memref<1x1x20x125xi32, #tpu.memory_space<hbm>> -> memref<20x125xi32, #tpu.memory_space<hbm>>
    tpu.enqueue_dma source(%dma_start3A_25 : memref<20x125xi32, #tpu.memory_space<hbm>>) target(%arg8 : memref<20x125xi32, #tpu.memory_space<vmem>>) target_semaphore(%arg17 : memref<!tpu.dma_semaphore, #tpu.memory_space<semaphore_mem>>)
    %dma_start3A_26 = arith.constant 1 : i32
    %dma_start3A_27 = arith.constant 0 : i32
    %dma_start3A_28 = arith.constant 0 : i32
    %dma_start3A_29 = tpu.memref_slice %arg4[%add3A, %dma_start3A_26, %dma_start3A_27, %dma_start3A_28] : memref<32x4x20x125xi32, #tpu.memory_space<hbm>> -> memref<1x1x20x125xi32, #tpu.memory_space<hbm>>
    %dma_start3A_30 = tpu.memref_squeeze %dma_start3A_29 : memref<1x1x20x125xi32, #tpu.memory_space<hbm>> -> memref<20x125xi32, #tpu.memory_space<hbm>>
    %dma_start3A_31 = arith.constant 0 : i32
    %dma_start3A_32 = arith.constant 0 : i32
    %dma_start3A_33 = tpu.memref_slice %arg4[%add3A, %dma_start3A_26, %dma_start3A_31, %dma_start3A_32] : memref<32x4x20x125xi32, #tpu.memory_space<hbm>> -> memref<1x1x20x125xi32, #tpu.memory_space<hbm>>
    %dma_start3A_34 = tpu.memref_squeeze %dma_start3A_33 : memref<1x1x20x125xi32, #tpu.memory_space<hbm>> -> memref<20x125xi32, #tpu.memory_space<hbm>>
    tpu.enqueue_dma source(%dma_start3A_34 : memref<20x125xi32, #tpu.memory_space<hbm>>) target(%arg10 : memref<20x125xi32, #tpu.memory_space<vmem>>) target_semaphore(%arg17 : memref<!tpu.dma_semaphore, #tpu.memory_space<semaphore_mem>>)
    %scan3A = arith.constant 0 : i32
    %scan3A_35 = arith.constant 0 : i32
    %scan3A_36 = arith.constant 10 : i32
    %scan3A_37 = arith.addi %scan3A_35, %scan3A_36 : i32
    %scan3A_38 = arith.constant 1 : i32
    scf.for %scan3A_250 = %scan3A_35 to %scan3A_37 step %scan3A_38  : i32 {
      %mul3A_251 = arith.constant 2 : i32
      %mul3A_252 = arith.muli %mul3A_251, %scan3A_250 : i32
      %add3A_253 = arith.constant 0 : i32
      %add3A_254 = arith.addi %mul3A_252, %add3A_253 : i32
      %dma_wait3A_255 = arith.constant 0 : i32
      %dma_wait3A_256 = tpu.memref_slice %arg7[%add3A_254, %dma_wait3A_255] : memref<20x125xi32, #tpu.memory_space<vmem>> -> memref<1x125xi32, #tpu.memory_space<vmem>>
      %dma_wait3A_257 = tpu.memref_squeeze %dma_wait3A_256 : memref<1x125xi32, #tpu.memory_space<vmem>> -> memref<125xi32, #tpu.memory_space<vmem>>
      %dma_wait3A_258 = arith.constant 0 : i32
      %dma_wait3A_259 = arith.constant 0 : i32
      %dma_wait3A_260 = tpu.memref_slice %arg2[%dma_wait3A_258, %dma_wait3A_259] : memref<10000x128xf32, #tpu.memory_space<hbm>> -> memref<10000x128xf32, #tpu.memory_space<hbm>>
      tpu.wait_indirect_dma semaphore(%arg13 : memref<!tpu.dma_semaphore, #tpu.memory_space<semaphore_mem>>) src(%dma_wait3A_260 : memref<10000x128xf32, #tpu.memory_space<hbm>>) dst(%arg11 : memref<125x128xf32, #tpu.memory_space<vmem>>)
      %add3A_261 = arith.constant 0 : i32
      %add3A_262 = arith.addi %mul3A_252, %add3A_261 : i32
      %dma_start3A_263 = arith.constant 0 : i32
      %dma_start3A_264 = tpu.memref_slice %arg9[%add3A_262, %dma_start3A_263] : memref<20x125xi32, #tpu.memory_space<vmem>> -> memref<1x125xi32, #tpu.memory_space<vmem>>
      %dma_start3A_265 = tpu.memref_squeeze %dma_start3A_264 : memref<1x125xi32, #tpu.memory_space<vmem>> -> memref<125xi32, #tpu.memory_space<vmem>>
      %dma_start3A_266 = arith.constant 0 : i32
      %dma_start3A_267 = arith.constant 0 : i32
      %dma_start3A_268 = tpu.memref_slice %arg18[%dma_start3A_266, %dma_start3A_267] : memref<10240x128xf32, #tpu.memory_space<vmem_shared>> -> memref<10240x128xf32, #tpu.memory_space<vmem_shared>>
      tpu.enqueue_indirect_dma source(%arg11 : memref<125x128xf32, #tpu.memory_space<vmem>>) target(%dma_start3A_268 : memref<10240x128xf32, #tpu.memory_space<vmem_shared>>) offsets(%dma_start3A_265 : memref<125xi32, #tpu.memory_space<vmem>>) semaphore(%arg15 : memref<!tpu.dma_semaphore, #tpu.memory_space<semaphore_mem>>) {add = true}
      %add3A_269 = arith.constant 1 : i32
      %add3A_270 = arith.addi %mul3A_252, %add3A_269 : i32
      %dma_wait3A_271 = arith.constant 0 : i32
      %dma_wait3A_272 = tpu.memref_slice %arg7[%add3A_270, %dma_wait3A_271] : memref<20x125xi32, #tpu.memory_space<vmem>> -> memref<1x125xi32, #tpu.memory_space<vmem>>
      %dma_wait3A_273 = tpu.memref_squeeze %dma_wait3A_272 : memref<1x125xi32, #tpu.memory_space<vmem>> -> memref<125xi32, #tpu.memory_space<vmem>>
      %dma_wait3A_274 = arith.constant 0 : i32
      %dma_wait3A_275 = arith.constant 0 : i32
      %dma_wait3A_276 = tpu.memref_slice %arg2[%dma_wait3A_274, %dma_wait3A_275] : memref<10000x128xf32, #tpu.memory_space<hbm>> -> memref<10000x128xf32, #tpu.memory_space<hbm>>
      tpu.wait_indirect_dma semaphore(%arg14 : memref<!tpu.dma_semaphore, #tpu.memory_space<semaphore_mem>>) src(%dma_wait3A_276 : memref<10000x128xf32, #tpu.memory_space<hbm>>) dst(%arg12 : memref<125x128xf32, #tpu.memory_space<vmem>>)
      %add3A_277 = arith.constant 1 : i32
      %add3A_278 = arith.addi %mul3A_252, %add3A_277 : i32
      %dma_start3A_279 = arith.constant 0 : i32
      %dma_start3A_280 = tpu.memref_slice %arg9[%add3A_278, %dma_start3A_279] : memref<20x125xi32, #tpu.memory_space<vmem>> -> memref<1x125xi32, #tpu.memory_space<vmem>>
      %dma_start3A_281 = tpu.memref_squeeze %dma_start3A_280 : memref<1x125xi32, #tpu.memory_space<vmem>> -> memref<125xi32, #tpu.memory_space<vmem>>
      %dma_start3A_282 = arith.constant 0 : i32
      %dma_start3A_283 = arith.constant 0 : i32
      %dma_start3A_284 = tpu.memref_slice %arg18[%dma_start3A_282, %dma_start3A_283] : memref<10240x128xf32, #tpu.memory_space<vmem_shared>> -> memref<10240x128xf32, #tpu.memory_space<vmem_shared>>
      tpu.enqueue_indirect_dma source(%arg12 : memref<125x128xf32, #tpu.memory_space<vmem>>) target(%dma_start3A_284 : memref<10240x128xf32, #tpu.memory_space<vmem_shared>>) offsets(%dma_start3A_281 : memref<125xi32, #tpu.memory_space<vmem>>) semaphore(%arg16 : memref<!tpu.dma_semaphore, #tpu.memory_space<semaphore_mem>>) {add = true}
      %add3A_285 = arith.constant 1 : i32
      %add3A_286 = arith.addi %scan3A_250, %add3A_285 : i32
      %lt3A = arith.constant 10 : i32
      %lt3A_287 = arith.cmpi slt, %add3A_286, %lt3A : i32
      %convert_element_type3A_288 = arith.extui %lt3A_287 : i1 to i32
      %cond3A_289 = arith.constant 0 : i32
      %cond3A_290 = arith.cmpi ne, %convert_element_type3A_288, %cond3A_289 : i32
      scf.if %cond3A_290 {
        %add3A_291 = arith.constant 0 : i32
        %add3A_292 = arith.addi %mul3A_252, %add3A_291 : i32
        %dma_wait3A_293 = arith.constant 0 : i32
        %dma_wait3A_294 = tpu.memref_slice %arg9[%add3A_292, %dma_wait3A_293] : memref<20x125xi32, #tpu.memory_space<vmem>> -> memref<1x125xi32, #tpu.memory_space<vmem>>
        %dma_wait3A_295 = tpu.memref_squeeze %dma_wait3A_294 : memref<1x125xi32, #tpu.memory_space<vmem>> -> memref<125xi32, #tpu.memory_space<vmem>>
        %dma_wait3A_296 = arith.constant 0 : i32
        %dma_wait3A_297 = arith.constant 0 : i32
        %dma_wait3A_298 = tpu.memref_slice %arg18[%dma_wait3A_296, %dma_wait3A_297] : memref<10240x128xf32, #tpu.memory_space<vmem_shared>> -> memref<10240x128xf32, #tpu.memory_space<vmem_shared>>
        tpu.wait_indirect_dma semaphore(%arg15 : memref<!tpu.dma_semaphore, #tpu.memory_space<semaphore_mem>>) src(%arg11 : memref<125x128xf32, #tpu.memory_space<vmem>>) dst(%dma_wait3A_298 : memref<10240x128xf32, #tpu.memory_space<vmem_shared>>)
        %add3A_299 = arith.constant 2 : i32
        %add3A_300 = arith.addi %mul3A_252, %add3A_299 : i32
        %add3A_301 = arith.constant 0 : i32
        %add3A_302 = arith.addi %add3A_300, %add3A_301 : i32
        %dma_start3A_303 = arith.constant 0 : i32
        %dma_start3A_304 = tpu.memref_slice %arg7[%add3A_302, %dma_start3A_303] : memref<20x125xi32, #tpu.memory_space<vmem>> -> memref<1x125xi32, #tpu.memory_space<vmem>>
        %dma_start3A_305 = tpu.memref_squeeze %dma_start3A_304 : memref<1x125xi32, #tpu.memory_space<vmem>> -> memref<125xi32, #tpu.memory_space<vmem>>
        %dma_start3A_306 = arith.constant 0 : i32
        %dma_start3A_307 = arith.constant 0 : i32
        %dma_start3A_308 = tpu.memref_slice %arg2[%dma_start3A_306, %dma_start3A_307] : memref<10000x128xf32, #tpu.memory_space<hbm>> -> memref<10000x128xf32, #tpu.memory_space<hbm>>
        tpu.enqueue_indirect_dma source(%dma_start3A_308 : memref<10000x128xf32, #tpu.memory_space<hbm>>) target(%arg11 : memref<125x128xf32, #tpu.memory_space<vmem>>) offsets(%dma_start3A_305 : memref<125xi32, #tpu.memory_space<vmem>>) semaphore(%arg13 : memref<!tpu.dma_semaphore, #tpu.memory_space<semaphore_mem>>)
        %add3A_309 = arith.constant 1 : i32
        %add3A_310 = arith.addi %mul3A_252, %add3A_309 : i32
        %dma_wait3A_311 = arith.constant 0 : i32
        %dma_wait3A_312 = tpu.memref_slice %arg9[%add3A_310, %dma_wait3A_311] : memref<20x125xi32, #tpu.memory_space<vmem>> -> memref<1x125xi32, #tpu.memory_space<vmem>>
        %dma_wait3A_313 = tpu.memref_squeeze %dma_wait3A_312 : memref<1x125xi32, #tpu.memory_space<vmem>> -> memref<125xi32, #tpu.memory_space<vmem>>
        %dma_wait3A_314 = arith.constant 0 : i32
        %dma_wait3A_315 = arith.constant 0 : i32
        %dma_wait3A_316 = tpu.memref_slice %arg18[%dma_wait3A_314, %dma_wait3A_315] : memref<10240x128xf32, #tpu.memory_space<vmem_shared>> -> memref<10240x128xf32, #tpu.memory_space<vmem_shared>>
        tpu.wait_indirect_dma semaphore(%arg16 : memref<!tpu.dma_semaphore, #tpu.memory_space<semaphore_mem>>) src(%arg12 : memref<125x128xf32, #tpu.memory_space<vmem>>) dst(%dma_wait3A_316 : memref<10240x128xf32, #tpu.memory_space<vmem_shared>>)
        %add3A_317 = arith.constant 2 : i32
        %add3A_318 = arith.addi %mul3A_252, %add3A_317 : i32
        %add3A_319 = arith.constant 1 : i32
        %add3A_320 = arith.addi %add3A_318, %add3A_319 : i32
        %dma_start3A_321 = arith.constant 0 : i32
        %dma_start3A_322 = tpu.memref_slice %arg7[%add3A_320, %dma_start3A_321] : memref<20x125xi32, #tpu.memory_space<vmem>> -> memref<1x125xi32, #tpu.memory_space<vmem>>
        %dma_start3A_323 = tpu.memref_squeeze %dma_start3A_322 : memref<1x125xi32, #tpu.memory_space<vmem>> -> memref<125xi32, #tpu.memory_space<vmem>>
        %dma_start3A_324 = arith.constant 0 : i32
        %dma_start3A_325 = arith.constant 0 : i32
        %dma_start3A_326 = tpu.memref_slice %arg2[%dma_start3A_324, %dma_start3A_325] : memref<10000x128xf32, #tpu.memory_space<hbm>> -> memref<10000x128xf32, #tpu.memory_space<hbm>>
        tpu.enqueue_indirect_dma source(%dma_start3A_326 : memref<10000x128xf32, #tpu.memory_space<hbm>>) target(%arg12 : memref<125x128xf32, #tpu.memory_space<vmem>>) offsets(%dma_start3A_323 : memref<125xi32, #tpu.memory_space<vmem>>) semaphore(%arg14 : memref<!tpu.dma_semaphore, #tpu.memory_space<semaphore_mem>>)
      } else {
      }
    }
    %scan3A_39 = arith.constant 10 : i32
    %dma_wait3A = arith.constant 1 : i32
    %dma_wait3A_40 = arith.constant 0 : i32
    %dma_wait3A_41 = arith.constant 0 : i32
    %dma_wait3A_42 = tpu.memref_slice %arg3[%add3A, %dma_wait3A, %dma_wait3A_40, %dma_wait3A_41] : memref<32x4x20x125xi32, #tpu.memory_space<hbm>> -> memref<1x1x20x125xi32, #tpu.memory_space<hbm>>
    %dma_wait3A_43 = tpu.memref_squeeze %dma_wait3A_42 : memref<1x1x20x125xi32, #tpu.memory_space<hbm>> -> memref<20x125xi32, #tpu.memory_space<hbm>>
    %dma_wait3A_44 = arith.constant 0 : i32
    %dma_wait3A_45 = arith.constant 0 : i32
    %dma_wait3A_46 = tpu.memref_slice %arg3[%add3A, %dma_wait3A, %dma_wait3A_44, %dma_wait3A_45] : memref<32x4x20x125xi32, #tpu.memory_space<hbm>> -> memref<1x1x20x125xi32, #tpu.memory_space<hbm>>
    %dma_wait3A_47 = tpu.memref_squeeze %dma_wait3A_46 : memref<1x1x20x125xi32, #tpu.memory_space<hbm>> -> memref<20x125xi32, #tpu.memory_space<hbm>>
    tpu.wait_dma2 semaphore(%arg17 : memref<!tpu.dma_semaphore, #tpu.memory_space<semaphore_mem>>) src(%dma_wait3A_47 : memref<20x125xi32, #tpu.memory_space<hbm>>) dst(%arg8 : memref<20x125xi32, #tpu.memory_space<vmem>>)
    %dma_wait3A_48 = arith.constant 1 : i32
    %dma_wait3A_49 = arith.constant 0 : i32
    %dma_wait3A_50 = arith.constant 0 : i32
    %dma_wait3A_51 = tpu.memref_slice %arg4[%add3A, %dma_wait3A_48, %dma_wait3A_49, %dma_wait3A_50] : memref<32x4x20x125xi32, #tpu.memory_space<hbm>> -> memref<1x1x20x125xi32, #tpu.memory_space<hbm>>
    %dma_wait3A_52 = tpu.memref_squeeze %dma_wait3A_51 : memref<1x1x20x125xi32, #tpu.memory_space<hbm>> -> memref<20x125xi32, #tpu.memory_space<hbm>>
    %dma_wait3A_53 = arith.constant 0 : i32
    %dma_wait3A_54 = arith.constant 0 : i32
    %dma_wait3A_55 = tpu.memref_slice %arg4[%add3A, %dma_wait3A_48, %dma_wait3A_53, %dma_wait3A_54] : memref<32x4x20x125xi32, #tpu.memory_space<hbm>> -> memref<1x1x20x125xi32, #tpu.memory_space<hbm>>
    %dma_wait3A_56 = tpu.memref_squeeze %dma_wait3A_55 : memref<1x1x20x125xi32, #tpu.memory_space<hbm>> -> memref<20x125xi32, #tpu.memory_space<hbm>>
    tpu.wait_dma2 semaphore(%arg17 : memref<!tpu.dma_semaphore, #tpu.memory_space<semaphore_mem>>) src(%dma_wait3A_56 : memref<20x125xi32, #tpu.memory_space<hbm>>) dst(%arg10 : memref<20x125xi32, #tpu.memory_space<vmem>>)
    %dma_wait3A_57 = arith.constant 18 : i32
    %dma_wait3A_58 = arith.constant 0 : i32
    %dma_wait3A_59 = tpu.memref_slice %arg9[%dma_wait3A_57, %dma_wait3A_58] : memref<20x125xi32, #tpu.memory_space<vmem>> -> memref<1x125xi32, #tpu.memory_space<vmem>>
    %dma_wait3A_60 = tpu.memref_squeeze %dma_wait3A_59 : memref<1x125xi32, #tpu.memory_space<vmem>> -> memref<125xi32, #tpu.memory_space<vmem>>
    %dma_wait3A_61 = arith.constant 0 : i32
    %dma_wait3A_62 = arith.constant 0 : i32
    %dma_wait3A_63 = tpu.memref_slice %arg18[%dma_wait3A_61, %dma_wait3A_62] : memref<10240x128xf32, #tpu.memory_space<vmem_shared>> -> memref<10240x128xf32, #tpu.memory_space<vmem_shared>>
    tpu.wait_indirect_dma semaphore(%arg15 : memref<!tpu.dma_semaphore, #tpu.memory_space<semaphore_mem>>) src(%arg11 : memref<125x128xf32, #tpu.memory_space<vmem>>) dst(%dma_wait3A_63 : memref<10240x128xf32, #tpu.memory_space<vmem_shared>>)
    %dma_start3A_64 = arith.constant 0 : i32
    %dma_start3A_65 = arith.constant 0 : i32
    %dma_start3A_66 = tpu.memref_slice %arg8[%dma_start3A_64, %dma_start3A_65] : memref<20x125xi32, #tpu.memory_space<vmem>> -> memref<1x125xi32, #tpu.memory_space<vmem>>
    %dma_start3A_67 = tpu.memref_squeeze %dma_start3A_66 : memref<1x125xi32, #tpu.memory_space<vmem>> -> memref<125xi32, #tpu.memory_space<vmem>>
    %dma_start3A_68 = arith.constant 0 : i32
    %dma_start3A_69 = arith.constant 0 : i32
    %dma_start3A_70 = tpu.memref_slice %arg2[%dma_start3A_68, %dma_start3A_69] : memref<10000x128xf32, #tpu.memory_space<hbm>> -> memref<10000x128xf32, #tpu.memory_space<hbm>>
    tpu.enqueue_indirect_dma source(%dma_start3A_70 : memref<10000x128xf32, #tpu.memory_space<hbm>>) target(%arg11 : memref<125x128xf32, #tpu.memory_space<vmem>>) offsets(%dma_start3A_67 : memref<125xi32, #tpu.memory_space<vmem>>) semaphore(%arg13 : memref<!tpu.dma_semaphore, #tpu.memory_space<semaphore_mem>>)
    %dma_wait3A_71 = arith.constant 19 : i32
    %dma_wait3A_72 = arith.constant 0 : i32
    %dma_wait3A_73 = tpu.memref_slice %arg9[%dma_wait3A_71, %dma_wait3A_72] : memref<20x125xi32, #tpu.memory_space<vmem>> -> memref<1x125xi32, #tpu.memory_space<vmem>>
    %dma_wait3A_74 = tpu.memref_squeeze %dma_wait3A_73 : memref<1x125xi32, #tpu.memory_space<vmem>> -> memref<125xi32, #tpu.memory_space<vmem>>
    %dma_wait3A_75 = arith.constant 0 : i32
    %dma_wait3A_76 = arith.constant 0 : i32
    %dma_wait3A_77 = tpu.memref_slice %arg18[%dma_wait3A_75, %dma_wait3A_76] : memref<10240x128xf32, #tpu.memory_space<vmem_shared>> -> memref<10240x128xf32, #tpu.memory_space<vmem_shared>>
    tpu.wait_indirect_dma semaphore(%arg16 : memref<!tpu.dma_semaphore, #tpu.memory_space<semaphore_mem>>) src(%arg12 : memref<125x128xf32, #tpu.memory_space<vmem>>) dst(%dma_wait3A_77 : memref<10240x128xf32, #tpu.memory_space<vmem_shared>>)
    %dma_start3A_78 = arith.constant 1 : i32
    %dma_start3A_79 = arith.constant 0 : i32
    %dma_start3A_80 = tpu.memref_slice %arg8[%dma_start3A_78, %dma_start3A_79] : memref<20x125xi32, #tpu.memory_space<vmem>> -> memref<1x125xi32, #tpu.memory_space<vmem>>
    %dma_start3A_81 = tpu.memref_squeeze %dma_start3A_80 : memref<1x125xi32, #tpu.memory_space<vmem>> -> memref<125xi32, #tpu.memory_space<vmem>>
    %dma_start3A_82 = arith.constant 0 : i32
    %dma_start3A_83 = arith.constant 0 : i32
    %dma_start3A_84 = tpu.memref_slice %arg2[%dma_start3A_82, %dma_start3A_83] : memref<10000x128xf32, #tpu.memory_space<hbm>> -> memref<10000x128xf32, #tpu.memory_space<hbm>>
    tpu.enqueue_indirect_dma source(%dma_start3A_84 : memref<10000x128xf32, #tpu.memory_space<hbm>>) target(%arg12 : memref<125x128xf32, #tpu.memory_space<vmem>>) offsets(%dma_start3A_81 : memref<125xi32, #tpu.memory_space<vmem>>) semaphore(%arg14 : memref<!tpu.dma_semaphore, #tpu.memory_space<semaphore_mem>>)
    %dma_start3A_85 = arith.constant 2 : i32
    %dma_start3A_86 = arith.constant 0 : i32
    %dma_start3A_87 = arith.constant 0 : i32
    %dma_start3A_88 = tpu.memref_slice %arg3[%add3A, %dma_start3A_85, %dma_start3A_86, %dma_start3A_87] : memref<32x4x20x125xi32, #tpu.memory_space<hbm>> -> memref<1x1x20x125xi32, #tpu.memory_space<hbm>>
    %dma_start3A_89 = tpu.memref_squeeze %dma_start3A_88 : memref<1x1x20x125xi32, #tpu.memory_space<hbm>> -> memref<20x125xi32, #tpu.memory_space<hbm>>
    %dma_start3A_90 = arith.constant 0 : i32
    %dma_start3A_91 = arith.constant 0 : i32
    %dma_start3A_92 = tpu.memref_slice %arg3[%add3A, %dma_start3A_85, %dma_start3A_90, %dma_start3A_91] : memref<32x4x20x125xi32, #tpu.memory_space<hbm>> -> memref<1x1x20x125xi32, #tpu.memory_space<hbm>>
    %dma_start3A_93 = tpu.memref_squeeze %dma_start3A_92 : memref<1x1x20x125xi32, #tpu.memory_space<hbm>> -> memref<20x125xi32, #tpu.memory_space<hbm>>
    tpu.enqueue_dma source(%dma_start3A_93 : memref<20x125xi32, #tpu.memory_space<hbm>>) target(%arg7 : memref<20x125xi32, #tpu.memory_space<vmem>>) target_semaphore(%arg17 : memref<!tpu.dma_semaphore, #tpu.memory_space<semaphore_mem>>)
    %dma_start3A_94 = arith.constant 2 : i32
    %dma_start3A_95 = arith.constant 0 : i32
    %dma_start3A_96 = arith.constant 0 : i32
    %dma_start3A_97 = tpu.memref_slice %arg4[%add3A, %dma_start3A_94, %dma_start3A_95, %dma_start3A_96] : memref<32x4x20x125xi32, #tpu.memory_space<hbm>> -> memref<1x1x20x125xi32, #tpu.memory_space<hbm>>
    %dma_start3A_98 = tpu.memref_squeeze %dma_start3A_97 : memref<1x1x20x125xi32, #tpu.memory_space<hbm>> -> memref<20x125xi32, #tpu.memory_space<hbm>>
    %dma_start3A_99 = arith.constant 0 : i32
    %dma_start3A_100 = arith.constant 0 : i32
    %dma_start3A_101 = tpu.memref_slice %arg4[%add3A, %dma_start3A_94, %dma_start3A_99, %dma_start3A_100] : memref<32x4x20x125xi32, #tpu.memory_space<hbm>> -> memref<1x1x20x125xi32, #tpu.memory_space<hbm>>
    %dma_start3A_102 = tpu.memref_squeeze %dma_start3A_101 : memref<1x1x20x125xi32, #tpu.memory_space<hbm>> -> memref<20x125xi32, #tpu.memory_space<hbm>>
    tpu.enqueue_dma source(%dma_start3A_102 : memref<20x125xi32, #tpu.memory_space<hbm>>) target(%arg9 : memref<20x125xi32, #tpu.memory_space<vmem>>) target_semaphore(%arg17 : memref<!tpu.dma_semaphore, #tpu.memory_space<semaphore_mem>>)
    %scan3A_103 = arith.constant 0 : i32
    %scan3A_104 = arith.constant 0 : i32
    %scan3A_105 = arith.constant 10 : i32
    %scan3A_106 = arith.addi %scan3A_104, %scan3A_105 : i32
    %scan3A_107 = arith.constant 1 : i32
    scf.for %scan3A_250 = %scan3A_104 to %scan3A_106 step %scan3A_107  : i32 {
      %mul3A_251 = arith.constant 2 : i32
      %mul3A_252 = arith.muli %mul3A_251, %scan3A_250 : i32
      %add3A_253 = arith.constant 0 : i32
      %add3A_254 = arith.addi %mul3A_252, %add3A_253 : i32
      %dma_wait3A_255 = arith.constant 0 : i32
      %dma_wait3A_256 = tpu.memref_slice %arg8[%add3A_254, %dma_wait3A_255] : memref<20x125xi32, #tpu.memory_space<vmem>> -> memref<1x125xi32, #tpu.memory_space<vmem>>
      %dma_wait3A_257 = tpu.memref_squeeze %dma_wait3A_256 : memref<1x125xi32, #tpu.memory_space<vmem>> -> memref<125xi32, #tpu.memory_space<vmem>>
      %dma_wait3A_258 = arith.constant 0 : i32
      %dma_wait3A_259 = arith.constant 0 : i32
      %dma_wait3A_260 = tpu.memref_slice %arg2[%dma_wait3A_258, %dma_wait3A_259] : memref<10000x128xf32, #tpu.memory_space<hbm>> -> memref<10000x128xf32, #tpu.memory_space<hbm>>
      tpu.wait_indirect_dma semaphore(%arg13 : memref<!tpu.dma_semaphore, #tpu.memory_space<semaphore_mem>>) src(%dma_wait3A_260 : memref<10000x128xf32, #tpu.memory_space<hbm>>) dst(%arg11 : memref<125x128xf32, #tpu.memory_space<vmem>>)
      %add3A_261 = arith.constant 0 : i32
      %add3A_262 = arith.addi %mul3A_252, %add3A_261 : i32
      %dma_start3A_263 = arith.constant 0 : i32
      %dma_start3A_264 = tpu.memref_slice %arg10[%add3A_262, %dma_start3A_263] : memref<20x125xi32, #tpu.memory_space<vmem>> -> memref<1x125xi32, #tpu.memory_space<vmem>>
      %dma_start3A_265 = tpu.memref_squeeze %dma_start3A_264 : memref<1x125xi32, #tpu.memory_space<vmem>> -> memref<125xi32, #tpu.memory_space<vmem>>
      %dma_start3A_266 = arith.constant 0 : i32
      %dma_start3A_267 = arith.constant 0 : i32
      %dma_start3A_268 = tpu.memref_slice %arg18[%dma_start3A_266, %dma_start3A_267] : memref<10240x128xf32, #tpu.memory_space<vmem_shared>> -> memref<10240x128xf32, #tpu.memory_space<vmem_shared>>
      tpu.enqueue_indirect_dma source(%arg11 : memref<125x128xf32, #tpu.memory_space<vmem>>) target(%dma_start3A_268 : memref<10240x128xf32, #tpu.memory_space<vmem_shared>>) offsets(%dma_start3A_265 : memref<125xi32, #tpu.memory_space<vmem>>) semaphore(%arg15 : memref<!tpu.dma_semaphore, #tpu.memory_space<semaphore_mem>>) {add = true}
      %add3A_269 = arith.constant 1 : i32
      %add3A_270 = arith.addi %mul3A_252, %add3A_269 : i32
      %dma_wait3A_271 = arith.constant 0 : i32
      %dma_wait3A_272 = tpu.memref_slice %arg8[%add3A_270, %dma_wait3A_271] : memref<20x125xi32, #tpu.memory_space<vmem>> -> memref<1x125xi32, #tpu.memory_space<vmem>>
      %dma_wait3A_273 = tpu.memref_squeeze %dma_wait3A_272 : memref<1x125xi32, #tpu.memory_space<vmem>> -> memref<125xi32, #tpu.memory_space<vmem>>
      %dma_wait3A_274 = arith.constant 0 : i32
      %dma_wait3A_275 = arith.constant 0 : i32
      %dma_wait3A_276 = tpu.memref_slice %arg2[%dma_wait3A_274, %dma_wait3A_275] : memref<10000x128xf32, #tpu.memory_space<hbm>> -> memref<10000x128xf32, #tpu.memory_space<hbm>>
      tpu.wait_indirect_dma semaphore(%arg14 : memref<!tpu.dma_semaphore, #tpu.memory_space<semaphore_mem>>) src(%dma_wait3A_276 : memref<10000x128xf32, #tpu.memory_space<hbm>>) dst(%arg12 : memref<125x128xf32, #tpu.memory_space<vmem>>)
      %add3A_277 = arith.constant 1 : i32
      %add3A_278 = arith.addi %mul3A_252, %add3A_277 : i32
      %dma_start3A_279 = arith.constant 0 : i32
      %dma_start3A_280 = tpu.memref_slice %arg10[%add3A_278, %dma_start3A_279] : memref<20x125xi32, #tpu.memory_space<vmem>> -> memref<1x125xi32, #tpu.memory_space<vmem>>
      %dma_start3A_281 = tpu.memref_squeeze %dma_start3A_280 : memref<1x125xi32, #tpu.memory_space<vmem>> -> memref<125xi32, #tpu.memory_space<vmem>>
      %dma_start3A_282 = arith.constant 0 : i32
      %dma_start3A_283 = arith.constant 0 : i32
      %dma_start3A_284 = tpu.memref_slice %arg18[%dma_start3A_282, %dma_start3A_283] : memref<10240x128xf32, #tpu.memory_space<vmem_shared>> -> memref<10240x128xf32, #tpu.memory_space<vmem_shared>>
      tpu.enqueue_indirect_dma source(%arg12 : memref<125x128xf32, #tpu.memory_space<vmem>>) target(%dma_start3A_284 : memref<10240x128xf32, #tpu.memory_space<vmem_shared>>) offsets(%dma_start3A_281 : memref<125xi32, #tpu.memory_space<vmem>>) semaphore(%arg16 : memref<!tpu.dma_semaphore, #tpu.memory_space<semaphore_mem>>) {add = true}
      %add3A_285 = arith.constant 1 : i32
      %add3A_286 = arith.addi %scan3A_250, %add3A_285 : i32
      %lt3A = arith.constant 10 : i32
      %lt3A_287 = arith.cmpi slt, %add3A_286, %lt3A : i32
      %convert_element_type3A_288 = arith.extui %lt3A_287 : i1 to i32
      %cond3A_289 = arith.constant 0 : i32
      %cond3A_290 = arith.cmpi ne, %convert_element_type3A_288, %cond3A_289 : i32
      scf.if %cond3A_290 {
        %add3A_291 = arith.constant 0 : i32
        %add3A_292 = arith.addi %mul3A_252, %add3A_291 : i32
        %dma_wait3A_293 = arith.constant 0 : i32
        %dma_wait3A_294 = tpu.memref_slice %arg10[%add3A_292, %dma_wait3A_293] : memref<20x125xi32, #tpu.memory_space<vmem>> -> memref<1x125xi32, #tpu.memory_space<vmem>>
        %dma_wait3A_295 = tpu.memref_squeeze %dma_wait3A_294 : memref<1x125xi32, #tpu.memory_space<vmem>> -> memref<125xi32, #tpu.memory_space<vmem>>
        %dma_wait3A_296 = arith.constant 0 : i32
        %dma_wait3A_297 = arith.constant 0 : i32
        %dma_wait3A_298 = tpu.memref_slice %arg18[%dma_wait3A_296, %dma_wait3A_297] : memref<10240x128xf32, #tpu.memory_space<vmem_shared>> -> memref<10240x128xf32, #tpu.memory_space<vmem_shared>>
        tpu.wait_indirect_dma semaphore(%arg15 : memref<!tpu.dma_semaphore, #tpu.memory_space<semaphore_mem>>) src(%arg11 : memref<125x128xf32, #tpu.memory_space<vmem>>) dst(%dma_wait3A_298 : memref<10240x128xf32, #tpu.memory_space<vmem_shared>>)
        %add3A_299 = arith.constant 2 : i32
        %add3A_300 = arith.addi %mul3A_252, %add3A_299 : i32
        %add3A_301 = arith.constant 0 : i32
        %add3A_302 = arith.addi %add3A_300, %add3A_301 : i32
        %dma_start3A_303 = arith.constant 0 : i32
        %dma_start3A_304 = tpu.memref_slice %arg8[%add3A_302, %dma_start3A_303] : memref<20x125xi32, #tpu.memory_space<vmem>> -> memref<1x125xi32, #tpu.memory_space<vmem>>
        %dma_start3A_305 = tpu.memref_squeeze %dma_start3A_304 : memref<1x125xi32, #tpu.memory_space<vmem>> -> memref<125xi32, #tpu.memory_space<vmem>>
        %dma_start3A_306 = arith.constant 0 : i32
        %dma_start3A_307 = arith.constant 0 : i32
        %dma_start3A_308 = tpu.memref_slice %arg2[%dma_start3A_306, %dma_start3A_307] : memref<10000x128xf32, #tpu.memory_space<hbm>> -> memref<10000x128xf32, #tpu.memory_space<hbm>>
        tpu.enqueue_indirect_dma source(%dma_start3A_308 : memref<10000x128xf32, #tpu.memory_space<hbm>>) target(%arg11 : memref<125x128xf32, #tpu.memory_space<vmem>>) offsets(%dma_start3A_305 : memref<125xi32, #tpu.memory_space<vmem>>) semaphore(%arg13 : memref<!tpu.dma_semaphore, #tpu.memory_space<semaphore_mem>>)
        %add3A_309 = arith.constant 1 : i32
        %add3A_310 = arith.addi %mul3A_252, %add3A_309 : i32
        %dma_wait3A_311 = arith.constant 0 : i32
        %dma_wait3A_312 = tpu.memref_slice %arg10[%add3A_310, %dma_wait3A_311] : memref<20x125xi32, #tpu.memory_space<vmem>> -> memref<1x125xi32, #tpu.memory_space<vmem>>
        %dma_wait3A_313 = tpu.memref_squeeze %dma_wait3A_312 : memref<1x125xi32, #tpu.memory_space<vmem>> -> memref<125xi32, #tpu.memory_space<vmem>>
        %dma_wait3A_314 = arith.constant 0 : i32
        %dma_wait3A_315 = arith.constant 0 : i32
        %dma_wait3A_316 = tpu.memref_slice %arg18[%dma_wait3A_314, %dma_wait3A_315] : memref<10240x128xf32, #tpu.memory_space<vmem_shared>> -> memref<10240x128xf32, #tpu.memory_space<vmem_shared>>
        tpu.wait_indirect_dma semaphore(%arg16 : memref<!tpu.dma_semaphore, #tpu.memory_space<semaphore_mem>>) src(%arg12 : memref<125x128xf32, #tpu.memory_space<vmem>>) dst(%dma_wait3A_316 : memref<10240x128xf32, #tpu.memory_space<vmem_shared>>)
        %add3A_317 = arith.constant 2 : i32
        %add3A_318 = arith.addi %mul3A_252, %add3A_317 : i32
        %add3A_319 = arith.constant 1 : i32
        %add3A_320 = arith.addi %add3A_318, %add3A_319 : i32
        %dma_start3A_321 = arith.constant 0 : i32
        %dma_start3A_322 = tpu.memref_slice %arg8[%add3A_320, %dma_start3A_321] : memref<20x125xi32, #tpu.memory_space<vmem>> -> memref<1x125xi32, #tpu.memory_space<vmem>>
        %dma_start3A_323 = tpu.memref_squeeze %dma_start3A_322 : memref<1x125xi32, #tpu.memory_space<vmem>> -> memref<125xi32, #tpu.memory_space<vmem>>
        %dma_start3A_324 = arith.constant 0 : i32
        %dma_start3A_325 = arith.constant 0 : i32
        %dma_start3A_326 = tpu.memref_slice %arg2[%dma_start3A_324, %dma_start3A_325] : memref<10000x128xf32, #tpu.memory_space<hbm>> -> memref<10000x128xf32, #tpu.memory_space<hbm>>
        tpu.enqueue_indirect_dma source(%dma_start3A_326 : memref<10000x128xf32, #tpu.memory_space<hbm>>) target(%arg12 : memref<125x128xf32, #tpu.memory_space<vmem>>) offsets(%dma_start3A_323 : memref<125xi32, #tpu.memory_space<vmem>>) semaphore(%arg14 : memref<!tpu.dma_semaphore, #tpu.memory_space<semaphore_mem>>)
      } else {
      }
    }
    %scan3A_108 = arith.constant 10 : i32
    %dma_wait3A_109 = arith.constant 2 : i32
    %dma_wait3A_110 = arith.constant 0 : i32
    %dma_wait3A_111 = arith.constant 0 : i32
    %dma_wait3A_112 = tpu.memref_slice %arg3[%add3A, %dma_wait3A_109, %dma_wait3A_110, %dma_wait3A_111] : memref<32x4x20x125xi32, #tpu.memory_space<hbm>> -> memref<1x1x20x125xi32, #tpu.memory_space<hbm>>
    %dma_wait3A_113 = tpu.memref_squeeze %dma_wait3A_112 : memref<1x1x20x125xi32, #tpu.memory_space<hbm>> -> memref<20x125xi32, #tpu.memory_space<hbm>>
    %dma_wait3A_114 = arith.constant 0 : i32
    %dma_wait3A_115 = arith.constant 0 : i32
    %dma_wait3A_116 = tpu.memref_slice %arg3[%add3A, %dma_wait3A_109, %dma_wait3A_114, %dma_wait3A_115] : memref<32x4x20x125xi32, #tpu.memory_space<hbm>> -> memref<1x1x20x125xi32, #tpu.memory_space<hbm>>
    %dma_wait3A_117 = tpu.memref_squeeze %dma_wait3A_116 : memref<1x1x20x125xi32, #tpu.memory_space<hbm>> -> memref<20x125xi32, #tpu.memory_space<hbm>>
    tpu.wait_dma2 semaphore(%arg17 : memref<!tpu.dma_semaphore, #tpu.memory_space<semaphore_mem>>) src(%dma_wait3A_117 : memref<20x125xi32, #tpu.memory_space<hbm>>) dst(%arg7 : memref<20x125xi32, #tpu.memory_space<vmem>>)
    %dma_wait3A_118 = arith.constant 2 : i32
    %dma_wait3A_119 = arith.constant 0 : i32
    %dma_wait3A_120 = arith.constant 0 : i32
    %dma_wait3A_121 = tpu.memref_slice %arg4[%add3A, %dma_wait3A_118, %dma_wait3A_119, %dma_wait3A_120] : memref<32x4x20x125xi32, #tpu.memory_space<hbm>> -> memref<1x1x20x125xi32, #tpu.memory_space<hbm>>
    %dma_wait3A_122 = tpu.memref_squeeze %dma_wait3A_121 : memref<1x1x20x125xi32, #tpu.memory_space<hbm>> -> memref<20x125xi32, #tpu.memory_space<hbm>>
    %dma_wait3A_123 = arith.constant 0 : i32
    %dma_wait3A_124 = arith.constant 0 : i32
    %dma_wait3A_125 = tpu.memref_slice %arg4[%add3A, %dma_wait3A_118, %dma_wait3A_123, %dma_wait3A_124] : memref<32x4x20x125xi32, #tpu.memory_space<hbm>> -> memref<1x1x20x125xi32, #tpu.memory_space<hbm>>
    %dma_wait3A_126 = tpu.memref_squeeze %dma_wait3A_125 : memref<1x1x20x125xi32, #tpu.memory_space<hbm>> -> memref<20x125xi32, #tpu.memory_space<hbm>>
    tpu.wait_dma2 semaphore(%arg17 : memref<!tpu.dma_semaphore, #tpu.memory_space<semaphore_mem>>) src(%dma_wait3A_126 : memref<20x125xi32, #tpu.memory_space<hbm>>) dst(%arg9 : memref<20x125xi32, #tpu.memory_space<vmem>>)
    %dma_wait3A_127 = arith.constant 18 : i32
    %dma_wait3A_128 = arith.constant 0 : i32
    %dma_wait3A_129 = tpu.memref_slice %arg10[%dma_wait3A_127, %dma_wait3A_128] : memref<20x125xi32, #tpu.memory_space<vmem>> -> memref<1x125xi32, #tpu.memory_space<vmem>>
    %dma_wait3A_130 = tpu.memref_squeeze %dma_wait3A_129 : memref<1x125xi32, #tpu.memory_space<vmem>> -> memref<125xi32, #tpu.memory_space<vmem>>
    %dma_wait3A_131 = arith.constant 0 : i32
    %dma_wait3A_132 = arith.constant 0 : i32
    %dma_wait3A_133 = tpu.memref_slice %arg18[%dma_wait3A_131, %dma_wait3A_132] : memref<10240x128xf32, #tpu.memory_space<vmem_shared>> -> memref<10240x128xf32, #tpu.memory_space<vmem_shared>>
    tpu.wait_indirect_dma semaphore(%arg15 : memref<!tpu.dma_semaphore, #tpu.memory_space<semaphore_mem>>) src(%arg11 : memref<125x128xf32, #tpu.memory_space<vmem>>) dst(%dma_wait3A_133 : memref<10240x128xf32, #tpu.memory_space<vmem_shared>>)
    %dma_start3A_134 = arith.constant 0 : i32
    %dma_start3A_135 = arith.constant 0 : i32
    %dma_start3A_136 = tpu.memref_slice %arg7[%dma_start3A_134, %dma_start3A_135] : memref<20x125xi32, #tpu.memory_space<vmem>> -> memref<1x125xi32, #tpu.memory_space<vmem>>
    %dma_start3A_137 = tpu.memref_squeeze %dma_start3A_136 : memref<1x125xi32, #tpu.memory_space<vmem>> -> memref<125xi32, #tpu.memory_space<vmem>>
    %dma_start3A_138 = arith.constant 0 : i32
    %dma_start3A_139 = arith.constant 0 : i32
    %dma_start3A_140 = tpu.memref_slice %arg2[%dma_start3A_138, %dma_start3A_139] : memref<10000x128xf32, #tpu.memory_space<hbm>> -> memref<10000x128xf32, #tpu.memory_space<hbm>>
    tpu.enqueue_indirect_dma source(%dma_start3A_140 : memref<10000x128xf32, #tpu.memory_space<hbm>>) target(%arg11 : memref<125x128xf32, #tpu.memory_space<vmem>>) offsets(%dma_start3A_137 : memref<125xi32, #tpu.memory_space<vmem>>) semaphore(%arg13 : memref<!tpu.dma_semaphore, #tpu.memory_space<semaphore_mem>>)
    %dma_wait3A_141 = arith.constant 19 : i32
    %dma_wait3A_142 = arith.constant 0 : i32
    %dma_wait3A_143 = tpu.memref_slice %arg10[%dma_wait3A_141, %dma_wait3A_142] : memref<20x125xi32, #tpu.memory_space<vmem>> -> memref<1x125xi32, #tpu.memory_space<vmem>>
    %dma_wait3A_144 = tpu.memref_squeeze %dma_wait3A_143 : memref<1x125xi32, #tpu.memory_space<vmem>> -> memref<125xi32, #tpu.memory_space<vmem>>
    %dma_wait3A_145 = arith.constant 0 : i32
    %dma_wait3A_146 = arith.constant 0 : i32
    %dma_wait3A_147 = tpu.memref_slice %arg18[%dma_wait3A_145, %dma_wait3A_146] : memref<10240x128xf32, #tpu.memory_space<vmem_shared>> -> memref<10240x128xf32, #tpu.memory_space<vmem_shared>>
    tpu.wait_indirect_dma semaphore(%arg16 : memref<!tpu.dma_semaphore, #tpu.memory_space<semaphore_mem>>) src(%arg12 : memref<125x128xf32, #tpu.memory_space<vmem>>) dst(%dma_wait3A_147 : memref<10240x128xf32, #tpu.memory_space<vmem_shared>>)
    %dma_start3A_148 = arith.constant 1 : i32
    %dma_start3A_149 = arith.constant 0 : i32
    %dma_start3A_150 = tpu.memref_slice %arg7[%dma_start3A_148, %dma_start3A_149] : memref<20x125xi32, #tpu.memory_space<vmem>> -> memref<1x125xi32, #tpu.memory_space<vmem>>
    %dma_start3A_151 = tpu.memref_squeeze %dma_start3A_150 : memref<1x125xi32, #tpu.memory_space<vmem>> -> memref<125xi32, #tpu.memory_space<vmem>>
    %dma_start3A_152 = arith.constant 0 : i32
    %dma_start3A_153 = arith.constant 0 : i32
    %dma_start3A_154 = tpu.memref_slice %arg2[%dma_start3A_152, %dma_start3A_153] : memref<10000x128xf32, #tpu.memory_space<hbm>> -> memref<10000x128xf32, #tpu.memory_space<hbm>>
    tpu.enqueue_indirect_dma source(%dma_start3A_154 : memref<10000x128xf32, #tpu.memory_space<hbm>>) target(%arg12 : memref<125x128xf32, #tpu.memory_space<vmem>>) offsets(%dma_start3A_151 : memref<125xi32, #tpu.memory_space<vmem>>) semaphore(%arg14 : memref<!tpu.dma_semaphore, #tpu.memory_space<semaphore_mem>>)
    %dma_start3A_155 = arith.constant 3 : i32
    %dma_start3A_156 = arith.constant 0 : i32
    %dma_start3A_157 = arith.constant 0 : i32
    %dma_start3A_158 = tpu.memref_slice %arg3[%add3A, %dma_start3A_155, %dma_start3A_156, %dma_start3A_157] : memref<32x4x20x125xi32, #tpu.memory_space<hbm>> -> memref<1x1x20x125xi32, #tpu.memory_space<hbm>>
    %dma_start3A_159 = tpu.memref_squeeze %dma_start3A_158 : memref<1x1x20x125xi32, #tpu.memory_space<hbm>> -> memref<20x125xi32, #tpu.memory_space<hbm>>
    %dma_start3A_160 = arith.constant 0 : i32
    %dma_start3A_161 = arith.constant 0 : i32
    %dma_start3A_162 = tpu.memref_slice %arg3[%add3A, %dma_start3A_155, %dma_start3A_160, %dma_start3A_161] : memref<32x4x20x125xi32, #tpu.memory_space<hbm>> -> memref<1x1x20x125xi32, #tpu.memory_space<hbm>>
    %dma_start3A_163 = tpu.memref_squeeze %dma_start3A_162 : memref<1x1x20x125xi32, #tpu.memory_space<hbm>> -> memref<20x125xi32, #tpu.memory_space<hbm>>
    tpu.enqueue_dma source(%dma_start3A_163 : memref<20x125xi32, #tpu.memory_space<hbm>>) target(%arg8 : memref<20x125xi32, #tpu.memory_space<vmem>>) target_semaphore(%arg17 : memref<!tpu.dma_semaphore, #tpu.memory_space<semaphore_mem>>)
    %dma_start3A_164 = arith.constant 3 : i32
    %dma_start3A_165 = arith.constant 0 : i32
    %dma_start3A_166 = arith.constant 0 : i32
    %dma_start3A_167 = tpu.memref_slice %arg4[%add3A, %dma_start3A_164, %dma_start3A_165, %dma_start3A_166] : memref<32x4x20x125xi32, #tpu.memory_space<hbm>> -> memref<1x1x20x125xi32, #tpu.memory_space<hbm>>
    %dma_start3A_168 = tpu.memref_squeeze %dma_start3A_167 : memref<1x1x20x125xi32, #tpu.memory_space<hbm>> -> memref<20x125xi32, #tpu.memory_space<hbm>>
    %dma_start3A_169 = arith.constant 0 : i32
    %dma_start3A_170 = arith.constant 0 : i32
    %dma_start3A_171 = tpu.memref_slice %arg4[%add3A, %dma_start3A_164, %dma_start3A_169, %dma_start3A_170] : memref<32x4x20x125xi32, #tpu.memory_space<hbm>> -> memref<1x1x20x125xi32, #tpu.memory_space<hbm>>
    %dma_start3A_172 = tpu.memref_squeeze %dma_start3A_171 : memref<1x1x20x125xi32, #tpu.memory_space<hbm>> -> memref<20x125xi32, #tpu.memory_space<hbm>>
    tpu.enqueue_dma source(%dma_start3A_172 : memref<20x125xi32, #tpu.memory_space<hbm>>) target(%arg10 : memref<20x125xi32, #tpu.memory_space<vmem>>) target_semaphore(%arg17 : memref<!tpu.dma_semaphore, #tpu.memory_space<semaphore_mem>>)
    %scan3A_173 = arith.constant 0 : i32
    %scan3A_174 = arith.constant 0 : i32
    %scan3A_175 = arith.constant 10 : i32
    %scan3A_176 = arith.addi %scan3A_174, %scan3A_175 : i32
    %scan3A_177 = arith.constant 1 : i32
    scf.for %scan3A_250 = %scan3A_174 to %scan3A_176 step %scan3A_177  : i32 {
      %mul3A_251 = arith.constant 2 : i32
      %mul3A_252 = arith.muli %mul3A_251, %scan3A_250 : i32
      %add3A_253 = arith.constant 0 : i32
      %add3A_254 = arith.addi %mul3A_252, %add3A_253 : i32
      %dma_wait3A_255 = arith.constant 0 : i32
      %dma_wait3A_256 = tpu.memref_slice %arg7[%add3A_254, %dma_wait3A_255] : memref<20x125xi32, #tpu.memory_space<vmem>> -> memref<1x125xi32, #tpu.memory_space<vmem>>
      %dma_wait3A_257 = tpu.memref_squeeze %dma_wait3A_256 : memref<1x125xi32, #tpu.memory_space<vmem>> -> memref<125xi32, #tpu.memory_space<vmem>>
      %dma_wait3A_258 = arith.constant 0 : i32
      %dma_wait3A_259 = arith.constant 0 : i32
      %dma_wait3A_260 = tpu.memref_slice %arg2[%dma_wait3A_258, %dma_wait3A_259] : memref<10000x128xf32, #tpu.memory_space<hbm>> -> memref<10000x128xf32, #tpu.memory_space<hbm>>
      tpu.wait_indirect_dma semaphore(%arg13 : memref<!tpu.dma_semaphore, #tpu.memory_space<semaphore_mem>>) src(%dma_wait3A_260 : memref<10000x128xf32, #tpu.memory_space<hbm>>) dst(%arg11 : memref<125x128xf32, #tpu.memory_space<vmem>>)
      %add3A_261 = arith.constant 0 : i32
      %add3A_262 = arith.addi %mul3A_252, %add3A_261 : i32
      %dma_start3A_263 = arith.constant 0 : i32
      %dma_start3A_264 = tpu.memref_slice %arg9[%add3A_262, %dma_start3A_263] : memref<20x125xi32, #tpu.memory_space<vmem>> -> memref<1x125xi32, #tpu.memory_space<vmem>>
      %dma_start3A_265 = tpu.memref_squeeze %dma_start3A_264 : memref<1x125xi32, #tpu.memory_space<vmem>> -> memref<125xi32, #tpu.memory_space<vmem>>
      %dma_start3A_266 = arith.constant 0 : i32
      %dma_start3A_267 = arith.constant 0 : i32
      %dma_start3A_268 = tpu.memref_slice %arg18[%dma_start3A_266, %dma_start3A_267] : memref<10240x128xf32, #tpu.memory_space<vmem_shared>> -> memref<10240x128xf32, #tpu.memory_space<vmem_shared>>
      tpu.enqueue_indirect_dma source(%arg11 : memref<125x128xf32, #tpu.memory_space<vmem>>) target(%dma_start3A_268 : memref<10240x128xf32, #tpu.memory_space<vmem_shared>>) offsets(%dma_start3A_265 : memref<125xi32, #tpu.memory_space<vmem>>) semaphore(%arg15 : memref<!tpu.dma_semaphore, #tpu.memory_space<semaphore_mem>>) {add = true}
      %add3A_269 = arith.constant 1 : i32
      %add3A_270 = arith.addi %mul3A_252, %add3A_269 : i32
      %dma_wait3A_271 = arith.constant 0 : i32
      %dma_wait3A_272 = tpu.memref_slice %arg7[%add3A_270, %dma_wait3A_271] : memref<20x125xi32, #tpu.memory_space<vmem>> -> memref<1x125xi32, #tpu.memory_space<vmem>>
      %dma_wait3A_273 = tpu.memref_squeeze %dma_wait3A_272 : memref<1x125xi32, #tpu.memory_space<vmem>> -> memref<125xi32, #tpu.memory_space<vmem>>
      %dma_wait3A_274 = arith.constant 0 : i32
      %dma_wait3A_275 = arith.constant 0 : i32
      %dma_wait3A_276 = tpu.memref_slice %arg2[%dma_wait3A_274, %dma_wait3A_275] : memref<10000x128xf32, #tpu.memory_space<hbm>> -> memref<10000x128xf32, #tpu.memory_space<hbm>>
      tpu.wait_indirect_dma semaphore(%arg14 : memref<!tpu.dma_semaphore, #tpu.memory_space<semaphore_mem>>) src(%dma_wait3A_276 : memref<10000x128xf32, #tpu.memory_space<hbm>>) dst(%arg12 : memref<125x128xf32, #tpu.memory_space<vmem>>)
      %add3A_277 = arith.constant 1 : i32
      %add3A_278 = arith.addi %mul3A_252, %add3A_277 : i32
      %dma_start3A_279 = arith.constant 0 : i32
      %dma_start3A_280 = tpu.memref_slice %arg9[%add3A_278, %dma_start3A_279] : memref<20x125xi32, #tpu.memory_space<vmem>> -> memref<1x125xi32, #tpu.memory_space<vmem>>
      %dma_start3A_281 = tpu.memref_squeeze %dma_start3A_280 : memref<1x125xi32, #tpu.memory_space<vmem>> -> memref<125xi32, #tpu.memory_space<vmem>>
      %dma_start3A_282 = arith.constant 0 : i32
      %dma_start3A_283 = arith.constant 0 : i32
      %dma_start3A_284 = tpu.memref_slice %arg18[%dma_start3A_282, %dma_start3A_283] : memref<10240x128xf32, #tpu.memory_space<vmem_shared>> -> memref<10240x128xf32, #tpu.memory_space<vmem_shared>>
      tpu.enqueue_indirect_dma source(%arg12 : memref<125x128xf32, #tpu.memory_space<vmem>>) target(%dma_start3A_284 : memref<10240x128xf32, #tpu.memory_space<vmem_shared>>) offsets(%dma_start3A_281 : memref<125xi32, #tpu.memory_space<vmem>>) semaphore(%arg16 : memref<!tpu.dma_semaphore, #tpu.memory_space<semaphore_mem>>) {add = true}
      %add3A_285 = arith.constant 1 : i32
      %add3A_286 = arith.addi %scan3A_250, %add3A_285 : i32
      %lt3A = arith.constant 10 : i32
      %lt3A_287 = arith.cmpi slt, %add3A_286, %lt3A : i32
      %convert_element_type3A_288 = arith.extui %lt3A_287 : i1 to i32
      %cond3A_289 = arith.constant 0 : i32
      %cond3A_290 = arith.cmpi ne, %convert_element_type3A_288, %cond3A_289 : i32
      scf.if %cond3A_290 {
        %add3A_291 = arith.constant 0 : i32
        %add3A_292 = arith.addi %mul3A_252, %add3A_291 : i32
        %dma_wait3A_293 = arith.constant 0 : i32
        %dma_wait3A_294 = tpu.memref_slice %arg9[%add3A_292, %dma_wait3A_293] : memref<20x125xi32, #tpu.memory_space<vmem>> -> memref<1x125xi32, #tpu.memory_space<vmem>>
        %dma_wait3A_295 = tpu.memref_squeeze %dma_wait3A_294 : memref<1x125xi32, #tpu.memory_space<vmem>> -> memref<125xi32, #tpu.memory_space<vmem>>
        %dma_wait3A_296 = arith.constant 0 : i32
        %dma_wait3A_297 = arith.constant 0 : i32
        %dma_wait3A_298 = tpu.memref_slice %arg18[%dma_wait3A_296, %dma_wait3A_297] : memref<10240x128xf32, #tpu.memory_space<vmem_shared>> -> memref<10240x128xf32, #tpu.memory_space<vmem_shared>>
        tpu.wait_indirect_dma semaphore(%arg15 : memref<!tpu.dma_semaphore, #tpu.memory_space<semaphore_mem>>) src(%arg11 : memref<125x128xf32, #tpu.memory_space<vmem>>) dst(%dma_wait3A_298 : memref<10240x128xf32, #tpu.memory_space<vmem_shared>>)
        %add3A_299 = arith.constant 2 : i32
        %add3A_300 = arith.addi %mul3A_252, %add3A_299 : i32
        %add3A_301 = arith.constant 0 : i32
        %add3A_302 = arith.addi %add3A_300, %add3A_301 : i32
        %dma_start3A_303 = arith.constant 0 : i32
        %dma_start3A_304 = tpu.memref_slice %arg7[%add3A_302, %dma_start3A_303] : memref<20x125xi32, #tpu.memory_space<vmem>> -> memref<1x125xi32, #tpu.memory_space<vmem>>
        %dma_start3A_305 = tpu.memref_squeeze %dma_start3A_304 : memref<1x125xi32, #tpu.memory_space<vmem>> -> memref<125xi32, #tpu.memory_space<vmem>>
        %dma_start3A_306 = arith.constant 0 : i32
        %dma_start3A_307 = arith.constant 0 : i32
        %dma_start3A_308 = tpu.memref_slice %arg2[%dma_start3A_306, %dma_start3A_307] : memref<10000x128xf32, #tpu.memory_space<hbm>> -> memref<10000x128xf32, #tpu.memory_space<hbm>>
        tpu.enqueue_indirect_dma source(%dma_start3A_308 : memref<10000x128xf32, #tpu.memory_space<hbm>>) target(%arg11 : memref<125x128xf32, #tpu.memory_space<vmem>>) offsets(%dma_start3A_305 : memref<125xi32, #tpu.memory_space<vmem>>) semaphore(%arg13 : memref<!tpu.dma_semaphore, #tpu.memory_space<semaphore_mem>>)
        %add3A_309 = arith.constant 1 : i32
        %add3A_310 = arith.addi %mul3A_252, %add3A_309 : i32
        %dma_wait3A_311 = arith.constant 0 : i32
        %dma_wait3A_312 = tpu.memref_slice %arg9[%add3A_310, %dma_wait3A_311] : memref<20x125xi32, #tpu.memory_space<vmem>> -> memref<1x125xi32, #tpu.memory_space<vmem>>
        %dma_wait3A_313 = tpu.memref_squeeze %dma_wait3A_312 : memref<1x125xi32, #tpu.memory_space<vmem>> -> memref<125xi32, #tpu.memory_space<vmem>>
        %dma_wait3A_314 = arith.constant 0 : i32
        %dma_wait3A_315 = arith.constant 0 : i32
        %dma_wait3A_316 = tpu.memref_slice %arg18[%dma_wait3A_314, %dma_wait3A_315] : memref<10240x128xf32, #tpu.memory_space<vmem_shared>> -> memref<10240x128xf32, #tpu.memory_space<vmem_shared>>
        tpu.wait_indirect_dma semaphore(%arg16 : memref<!tpu.dma_semaphore, #tpu.memory_space<semaphore_mem>>) src(%arg12 : memref<125x128xf32, #tpu.memory_space<vmem>>) dst(%dma_wait3A_316 : memref<10240x128xf32, #tpu.memory_space<vmem_shared>>)
        %add3A_317 = arith.constant 2 : i32
        %add3A_318 = arith.addi %mul3A_252, %add3A_317 : i32
        %add3A_319 = arith.constant 1 : i32
        %add3A_320 = arith.addi %add3A_318, %add3A_319 : i32
        %dma_start3A_321 = arith.constant 0 : i32
        %dma_start3A_322 = tpu.memref_slice %arg7[%add3A_320, %dma_start3A_321] : memref<20x125xi32, #tpu.memory_space<vmem>> -> memref<1x125xi32, #tpu.memory_space<vmem>>
        %dma_start3A_323 = tpu.memref_squeeze %dma_start3A_322 : memref<1x125xi32, #tpu.memory_space<vmem>> -> memref<125xi32, #tpu.memory_space<vmem>>
        %dma_start3A_324 = arith.constant 0 : i32
        %dma_start3A_325 = arith.constant 0 : i32
        %dma_start3A_326 = tpu.memref_slice %arg2[%dma_start3A_324, %dma_start3A_325] : memref<10000x128xf32, #tpu.memory_space<hbm>> -> memref<10000x128xf32, #tpu.memory_space<hbm>>
        tpu.enqueue_indirect_dma source(%dma_start3A_326 : memref<10000x128xf32, #tpu.memory_space<hbm>>) target(%arg12 : memref<125x128xf32, #tpu.memory_space<vmem>>) offsets(%dma_start3A_323 : memref<125xi32, #tpu.memory_space<vmem>>) semaphore(%arg14 : memref<!tpu.dma_semaphore, #tpu.memory_space<semaphore_mem>>)
      } else {
      }
    }
    %scan3A_178 = arith.constant 10 : i32
    %dma_wait3A_179 = arith.constant 3 : i32
    %dma_wait3A_180 = arith.constant 0 : i32
    %dma_wait3A_181 = arith.constant 0 : i32
    %dma_wait3A_182 = tpu.memref_slice %arg3[%add3A, %dma_wait3A_179, %dma_wait3A_180, %dma_wait3A_181] : memref<32x4x20x125xi32, #tpu.memory_space<hbm>> -> memref<1x1x20x125xi32, #tpu.memory_space<hbm>>
    %dma_wait3A_183 = tpu.memref_squeeze %dma_wait3A_182 : memref<1x1x20x125xi32, #tpu.memory_space<hbm>> -> memref<20x125xi32, #tpu.memory_space<hbm>>
    %dma_wait3A_184 = arith.constant 0 : i32
    %dma_wait3A_185 = arith.constant 0 : i32
    %dma_wait3A_186 = tpu.memref_slice %arg3[%add3A, %dma_wait3A_179, %dma_wait3A_184, %dma_wait3A_185] : memref<32x4x20x125xi32, #tpu.memory_space<hbm>> -> memref<1x1x20x125xi32, #tpu.memory_space<hbm>>
    %dma_wait3A_187 = tpu.memref_squeeze %dma_wait3A_186 : memref<1x1x20x125xi32, #tpu.memory_space<hbm>> -> memref<20x125xi32, #tpu.memory_space<hbm>>
    tpu.wait_dma2 semaphore(%arg17 : memref<!tpu.dma_semaphore, #tpu.memory_space<semaphore_mem>>) src(%dma_wait3A_187 : memref<20x125xi32, #tpu.memory_space<hbm>>) dst(%arg8 : memref<20x125xi32, #tpu.memory_space<vmem>>)
    %dma_wait3A_188 = arith.constant 3 : i32
    %dma_wait3A_189 = arith.constant 0 : i32
    %dma_wait3A_190 = arith.constant 0 : i32
    %dma_wait3A_191 = tpu.memref_slice %arg4[%add3A, %dma_wait3A_188, %dma_wait3A_189, %dma_wait3A_190] : memref<32x4x20x125xi32, #tpu.memory_space<hbm>> -> memref<1x1x20x125xi32, #tpu.memory_space<hbm>>
    %dma_wait3A_192 = tpu.memref_squeeze %dma_wait3A_191 : memref<1x1x20x125xi32, #tpu.memory_space<hbm>> -> memref<20x125xi32, #tpu.memory_space<hbm>>
    %dma_wait3A_193 = arith.constant 0 : i32
    %dma_wait3A_194 = arith.constant 0 : i32
    %dma_wait3A_195 = tpu.memref_slice %arg4[%add3A, %dma_wait3A_188, %dma_wait3A_193, %dma_wait3A_194] : memref<32x4x20x125xi32, #tpu.memory_space<hbm>> -> memref<1x1x20x125xi32, #tpu.memory_space<hbm>>
    %dma_wait3A_196 = tpu.memref_squeeze %dma_wait3A_195 : memref<1x1x20x125xi32, #tpu.memory_space<hbm>> -> memref<20x125xi32, #tpu.memory_space<hbm>>
    tpu.wait_dma2 semaphore(%arg17 : memref<!tpu.dma_semaphore, #tpu.memory_space<semaphore_mem>>) src(%dma_wait3A_196 : memref<20x125xi32, #tpu.memory_space<hbm>>) dst(%arg10 : memref<20x125xi32, #tpu.memory_space<vmem>>)
    %dma_wait3A_197 = arith.constant 18 : i32
    %dma_wait3A_198 = arith.constant 0 : i32
    %dma_wait3A_199 = tpu.memref_slice %arg9[%dma_wait3A_197, %dma_wait3A_198] : memref<20x125xi32, #tpu.memory_space<vmem>> -> memref<1x125xi32, #tpu.memory_space<vmem>>
    %dma_wait3A_200 = tpu.memref_squeeze %dma_wait3A_199 : memref<1x125xi32, #tpu.memory_space<vmem>> -> memref<125xi32, #tpu.memory_space<vmem>>
    %dma_wait3A_201 = arith.constant 0 : i32
    %dma_wait3A_202 = arith.constant 0 : i32
    %dma_wait3A_203 = tpu.memref_slice %arg18[%dma_wait3A_201, %dma_wait3A_202] : memref<10240x128xf32, #tpu.memory_space<vmem_shared>> -> memref<10240x128xf32, #tpu.memory_space<vmem_shared>>
    tpu.wait_indirect_dma semaphore(%arg15 : memref<!tpu.dma_semaphore, #tpu.memory_space<semaphore_mem>>) src(%arg11 : memref<125x128xf32, #tpu.memory_space<vmem>>) dst(%dma_wait3A_203 : memref<10240x128xf32, #tpu.memory_space<vmem_shared>>)
    %dma_start3A_204 = arith.constant 0 : i32
    %dma_start3A_205 = arith.constant 0 : i32
    %dma_start3A_206 = tpu.memref_slice %arg8[%dma_start3A_204, %dma_start3A_205] : memref<20x125xi32, #tpu.memory_space<vmem>> -> memref<1x125xi32, #tpu.memory_space<vmem>>
    %dma_start3A_207 = tpu.memref_squeeze %dma_start3A_206 : memref<1x125xi32, #tpu.memory_space<vmem>> -> memref<125xi32, #tpu.memory_space<vmem>>
    %dma_start3A_208 = arith.constant 0 : i32
    %dma_start3A_209 = arith.constant 0 : i32
    %dma_start3A_210 = tpu.memref_slice %arg2[%dma_start3A_208, %dma_start3A_209] : memref<10000x128xf32, #tpu.memory_space<hbm>> -> memref<10000x128xf32, #tpu.memory_space<hbm>>
    tpu.enqueue_indirect_dma source(%dma_start3A_210 : memref<10000x128xf32, #tpu.memory_space<hbm>>) target(%arg11 : memref<125x128xf32, #tpu.memory_space<vmem>>) offsets(%dma_start3A_207 : memref<125xi32, #tpu.memory_space<vmem>>) semaphore(%arg13 : memref<!tpu.dma_semaphore, #tpu.memory_space<semaphore_mem>>)
    %dma_wait3A_211 = arith.constant 19 : i32
    %dma_wait3A_212 = arith.constant 0 : i32
    %dma_wait3A_213 = tpu.memref_slice %arg9[%dma_wait3A_211, %dma_wait3A_212] : memref<20x125xi32, #tpu.memory_space<vmem>> -> memref<1x125xi32, #tpu.memory_space<vmem>>
    %dma_wait3A_214 = tpu.memref_squeeze %dma_wait3A_213 : memref<1x125xi32, #tpu.memory_space<vmem>> -> memref<125xi32, #tpu.memory_space<vmem>>
    %dma_wait3A_215 = arith.constant 0 : i32
    %dma_wait3A_216 = arith.constant 0 : i32
    %dma_wait3A_217 = tpu.memref_slice %arg18[%dma_wait3A_215, %dma_wait3A_216] : memref<10240x128xf32, #tpu.memory_space<vmem_shared>> -> memref<10240x128xf32, #tpu.memory_space<vmem_shared>>
    tpu.wait_indirect_dma semaphore(%arg16 : memref<!tpu.dma_semaphore, #tpu.memory_space<semaphore_mem>>) src(%arg12 : memref<125x128xf32, #tpu.memory_space<vmem>>) dst(%dma_wait3A_217 : memref<10240x128xf32, #tpu.memory_space<vmem_shared>>)
    %dma_start3A_218 = arith.constant 1 : i32
    %dma_start3A_219 = arith.constant 0 : i32
    %dma_start3A_220 = tpu.memref_slice %arg8[%dma_start3A_218, %dma_start3A_219] : memref<20x125xi32, #tpu.memory_space<vmem>> -> memref<1x125xi32, #tpu.memory_space<vmem>>
    %dma_start3A_221 = tpu.memref_squeeze %dma_start3A_220 : memref<1x125xi32, #tpu.memory_space<vmem>> -> memref<125xi32, #tpu.memory_space<vmem>>
    %dma_start3A_222 = arith.constant 0 : i32
    %dma_start3A_223 = arith.constant 0 : i32
    %dma_start3A_224 = tpu.memref_slice %arg2[%dma_start3A_222, %dma_start3A_223] : memref<10000x128xf32, #tpu.memory_space<hbm>> -> memref<10000x128xf32, #tpu.memory_space<hbm>>
    tpu.enqueue_indirect_dma source(%dma_start3A_224 : memref<10000x128xf32, #tpu.memory_space<hbm>>) target(%arg12 : memref<125x128xf32, #tpu.memory_space<vmem>>) offsets(%dma_start3A_221 : memref<125xi32, #tpu.memory_space<vmem>>) semaphore(%arg14 : memref<!tpu.dma_semaphore, #tpu.memory_space<semaphore_mem>>)
    %scan3A_225 = arith.constant 0 : i32
    %scan3A_226 = arith.constant 0 : i32
    %scan3A_227 = arith.constant 10 : i32
    %scan3A_228 = arith.addi %scan3A_226, %scan3A_227 : i32
    %scan3A_229 = arith.constant 1 : i32
    scf.for %scan3A_250 = %scan3A_226 to %scan3A_228 step %scan3A_229  : i32 {
      %mul3A_251 = arith.constant 2 : i32
      %mul3A_252 = arith.muli %mul3A_251, %scan3A_250 : i32
      %add3A_253 = arith.constant 0 : i32
      %add3A_254 = arith.addi %mul3A_252, %add3A_253 : i32
      %dma_wait3A_255 = arith.constant 0 : i32
      %dma_wait3A_256 = tpu.memref_slice %arg8[%add3A_254, %dma_wait3A_255] : memref<20x125xi32, #tpu.memory_space<vmem>> -> memref<1x125xi32, #tpu.memory_space<vmem>>
      %dma_wait3A_257 = tpu.memref_squeeze %dma_wait3A_256 : memref<1x125xi32, #tpu.memory_space<vmem>> -> memref<125xi32, #tpu.memory_space<vmem>>
      %dma_wait3A_258 = arith.constant 0 : i32
      %dma_wait3A_259 = arith.constant 0 : i32
      %dma_wait3A_260 = tpu.memref_slice %arg2[%dma_wait3A_258, %dma_wait3A_259] : memref<10000x128xf32, #tpu.memory_space<hbm>> -> memref<10000x128xf32, #tpu.memory_space<hbm>>
      tpu.wait_indirect_dma semaphore(%arg13 : memref<!tpu.dma_semaphore, #tpu.memory_space<semaphore_mem>>) src(%dma_wait3A_260 : memref<10000x128xf32, #tpu.memory_space<hbm>>) dst(%arg11 : memref<125x128xf32, #tpu.memory_space<vmem>>)
      %add3A_261 = arith.constant 0 : i32
      %add3A_262 = arith.addi %mul3A_252, %add3A_261 : i32
      %dma_start3A_263 = arith.constant 0 : i32
      %dma_start3A_264 = tpu.memref_slice %arg10[%add3A_262, %dma_start3A_263] : memref<20x125xi32, #tpu.memory_space<vmem>> -> memref<1x125xi32, #tpu.memory_space<vmem>>
      %dma_start3A_265 = tpu.memref_squeeze %dma_start3A_264 : memref<1x125xi32, #tpu.memory_space<vmem>> -> memref<125xi32, #tpu.memory_space<vmem>>
      %dma_start3A_266 = arith.constant 0 : i32
      %dma_start3A_267 = arith.constant 0 : i32
      %dma_start3A_268 = tpu.memref_slice %arg18[%dma_start3A_266, %dma_start3A_267] : memref<10240x128xf32, #tpu.memory_space<vmem_shared>> -> memref<10240x128xf32, #tpu.memory_space<vmem_shared>>
      tpu.enqueue_indirect_dma source(%arg11 : memref<125x128xf32, #tpu.memory_space<vmem>>) target(%dma_start3A_268 : memref<10240x128xf32, #tpu.memory_space<vmem_shared>>) offsets(%dma_start3A_265 : memref<125xi32, #tpu.memory_space<vmem>>) semaphore(%arg15 : memref<!tpu.dma_semaphore, #tpu.memory_space<semaphore_mem>>) {add = true}
      %add3A_269 = arith.constant 1 : i32
      %add3A_270 = arith.addi %mul3A_252, %add3A_269 : i32
      %dma_wait3A_271 = arith.constant 0 : i32
      %dma_wait3A_272 = tpu.memref_slice %arg8[%add3A_270, %dma_wait3A_271] : memref<20x125xi32, #tpu.memory_space<vmem>> -> memref<1x125xi32, #tpu.memory_space<vmem>>
      %dma_wait3A_273 = tpu.memref_squeeze %dma_wait3A_272 : memref<1x125xi32, #tpu.memory_space<vmem>> -> memref<125xi32, #tpu.memory_space<vmem>>
      %dma_wait3A_274 = arith.constant 0 : i32
      %dma_wait3A_275 = arith.constant 0 : i32
      %dma_wait3A_276 = tpu.memref_slice %arg2[%dma_wait3A_274, %dma_wait3A_275] : memref<10000x128xf32, #tpu.memory_space<hbm>> -> memref<10000x128xf32, #tpu.memory_space<hbm>>
      tpu.wait_indirect_dma semaphore(%arg14 : memref<!tpu.dma_semaphore, #tpu.memory_space<semaphore_mem>>) src(%dma_wait3A_276 : memref<10000x128xf32, #tpu.memory_space<hbm>>) dst(%arg12 : memref<125x128xf32, #tpu.memory_space<vmem>>)
      %add3A_277 = arith.constant 1 : i32
      %add3A_278 = arith.addi %mul3A_252, %add3A_277 : i32
      %dma_start3A_279 = arith.constant 0 : i32
      %dma_start3A_280 = tpu.memref_slice %arg10[%add3A_278, %dma_start3A_279] : memref<20x125xi32, #tpu.memory_space<vmem>> -> memref<1x125xi32, #tpu.memory_space<vmem>>
      %dma_start3A_281 = tpu.memref_squeeze %dma_start3A_280 : memref<1x125xi32, #tpu.memory_space<vmem>> -> memref<125xi32, #tpu.memory_space<vmem>>
      %dma_start3A_282 = arith.constant 0 : i32
      %dma_start3A_283 = arith.constant 0 : i32
      %dma_start3A_284 = tpu.memref_slice %arg18[%dma_start3A_282, %dma_start3A_283] : memref<10240x128xf32, #tpu.memory_space<vmem_shared>> -> memref<10240x128xf32, #tpu.memory_space<vmem_shared>>
      tpu.enqueue_indirect_dma source(%arg12 : memref<125x128xf32, #tpu.memory_space<vmem>>) target(%dma_start3A_284 : memref<10240x128xf32, #tpu.memory_space<vmem_shared>>) offsets(%dma_start3A_281 : memref<125xi32, #tpu.memory_space<vmem>>) semaphore(%arg16 : memref<!tpu.dma_semaphore, #tpu.memory_space<semaphore_mem>>) {add = true}
      %add3A_285 = arith.constant 1 : i32
      %add3A_286 = arith.addi %scan3A_250, %add3A_285 : i32
      %lt3A = arith.constant 10 : i32
      %lt3A_287 = arith.cmpi slt, %add3A_286, %lt3A : i32
      %convert_element_type3A_288 = arith.extui %lt3A_287 : i1 to i32
      %cond3A_289 = arith.constant 0 : i32
      %cond3A_290 = arith.cmpi ne, %convert_element_type3A_288, %cond3A_289 : i32
      scf.if %cond3A_290 {
        %add3A_291 = arith.constant 0 : i32
        %add3A_292 = arith.addi %mul3A_252, %add3A_291 : i32
        %dma_wait3A_293 = arith.constant 0 : i32
        %dma_wait3A_294 = tpu.memref_slice %arg10[%add3A_292, %dma_wait3A_293] : memref<20x125xi32, #tpu.memory_space<vmem>> -> memref<1x125xi32, #tpu.memory_space<vmem>>
        %dma_wait3A_295 = tpu.memref_squeeze %dma_wait3A_294 : memref<1x125xi32, #tpu.memory_space<vmem>> -> memref<125xi32, #tpu.memory_space<vmem>>
        %dma_wait3A_296 = arith.constant 0 : i32
        %dma_wait3A_297 = arith.constant 0 : i32
        %dma_wait3A_298 = tpu.memref_slice %arg18[%dma_wait3A_296, %dma_wait3A_297] : memref<10240x128xf32, #tpu.memory_space<vmem_shared>> -> memref<10240x128xf32, #tpu.memory_space<vmem_shared>>
        tpu.wait_indirect_dma semaphore(%arg15 : memref<!tpu.dma_semaphore, #tpu.memory_space<semaphore_mem>>) src(%arg11 : memref<125x128xf32, #tpu.memory_space<vmem>>) dst(%dma_wait3A_298 : memref<10240x128xf32, #tpu.memory_space<vmem_shared>>)
        %add3A_299 = arith.constant 2 : i32
        %add3A_300 = arith.addi %mul3A_252, %add3A_299 : i32
        %add3A_301 = arith.constant 0 : i32
        %add3A_302 = arith.addi %add3A_300, %add3A_301 : i32
        %dma_start3A_303 = arith.constant 0 : i32
        %dma_start3A_304 = tpu.memref_slice %arg8[%add3A_302, %dma_start3A_303] : memref<20x125xi32, #tpu.memory_space<vmem>> -> memref<1x125xi32, #tpu.memory_space<vmem>>
        %dma_start3A_305 = tpu.memref_squeeze %dma_start3A_304 : memref<1x125xi32, #tpu.memory_space<vmem>> -> memref<125xi32, #tpu.memory_space<vmem>>
        %dma_start3A_306 = arith.constant 0 : i32
        %dma_start3A_307 = arith.constant 0 : i32
        %dma_start3A_308 = tpu.memref_slice %arg2[%dma_start3A_306, %dma_start3A_307] : memref<10000x128xf32, #tpu.memory_space<hbm>> -> memref<10000x128xf32, #tpu.memory_space<hbm>>
        tpu.enqueue_indirect_dma source(%dma_start3A_308 : memref<10000x128xf32, #tpu.memory_space<hbm>>) target(%arg11 : memref<125x128xf32, #tpu.memory_space<vmem>>) offsets(%dma_start3A_305 : memref<125xi32, #tpu.memory_space<vmem>>) semaphore(%arg13 : memref<!tpu.dma_semaphore, #tpu.memory_space<semaphore_mem>>)
        %add3A_309 = arith.constant 1 : i32
        %add3A_310 = arith.addi %mul3A_252, %add3A_309 : i32
        %dma_wait3A_311 = arith.constant 0 : i32
        %dma_wait3A_312 = tpu.memref_slice %arg10[%add3A_310, %dma_wait3A_311] : memref<20x125xi32, #tpu.memory_space<vmem>> -> memref<1x125xi32, #tpu.memory_space<vmem>>
        %dma_wait3A_313 = tpu.memref_squeeze %dma_wait3A_312 : memref<1x125xi32, #tpu.memory_space<vmem>> -> memref<125xi32, #tpu.memory_space<vmem>>
        %dma_wait3A_314 = arith.constant 0 : i32
        %dma_wait3A_315 = arith.constant 0 : i32
        %dma_wait3A_316 = tpu.memref_slice %arg18[%dma_wait3A_314, %dma_wait3A_315] : memref<10240x128xf32, #tpu.memory_space<vmem_shared>> -> memref<10240x128xf32, #tpu.memory_space<vmem_shared>>
        tpu.wait_indirect_dma semaphore(%arg16 : memref<!tpu.dma_semaphore, #tpu.memory_space<semaphore_mem>>) src(%arg12 : memref<125x128xf32, #tpu.memory_space<vmem>>) dst(%dma_wait3A_316 : memref<10240x128xf32, #tpu.memory_space<vmem_shared>>)
        %add3A_317 = arith.constant 2 : i32
        %add3A_318 = arith.addi %mul3A_252, %add3A_317 : i32
        %add3A_319 = arith.constant 1 : i32
        %add3A_320 = arith.addi %add3A_318, %add3A_319 : i32
        %dma_start3A_321 = arith.constant 0 : i32
        %dma_start3A_322 = tpu.memref_slice %arg8[%add3A_320, %dma_start3A_321] : memref<20x125xi32, #tpu.memory_space<vmem>> -> memref<1x125xi32, #tpu.memory_space<vmem>>
        %dma_start3A_323 = tpu.memref_squeeze %dma_start3A_322 : memref<1x125xi32, #tpu.memory_space<vmem>> -> memref<125xi32, #tpu.memory_space<vmem>>
        %dma_start3A_324 = arith.constant 0 : i32
        %dma_start3A_325 = arith.constant 0 : i32
        %dma_start3A_326 = tpu.memref_slice %arg2[%dma_start3A_324, %dma_start3A_325] : memref<10000x128xf32, #tpu.memory_space<hbm>> -> memref<10000x128xf32, #tpu.memory_space<hbm>>
        tpu.enqueue_indirect_dma source(%dma_start3A_326 : memref<10000x128xf32, #tpu.memory_space<hbm>>) target(%arg12 : memref<125x128xf32, #tpu.memory_space<vmem>>) offsets(%dma_start3A_323 : memref<125xi32, #tpu.memory_space<vmem>>) semaphore(%arg14 : memref<!tpu.dma_semaphore, #tpu.memory_space<semaphore_mem>>)
      } else {
      }
    }
    %scan3A_230 = arith.constant 10 : i32
    %dma_wait3A_231 = arith.constant 18 : i32
    %dma_wait3A_232 = arith.constant 0 : i32
    %dma_wait3A_233 = tpu.memref_slice %arg10[%dma_wait3A_231, %dma_wait3A_232] : memref<20x125xi32, #tpu.memory_space<vmem>> -> memref<1x125xi32, #tpu.memory_space<vmem>>
    %dma_wait3A_234 = tpu.memref_squeeze %dma_wait3A_233 : memref<1x125xi32, #tpu.memory_space<vmem>> -> memref<125xi32, #tpu.memory_space<vmem>>
    %dma_wait3A_235 = arith.constant 0 : i32
    %dma_wait3A_236 = arith.constant 0 : i32
    %dma_wait3A_237 = tpu.memref_slice %arg18[%dma_wait3A_235, %dma_wait3A_236] : memref<10240x128xf32, #tpu.memory_space<vmem_shared>> -> memref<10240x128xf32, #tpu.memory_space<vmem_shared>>
    tpu.wait_indirect_dma semaphore(%arg15 : memref<!tpu.dma_semaphore, #tpu.memory_space<semaphore_mem>>) src(%arg11 : memref<125x128xf32, #tpu.memory_space<vmem>>) dst(%dma_wait3A_237 : memref<10240x128xf32, #tpu.memory_space<vmem_shared>>)
    %dma_wait3A_238 = arith.constant 19 : i32
    %dma_wait3A_239 = arith.constant 0 : i32
    %dma_wait3A_240 = tpu.memref_slice %arg10[%dma_wait3A_238, %dma_wait3A_239] : memref<20x125xi32, #tpu.memory_space<vmem>> -> memref<1x125xi32, #tpu.memory_space<vmem>>
    %dma_wait3A_241 = tpu.memref_squeeze %dma_wait3A_240 : memref<1x125xi32, #tpu.memory_space<vmem>> -> memref<125xi32, #tpu.memory_space<vmem>>
    %dma_wait3A_242 = arith.constant 0 : i32
    %dma_wait3A_243 = arith.constant 0 : i32
    %dma_wait3A_244 = tpu.memref_slice %arg18[%dma_wait3A_242, %dma_wait3A_243] : memref<10240x128xf32, #tpu.memory_space<vmem_shared>> -> memref<10240x128xf32, #tpu.memory_space<vmem_shared>>
    tpu.wait_indirect_dma semaphore(%arg16 : memref<!tpu.dma_semaphore, #tpu.memory_space<semaphore_mem>>) src(%arg12 : memref<125x128xf32, #tpu.memory_space<vmem>>) dst(%dma_wait3A_244 : memref<10240x128xf32, #tpu.memory_space<vmem_shared>>)
    %barrier3A_245 = arith.constant 0 : index
    tpu.barrier barrier_id(%barrier3A_245)
    %mul3A_246 = arith.constant 640 : i32
    %mul3A_247 = arith.muli %arg1, %mul3A_246 : i32
    %mul3A_248 = arith.constant 640 : i32
    %mul3A_249 = arith.muli %arg1, %mul3A_248 : i32
    "tpu.region"() ({
      %run_scoped3A_250 = tpu.sem_alloc : memref<!tpu.dma_semaphore, #tpu.memory_space<semaphore_mem>>
      %dma_start3A_251 = arith.constant 0 : i32
      %dma_start3A_252 = tpu.memref_slice %arg6[%arg0, %mul3A_249, %dma_start3A_251] : memref<2x10240x128xf32, #tpu.memory_space<hbm>> -> memref<1x640x128xf32, #tpu.memory_space<hbm>>
      %dma_start3A_253 = tpu.memref_squeeze %dma_start3A_252 : memref<1x640x128xf32, #tpu.memory_space<hbm>> -> memref<640x128xf32, #tpu.memory_space<hbm>>
      %dma_start3A_254 = arith.constant 0 : i32
      %dma_start3A_255 = tpu.memref_slice %arg18[%mul3A_247, %dma_start3A_254] : memref<10240x128xf32, #tpu.memory_space<vmem_shared>> -> memref<640x128xf32, #tpu.memory_space<vmem_shared>>
      tpu.enqueue_dma source(%dma_start3A_255 : memref<640x128xf32, #tpu.memory_space<vmem_shared>>) target(%dma_start3A_253 : memref<640x128xf32, #tpu.memory_space<hbm>>) target_semaphore(%run_scoped3A_250 : memref<!tpu.dma_semaphore, #tpu.memory_space<semaphore_mem>>)
      %dma_wait3A_256 = arith.constant 0 : i32
      %dma_wait3A_257 = tpu.memref_slice %arg6[%arg0, %mul3A_249, %dma_wait3A_256] : memref<2x10240x128xf32, #tpu.memory_space<hbm>> -> memref<1x640x128xf32, #tpu.memory_space<hbm>>
      %dma_wait3A_258 = tpu.memref_squeeze %dma_wait3A_257 : memref<1x640x128xf32, #tpu.memory_space<hbm>> -> memref<640x128xf32, #tpu.memory_space<hbm>>
      %dma_wait3A_259 = arith.constant 0 : i32
      %dma_wait3A_260 = tpu.memref_slice %arg18[%mul3A_247, %dma_wait3A_259] : memref<10240x128xf32, #tpu.memory_space<vmem_shared>> -> memref<640x128xf32, #tpu.memory_space<vmem_shared>>
      tpu.wait_dma2 semaphore(%run_scoped3A_250 : memref<!tpu.dma_semaphore, #tpu.memory_space<semaphore_mem>>) src(%dma_wait3A_260 : memref<640x128xf32, #tpu.memory_space<vmem_shared>>) dst(%dma_wait3A_258 : memref<640x128xf32, #tpu.memory_space<hbm>>)
      tpu.yield
    }) : () -> ()
    return
  }
}

module attributes {stable_mosaic.version = 14 : i64} {
  func.func @_tc1_body(%arg0: i32, %arg1: memref<2x1000x16xf32, #tpu.memory_space<vmem>>, %arg2: memref<1000x128xf32, #tpu.memory_space<vmem>>, %arg3: memref<1000x128xf32, #tpu.memory_space<vmem>>) attributes {dimension_semantics = [#tpu.dimension_semantics<arbitrary>], iteration_bounds = array<i64: 10>, scalar_prefetch = 0 : i64, scratch_operands = 0 : i64, tpu.core_type = #tpu.core_type<tc>, window_params = [{transform_indices = @transform_0, window_bounds = array<i64: 2, 1000, 16>}, {transform_indices = @transform_1, window_bounds = array<i64: 1000, 128>}, {transform_indices = @transform_2, window_bounds = array<i64: 1000, 128>}]} {
    %get3A = arith.constant 0 : index
    %get3A_0 = arith.constant 0 : index
    %get3A_1 = vector.load %arg2[%get3A, %get3A_0] : memref<1000x128xf32, #tpu.memory_space<vmem>>, vector<1000x128xf32>
    %get3A_2 = arith.constant 0 : index
    %get3A_3 = arith.constant 0 : index
    %get3A_4 = arith.constant 0 : index
    %get3A_5 = vector.load %arg1[%get3A_2, %get3A_3, %get3A_4] : memref<2x1000x16xf32, #tpu.memory_space<vmem>>, vector<1x1000x16xf32>
    %get3A_6 = vector.shape_cast %get3A_5 : vector<1x1000x16xf32> to vector<1000x16xf32>
    %slice3A = vector.extract_strided_slice %get3A_6 {offsets = [0, 0], sizes = [1000, 1], strides = [1, 1]} : vector<1000x16xf32> to vector<1000x1xf32>
    %get3A_7 = arith.constant 1 : index
    %get3A_8 = arith.constant 0 : index
    %get3A_9 = arith.constant 0 : index
    %get3A_10 = vector.load %arg1[%get3A_7, %get3A_8, %get3A_9] : memref<2x1000x16xf32, #tpu.memory_space<vmem>>, vector<1x1000x16xf32>
    %get3A_11 = vector.shape_cast %get3A_10 : vector<1x1000x16xf32> to vector<1000x16xf32>
    %slice3A_12 = vector.extract_strided_slice %get3A_11 {offsets = [0, 0], sizes = [1000, 1], strides = [1, 1]} : vector<1000x16xf32> to vector<1000x1xf32>
    %add3A = arith.addf %slice3A, %slice3A_12 : vector<1000x1xf32>
    %add3A_13 = arith.constant 1.000000e+00 : f32
    %add3A_14 = vector.broadcast %add3A_13 : f32 to vector<1000x1xf32>
    %add3A_15 = arith.addf %add3A, %add3A_14 : vector<1000x1xf32>
    %rsqrt3A = math.rsqrt %add3A_15 : vector<1000x1xf32>
    %mul3A = vector.broadcast %rsqrt3A : vector<1000x1xf32> to vector<1000x128xf32>
    %mul3A_16 = arith.mulf %get3A_1, %mul3A : vector<1000x128xf32>
    %swap3A = arith.constant 0 : index
    %swap3A_17 = arith.constant 0 : index
    %swap3A_18 = vector.load %arg3[%swap3A, %swap3A_17] : memref<1000x128xf32, #tpu.memory_space<vmem>>, vector<1000x128xf32>
    tpu.vector_store %arg3[%swap3A, %swap3A_17], %mul3A_16 {strides = array<i32>} : memref<1000x128xf32, #tpu.memory_space<vmem>>, vector<1000x128xf32>,
    return
  }
  func.func @transform_0(%arg0: i32) -> (i32, i32, i32) {
    %c0_i32 = arith.constant 0 : i32
    %c0_i32_0 = arith.constant 0 : i32
    %c0_i32_1 = arith.constant 0 : i32
    return %c0_i32, %arg0, %c0_i32_0 : i32, i32, i32
  }
  func.func @transform_1(%arg0: i32) -> (i32, i32) {
    %c0_i32 = arith.constant 0 : i32
    %c0_i32_0 = arith.constant 0 : i32
    return %arg0, %c0_i32 : i32, i32
  }
  func.func @transform_2(%arg0: i32) -> (i32, i32) {
    %c0_i32 = arith.constant 0 : i32
    %c0_i32_0 = arith.constant 0 : i32
    return %arg0, %c0_i32 : i32, i32
  }
}

module attributes {stable_mosaic.version = 14 : i64} {
  func.func @_tc2_body(%arg0: i32, %arg1: memref<2x1000x128xf32, #tpu.memory_space<vmem>>, %arg2: memref<1000x128xf32, #tpu.memory_space<vmem>>, %arg3: memref<2x1000x16xf32, #tpu.memory_space<vmem>>, %arg4: memref<1x128xf32, #tpu.memory_space<vmem>>, %arg5: memref<128x128xf32, #tpu.memory_space<vmem>>, %arg6: memref<128x128xf32, #tpu.memory_space<vmem>>, %arg7: memref<1000x128xf32, #tpu.memory_space<vmem>>, %arg8: memref<1000x128xf32, #tpu.memory_space<vmem>>) attributes {dimension_semantics = [#tpu.dimension_semantics<arbitrary>], iteration_bounds = array<i64: 10>, scalar_prefetch = 0 : i64, scratch_operands = 0 : i64, tpu.core_type = #tpu.core_type<tc>, window_params = [{transform_indices = @transform_0, window_bounds = array<i64: 2, 1000, 128>}, {transform_indices = @transform_1, window_bounds = array<i64: 1000, 128>}, {transform_indices = @transform_2, window_bounds = array<i64: 2, 1000, 16>}, {pipeline_mode = #tpu.pipeline_mode<synchronous>, transform_indices = @transform_3, window_bounds = array<i64: 1, 128>}, {pipeline_mode = #tpu.pipeline_mode<synchronous>, transform_indices = @transform_4, window_bounds = array<i64: 128, 128>}, {pipeline_mode = #tpu.pipeline_mode<synchronous>, transform_indices = @transform_5, window_bounds = array<i64: 128, 128>}, {transform_indices = @transform_6, window_bounds = array<i64: 1000, 128>}, {transform_indices = @transform_7, window_bounds = array<i64: 1000, 128>}]} {
    %get3A = arith.constant 0 : index
    %get3A_0 = arith.constant 0 : index
    %get3A_1 = arith.constant 0 : index
    %get3A_2 = vector.load %arg3[%get3A, %get3A_0, %get3A_1] : memref<2x1000x16xf32, #tpu.memory_space<vmem>>, vector<1x1000x16xf32>
    %get3A_3 = vector.shape_cast %get3A_2 : vector<1x1000x16xf32> to vector<1000x16xf32>
    %slice3A = vector.extract_strided_slice %get3A_3 {offsets = [0, 0], sizes = [1000, 1], strides = [1, 1]} : vector<1000x16xf32> to vector<1000x1xf32>
    %get3A_4 = arith.constant 1 : index
    %get3A_5 = arith.constant 0 : index
    %get3A_6 = arith.constant 0 : index
    %get3A_7 = vector.load %arg3[%get3A_4, %get3A_5, %get3A_6] : memref<2x1000x16xf32, #tpu.memory_space<vmem>>, vector<1x1000x16xf32>
    %get3A_8 = vector.shape_cast %get3A_7 : vector<1x1000x16xf32> to vector<1000x16xf32>
    %slice3A_9 = vector.extract_strided_slice %get3A_8 {offsets = [0, 0], sizes = [1000, 1], strides = [1, 1]} : vector<1000x16xf32> to vector<1000x1xf32>
    %add3A = arith.addf %slice3A, %slice3A_9 : vector<1000x1xf32>
    %add3A_10 = arith.constant 1.000000e+00 : f32
    %add3A_11 = vector.broadcast %add3A_10 : f32 to vector<1000x1xf32>
    %add3A_12 = arith.addf %add3A, %add3A_11 : vector<1000x1xf32>
    %rsqrt3A = math.rsqrt %add3A_12 : vector<1000x1xf32>
    %get3A_13 = arith.constant 0 : index
    %get3A_14 = arith.constant 0 : index
    %get3A_15 = arith.constant 0 : index
    %get3A_16 = vector.load %arg1[%get3A_13, %get3A_14, %get3A_15] : memref<2x1000x128xf32, #tpu.memory_space<vmem>>, vector<1x1000x128xf32>
    %get3A_17 = vector.shape_cast %get3A_16 : vector<1x1000x128xf32> to vector<1000x128xf32>
    %get3A_18 = arith.constant 1 : index
    %get3A_19 = arith.constant 0 : index
    %get3A_20 = arith.constant 0 : index
    %get3A_21 = vector.load %arg1[%get3A_18, %get3A_19, %get3A_20] : memref<2x1000x128xf32, #tpu.memory_space<vmem>>, vector<1x1000x128xf32>
    %get3A_22 = vector.shape_cast %get3A_21 : vector<1x1000x128xf32> to vector<1000x128xf32>
    %add3A_23 = arith.addf %get3A_17, %get3A_22 : vector<1000x128xf32>
    %mul3A = vector.broadcast %rsqrt3A : vector<1000x1xf32> to vector<1000x128xf32>
    %mul3A_24 = arith.mulf %add3A_23, %mul3A : vector<1000x128xf32>
    %get3A_25 = arith.constant 0 : index
    %get3A_26 = arith.constant 0 : index
    %get3A_27 = vector.load %arg2[%get3A_25, %get3A_26] : memref<1000x128xf32, #tpu.memory_space<vmem>>, vector<1000x128xf32>
    %mul3A_28 = arith.mulf %rsqrt3A, %rsqrt3A : vector<1000x1xf32>
    %mul3A_29 = vector.broadcast %mul3A_28 : vector<1000x1xf32> to vector<1000x128xf32>
    %mul3A_30 = arith.mulf %get3A_27, %mul3A_29 : vector<1000x128xf32>
    %add3A_31 = arith.addf %mul3A_24, %mul3A_30 : vector<1000x128xf32>
    %get3A_32 = arith.constant 0 : index
    %get3A_33 = arith.constant 0 : index
    %get3A_34 = vector.load %arg5[%get3A_32, %get3A_33] : memref<128x128xf32, #tpu.memory_space<vmem>>, vector<128x128xf32>
    %dot_general3A = arith.constant dense<0.000000e+00> : vector<1000x128xf32>
    %dot_general3A_35 = tpu.matmul %add3A_31, %get3A_34, %dot_general3A {dimension_numbers = #tpu.dot_dimension_numbers<[1], [0], [0], [1], [0, 0, 1, 1], [], []>, transpose_lhs_hint = false} : vector<1000x128xf32>, vector<128x128xf32>, vector<1000x128xf32> -> vector<1000x128xf32>
    %get3A_36 = arith.constant 0 : index
    %get3A_37 = arith.constant 0 : index
    %get3A_38 = vector.load %arg4[%get3A_36, %get3A_37] : memref<1x128xf32, #tpu.memory_space<vmem>>, vector<1x128xf32>
    %add3A_39 = vector.broadcast %get3A_38 : vector<1x128xf32> to vector<1000x128xf32>
    %add3A_40 = arith.addf %dot_general3A_35, %add3A_39 : vector<1000x128xf32>
    %max3A = arith.constant 0.000000e+00 : f32
    %max3A_41 = vector.broadcast %max3A : f32 to vector<1000x128xf32>
    %max3A_42 = arith.maximumf %add3A_40, %max3A_41 : vector<1000x128xf32>
    %get3A_43 = arith.constant 0 : index
    %get3A_44 = arith.constant 0 : index
    %get3A_45 = vector.load %arg6[%get3A_43, %get3A_44] : memref<128x128xf32, #tpu.memory_space<vmem>>, vector<128x128xf32>
    %dot_general3A_46 = arith.constant dense<0.000000e+00> : vector<1000x128xf32>
    %dot_general3A_47 = tpu.matmul %max3A_42, %get3A_45, %dot_general3A_46 {dimension_numbers = #tpu.dot_dimension_numbers<[1], [0], [0], [1], [0, 0, 1, 1], [], []>, transpose_lhs_hint = false} : vector<1000x128xf32>, vector<128x128xf32>, vector<1000x128xf32> -> vector<1000x128xf32>
    %swap3A = arith.constant 0 : index
    %swap3A_48 = arith.constant 0 : index
    %swap3A_49 = vector.load %arg7[%swap3A, %swap3A_48] : memref<1000x128xf32, #tpu.memory_space<vmem>>, vector<1000x128xf32>
    tpu.vector_store %arg7[%swap3A, %swap3A_48], %dot_general3A_47 {strides = array<i32>} : memref<1000x128xf32, #tpu.memory_space<vmem>>, vector<1000x128xf32>,
    %mul3A_50 = vector.broadcast %rsqrt3A : vector<1000x1xf32> to vector<1000x128xf32>
    %mul3A_51 = arith.mulf %dot_general3A_47, %mul3A_50 : vector<1000x128xf32>
    %swap3A_52 = arith.constant 0 : index
    %swap3A_53 = arith.constant 0 : index
    %swap3A_54 = vector.load %arg8[%swap3A_52, %swap3A_53] : memref<1000x128xf32, #tpu.memory_space<vmem>>, vector<1000x128xf32>
    tpu.vector_store %arg8[%swap3A_52, %swap3A_53], %mul3A_51 {strides = array<i32>} : memref<1000x128xf32, #tpu.memory_space<vmem>>, vector<1000x128xf32>,
    return
  }
  func.func @transform_0(%arg0: i32) -> (i32, i32, i32) {
    %c0_i32 = arith.constant 0 : i32
    %c0_i32_0 = arith.constant 0 : i32
    %c0_i32_1 = arith.constant 0 : i32
    return %c0_i32, %arg0, %c0_i32_0 : i32, i32, i32
  }
  func.func @transform_1(%arg0: i32) -> (i32, i32) {
    %c0_i32 = arith.constant 0 : i32
    %c0_i32_0 = arith.constant 0 : i32
    return %arg0, %c0_i32 : i32, i32
  }
  func.func @transform_2(%arg0: i32) -> (i32, i32, i32) {
    %c0_i32 = arith.constant 0 : i32
    %c0_i32_0 = arith.constant 0 : i32
    %c0_i32_1 = arith.constant 0 : i32
    return %c0_i32, %arg0, %c0_i32_0 : i32, i32, i32
  }
  func.func @transform_3(%arg0: i32) -> (i32, i32) {
    %c0_i32 = arith.constant 0 : i32
    %c0_i32_0 = arith.constant 0 : i32
    %c0_i32_1 = arith.constant 0 : i32
    return %c0_i32, %c0_i32_0 : i32, i32
  }
  func.func @transform_4(%arg0: i32) -> (i32, i32) {
    %c0_i32 = arith.constant 0 : i32
    %c0_i32_0 = arith.constant 0 : i32
    %c0_i32_1 = arith.constant 0 : i32
    return %c0_i32, %c0_i32_0 : i32, i32
  }
  func.func @transform_5(%arg0: i32) -> (i32, i32) {
    %c0_i32 = arith.constant 0 : i32
    %c0_i32_0 = arith.constant 0 : i32
    %c0_i32_1 = arith.constant 0 : i32
    return %c0_i32, %c0_i32_0 : i32, i32
  }
  func.func @transform_6(%arg0: i32) -> (i32, i32) {
    %c0_i32 = arith.constant 0 : i32
    %c0_i32_0 = arith.constant 0 : i32
    return %arg0, %c0_i32 : i32, i32
  }
  func.func @transform_7(%arg0: i32) -> (i32, i32) {
    %c0_i32 = arith.constant 0 : i32
    %c0_i32_0 = arith.constant 0 : i32
    return %arg0, %c0_i32 : i32, i32
  }
}

module attributes {stable_mosaic.version = 14 : i64} {
  func.func @_tc3_body(%arg0: i32, %arg1: memref<2x1000x128xf32, #tpu.memory_space<vmem>>, %arg2: memref<1000x128xf32, #tpu.memory_space<vmem>>, %arg3: memref<2x1000x16xf32, #tpu.memory_space<vmem>>, %arg4: memref<1x128xf32, #tpu.memory_space<vmem>>, %arg5: memref<128x1xf32, #tpu.memory_space<vmem>>, %arg6: memref<1x1xf32, #tpu.memory_space<vmem>>, %arg7: memref<1000x1xf32, #tpu.memory_space<vmem>>) attributes {dimension_semantics = [#tpu.dimension_semantics<arbitrary>], iteration_bounds = array<i64: 10>, scalar_prefetch = 0 : i64, scratch_operands = 0 : i64, tpu.core_type = #tpu.core_type<tc>, window_params = [{transform_indices = @transform_0, window_bounds = array<i64: 2, 1000, 128>}, {transform_indices = @transform_1, window_bounds = array<i64: 1000, 128>}, {transform_indices = @transform_2, window_bounds = array<i64: 2, 1000, 16>}, {pipeline_mode = #tpu.pipeline_mode<synchronous>, transform_indices = @transform_3, window_bounds = array<i64: 1, 128>}, {pipeline_mode = #tpu.pipeline_mode<synchronous>, transform_indices = @transform_4, window_bounds = array<i64: 128, 1>}, {pipeline_mode = #tpu.pipeline_mode<synchronous>, transform_indices = @transform_5, window_bounds = array<i64: 1, 1>}, {transform_indices = @transform_6, window_bounds = array<i64: 1000, 1>}]} {
    %get3A = arith.constant 0 : index
    %get3A_0 = arith.constant 0 : index
    %get3A_1 = arith.constant 0 : index
    %get3A_2 = vector.load %arg3[%get3A, %get3A_0, %get3A_1] : memref<2x1000x16xf32, #tpu.memory_space<vmem>>, vector<1x1000x16xf32>
    %get3A_3 = vector.shape_cast %get3A_2 : vector<1x1000x16xf32> to vector<1000x16xf32>
    %slice3A = vector.extract_strided_slice %get3A_3 {offsets = [0, 0], sizes = [1000, 1], strides = [1, 1]} : vector<1000x16xf32> to vector<1000x1xf32>
    %get3A_4 = arith.constant 1 : index
    %get3A_5 = arith.constant 0 : index
    %get3A_6 = arith.constant 0 : index
    %get3A_7 = vector.load %arg3[%get3A_4, %get3A_5, %get3A_6] : memref<2x1000x16xf32, #tpu.memory_space<vmem>>, vector<1x1000x16xf32>
    %get3A_8 = vector.shape_cast %get3A_7 : vector<1x1000x16xf32> to vector<1000x16xf32>
    %slice3A_9 = vector.extract_strided_slice %get3A_8 {offsets = [0, 0], sizes = [1000, 1], strides = [1, 1]} : vector<1000x16xf32> to vector<1000x1xf32>
    %add3A = arith.addf %slice3A, %slice3A_9 : vector<1000x1xf32>
    %add3A_10 = arith.constant 1.000000e+00 : f32
    %add3A_11 = vector.broadcast %add3A_10 : f32 to vector<1000x1xf32>
    %add3A_12 = arith.addf %add3A, %add3A_11 : vector<1000x1xf32>
    %rsqrt3A = math.rsqrt %add3A_12 : vector<1000x1xf32>
    %get3A_13 = arith.constant 0 : index
    %get3A_14 = arith.constant 0 : index
    %get3A_15 = arith.constant 0 : index
    %get3A_16 = vector.load %arg1[%get3A_13, %get3A_14, %get3A_15] : memref<2x1000x128xf32, #tpu.memory_space<vmem>>, vector<1x1000x128xf32>
    %get3A_17 = vector.shape_cast %get3A_16 : vector<1x1000x128xf32> to vector<1000x128xf32>
    %get3A_18 = arith.constant 1 : index
    %get3A_19 = arith.constant 0 : index
    %get3A_20 = arith.constant 0 : index
    %get3A_21 = vector.load %arg1[%get3A_18, %get3A_19, %get3A_20] : memref<2x1000x128xf32, #tpu.memory_space<vmem>>, vector<1x1000x128xf32>
    %get3A_22 = vector.shape_cast %get3A_21 : vector<1x1000x128xf32> to vector<1000x128xf32>
    %add3A_23 = arith.addf %get3A_17, %get3A_22 : vector<1000x128xf32>
    %mul3A = vector.broadcast %rsqrt3A : vector<1000x1xf32> to vector<1000x128xf32>
    %mul3A_24 = arith.mulf %add3A_23, %mul3A : vector<1000x128xf32>
    %get3A_25 = arith.constant 0 : index
    %get3A_26 = arith.constant 0 : index
    %get3A_27 = vector.load %arg2[%get3A_25, %get3A_26] : memref<1000x128xf32, #tpu.memory_space<vmem>>, vector<1000x128xf32>
    %mul3A_28 = arith.mulf %rsqrt3A, %rsqrt3A : vector<1000x1xf32>
    %mul3A_29 = vector.broadcast %mul3A_28 : vector<1000x1xf32> to vector<1000x128xf32>
    %mul3A_30 = arith.mulf %get3A_27, %mul3A_29 : vector<1000x128xf32>
    %add3A_31 = arith.addf %mul3A_24, %mul3A_30 : vector<1000x128xf32>
    %get3A_32 = arith.constant 0 : index
    %get3A_33 = arith.constant 0 : index
    %get3A_34 = vector.load %arg4[%get3A_32, %get3A_33] : memref<1x128xf32, #tpu.memory_space<vmem>>, vector<1x128xf32>
    %add3A_35 = vector.broadcast %get3A_34 : vector<1x128xf32> to vector<1000x128xf32>
    %add3A_36 = arith.addf %add3A_31, %add3A_35 : vector<1000x128xf32>
    %get3A_37 = arith.constant 0 : index
    %get3A_38 = arith.constant 0 : index
    %get3A_39 = vector.load %arg5[%get3A_37, %get3A_38] : memref<128x1xf32, #tpu.memory_space<vmem>>, vector<128x1xf32>
    %dot_general3A = arith.constant dense<0.000000e+00> : vector<1000x1xf32>
    %dot_general3A_40 = tpu.matmul %add3A_36, %get3A_39, %dot_general3A {dimension_numbers = #tpu.dot_dimension_numbers<[1], [0], [0], [1], [0, 0, 1, 1], [], []>, transpose_lhs_hint = false} : vector<1000x128xf32>, vector<128x1xf32>, vector<1000x1xf32> -> vector<1000x1xf32>
    %get3A_41 = arith.constant 0 : index
    %get3A_42 = arith.constant 0 : index
    %get3A_43 = vector.load %arg6[%get3A_41, %get3A_42] : memref<1x1xf32, #tpu.memory_space<vmem>>, vector<1x1xf32>
    %add3A_44 = vector.broadcast %get3A_43 : vector<1x1xf32> to vector<1000x1xf32>
    %add3A_45 = arith.addf %dot_general3A_40, %add3A_44 : vector<1000x1xf32>
    %swap3A = arith.constant 0 : index
    %swap3A_46 = arith.constant 0 : index
    %swap3A_47 = vector.load %arg7[%swap3A, %swap3A_46] : memref<1000x1xf32, #tpu.memory_space<vmem>>, vector<1000x1xf32>
    tpu.vector_store %arg7[%swap3A, %swap3A_46], %add3A_45 {strides = array<i32>} : memref<1000x1xf32, #tpu.memory_space<vmem>>, vector<1000x1xf32>,
    return
  }
  func.func @transform_0(%arg0: i32) -> (i32, i32, i32) {
    %c0_i32 = arith.constant 0 : i32
    %c0_i32_0 = arith.constant 0 : i32
    %c0_i32_1 = arith.constant 0 : i32
    return %c0_i32, %arg0, %c0_i32_0 : i32, i32, i32
  }
  func.func @transform_1(%arg0: i32) -> (i32, i32) {
    %c0_i32 = arith.constant 0 : i32
    %c0_i32_0 = arith.constant 0 : i32
    return %arg0, %c0_i32 : i32, i32
  }
  func.func @transform_2(%arg0: i32) -> (i32, i32, i32) {
    %c0_i32 = arith.constant 0 : i32
    %c0_i32_0 = arith.constant 0 : i32
    %c0_i32_1 = arith.constant 0 : i32
    return %c0_i32, %arg0, %c0_i32_0 : i32, i32, i32
  }
  func.func @transform_3(%arg0: i32) -> (i32, i32) {
    %c0_i32 = arith.constant 0 : i32
    %c0_i32_0 = arith.constant 0 : i32
    %c0_i32_1 = arith.constant 0 : i32
    return %c0_i32, %c0_i32_0 : i32, i32
  }
  func.func @transform_4(%arg0: i32) -> (i32, i32) {
    %c0_i32 = arith.constant 0 : i32
    %c0_i32_0 = arith.constant 0 : i32
    %c0_i32_1 = arith.constant 0 : i32
    return %c0_i32, %c0_i32_0 : i32, i32
  }
  func.func @transform_5(%arg0: i32) -> (i32, i32) {
    %c0_i32 = arith.constant 0 : i32
    %c0_i32_0 = arith.constant 0 : i32
    %c0_i32_1 = arith.constant 0 : i32
    return %c0_i32, %c0_i32_0 : i32, i32
  }
  func.func @transform_6(%arg0: i32) -> (i32, i32) {
    %c0_i32 = arith.constant 0 : i32
    %c0_i32_0 = arith.constant 0 : i32
    return %arg0, %c0_i32 : i32, i32
  }
}

</mosaic_0001>

<sc_bundles>
// kernel: kernel.11.cloned.1.call-start
scs
__scs_entry_jumppad:
0x0: {  	(pc) =	sbr.rel $0x88, $3  }
0x1: {  	(tag) =	ssettag $0x0;
	lr =	simm.s32 $0x1  }
0x2: {  	[smem:$0x3F99] =	sst lr;
	_ =	strace $0xD0000000  }
0x3: {  	_ = 	snop  }
0x4: {  	_ = 	snop  }
0x5: {  	_ = 	snop  }
0x6: {  	_ = 	snop  }
0x7: {  	_ = 	snop  }
__scs_overlays_trampoline_lowered:
0x8: {  	[smem:$0x3FA8] =	sst s0  }
0x9: {  	[smem:$0x3FA9] =	sst s1  }
0xa: {  	[smem:$0x3FAA] =	sst s2  }
0xb: {  	[smem:$0x3FAB] =	sst s3  }
0xc: {  	[smem:$0x3FAC] =	sst s4  }
0xd: {  	[smem:$0x3FAD] =	sst s5  }
0xe: {  	[smem:$0x3FAE] =	sst s6  }
0xf: {  	[smem:$0x3FAF] =	sst s7  }
0x10: {  	[smem:$0x3FB0] =	sst s8  }
0x11: {  	[smem:$0x3FB1] =	sst s9;
	s0 =	simm.s32 @!p0 $0x0  }
0x12: {  	s1 =	sld [smem:$0x3F97];
	s0 =	simm.s32 @p0 $0x1  }
0x13: {  	[smem:$0x3FB2] =	sst s0;
	s0 =	simm.s32 @!p1 $0x0  }
0x14: {  	s2 =	sld [smem:$0x3F96];
	s0 =	simm.s32 @p1 $0x1  }
0x15: {  	[smem:$0x3FB3] =	sst s0;
	s0 =	simm.s32 @!p2 $0x0  }
0x16: {  	s3 =	sld [smem:$0x3FDB];
	s0 =	simm.s32 @p2 $0x1  }
0x17: {  	s4 =	simm.s32 $0x1BF5;
	[smem:$0x3FB5] =	sst s0  }
0x18: {  	s0 =	sld [smem:$0x3F98];
	_ =	swait.ge [sflag:s4], $0x0  }
0x19: {  	s7 =	sld [smem:$0x3F99]  }
0x1a: {  	s8 =	sadd.s32 $0xFFFFE003, lr  }
0x1b: {  	s9 =	sadd.s32 $0xFFFFFEF7, lr;
	s5 =	simm.s32 $0xFFFFFFFF;
	p2 =	slt.u32 s8, $0xFFFFF086  }
0x1c: {  	p1 =	slt.u32 s9, $0xF7A;
	s5 =	simm.s32 @!p2 $0x0  }
0x1d: {  	s5 =	simm.s32 @p1 $0x1;
	p0 =	seq.s32 s7, s2  }
0x1e: {  	s7 =	smul.u32 @!p0 $0xF7A, s2;
	p2 =	seq.s32 @!p0 s5, $0x0  }
0x1f: {  	s9 =	smul.u32 $0xF7A, s1;
	s8 =	simm.s32 @!p0 $0x1BF5;
	p2 =	por !p2, p0  }
0x20: {  	[sflag:s8] =	ssyncset.s32 @!p0 $0xFFFFF086;
	s6 =	sadd.s32 @!p0 s3, s7;
	s7 =	simm.s32 @!p0 $0x108  }
0x21: {  	s3 =	sadd.s32 s3, s9;
	s6 =	sadd.s32 @!p0 $0x88, s6;
	s7 =	simm.s32 @p2 $0x1082  }
0x22: {  	[simem:s7], [sflag:s8] =	dma.local @!p0 [hbm:s6], $0xF7A  }
0x23: {  	s9 =	sor.u32 $0xD0000000, s2;
	s6 =	simm.s32 $0x108;
	_ =	swait.ge @!p0 [sflag:s8], $0x0  }
0x24: {  	s3 =	sadd.s32 $0x88, s3;
	s6 =	simm.s32 @!p1 $0x1082;
	[sflag:s4] =	ssyncset.s32 $0xFFFFF086  }
0x25: {  	[simem:s6], [sflag:s4] =	dma.local [hbm:s3], $0xF7A  }
0x26: {  	[smem:$0x3F99] =	sst s1;
	(tag) =	ssettag s2;
	_ =	strace s9  }
0x27: {  	s1 =	sld [smem:$0x3FA9]  }
0x28: {  	s2 =	sld [smem:$0x3FAA]  }
0x29: {  	s4 =	sld [smem:$0x3FAC]  }
0x2a: {  	p0 =	seq.s32 s5, $0x0;
	s5 =	sld [smem:$0x3FAD]  }
0x2b: {  	s6 =	sld [smem:$0x3FAE]  }
0x2c: {  	s7 =	sld [smem:$0x3FAF]  }
0x2d: {  	s3 =	simm.s32 $0x108;
	s8 =	sld [smem:$0x3FB0]  }
0x2e: {  	s3 =	simm.s32 @!p0 $0x1082;
	s9 =	sld [smem:$0x3FB1]  }
0x2f: {  	lr =	sadd.s32 s0, s3;
	s0 =	sld [smem:$0x3FA8]  }
0x30: {  	s3 =	sld [smem:$0x3FAB]  }
0x31: {  	[smem:$0x3FB4] =	sst s10  }
0x32: {  	s10 =	sld [smem:$0x3FB2];
	_ =	sdelay $0x3  }
0x33: {  	p0 =	seq.s32 s10, $0x1;
	s10 =	sld [smem:$0x3FB4];
	_ =	sdelay $0x3  }
0x34: {  	[smem:$0x3FB4] =	sst s10  }
0x35: {  	s10 =	sld [smem:$0x3FB3];
	_ =	sdelay $0x3  }
0x36: {  	p1 =	seq.s32 s10, $0x1;
	s10 =	sld [smem:$0x3FB4];
	_ =	sdelay $0x3  }
0x37: {  	[smem:$0x3FB4] =	sst s10  }
0x38: {  	s10 =	sld [smem:$0x3FB5]  }
0x39: {  	_ = 	snop;
	(pc) =	sbr.ind lr, $3  }
0x3a: {  	_ = 	snop  }
0x3b: {  	_ = 	snop  }
0x3c: {  	p2 =	seq.s32 s10, $0x1;
	s10 =	sld [smem:$0x3FB4]  }
0x3d: {  	_ =	shalt  }
0x3e: {  	_ =	shalt  }
0x3f: {  	_ =	shalt  }
0x40: {  	_ =	shalt  }
0x41: {  	_ =	shalt  }
0x42: {  	_ =	shalt  }
0x43: {  	_ =	shalt  }
0x44: {  	_ =	shalt  }
0x45: {  	_ =	shalt  }
0x46: {  	_ =	shalt  }
0x47: {  	_ =	shalt  }
0x48: {  	_ =	shalt  }
0x49: {  	_ =	shalt  }
0x4a: {  	_ =	shalt  }
0x4b: {  	_ =	shalt  }
0x4c: {  	_ =	shalt  }
0x4d: {  	_ =	shalt  }
0x4e: {  	_ =	shalt  }
0x4f: {  	_ =	shalt  }
0x50: {  	_ =	shalt  }
0x51: {  	_ =	shalt  }
0x52: {  	_ =	shalt  }
0x53: {  	_ =	shalt  }
0x54: {  	_ =	shalt  }
0x55: {  	_ =	shalt  }
0x56: {  	_ =	shalt  }
0x57: {  	_ =	shalt  }
0x58: {  	_ =	shalt  }
0x59: {  	_ =	shalt  }
0x5a: {  	_ =	shalt  }
0x5b: {  	_ =	shalt  }
0x5c: {  	_ =	shalt  }
0x5d: {  	_ =	shalt  }
0x5e: {  	_ =	shalt  }
0x5f: {  	_ =	shalt  }
0x60: {  	_ =	shalt  }
0x61: {  	_ =	shalt  }
0x62: {  	_ =	shalt  }
0x63: {  	_ =	shalt  }
0x64: {  	_ =	shalt  }
0x65: {  	_ =	shalt  }
0x66: {  	_ =	shalt  }
0x67: {  	_ =	shalt  }
0x68: {  	_ =	shalt  }
0x69: {  	_ =	shalt  }
0x6a: {  	_ =	shalt  }
0x6b: {  	_ =	shalt  }
0x6c: {  	_ =	shalt  }
0x6d: {  	_ =	shalt  }
0x6e: {  	_ =	shalt  }
0x6f: {  	_ =	shalt  }
0x70: {  	_ =	shalt  }
0x71: {  	_ =	shalt  }
0x72: {  	_ =	shalt  }
0x73: {  	_ =	shalt  }
0x74: {  	_ =	shalt  }
0x75: {  	_ =	shalt  }
0x76: {  	_ =	shalt  }
0x77: {  	_ =	shalt  }
0x78: {  	_ =	shalt  }
0x79: {  	_ =	shalt  }
0x7a: {  	_ =	shalt  }
0x7b: {  	_ =	shalt  }
0x7c: {  	_ =	shalt  }
0x7d: {  	_ =	shalt  }
0x7e: {  	_ =	shalt  }
0x7f: {  	_ =	shalt  }
0x80: {  	_ =	shalt  }
0x81: {  	_ =	shalt  }
0x82: {  	_ =	shalt  }
0x83: {  	_ =	shalt  }
0x84: {  	_ =	shalt  }
0x85: {  	_ =	shalt  }
0x86: {  	_ =	shalt  }
0x87: {  	_ =	shalt  }
.Lfunc_end0:
.L_simem_size_0:
called_computation.1_lowered:
.L_overlay_start_0:
0x88: {  	s2 =	sld [smem:$0x3FD9]  }
0x89: {  	s3 =	sld [smem:$0x3FFE];
	_ =	sdelay $0x1  }
0x8a: {  	s1 =	srdreg.scid  }
0x8b: {  	s0 =	sand.u32 $0x1, s1  }
0x8c: {  	s16 =	sshll.u32 s0, $0xA;
	s2 =	sadd.s32 s3, s2  }
0x8d: {  	s2 =	sadd.s32 s2, s16  }
0x8e: {  	[smem:$0x3FC0] =	sst s2  }
0x8f: {  	_ = 	snop  }
0x90: {  	(tm) =	ssettm $0x1  }
0x91: {  	s17 =	sld [smem:$0x3FFB];
	_ =	sdelay $0x3  }
0x92: {  	_ =	strace s17  }
0x93: {  	s2 =	sld [smem:$0x3FFC];
	_ =	sdelay $0x3  }
0x94: {  	_ =	strace s2  }
0x95: {  	s2 =	sld [smem:$0x3FFD];
	_ =	sdelay $0x3  }
0x96: {  	_ =	strace s2  }
0x97: {  	_ =	strace $0x8FFFFFFF  }
0x98: {  	s18 =	sld [smem:$0x3FDB];
	_ =	sdelay $0x1  }
0x99: {  	s19 =	simm.s32 $_scs_section_size  }
0x9a: {  	s4 =	simm.s32 $_size__tile_overlayer_lowered;
	s5 =	simm.s32 $_tile_overlayer_lowered  }
0x9b: {  	s22 =	simm.s32 $0x1BFF;
	s21 =	sshll.u32 s5, $0x1;
	s2 =	sadd.s32 s19, s18  }
0x9c: {  	s6 =	simm.s32 $0x0;
	s20 =	sshll.u32 s4, $0x1;
	s4 =	sadd.s32 s21, s2  }
0x9d: {  	[timem:s6], [sflag:s22] =	dma.local [hbm:s4], s20  }
0x9e: {  	_ =	swait.ge [sflag:s22], s20  }
0x9f: {  	s3 =	ssub.s32 $0x0, s20;
	[sflag:s22] =	ssyncset.done $0x0  }
0xa0: {  	[sflag:s22] =	ssyncadd.s32 s3;
	_ =	sdelay $0x1  }
0xa1: {  	s23 =	simm.s32 $0x1B8B  }
0xa2: {  	_ =	swait.ge [sflag:s23], $0x1  }
0xa3: {  	[sflag:s23] =	ssyncset.done $0x0  }
0xa4: {  	s25 =	simm.s32 $0x1B8E;
	s24 =	sld [smem:$0x3FFE];
	[sflag:s23] =	ssyncadd.s32 $0xFFFFFFFF  }
0xa5: {  	s26 =	simm.s32 $execute0_lowered;
	[smem:$0x3FD2] =	sst s25  }
0xa6: {  	s4 =	sshll.u32 s26, $0x1;
	_ =	strace $0x80000049;
	[dreg:$0x1] =	wrdreg $0xFFFFFFFF  }
0xa7: {  	s28 =	simm.s32 $_size_execute0_lowered;
	s2 =	sadd.s32 s2, s4;
	[dreg:$0x0] =	wrdreg $0x0  }
0xa8: {  	s4 =	sshll.u32 s28, $0x1;
	[dreg:$0x2] =	wrdreg s2  }
0xa9: {  	[dreg:$0x3] =	wrdreg s4  }
0xaa: {  	[dreg:$0x4] =	wrdreg $0xC0  }
0xab: {  	_ =	task [dreg:s6], $0x5FFFF  }
0xac: {  	[dreg:$0x1] =	wrdreg $0xFFFFFFFF  }
0xad: {  	[dreg:$0x0] =	wrdreg $0x60  }
0xae: {  	[dreg:$0x2] =	wrdreg s24  }
0xaf: {  	[dreg:$0x3] =	wrdreg $0xB0000  }
0xb0: {  	[dreg:$0x4] =	wrdreg $0x9  }
0xb1: {  	_ =	task.clear_ibuf [dreg:s6], $0x5FFFF;
	_ =	strace $0x90000049  }
0xb2: {  	s29 =	simm.s32 $0x9;
	_ =	strace $0x8000004B  }
0xb3: {  	_ =	swait.ge [sflag:s29], $0x1  }
0xb4: {  	[sflag:s29] =	ssyncadd.s32 $0xFFFFFFFF  }
0xb5: {  	_ =	strace $0x9000004B  }
0xb6: {  	_ =	sfence  }
0xb7: {  	s30 =	sld [smem:$0x0];
	_ =	sdelay $0x2  }
0xb8: {  	s31 =	sshll.u32 s1, $0xD;
	s1 =	sshrl.u32 s1, $0x2  }
0xb9: {  	s3 =	sand.u32 $0x4000, s31;
	s1 =	sadd.s32 s1, s30  }
0xba: {  	s0 =	sor.u32 s3, s0;
	s1 =	sshll.u32 s1, $0x11  }
0xbb: {  	s0 =	sor.u32 s1, s0  }
0xbc: {  	s0 =	sadd.s32 $0x8F2B, s0  }
0xbd: {  	[sflag:s0] =	ssyncadd.remote.s32 $0x1  }
0xbe: {  	_ =	sfence.sel $0xFFFF  }
0xbf: {  	[dreg:$0x0] =	wrdreg $0xFFFFFFFF;
	(pc) =	sbr.abs _section_cstart, $3  }
0xc0: {  	[dreg:$0x1] =	wrdreg $0xFFFFFFFF  }
0xc1: {  	_ =	task.clear_ibuf [dreg:s6], $0x2FFFF;
	_ =	strace $0x9FFFFFFF  }
0xc2: {  	(tm) =	ssettm $0x7FFFFFFF  }
0xc3: {  	_ =	shalt  }
tec
execute0_lowered:
.L_overlay_start_1:
0x0: {  	(tag) =	ssettag $0x1  }
0x1: {  	s1 =	srdreg.scid;
	s0 =	rddreg [dreg:$0x0]  }
0x2: {  	s9 =	stileid.u32;
	s6 =	simm.s32 $0x0;
	s5 =	sand.u32 $0x1, s1  }
0x3: {  	s1 =	rddreg [dreg:$0x1];
	s14 =	smul.u32 $0x14000, s9;
	s3 =	sshll.u32 s5, $0x4  }
0x4: {  	[smem:$0x7FF] =	sst s6;
	s8 =	smul.u32 $0x140000, s5;
	s3 =	sor.u32 s9, s3  }
0x5: {  	[dreg:$0x10] =	wrdreg s5;
	s3 =	smul.u32 $0x3000, s3  }
0x6: {  	s4 =	sadd.s32 $0x90000, s0;
	s7 =	sadd.s32 $0x9C000, s0;
	_ =	strace $0x8000004A  }
0x7: {  	[dreg:$0x3] =	wrdreg s7;
	s7 =	sadd.s32 s14, s8;
	s3 =	sshrl.u32 s3, $0x3  }
0x8: {  	s2 =	sadd.s32 $0x84000, s0;
	s7 =	sshrl.u32 s7, $0x3;
	s15 =	sadd.s32 s4, s3  }
0x9: {  	s7 =	sadd.s32 s7, s0;
	s16 =	sadd.s32 s2, s3;
	[dreg:$0x4] =	wrdreg s15  }
0xa: {  	s11 =	sor.u32 $0x180, s3;
	s24 =	sadd.s32 $0xC4000, s7;
	[dreg:$0x5] =	wrdreg s16  }
0xb: {  	s17 =	sadd.s32 s4, s11;
	[dreg:$0xc] =	wrdreg s24  }
0xc: {  	s19 =	sadd.s32 $0x300, s3;
	s18 =	sadd.s32 s2, s11;
	[dreg:$0x6] =	wrdreg s17  }
0xd: {  	s22 =	stileid.u32;
	s20 =	sadd.s32 s4, s19;
	[dreg:$0x7] =	wrdreg s18  }
0xe: {  	s3 =	sadd.s32 $0x480, s3;
	s21 =	sadd.s32 s2, s19;
	[dreg:$0x8] =	wrdreg s20  }
0xf: {  	s23 =	smul.u32 $0x50000, s22;
	s4 =	sadd.s32 s4, s3;
	[dreg:$0x9] =	wrdreg s21  }
0x10: {  	s3 =	sadd.s32 s2, s3;
	[dreg:$0xa] =	wrdreg s4  }
0x11: {  	p0 =	sne.s32 s22, $0x0;
	s25 =	sshrl.u32 s23, $0x2;
	[dreg:$0xb] =	wrdreg s3  }
0x12: {  	s3 =	sadd.s32 s25, s1;
	s4 =	sshrl.u32 @!p0 s1, $0x3;
	s26 =	rddreg [dreg:$0x4]  }
0x13: {  	[dreg:$0xd] =	wrdreg s4;
	s28 =	sshrl.u32 s3, $0x3  }
0x14: {  	[tilespmem:s6], [sflag:$0x6] =	stream.linear.gather [hbm4b:s26+s6], $0xA00, $0x38;
	[tilespmem:$0x1F000] =	vst v63  }
0x15: {  	s2 =	simm.s32 $0x6;
	[dreg:$0xe] =	wrdreg s28  }
0x16: {  	_ =	swait.ge [sflag:s2], $0xA00  }
0x17: {  	[sflag:s2] =	ssyncset.done $0x0  }
0x18: {  	s12 =	simm.s32 $0x1800;
	s29 =	rddreg [dreg:$0x5];
	[sflag:s2] =	ssyncadd.s32 $0xFFFFF600  }
0x19: {  	[tilespmem:s12], [sflag:$0x6] =	stream.linear.gather [hbm4b:s29+s6], $0xA00, $0x38;
	[tilespmem:$0x1F000] =	vst v63  }
0x1a: {  	_ =	swait.ge [sflag:s2], $0xA00  }
0x1b: {  	s5 =	simm.s32 @!p0 $0x1C06;
	s7 =	rddreg [dreg:$0x3];
	[sflag:s2] =	ssyncset.done $0x0  }
0x1c: {  	s3 =	simm.s32 @!p0 $0x6;
	s8 =	rddreg [dreg:$0xd];
	[sflag:s2] =	ssyncadd.s32 $0xFFFFF600  }
0x1d: {  	[spmem:s8], [sflag:s5] =	dma.local @!p0 [hbm:s7], $0x28000  }
0x1e: {  	_ =	swait.ge @!p0 [sflag:s3], $0x28000  }
0x1f: {  	[sflag:s3] =	ssyncset.done @!p0 $0x0  }
0x20: {  	s9 =	simm.s32 $0x3000;
	[sflag:s3] =	ssyncadd.s32 @!p0 $0xFFFD8000  }
0x21: {  	s7 =	sadd.s32 $0x2000, s0;
	s8 =	simm.s32 $0x7D;
	[bflag:$0x0] =	sbarrier.arrive $0xFFFF  }
0x22: {  	[tilespmem:s9], [sflag:$0x1] =	stream.indirect.gather [hbm4b:s7+s8], $0x80, s6, s8, $0xb8;
	[tilespmem:$0x1F000] =	vst v63  }
0x23: {  	s11 =	simm.s32 $0x7000;
	s5 =	simm.s32 $0x80  }
0x24: {  	[tilespmem:s11], [sflag:$0x2] =	stream.indirect.gather [hbm4b:s7+s8], $0x80, s5, s8, $0xb8;
	[tilespmem:$0x1F000] =	vst v63  }
0x25: {  	s18 =	simm.s32 $0xC00;
	s30 =	rddreg [dreg:$0x6]  }
0x26: {  	[tilespmem:s18], [sflag:$0x5] =	stream.linear.gather [hbm4b:s30+s6], $0xA00, $0x38;
	[tilespmem:$0x1F000] =	vst v63  }
0x27: {  	s14 =	simm.s32 $0x1;
	s24 =	simm.s32 $0x2400;
	s15 =	rddreg [dreg:$0x7]  }
0x28: {  	[tilespmem:s24], [sflag:$0x5] =	stream.linear.gather [hbm4b:s15+s6], $0xA00, $0x38;
	[tilespmem:$0x1F000] =	vst v63  }
0x29: {  	_ =	swait.ge [sflag:s14], $0x3E80  }
0x2a: {  	[sflag:s14] =	ssyncset.done $0x0  }
0x2b: {  	s15 =	simm.s32 $0x2;
	[sflag:s14] =	ssyncadd.s32 $0xFFFFC180  }
0x2c: {  	[spmem:s1] =	stream.indirect.scatter.add.f32 [tilespmem:s9], [sflag:$0x3], $0x80, s12, s8, $0xb8;
	[tilespmem:$0x1F000] =	vst v63  }
0x2d: {  	_ =	swait.ge [sflag:s15], $0x3E80  }
0x2e: {  	[sflag:s15] =	ssyncset.done $0x0  }
0x2f: {  	s31 =	simm.s32 $0x1880;
	s17 =	simm.s32 $0x3;
	[sflag:s15] =	ssyncadd.s32 $0xFFFFC180  }
0x30: {  	[spmem:s1] =	stream.indirect.scatter.add.f32 [tilespmem:s11], [sflag:$0x4], $0x80, s31, s8, $0xb8;
	[tilespmem:$0x1F000] =	vst v63  }
0x31: {  	_ =	swait.ge [sflag:s17], $0x3E80  }
0x32: {  	[sflag:s17] =	ssyncset.done $0x0  }
0x33: {  	s19 =	simm.s32 $0x4;
	s3 =	simm.s32 $0x100;
	[sflag:s17] =	ssyncadd.s32 $0xFFFFC180  }
0x34: {  	[tilespmem:s9], [sflag:$0x1] =	stream.indirect.gather [hbm4b:s7+s8], $0x80, s3, s8, $0xb8;
	[tilespmem:$0x1F000] =	vst v63  }
0x35: {  	_ =	swait.ge [sflag:s19], $0x3E80  }
0x36: {  	[sflag:s19] =	ssyncset.done $0x0  }
0x37: {  	s4 =	simm.s32 $0x180;
	[sflag:s19] =	ssyncadd.s32 $0xFFFFC180  }
0x38: {  	[tilespmem:s11], [sflag:$0x2] =	stream.indirect.gather [hbm4b:s7+s8], $0x80, s4, s8, $0xb8;
	[tilespmem:$0x1F000] =	vst v63  }
0x39: {  	_ =	swait.ge [sflag:s14], $0x3E80  }
0x3a: {  	[sflag:s14] =	ssyncset.done $0x0  }
0x3b: {  	s10 =	simm.s32 $0x1900;
	[sflag:s14] =	ssyncadd.s32 $0xFFFFC180  }
0x3c: {  	[spmem:s1] =	stream.indirect.scatter.add.f32 [tilespmem:s9], [sflag:$0x3], $0x80, s10, s8, $0xb8;
	[tilespmem:$0x1F000] =	vst v63  }
0x3d: {  	_ =	swait.ge [sflag:s15], $0x3E80  }
0x3e: {  	[sflag:s15] =	ssyncset.done $0x0  }
0x3f: {  	s13 =	simm.s32 $0x1980;
	[sflag:s15] =	ssyncadd.s32 $0xFFFFC180  }
0x40: {  	[spmem:s1] =	stream.indirect.scatter.add.f32 [tilespmem:s11], [sflag:$0x4], $0x80, s13, s8, $0xb8;
	[tilespmem:$0x1F000] =	vst v63  }
0x41: {  	_ =	swait.ge [sflag:s17], $0x3E80  }
0x42: {  	[sflag:s17] =	ssyncset.done $0x0  }
0x43: {  	s16 =	simm.s32 $0x200;
	[sflag:s17] =	ssyncadd.s32 $0xFFFFC180  }
0x44: {  	[tilespmem:s9], [sflag:$0x1] =	stream.indirect.gather [hbm4b:s7+s8], $0x80, s16, s8, $0xb8;
	[tilespmem:$0x1F000] =	vst v63  }
0x45: {  	_ =	swait.ge [sflag:s19], $0x3E80  }
0x46: {  	[sflag:s19] =	ssyncset.done $0x0  }
0x47: {  	s20 =	simm.s32 $0x280;
	[sflag:s19] =	ssyncadd.s32 $0xFFFFC180  }
0x48: {  	[tilespmem:s11], [sflag:$0x2] =	stream.indirect.gather [hbm4b:s7+s8], $0x80, s20, s8, $0xb8;
	[tilespmem:$0x1F000] =	vst v63  }
0x49: {  	_ =	swait.ge [sflag:s14], $0x3E80  }
0x4a: {  	[sflag:s14] =	ssyncset.done $0x0  }
0x4b: {  	s21 =	simm.s32 $0x1A00;
	[sflag:s14] =	ssyncadd.s32 $0xFFFFC180  }
0x4c: {  	[spmem:s1] =	stream.indirect.scatter.add.f32 [tilespmem:s9], [sflag:$0x3], $0x80, s21, s8, $0xb8;
	[tilespmem:$0x1F000] =	vst v63  }
0x4d: {  	_ =	swait.ge [sflag:s15], $0x3E80  }
0x4e: {  	[sflag:s15] =	ssyncset.done $0x0  }
0x4f: {  	s22 =	simm.s32 $0x1A80;
	[sflag:s15] =	ssyncadd.s32 $0xFFFFC180  }
0x50: {  	[spmem:s1] =	stream.indirect.scatter.add.f32 [tilespmem:s11], [sflag:$0x4], $0x80, s22, s8, $0xb8;
	[tilespmem:$0x1F000] =	vst v63  }
0x51: {  	_ =	swait.ge [sflag:s17], $0x3E80  }
0x52: {  	[sflag:s17] =	ssyncset.done $0x0  }
0x53: {  	s23 =	simm.s32 $0x300;
	[sflag:s17] =	ssyncadd.s32 $0xFFFFC180  }
0x54: {  	[tilespmem:s9], [sflag:$0x1] =	stream.indirect.gather [hbm4b:s7+s8], $0x80, s23, s8, $0xb8;
	[tilespmem:$0x1F000] =	vst v63  }
0x55: {  	_ =	swait.ge [sflag:s19], $0x3E80  }
0x56: {  	[sflag:s19] =	ssyncset.done $0x0  }
0x57: {  	s25 =	simm.s32 $0x380;
	[sflag:s19] =	ssyncadd.s32 $0xFFFFC180  }
0x58: {  	[tilespmem:s11], [sflag:$0x2] =	stream.indirect.gather [hbm4b:s7+s8], $0x80, s25, s8, $0xb8;
	[tilespmem:$0x1F000] =	vst v63  }
0x59: {  	_ =	swait.ge [sflag:s14], $0x3E80  }
0x5a: {  	[sflag:s14] =	ssyncset.done $0x0  }
0x5b: {  	s26 =	simm.s32 $0x1B00;
	[sflag:s14] =	ssyncadd.s32 $0xFFFFC180  }
0x5c: {  	[spmem:s1] =	stream.indirect.scatter.add.f32 [tilespmem:s9], [sflag:$0x3], $0x80, s26, s8, $0xb8;
	[tilespmem:$0x1F000] =	vst v63  }
0x5d: {  	_ =	swait.ge [sflag:s15], $0x3E80  }
0x5e: {  	[sflag:s15] =	ssyncset.done $0x0  }
0x5f: {  	s28 =	simm.s32 $0x1B80;
	[sflag:s15] =	ssyncadd.s32 $0xFFFFC180  }
0x60: {  	[spmem:s1] =	stream.indirect.scatter.add.f32 [tilespmem:s11], [sflag:$0x4], $0x80, s28, s8, $0xb8;
	[tilespmem:$0x1F000] =	vst v63  }
0x61: {  	_ =	swait.ge [sflag:s17], $0x3E80  }
0x62: {  	[sflag:s17] =	ssyncset.done $0x0  }
0x63: {  	s29 =	simm.s32 $0x400;
	[sflag:s17] =	ssyncadd.s32 $0xFFFFC180  }
0x64: {  	[tilespmem:s9], [sflag:$0x1] =	stream.indirect.gather [hbm4b:s7+s8], $0x80, s29, s8, $0xb8;
	[tilespmem:$0x1F000] =	vst v63  }
0x65: {  	_ =	swait.ge [sflag:s19], $0x3E80  }
0x66: {  	[sflag:s19] =	ssyncset.done $0x0  }
0x67: {  	s30 =	simm.s32 $0x480;
	[sflag:s19] =	ssyncadd.s32 $0xFFFFC180  }
0x68: {  	[tilespmem:s11], [sflag:$0x2] =	stream.indirect.gather [hbm4b:s7+s8], $0x80, s30, s8, $0xb8;
	[tilespmem:$0x1F000] =	vst v63  }
0x69: {  	_ =	swait.ge [sflag:s14], $0x3E80  }
0x6a: {  	[sflag:s14] =	ssyncset.done $0x0  }
0x6b: {  	s31 =	simm.s32 $0x1C00;
	[sflag:s14] =	ssyncadd.s32 $0xFFFFC180  }
0x6c: {  	[spmem:s1] =	stream.indirect.scatter.add.f32 [tilespmem:s9], [sflag:$0x3], $0x80, s31, s8, $0xb8;
	[tilespmem:$0x1F000] =	vst v63  }
0x6d: {  	_ =	swait.ge [sflag:s15], $0x3E80  }
0x6e: {  	[sflag:s15] =	ssyncset.done $0x0  }
0x6f: {  	s3 =	simm.s32 $0x1C80;
	[sflag:s15] =	ssyncadd.s32 $0xFFFFC180  }
0x70: {  	[spmem:s1] =	stream.indirect.scatter.add.f32 [tilespmem:s11], [sflag:$0x4], $0x80, s3, s8, $0xb8;
	[tilespmem:$0x1F000] =	vst v63  }
0x71: {  	_ =	swait.ge [sflag:s17], $0x3E80  }
0x72: {  	[sflag:s17] =	ssyncset.done $0x0  }
0x73: {  	s4 =	simm.s32 $0x500;
	[sflag:s17] =	ssyncadd.s32 $0xFFFFC180  }
0x74: {  	[tilespmem:s9], [sflag:$0x1] =	stream.indirect.gather [hbm4b:s7+s8], $0x80, s4, s8, $0xb8;
	[tilespmem:$0x1F000] =	vst v63  }
0x75: {  	_ =	swait.ge [sflag:s19], $0x3E80  }
0x76: {  	[sflag:s19] =	ssyncset.done $0x0  }
0x77: {  	s10 =	simm.s32 $0x580;
	[sflag:s19] =	ssyncadd.s32 $0xFFFFC180  }
0x78: {  	[tilespmem:s11], [sflag:$0x2] =	stream.indirect.gather [hbm4b:s7+s8], $0x80, s10, s8, $0xb8;
	[tilespmem:$0x1F000] =	vst v63  }
0x79: {  	_ =	swait.ge [sflag:s14], $0x3E80  }
0x7a: {  	[sflag:s14] =	ssyncset.done $0x0  }
0x7b: {  	s13 =	simm.s32 $0x1D00;
	[sflag:s14] =	ssyncadd.s32 $0xFFFFC180  }
0x7c: {  	[spmem:s1] =	stream.indirect.scatter.add.f32 [tilespmem:s9], [sflag:$0x3], $0x80, s13, s8, $0xb8;
	[tilespmem:$0x1F000] =	vst v63  }
0x7d: {  	_ =	swait.ge [sflag:s15], $0x3E80  }
0x7e: {  	[sflag:s15] =	ssyncset.done $0x0  }
0x7f: {  	s16 =	simm.s32 $0x1D80;
	[sflag:s15] =	ssyncadd.s32 $0xFFFFC180  }
0x80: {  	[spmem:s1] =	stream.indirect.scatter.add.f32 [tilespmem:s11], [sflag:$0x4], $0x80, s16, s8, $0xb8;
	[tilespmem:$0x1F000] =	vst v63  }
0x81: {  	_ =	swait.ge [sflag:s17], $0x3E80  }
0x82: {  	[sflag:s17] =	ssyncset.done $0x0  }
0x83: {  	s20 =	simm.s32 $0x600;
	[sflag:s17] =	ssyncadd.s32 $0xFFFFC180  }
0x84: {  	[tilespmem:s9], [sflag:$0x1] =	stream.indirect.gather [hbm4b:s7+s8], $0x80, s20, s8, $0xb8;
	[tilespmem:$0x1F000] =	vst v63  }
0x85: {  	_ =	swait.ge [sflag:s19], $0x3E80  }
0x86: {  	[sflag:s19] =	ssyncset.done $0x0  }
0x87: {  	s21 =	simm.s32 $0x680;
	[sflag:s19] =	ssyncadd.s32 $0xFFFFC180  }
0x88: {  	[tilespmem:s11], [sflag:$0x2] =	stream.indirect.gather [hbm4b:s7+s8], $0x80, s21, s8, $0xb8;
	[tilespmem:$0x1F000] =	vst v63  }
0x89: {  	_ =	swait.ge [sflag:s14], $0x3E80  }
0x8a: {  	[sflag:s14] =	ssyncset.done $0x0  }
0x8b: {  	s22 =	simm.s32 $0x1E00;
	[sflag:s14] =	ssyncadd.s32 $0xFFFFC180  }
0x8c: {  	[spmem:s1] =	stream.indirect.scatter.add.f32 [tilespmem:s9], [sflag:$0x3], $0x80, s22, s8, $0xb8;
	[tilespmem:$0x1F000] =	vst v63  }
0x8d: {  	_ =	swait.ge [sflag:s15], $0x3E80  }
0x8e: {  	[sflag:s15] =	ssyncset.done $0x0  }
0x8f: {  	s23 =	simm.s32 $0x1E80;
	[sflag:s15] =	ssyncadd.s32 $0xFFFFC180  }
0x90: {  	[spmem:s1] =	stream.indirect.scatter.add.f32 [tilespmem:s11], [sflag:$0x4], $0x80, s23, s8, $0xb8;
	[tilespmem:$0x1F000] =	vst v63  }
0x91: {  	_ =	swait.ge [sflag:s17], $0x3E80  }
0x92: {  	[sflag:s17] =	ssyncset.done $0x0  }
0x93: {  	s25 =	simm.s32 $0x700;
	[sflag:s17] =	ssyncadd.s32 $0xFFFFC180  }
0x94: {  	[tilespmem:s9], [sflag:$0x1] =	stream.indirect.gather [hbm4b:s7+s8], $0x80, s25, s8, $0xb8;
	[tilespmem:$0x1F000] =	vst v63  }
0x95: {  	_ =	swait.ge [sflag:s19], $0x3E80  }
0x96: {  	[sflag:s19] =	ssyncset.done $0x0  }
0x97: {  	s26 =	simm.s32 $0x780;
	[sflag:s19] =	ssyncadd.s32 $0xFFFFC180  }
0x98: {  	[tilespmem:s11], [sflag:$0x2] =	stream.indirect.gather [hbm4b:s7+s8], $0x80, s26, s8, $0xb8;
	[tilespmem:$0x1F000] =	vst v63  }
0x99: {  	_ =	swait.ge [sflag:s14], $0x3E80  }
0x9a: {  	[sflag:s14] =	ssyncset.done $0x0  }
0x9b: {  	s28 =	simm.s32 $0x1F00;
	[sflag:s14] =	ssyncadd.s32 $0xFFFFC180  }
0x9c: {  	[spmem:s1] =	stream.indirect.scatter.add.f32 [tilespmem:s9], [sflag:$0x3], $0x80, s28, s8, $0xb8;
	[tilespmem:$0x1F000] =	vst v63  }
0x9d: {  	_ =	swait.ge [sflag:s15], $0x3E80  }
0x9e: {  	[sflag:s15] =	ssyncset.done $0x0  }
0x9f: {  	s29 =	simm.s32 $0x1F80;
	[sflag:s15] =	ssyncadd.s32 $0xFFFFC180  }
0xa0: {  	[spmem:s1] =	stream.indirect.scatter.add.f32 [tilespmem:s11], [sflag:$0x4], $0x80, s29, s8, $0xb8;
	[tilespmem:$0x1F000] =	vst v63  }
0xa1: {  	_ =	swait.ge [sflag:s17], $0x3E80  }
0xa2: {  	[sflag:s17] =	ssyncset.done $0x0  }
0xa3: {  	s30 =	simm.s32 $0x800;
	[sflag:s17] =	ssyncadd.s32 $0xFFFFC180  }
0xa4: {  	[tilespmem:s9], [sflag:$0x1] =	stream.indirect.gather [hbm4b:s7+s8], $0x80, s30, s8, $0xb8;
	[tilespmem:$0x1F000] =	vst v63  }
0xa5: {  	_ =	swait.ge [sflag:s19], $0x3E80  }
0xa6: {  	[sflag:s19] =	ssyncset.done $0x0  }
0xa7: {  	s31 =	simm.s32 $0x880;
	[sflag:s19] =	ssyncadd.s32 $0xFFFFC180  }
0xa8: {  	[tilespmem:s11], [sflag:$0x2] =	stream.indirect.gather [hbm4b:s7+s8], $0x80, s31, s8, $0xb8;
	[tilespmem:$0x1F000] =	vst v63  }
0xa9: {  	_ =	swait.ge [sflag:s14], $0x3E80  }
0xaa: {  	[sflag:s14] =	ssyncset.done $0x0  }
0xab: {  	s3 =	simm.s32 $0x2000;
	[sflag:s14] =	ssyncadd.s32 $0xFFFFC180  }
0xac: {  	[spmem:s1] =	stream.indirect.scatter.add.f32 [tilespmem:s9], [sflag:$0x3], $0x80, s3, s8, $0xb8;
	[tilespmem:$0x1F000] =	vst v63  }
0xad: {  	_ =	swait.ge [sflag:s15], $0x3E80  }
0xae: {  	[sflag:s15] =	ssyncset.done $0x0  }
0xaf: {  	s4 =	simm.s32 $0x2080;
	[sflag:s15] =	ssyncadd.s32 $0xFFFFC180  }
0xb0: {  	[spmem:s1] =	stream.indirect.scatter.add.f32 [tilespmem:s11], [sflag:$0x4], $0x80, s4, s8, $0xb8;
	[tilespmem:$0x1F000] =	vst v63  }
0xb1: {  	_ =	swait.ge [sflag:s17], $0x3E80  }
0xb2: {  	[sflag:s17] =	ssyncset.done $0x0  }
0xb3: {  	s10 =	simm.s32 $0x900;
	[sflag:s17] =	ssyncadd.s32 $0xFFFFC180  }
0xb4: {  	[tilespmem:s9], [sflag:$0x1] =	stream.indirect.gather [hbm4b:s7+s8], $0x80, s10, s8, $0xb8;
	[tilespmem:$0x1F000] =	vst v63  }
0xb5: {  	_ =	swait.ge [sflag:s19], $0x3E80  }
0xb6: {  	[sflag:s19] =	ssyncset.done $0x0  }
0xb7: {  	s13 =	simm.s32 $0x980;
	[sflag:s19] =	ssyncadd.s32 $0xFFFFC180  }
0xb8: {  	[tilespmem:s11], [sflag:$0x2] =	stream.indirect.gather [hbm4b:s7+s8], $0x80, s13, s8, $0xb8;
	[tilespmem:$0x1F000] =	vst v63  }
0xb9: {  	_ =	swait.ge [sflag:s14], $0x3E80  }
0xba: {  	[sflag:s14] =	ssyncset.done $0x0  }
0xbb: {  	s16 =	simm.s32 $0x2100;
	[sflag:s14] =	ssyncadd.s32 $0xFFFFC180  }
0xbc: {  	[spmem:s1] =	stream.indirect.scatter.add.f32 [tilespmem:s9], [sflag:$0x3], $0x80, s16, s8, $0xb8;
	[tilespmem:$0x1F000] =	vst v63  }
0xbd: {  	_ =	swait.ge [sflag:s15], $0x3E80  }
0xbe: {  	[sflag:s15] =	ssyncset.done $0x0  }
0xbf: {  	s20 =	simm.s32 $0x2180;
	s23 =	simm.s32 $0x5;
	[sflag:s15] =	ssyncadd.s32 $0xFFFFC180  }
0xc0: {  	[spmem:s1] =	stream.indirect.scatter.add.f32 [tilespmem:s11], [sflag:$0x4], $0x80, s20, s8, $0xb8;
	[tilespmem:$0x1F000] =	vst v63  }
0xc1: {  	_ =	swait.ge [sflag:s23], $0xA00  }
0xc2: {  	[sflag:s23] =	ssyncset.done $0x0  }
0xc3: {  	[sflag:s23] =	ssyncadd.s32 $0xFFFFF600  }
0xc4: {  	_ =	swait.ge [sflag:s23], $0xA00  }
0xc5: {  	[sflag:s23] =	ssyncset.done $0x0  }
0xc6: {  	[sflag:s23] =	ssyncadd.s32 $0xFFFFF600  }
0xc7: {  	_ =	swait.ge [sflag:s17], $0x3E80  }
0xc8: {  	[sflag:s17] =	ssyncset.done $0x0  }
0xc9: {  	[sflag:s17] =	ssyncadd.s32 $0xFFFFC180  }
0xca: {  	[tilespmem:s9], [sflag:$0x1] =	stream.indirect.gather [hbm4b:s7+s8], $0x80, s18, s8, $0xb8;
	[tilespmem:$0x1F000] =	vst v63  }
0xcb: {  	_ =	swait.ge [sflag:s19], $0x3E80  }
0xcc: {  	[sflag:s19] =	ssyncset.done $0x0  }
0xcd: {  	s21 =	simm.s32 $0xC80;
	[sflag:s19] =	ssyncadd.s32 $0xFFFFC180  }
0xce: {  	[tilespmem:s11], [sflag:$0x2] =	stream.indirect.gather [hbm4b:s7+s8], $0x80, s21, s8, $0xb8;
	[tilespmem:$0x1F000] =	vst v63  }
0xcf: {  	s22 =	rddreg [dreg:$0x8]  }
0xd0: {  	[tilespmem:s6], [sflag:$0x5] =	stream.linear.gather [hbm4b:s22+s6], $0xA00, $0x38;
	[tilespmem:$0x1F000] =	vst v63  }
0xd1: {  	s16 =	rddreg [dreg:$0x9]  }
0xd2: {  	[tilespmem:s12], [sflag:$0x5] =	stream.linear.gather [hbm4b:s16+s6], $0xA00, $0x38;
	[tilespmem:$0x1F000] =	vst v63  }
0xd3: {  	_ =	swait.ge [sflag:s14], $0x3E80  }
0xd4: {  	[sflag:s14] =	ssyncset.done $0x0  }
0xd5: {  	[sflag:s14] =	ssyncadd.s32 $0xFFFFC180  }
0xd6: {  	[spmem:s1] =	stream.indirect.scatter.add.f32 [tilespmem:s9], [sflag:$0x3], $0x80, s24, s8, $0xb8;
	[tilespmem:$0x1F000] =	vst v63  }
0xd7: {  	_ =	swait.ge [sflag:s15], $0x3E80  }
0xd8: {  	[sflag:s15] =	ssyncset.done $0x0  }
0xd9: {  	s25 =	simm.s32 $0x2480;
	[sflag:s15] =	ssyncadd.s32 $0xFFFFC180  }
0xda: {  	[spmem:s1] =	stream.indirect.scatter.add.f32 [tilespmem:s11], [sflag:$0x4], $0x80, s25, s8, $0xb8;
	[tilespmem:$0x1F000] =	vst v63  }
0xdb: {  	_ =	swait.ge [sflag:s17], $0x3E80  }
0xdc: {  	[sflag:s17] =	ssyncset.done $0x0  }
0xdd: {  	s26 =	simm.s32 $0xD00;
	[sflag:s17] =	ssyncadd.s32 $0xFFFFC180  }
0xde: {  	[tilespmem:s9], [sflag:$0x1] =	stream.indirect.gather [hbm4b:s7+s8], $0x80, s26, s8, $0xb8;
	[tilespmem:$0x1F000] =	vst v63  }
0xdf: {  	_ =	swait.ge [sflag:s19], $0x3E80  }
0xe0: {  	[sflag:s19] =	ssyncset.done $0x0  }
0xe1: {  	s28 =	simm.s32 $0xD80;
	[sflag:s19] =	ssyncadd.s32 $0xFFFFC180  }
0xe2: {  	[tilespmem:s11], [sflag:$0x2] =	stream.indirect.gather [hbm4b:s7+s8], $0x80, s28, s8, $0xb8;
	[tilespmem:$0x1F000] =	vst v63  }
0xe3: {  	_ =	swait.ge [sflag:s14], $0x3E80  }
0xe4: {  	[sflag:s14] =	ssyncset.done $0x0  }
0xe5: {  	s29 =	simm.s32 $0x2500;
	[sflag:s14] =	ssyncadd.s32 $0xFFFFC180  }
0xe6: {  	[spmem:s1] =	stream.indirect.scatter.add.f32 [tilespmem:s9], [sflag:$0x3], $0x80, s29, s8, $0xb8;
	[tilespmem:$0x1F000] =	vst v63  }
0xe7: {  	_ =	swait.ge [sflag:s15], $0x3E80  }
0xe8: {  	[sflag:s15] =	ssyncset.done $0x0  }
0xe9: {  	s30 =	simm.s32 $0x2580;
	[sflag:s15] =	ssyncadd.s32 $0xFFFFC180  }
0xea: {  	[spmem:s1] =	stream.indirect.scatter.add.f32 [tilespmem:s11], [sflag:$0x4], $0x80, s30, s8, $0xb8;
	[tilespmem:$0x1F000] =	vst v63  }
0xeb: {  	_ =	swait.ge [sflag:s17], $0x3E80  }
0xec: {  	[sflag:s17] =	ssyncset.done $0x0  }
0xed: {  	s31 =	simm.s32 $0xE00;
	[sflag:s17] =	ssyncadd.s32 $0xFFFFC180  }
0xee: {  	[tilespmem:s9], [sflag:$0x1] =	stream.indirect.gather [hbm4b:s7+s8], $0x80, s31, s8, $0xb8;
	[tilespmem:$0x1F000] =	vst v63  }
0xef: {  	_ =	swait.ge [sflag:s19], $0x3E80  }
0xf0: {  	[sflag:s19] =	ssyncset.done $0x0  }
0xf1: {  	s3 =	simm.s32 $0xE80;
	[sflag:s19] =	ssyncadd.s32 $0xFFFFC180  }
0xf2: {  	[tilespmem:s11], [sflag:$0x2] =	stream.indirect.gather [hbm4b:s7+s8], $0x80, s3, s8, $0xb8;
	[tilespmem:$0x1F000] =	vst v63  }
0xf3: {  	_ =	swait.ge [sflag:s14], $0x3E80  }
0xf4: {  	[sflag:s14] =	ssyncset.done $0x0  }
0xf5: {  	s4 =	simm.s32 $0x2600;
	[sflag:s14] =	ssyncadd.s32 $0xFFFFC180  }
0xf6: {  	[spmem:s1] =	stream.indirect.scatter.add.f32 [tilespmem:s9], [sflag:$0x3], $0x80, s4, s8, $0xb8;
	[tilespmem:$0x1F000] =	vst v63  }
0xf7: {  	_ =	swait.ge [sflag:s15], $0x3E80  }
0xf8: {  	[sflag:s15] =	ssyncset.done $0x0  }
0xf9: {  	s10 =	simm.s32 $0x2680;
	[sflag:s15] =	ssyncadd.s32 $0xFFFFC180  }
0xfa: {  	[spmem:s1] =	stream.indirect.scatter.add.f32 [tilespmem:s11], [sflag:$0x4], $0x80, s10, s8, $0xb8;
	[tilespmem:$0x1F000] =	vst v63  }
0xfb: {  	_ =	swait.ge [sflag:s17], $0x3E80  }
0xfc: {  	[sflag:s17] =	ssyncset.done $0x0  }
0xfd: {  	s13 =	simm.s32 $0xF00;
	[sflag:s17] =	ssyncadd.s32 $0xFFFFC180  }
0xfe: {  	[tilespmem:s9], [sflag:$0x1] =	stream.indirect.gather [hbm4b:s7+s8], $0x80, s13, s8, $0xb8;
	[tilespmem:$0x1F000] =	vst v63  }
0xff: {  	_ =	swait.ge [sflag:s19], $0x3E80  }
0x100: {  	[sflag:s19] =	ssyncset.done $0x0  }
0x101: {  	s16 =	simm.s32 $0xF80;
	[sflag:s19] =	ssyncadd.s32 $0xFFFFC180  }
0x102: {  	[tilespmem:s11], [sflag:$0x2] =	stream.indirect.gather [hbm4b:s7+s8], $0x80, s16, s8, $0xb8;
	[tilespmem:$0x1F000] =	vst v63  }
0x103: {  	_ =	swait.ge [sflag:s14], $0x3E80  }
0x104: {  	[sflag:s14] =	ssyncset.done $0x0  }
0x105: {  	s20 =	simm.s32 $0x2700;
	[sflag:s14] =	ssyncadd.s32 $0xFFFFC180  }
0x106: {  	[spmem:s1] =	stream.indirect.scatter.add.f32 [tilespmem:s9], [sflag:$0x3], $0x80, s20, s8, $0xb8;
	[tilespmem:$0x1F000] =	vst v63  }
0x107: {  	_ =	swait.ge [sflag:s15], $0x3E80  }
0x108: {  	[sflag:s15] =	ssyncset.done $0x0  }
0x109: {  	s21 =	simm.s32 $0x2780;
	[sflag:s15] =	ssyncadd.s32 $0xFFFFC180  }
0x10a: {  	[spmem:s1] =	stream.indirect.scatter.add.f32 [tilespmem:s11], [sflag:$0x4], $0x80, s21, s8, $0xb8;
	[tilespmem:$0x1F000] =	vst v63  }
0x10b: {  	_ =	swait.ge [sflag:s17], $0x3E80  }
0x10c: {  	[sflag:s17] =	ssyncset.done $0x0  }
0x10d: {  	s22 =	simm.s32 $0x1000;
	[sflag:s17] =	ssyncadd.s32 $0xFFFFC180  }
0x10e: {  	[tilespmem:s9], [sflag:$0x1] =	stream.indirect.gather [hbm4b:s7+s8], $0x80, s22, s8, $0xb8;
	[tilespmem:$0x1F000] =	vst v63  }
0x10f: {  	_ =	swait.ge [sflag:s19], $0x3E80  }
0x110: {  	[sflag:s19] =	ssyncset.done $0x0  }
0x111: {  	s25 =	simm.s32 $0x1080;
	[sflag:s19] =	ssyncadd.s32 $0xFFFFC180  }
0x112: {  	[tilespmem:s11], [sflag:$0x2] =	stream.indirect.gather [hbm4b:s7+s8], $0x80, s25, s8, $0xb8;
	[tilespmem:$0x1F000] =	vst v63  }
0x113: {  	_ =	swait.ge [sflag:s14], $0x3E80  }
0x114: {  	[sflag:s14] =	ssyncset.done $0x0  }
0x115: {  	s26 =	simm.s32 $0x2800;
	[sflag:s14] =	ssyncadd.s32 $0xFFFFC180  }
0x116: {  	[spmem:s1] =	stream.indirect.scatter.add.f32 [tilespmem:s9], [sflag:$0x3], $0x80, s26, s8, $0xb8;
	[tilespmem:$0x1F000] =	vst v63  }
0x117: {  	_ =	swait.ge [sflag:s15], $0x3E80  }
0x118: {  	[sflag:s15] =	ssyncset.done $0x0  }
0x119: {  	s28 =	simm.s32 $0x2880;
	[sflag:s15] =	ssyncadd.s32 $0xFFFFC180  }
0x11a: {  	[spmem:s1] =	stream.indirect.scatter.add.f32 [tilespmem:s11], [sflag:$0x4], $0x80, s28, s8, $0xb8;
	[tilespmem:$0x1F000] =	vst v63  }
0x11b: {  	_ =	swait.ge [sflag:s17], $0x3E80  }
0x11c: {  	[sflag:s17] =	ssyncset.done $0x0  }
0x11d: {  	s29 =	simm.s32 $0x1100;
	[sflag:s17] =	ssyncadd.s32 $0xFFFFC180  }
0x11e: {  	[tilespmem:s9], [sflag:$0x1] =	stream.indirect.gather [hbm4b:s7+s8], $0x80, s29, s8, $0xb8;
	[tilespmem:$0x1F000] =	vst v63  }
0x11f: {  	_ =	swait.ge [sflag:s19], $0x3E80  }
0x120: {  	[sflag:s19] =	ssyncset.done $0x0  }
0x121: {  	s30 =	simm.s32 $0x1180;
	[sflag:s19] =	ssyncadd.s32 $0xFFFFC180  }
0x122: {  	[tilespmem:s11], [sflag:$0x2] =	stream.indirect.gather [hbm4b:s7+s8], $0x80, s30, s8, $0xb8;
	[tilespmem:$0x1F000] =	vst v63  }
0x123: {  	_ =	swait.ge [sflag:s14], $0x3E80  }
0x124: {  	[sflag:s14] =	ssyncset.done $0x0  }
0x125: {  	s31 =	simm.s32 $0x2900;
	[sflag:s14] =	ssyncadd.s32 $0xFFFFC180  }
0x126: {  	[spmem:s1] =	stream.indirect.scatter.add.f32 [tilespmem:s9], [sflag:$0x3], $0x80, s31, s8, $0xb8;
	[tilespmem:$0x1F000] =	vst v63  }
0x127: {  	_ =	swait.ge [sflag:s15], $0x3E80  }
0x128: {  	[sflag:s15] =	ssyncset.done $0x0  }
0x129: {  	s3 =	simm.s32 $0x2980;
	[sflag:s15] =	ssyncadd.s32 $0xFFFFC180  }
0x12a: {  	[spmem:s1] =	stream.indirect.scatter.add.f32 [tilespmem:s11], [sflag:$0x4], $0x80, s3, s8, $0xb8;
	[tilespmem:$0x1F000] =	vst v63  }
0x12b: {  	_ =	swait.ge [sflag:s17], $0x3E80  }
0x12c: {  	[sflag:s17] =	ssyncset.done $0x0  }
0x12d: {  	s4 =	simm.s32 $0x1200;
	[sflag:s17] =	ssyncadd.s32 $0xFFFFC180  }
0x12e: {  	[tilespmem:s9], [sflag:$0x1] =	stream.indirect.gather [hbm4b:s7+s8], $0x80, s4, s8, $0xb8;
	[tilespmem:$0x1F000] =	vst v63  }
0x12f: {  	_ =	swait.ge [sflag:s19], $0x3E80  }
0x130: {  	[sflag:s19] =	ssyncset.done $0x0  }
0x131: {  	s10 =	simm.s32 $0x1280;
	[sflag:s19] =	ssyncadd.s32 $0xFFFFC180  }
0x132: {  	[tilespmem:s11], [sflag:$0x2] =	stream.indirect.gather [hbm4b:s7+s8], $0x80, s10, s8, $0xb8;
	[tilespmem:$0x1F000] =	vst v63  }
0x133: {  	_ =	swait.ge [sflag:s14], $0x3E80  }
0x134: {  	[sflag:s14] =	ssyncset.done $0x0  }
0x135: {  	s31 =	simm.s32 $0x2A00;
	[sflag:s14] =	ssyncadd.s32 $0xFFFFC180  }
0x136: {  	[spmem:s1] =	stream.indirect.scatter.add.f32 [tilespmem:s9], [sflag:$0x3], $0x80, s31, s8, $0xb8;
	[tilespmem:$0x1F000] =	vst v63  }
0x137: {  	_ =	swait.ge [sflag:s15], $0x3E80  }
0x138: {  	[sflag:s15] =	ssyncset.done $0x0  }
0x139: {  	s30 =	simm.s32 $0x2A80;
	[sflag:s15] =	ssyncadd.s32 $0xFFFFC180  }
0x13a: {  	[spmem:s1] =	stream.indirect.scatter.add.f32 [tilespmem:s11], [sflag:$0x4], $0x80, s30, s8, $0xb8;
	[tilespmem:$0x1F000] =	vst v63  }
0x13b: {  	_ =	swait.ge [sflag:s17], $0x3E80  }
0x13c: {  	[sflag:s17] =	ssyncset.done $0x0  }
0x13d: {  	s29 =	simm.s32 $0x1300;
	[sflag:s17] =	ssyncadd.s32 $0xFFFFC180  }
0x13e: {  	[tilespmem:s9], [sflag:$0x1] =	stream.indirect.gather [hbm4b:s7+s8], $0x80, s29, s8, $0xb8;
	[tilespmem:$0x1F000] =	vst v63  }
0x13f: {  	_ =	swait.ge [sflag:s19], $0x3E80  }
0x140: {  	[sflag:s19] =	ssyncset.done $0x0  }
0x141: {  	s28 =	simm.s32 $0x1380;
	[sflag:s19] =	ssyncadd.s32 $0xFFFFC180  }
0x142: {  	[tilespmem:s11], [sflag:$0x2] =	stream.indirect.gather [hbm4b:s7+s8], $0x80, s28, s8, $0xb8;
	[tilespmem:$0x1F000] =	vst v63  }
0x143: {  	_ =	swait.ge [sflag:s14], $0x3E80  }
0x144: {  	[sflag:s14] =	ssyncset.done $0x0  }
0x145: {  	s26 =	simm.s32 $0x2B00;
	[sflag:s14] =	ssyncadd.s32 $0xFFFFC180  }
0x146: {  	[spmem:s1] =	stream.indirect.scatter.add.f32 [tilespmem:s9], [sflag:$0x3], $0x80, s26, s8, $0xb8;
	[tilespmem:$0x1F000] =	vst v63  }
0x147: {  	_ =	swait.ge [sflag:s15], $0x3E80  }
0x148: {  	[sflag:s15] =	ssyncset.done $0x0  }
0x149: {  	s25 =	simm.s32 $0x2B80;
	[sflag:s15] =	ssyncadd.s32 $0xFFFFC180  }
0x14a: {  	[spmem:s1] =	stream.indirect.scatter.add.f32 [tilespmem:s11], [sflag:$0x4], $0x80, s25, s8, $0xb8;
	[tilespmem:$0x1F000] =	vst v63  }
0x14b: {  	_ =	swait.ge [sflag:s17], $0x3E80  }
0x14c: {  	[sflag:s17] =	ssyncset.done $0x0  }
0x14d: {  	s22 =	simm.s32 $0x1400;
	[sflag:s17] =	ssyncadd.s32 $0xFFFFC180  }
0x14e: {  	[tilespmem:s9], [sflag:$0x1] =	stream.indirect.gather [hbm4b:s7+s8], $0x80, s22, s8, $0xb8;
	[tilespmem:$0x1F000] =	vst v63  }
0x14f: {  	_ =	swait.ge [sflag:s19], $0x3E80  }
0x150: {  	[sflag:s19] =	ssyncset.done $0x0  }
0x151: {  	s21 =	simm.s32 $0x1480;
	[sflag:s19] =	ssyncadd.s32 $0xFFFFC180  }
0x152: {  	[tilespmem:s11], [sflag:$0x2] =	stream.indirect.gather [hbm4b:s7+s8], $0x80, s21, s8, $0xb8;
	[tilespmem:$0x1F000] =	vst v63  }
0x153: {  	_ =	swait.ge [sflag:s14], $0x3E80  }
0x154: {  	[sflag:s14] =	ssyncset.done $0x0  }
0x155: {  	s20 =	simm.s32 $0x2C00;
	[sflag:s14] =	ssyncadd.s32 $0xFFFFC180  }
0x156: {  	[spmem:s1] =	stream.indirect.scatter.add.f32 [tilespmem:s9], [sflag:$0x3], $0x80, s20, s8, $0xb8;
	[tilespmem:$0x1F000] =	vst v63  }
0x157: {  	_ =	swait.ge [sflag:s15], $0x3E80  }
0x158: {  	[sflag:s15] =	ssyncset.done $0x0  }
0x159: {  	s16 =	simm.s32 $0x2C80;
	[sflag:s15] =	ssyncadd.s32 $0xFFFFC180  }
0x15a: {  	[spmem:s1] =	stream.indirect.scatter.add.f32 [tilespmem:s11], [sflag:$0x4], $0x80, s16, s8, $0xb8;
	[tilespmem:$0x1F000] =	vst v63  }
0x15b: {  	_ =	swait.ge [sflag:s17], $0x3E80  }
0x15c: {  	[sflag:s17] =	ssyncset.done $0x0  }
0x15d: {  	s13 =	simm.s32 $0x1500;
	[sflag:s17] =	ssyncadd.s32 $0xFFFFC180  }
0x15e: {  	[tilespmem:s9], [sflag:$0x1] =	stream.indirect.gather [hbm4b:s7+s8], $0x80, s13, s8, $0xb8;
	[tilespmem:$0x1F000] =	vst v63  }
0x15f: {  	_ =	swait.ge [sflag:s19], $0x3E80  }
0x160: {  	[sflag:s19] =	ssyncset.done $0x0  }
0x161: {  	s4 =	simm.s32 $0x1580;
	[sflag:s19] =	ssyncadd.s32 $0xFFFFC180  }
0x162: {  	[tilespmem:s11], [sflag:$0x2] =	stream.indirect.gather [hbm4b:s7+s8], $0x80, s4, s8, $0xb8;
	[tilespmem:$0x1F000] =	vst v63  }
0x163: {  	_ =	swait.ge [sflag:s14], $0x3E80  }
0x164: {  	[sflag:s14] =	ssyncset.done $0x0  }
0x165: {  	s3 =	simm.s32 $0x2D00;
	[sflag:s14] =	ssyncadd.s32 $0xFFFFC180  }
0x166: {  	[spmem:s1] =	stream.indirect.scatter.add.f32 [tilespmem:s9], [sflag:$0x3], $0x80, s3, s8, $0xb8;
	[tilespmem:$0x1F000] =	vst v63  }
0x167: {  	_ =	swait.ge [sflag:s15], $0x3E80  }
0x168: {  	[sflag:s15] =	ssyncset.done $0x0  }
0x169: {  	s0 =	simm.s32 $0x2D80;
	[sflag:s15] =	ssyncadd.s32 $0xFFFFC180  }
0x16a: {  	[spmem:s1] =	stream.indirect.scatter.add.f32 [tilespmem:s11], [sflag:$0x4], $0x80, s0, s8, $0xb8;
	[tilespmem:$0x1F000] =	vst v63  }
0x16b: {  	_ =	swait.ge [sflag:s23], $0xA00  }
0x16c: {  	[sflag:s23] =	ssyncset.done $0x0  }
0x16d: {  	[sflag:s23] =	ssyncadd.s32 $0xFFFFF600  }
0x16e: {  	_ =	swait.ge [sflag:s23], $0xA00  }
0x16f: {  	[sflag:s23] =	ssyncset.done $0x0  }
0x170: {  	[sflag:s23] =	ssyncadd.s32 $0xFFFFF600  }
0x171: {  	_ =	swait.ge [sflag:s17], $0x3E80  }
0x172: {  	[sflag:s17] =	ssyncset.done $0x0  }
0x173: {  	[sflag:s17] =	ssyncadd.s32 $0xFFFFC180  }
0x174: {  	[tilespmem:s9], [sflag:$0x1] =	stream.indirect.gather [hbm4b:s7+s8], $0x80, s6, s8, $0xb8;
	[tilespmem:$0x1F000] =	vst v63  }
0x175: {  	_ =	swait.ge [sflag:s19], $0x3E80  }
0x176: {  	[sflag:s19] =	ssyncset.done $0x0  }
0x177: {  	[sflag:s19] =	ssyncadd.s32 $0xFFFFC180  }
0x178: {  	[tilespmem:s11], [sflag:$0x2] =	stream.indirect.gather [hbm4b:s7+s8], $0x80, s5, s8, $0xb8;
	[tilespmem:$0x1F000] =	vst v63  }
0x179: {  	s10 =	rddreg [dreg:$0xa]  }
0x17a: {  	[tilespmem:s18], [sflag:$0x5] =	stream.linear.gather [hbm4b:s10+s6], $0xA00, $0x38;
	[tilespmem:$0x1F000] =	vst v63  }
0x17b: {  	s5 =	rddreg [dreg:$0xb]  }
0x17c: {  	[tilespmem:s24], [sflag:$0x5] =	stream.linear.gather [hbm4b:s5+s6], $0xA00, $0x38;
	[tilespmem:$0x1F000] =	vst v63  }
0x17d: {  	_ =	swait.ge [sflag:s14], $0x3E80  }
0x17e: {  	[sflag:s14] =	ssyncset.done $0x0  }
0x17f: {  	[sflag:s14] =	ssyncadd.s32 $0xFFFFC180  }
0x180: {  	[spmem:s1] =	stream.indirect.scatter.add.f32 [tilespmem:s9], [sflag:$0x3], $0x80, s12, s8, $0xb8;
	[tilespmem:$0x1F000] =	vst v63  }
0x181: {  	_ =	swait.ge [sflag:s15], $0x3E80  }
0x182: {  	[sflag:s15] =	ssyncset.done $0x0  }
0x183: {  	s12 =	simm.s32 $0x1880;
	[sflag:s15] =	ssyncadd.s32 $0xFFFFC180  }
0x184: {  	[spmem:s1] =	stream.indirect.scatter.add.f32 [tilespmem:s11], [sflag:$0x4], $0x80, s12, s8, $0xb8;
	[tilespmem:$0x1F000] =	vst v63  }
0x185: {  	_ =	swait.ge [sflag:s17], $0x3E80  }
0x186: {  	[sflag:s17] =	ssyncset.done $0x0  }
0x187: {  	s10 =	simm.s32 $0x100;
	[sflag:s17] =	ssyncadd.s32 $0xFFFFC180  }
0x188: {  	[tilespmem:s9], [sflag:$0x1] =	stream.indirect.gather [hbm4b:s7+s8], $0x80, s10, s8, $0xb8;
	[tilespmem:$0x1F000] =	vst v63  }
0x189: {  	_ =	swait.ge [sflag:s19], $0x3E80  }
0x18a: {  	[sflag:s19] =	ssyncset.done $0x0  }
0x18b: {  	s12 =	simm.s32 $0x180;
	[sflag:s19] =	ssyncadd.s32 $0xFFFFC180  }
0x18c: {  	[tilespmem:s11], [sflag:$0x2] =	stream.indirect.gather [hbm4b:s7+s8], $0x80, s12, s8, $0xb8;
	[tilespmem:$0x1F000] =	vst v63  }
0x18d: {  	_ =	swait.ge [sflag:s14], $0x3E80  }
0x18e: {  	[sflag:s14] =	ssyncset.done $0x0  }
0x18f: {  	s10 =	simm.s32 $0x1900;
	[sflag:s14] =	ssyncadd.s32 $0xFFFFC180  }
0x190: {  	[spmem:s1] =	stream.indirect.scatter.add.f32 [tilespmem:s9], [sflag:$0x3], $0x80, s10, s8, $0xb8;
	[tilespmem:$0x1F000] =	vst v63  }
0x191: {  	_ =	swait.ge [sflag:s15], $0x3E80  }
0x192: {  	[sflag:s15] =	ssyncset.done $0x0  }
0x193: {  	s12 =	simm.s32 $0x1980;
	[sflag:s15] =	ssyncadd.s32 $0xFFFFC180  }
0x194: {  	[spmem:s1] =	stream.indirect.scatter.add.f32 [tilespmem:s11], [sflag:$0x4], $0x80, s12, s8, $0xb8;
	[tilespmem:$0x1F000] =	vst v63  }
0x195: {  	_ =	swait.ge [sflag:s17], $0x3E80  }
0x196: {  	[sflag:s17] =	ssyncset.done $0x0  }
0x197: {  	s10 =	simm.s32 $0x200;
	[sflag:s17] =	ssyncadd.s32 $0xFFFFC180  }
0x198: {  	[tilespmem:s9], [sflag:$0x1] =	stream.indirect.gather [hbm4b:s7+s8], $0x80, s10, s8, $0xb8;
	[tilespmem:$0x1F000] =	vst v63  }
0x199: {  	_ =	swait.ge [sflag:s19], $0x3E80  }
0x19a: {  	[sflag:s19] =	ssyncset.done $0x0  }
0x19b: {  	s12 =	simm.s32 $0x280;
	[sflag:s19] =	ssyncadd.s32 $0xFFFFC180  }
0x19c: {  	[tilespmem:s11], [sflag:$0x2] =	stream.indirect.gather [hbm4b:s7+s8], $0x80, s12, s8, $0xb8;
	[tilespmem:$0x1F000] =	vst v63  }
0x19d: {  	_ =	swait.ge [sflag:s14], $0x3E80  }
0x19e: {  	[sflag:s14] =	ssyncset.done $0x0  }
0x19f: {  	s10 =	simm.s32 $0x1A00;
	[sflag:s14] =	ssyncadd.s32 $0xFFFFC180  }
0x1a0: {  	[spmem:s1] =	stream.indirect.scatter.add.f32 [tilespmem:s9], [sflag:$0x3], $0x80, s10, s8, $0xb8;
	[tilespmem:$0x1F000] =	vst v63  }
0x1a1: {  	_ =	swait.ge [sflag:s15], $0x3E80  }
0x1a2: {  	[sflag:s15] =	ssyncset.done $0x0  }
0x1a3: {  	s12 =	simm.s32 $0x1A80;
	[sflag:s15] =	ssyncadd.s32 $0xFFFFC180  }
0x1a4: {  	[spmem:s1] =	stream.indirect.scatter.add.f32 [tilespmem:s11], [sflag:$0x4], $0x80, s12, s8, $0xb8;
	[tilespmem:$0x1F000] =	vst v63  }
0x1a5: {  	_ =	swait.ge [sflag:s17], $0x3E80  }
0x1a6: {  	[sflag:s17] =	ssyncset.done $0x0  }
0x1a7: {  	s10 =	simm.s32 $0x300;
	[sflag:s17] =	ssyncadd.s32 $0xFFFFC180  }
0x1a8: {  	[tilespmem:s9], [sflag:$0x1] =	stream.indirect.gather [hbm4b:s7+s8], $0x80, s10, s8, $0xb8;
	[tilespmem:$0x1F000] =	vst v63  }
0x1a9: {  	_ =	swait.ge [sflag:s19], $0x3E80  }
0x1aa: {  	[sflag:s19] =	ssyncset.done $0x0  }
0x1ab: {  	s12 =	simm.s32 $0x380;
	[sflag:s19] =	ssyncadd.s32 $0xFFFFC180  }
0x1ac: {  	[tilespmem:s11], [sflag:$0x2] =	stream.indirect.gather [hbm4b:s7+s8], $0x80, s12, s8, $0xb8;
	[tilespmem:$0x1F000] =	vst v63  }
0x1ad: {  	_ =	swait.ge [sflag:s14], $0x3E80  }
0x1ae: {  	[sflag:s14] =	ssyncset.done $0x0  }
0x1af: {  	s10 =	simm.s32 $0x1B00;
	[sflag:s14] =	ssyncadd.s32 $0xFFFFC180  }
0x1b0: {  	[spmem:s1] =	stream.indirect.scatter.add.f32 [tilespmem:s9], [sflag:$0x3], $0x80, s10, s8, $0xb8;
	[tilespmem:$0x1F000] =	vst v63  }
0x1b1: {  	_ =	swait.ge [sflag:s15], $0x3E80  }
0x1b2: {  	[sflag:s15] =	ssyncset.done $0x0  }
0x1b3: {  	s12 =	simm.s32 $0x1B80;
	[sflag:s15] =	ssyncadd.s32 $0xFFFFC180  }
0x1b4: {  	[spmem:s1] =	stream.indirect.scatter.add.f32 [tilespmem:s11], [sflag:$0x4], $0x80, s12, s8, $0xb8;
	[tilespmem:$0x1F000] =	vst v63  }
0x1b5: {  	_ =	swait.ge [sflag:s17], $0x3E80  }
0x1b6: {  	[sflag:s17] =	ssyncset.done $0x0  }
0x1b7: {  	s10 =	simm.s32 $0x400;
	[sflag:s17] =	ssyncadd.s32 $0xFFFFC180  }
0x1b8: {  	[tilespmem:s9], [sflag:$0x1] =	stream.indirect.gather [hbm4b:s7+s8], $0x80, s10, s8, $0xb8;
	[tilespmem:$0x1F000] =	vst v63  }
0x1b9: {  	_ =	swait.ge [sflag:s19], $0x3E80  }
0x1ba: {  	[sflag:s19] =	ssyncset.done $0x0  }
0x1bb: {  	s12 =	simm.s32 $0x480;
	[sflag:s19] =	ssyncadd.s32 $0xFFFFC180  }
0x1bc: {  	[tilespmem:s11], [sflag:$0x2] =	stream.indirect.gather [hbm4b:s7+s8], $0x80, s12, s8, $0xb8;
	[tilespmem:$0x1F000] =	vst v63  }
0x1bd: {  	_ =	swait.ge [sflag:s14], $0x3E80  }
0x1be: {  	[sflag:s14] =	ssyncset.done $0x0  }
0x1bf: {  	s10 =	simm.s32 $0x1C00;
	[sflag:s14] =	ssyncadd.s32 $0xFFFFC180  }
0x1c0: {  	[spmem:s1] =	stream.indirect.scatter.add.f32 [tilespmem:s9], [sflag:$0x3], $0x80, s10, s8, $0xb8;
	[tilespmem:$0x1F000] =	vst v63  }
0x1c1: {  	_ =	swait.ge [sflag:s15], $0x3E80  }
0x1c2: {  	[sflag:s15] =	ssyncset.done $0x0  }
0x1c3: {  	s12 =	simm.s32 $0x1C80;
	[sflag:s15] =	ssyncadd.s32 $0xFFFFC180  }
0x1c4: {  	[spmem:s1] =	stream.indirect.scatter.add.f32 [tilespmem:s11], [sflag:$0x4], $0x80, s12, s8, $0xb8;
	[tilespmem:$0x1F000] =	vst v63  }
0x1c5: {  	_ =	swait.ge [sflag:s17], $0x3E80  }
0x1c6: {  	[sflag:s17] =	ssyncset.done $0x0  }
0x1c7: {  	s10 =	simm.s32 $0x500;
	[sflag:s17] =	ssyncadd.s32 $0xFFFFC180  }
0x1c8: {  	[tilespmem:s9], [sflag:$0x1] =	stream.indirect.gather [hbm4b:s7+s8], $0x80, s10, s8, $0xb8;
	[tilespmem:$0x1F000] =	vst v63  }
0x1c9: {  	_ =	swait.ge [sflag:s19], $0x3E80  }
0x1ca: {  	[sflag:s19] =	ssyncset.done $0x0  }
0x1cb: {  	s12 =	simm.s32 $0x580;
	[sflag:s19] =	ssyncadd.s32 $0xFFFFC180  }
0x1cc: {  	[tilespmem:s11], [sflag:$0x2] =	stream.indirect.gather [hbm4b:s7+s8], $0x80, s12, s8, $0xb8;
	[tilespmem:$0x1F000] =	vst v63  }
0x1cd: {  	_ =	swait.ge [sflag:s14], $0x3E80  }
0x1ce: {  	[sflag:s14] =	ssyncset.done $0x0  }
0x1cf: {  	s10 =	simm.s32 $0x1D00;
	[sflag:s14] =	ssyncadd.s32 $0xFFFFC180  }
0x1d0: {  	[spmem:s1] =	stream.indirect.scatter.add.f32 [tilespmem:s9], [sflag:$0x3], $0x80, s10, s8, $0xb8;
	[tilespmem:$0x1F000] =	vst v63  }
0x1d1: {  	_ =	swait.ge [sflag:s15], $0x3E80  }
0x1d2: {  	[sflag:s15] =	ssyncset.done $0x0  }
0x1d3: {  	s12 =	simm.s32 $0x1D80;
	[sflag:s15] =	ssyncadd.s32 $0xFFFFC180  }
0x1d4: {  	[spmem:s1] =	stream.indirect.scatter.add.f32 [tilespmem:s11], [sflag:$0x4], $0x80, s12, s8, $0xb8;
	[tilespmem:$0x1F000] =	vst v63  }
0x1d5: {  	_ =	swait.ge [sflag:s17], $0x3E80  }
0x1d6: {  	[sflag:s17] =	ssyncset.done $0x0  }
0x1d7: {  	s10 =	simm.s32 $0x600;
	[sflag:s17] =	ssyncadd.s32 $0xFFFFC180  }
0x1d8: {  	[tilespmem:s9], [sflag:$0x1] =	stream.indirect.gather [hbm4b:s7+s8], $0x80, s10, s8, $0xb8;
	[tilespmem:$0x1F000] =	vst v63  }
0x1d9: {  	_ =	swait.ge [sflag:s19], $0x3E80  }
0x1da: {  	[sflag:s19] =	ssyncset.done $0x0  }
0x1db: {  	s12 =	simm.s32 $0x680;
	[sflag:s19] =	ssyncadd.s32 $0xFFFFC180  }
0x1dc: {  	[tilespmem:s11], [sflag:$0x2] =	stream.indirect.gather [hbm4b:s7+s8], $0x80, s12, s8, $0xb8;
	[tilespmem:$0x1F000] =	vst v63  }
0x1dd: {  	_ =	swait.ge [sflag:s14], $0x3E80  }
0x1de: {  	[sflag:s14] =	ssyncset.done $0x0  }
0x1df: {  	s10 =	simm.s32 $0x1E00;
	[sflag:s14] =	ssyncadd.s32 $0xFFFFC180  }
0x1e0: {  	[spmem:s1] =	stream.indirect.scatter.add.f32 [tilespmem:s9], [sflag:$0x3], $0x80, s10, s8, $0xb8;
	[tilespmem:$0x1F000] =	vst v63  }
0x1e1: {  	_ =	swait.ge [sflag:s15], $0x3E80  }
0x1e2: {  	[sflag:s15] =	ssyncset.done $0x0  }
0x1e3: {  	s12 =	simm.s32 $0x1E80;
	[sflag:s15] =	ssyncadd.s32 $0xFFFFC180  }
0x1e4: {  	[spmem:s1] =	stream.indirect.scatter.add.f32 [tilespmem:s11], [sflag:$0x4], $0x80, s12, s8, $0xb8;
	[tilespmem:$0x1F000] =	vst v63  }
0x1e5: {  	_ =	swait.ge [sflag:s17], $0x3E80  }
0x1e6: {  	[sflag:s17] =	ssyncset.done $0x0  }
0x1e7: {  	s10 =	simm.s32 $0x700;
	[sflag:s17] =	ssyncadd.s32 $0xFFFFC180  }
0x1e8: {  	[tilespmem:s9], [sflag:$0x1] =	stream.indirect.gather [hbm4b:s7+s8], $0x80, s10, s8, $0xb8;
	[tilespmem:$0x1F000] =	vst v63  }
0x1e9: {  	_ =	swait.ge [sflag:s19], $0x3E80  }
0x1ea: {  	[sflag:s19] =	ssyncset.done $0x0  }
0x1eb: {  	s12 =	simm.s32 $0x780;
	[sflag:s19] =	ssyncadd.s32 $0xFFFFC180  }
0x1ec: {  	[tilespmem:s11], [sflag:$0x2] =	stream.indirect.gather [hbm4b:s7+s8], $0x80, s12, s8, $0xb8;
	[tilespmem:$0x1F000] =	vst v63  }
0x1ed: {  	_ =	swait.ge [sflag:s14], $0x3E80  }
0x1ee: {  	[sflag:s14] =	ssyncset.done $0x0  }
0x1ef: {  	s10 =	simm.s32 $0x1F00;
	[sflag:s14] =	ssyncadd.s32 $0xFFFFC180  }
0x1f0: {  	[spmem:s1] =	stream.indirect.scatter.add.f32 [tilespmem:s9], [sflag:$0x3], $0x80, s10, s8, $0xb8;
	[tilespmem:$0x1F000] =	vst v63  }
0x1f1: {  	_ =	swait.ge [sflag:s15], $0x3E80  }
0x1f2: {  	[sflag:s15] =	ssyncset.done $0x0  }
0x1f3: {  	s12 =	simm.s32 $0x1F80;
	[sflag:s15] =	ssyncadd.s32 $0xFFFFC180  }
0x1f4: {  	[spmem:s1] =	stream.indirect.scatter.add.f32 [tilespmem:s11], [sflag:$0x4], $0x80, s12, s8, $0xb8;
	[tilespmem:$0x1F000] =	vst v63  }
0x1f5: {  	_ =	swait.ge [sflag:s17], $0x3E80  }
0x1f6: {  	[sflag:s17] =	ssyncset.done $0x0  }
0x1f7: {  	s10 =	simm.s32 $0x800;
	[sflag:s17] =	ssyncadd.s32 $0xFFFFC180  }
0x1f8: {  	[tilespmem:s9], [sflag:$0x1] =	stream.indirect.gather [hbm4b:s7+s8], $0x80, s10, s8, $0xb8;
	[tilespmem:$0x1F000] =	vst v63  }
0x1f9: {  	_ =	swait.ge [sflag:s19], $0x3E80  }
0x1fa: {  	[sflag:s19] =	ssyncset.done $0x0  }
0x1fb: {  	s12 =	simm.s32 $0x880;
	[sflag:s19] =	ssyncadd.s32 $0xFFFFC180  }
0x1fc: {  	[tilespmem:s11], [sflag:$0x2] =	stream.indirect.gather [hbm4b:s7+s8], $0x80, s12, s8, $0xb8;
	[tilespmem:$0x1F000] =	vst v63  }
0x1fd: {  	_ =	swait.ge [sflag:s14], $0x3E80  }
0x1fe: {  	[sflag:s14] =	ssyncset.done $0x0  }
0x1ff: {  	s10 =	simm.s32 $0x2000;
	[sflag:s14] =	ssyncadd.s32 $0xFFFFC180  }
0x200: {  	[spmem:s1] =	stream.indirect.scatter.add.f32 [tilespmem:s9], [sflag:$0x3], $0x80, s10, s8, $0xb8;
	[tilespmem:$0x1F000] =	vst v63  }
0x201: {  	_ =	swait.ge [sflag:s15], $0x3E80  }
0x202: {  	[sflag:s15] =	ssyncset.done $0x0  }
0x203: {  	s12 =	simm.s32 $0x2080;
	[sflag:s15] =	ssyncadd.s32 $0xFFFFC180  }
0x204: {  	[spmem:s1] =	stream.indirect.scatter.add.f32 [tilespmem:s11], [sflag:$0x4], $0x80, s12, s8, $0xb8;
	[tilespmem:$0x1F000] =	vst v63  }
0x205: {  	_ =	swait.ge [sflag:s17], $0x3E80  }
0x206: {  	[sflag:s17] =	ssyncset.done $0x0  }
0x207: {  	s10 =	simm.s32 $0x900;
	[sflag:s17] =	ssyncadd.s32 $0xFFFFC180  }
0x208: {  	[tilespmem:s9], [sflag:$0x1] =	stream.indirect.gather [hbm4b:s7+s8], $0x80, s10, s8, $0xb8;
	[tilespmem:$0x1F000] =	vst v63  }
0x209: {  	_ =	swait.ge [sflag:s19], $0x3E80  }
0x20a: {  	[sflag:s19] =	ssyncset.done $0x0  }
0x20b: {  	s12 =	simm.s32 $0x980;
	[sflag:s19] =	ssyncadd.s32 $0xFFFFC180  }
0x20c: {  	[tilespmem:s11], [sflag:$0x2] =	stream.indirect.gather [hbm4b:s7+s8], $0x80, s12, s8, $0xb8;
	[tilespmem:$0x1F000] =	vst v63  }
0x20d: {  	_ =	swait.ge [sflag:s14], $0x3E80  }
0x20e: {  	[sflag:s14] =	ssyncset.done $0x0  }
0x20f: {  	s10 =	simm.s32 $0x2100;
	[sflag:s14] =	ssyncadd.s32 $0xFFFFC180  }
0x210: {  	[spmem:s1] =	stream.indirect.scatter.add.f32 [tilespmem:s9], [sflag:$0x3], $0x80, s10, s8, $0xb8;
	[tilespmem:$0x1F000] =	vst v63  }
0x211: {  	_ =	swait.ge [sflag:s15], $0x3E80  }
0x212: {  	[sflag:s15] =	ssyncset.done $0x0  }
0x213: {  	s12 =	simm.s32 $0x2180;
	[sflag:s15] =	ssyncadd.s32 $0xFFFFC180  }
0x214: {  	[spmem:s1] =	stream.indirect.scatter.add.f32 [tilespmem:s11], [sflag:$0x4], $0x80, s12, s8, $0xb8;
	[tilespmem:$0x1F000] =	vst v63  }
0x215: {  	_ =	swait.ge [sflag:s23], $0xA00  }
0x216: {  	[sflag:s23] =	ssyncset.done $0x0  }
0x217: {  	[sflag:s23] =	ssyncadd.s32 $0xFFFFF600  }
0x218: {  	_ =	swait.ge [sflag:s23], $0xA00  }
0x219: {  	[sflag:s23] =	ssyncset.done $0x0  }
0x21a: {  	[sflag:s23] =	ssyncadd.s32 $0xFFFFF600  }
0x21b: {  	_ =	swait.ge [sflag:s17], $0x3E80  }
0x21c: {  	[sflag:s17] =	ssyncset.done $0x0  }
0x21d: {  	[sflag:s17] =	ssyncadd.s32 $0xFFFFC180  }
0x21e: {  	[tilespmem:s9], [sflag:$0x1] =	stream.indirect.gather [hbm4b:s7+s8], $0x80, s18, s8, $0xb8;
	[tilespmem:$0x1F000] =	vst v63  }
0x21f: {  	_ =	swait.ge [sflag:s19], $0x3E80  }
0x220: {  	[sflag:s19] =	ssyncset.done $0x0  }
0x221: {  	s10 =	simm.s32 $0xC80;
	[sflag:s19] =	ssyncadd.s32 $0xFFFFC180  }
0x222: {  	[tilespmem:s11], [sflag:$0x2] =	stream.indirect.gather [hbm4b:s7+s8], $0x80, s10, s8, $0xb8;
	[tilespmem:$0x1F000] =	vst v63  }
0x223: {  	_ =	swait.ge [sflag:s14], $0x3E80  }
0x224: {  	[sflag:s14] =	ssyncset.done $0x0  }
0x225: {  	[sflag:s14] =	ssyncadd.s32 $0xFFFFC180  }
0x226: {  	[spmem:s1] =	stream.indirect.scatter.add.f32 [tilespmem:s9], [sflag:$0x3], $0x80, s24, s8, $0xb8;
	[tilespmem:$0x1F000] =	vst v63  }
0x227: {  	_ =	swait.ge [sflag:s15], $0x3E80  }
0x228: {  	[sflag:s15] =	ssyncset.done $0x0  }
0x229: {  	s12 =	simm.s32 $0x2480;
	[sflag:s15] =	ssyncadd.s32 $0xFFFFC180  }
0x22a: {  	[spmem:s1] =	stream.indirect.scatter.add.f32 [tilespmem:s11], [sflag:$0x4], $0x80, s12, s8, $0xb8;
	[tilespmem:$0x1F000] =	vst v63  }
0x22b: {  	_ =	swait.ge [sflag:s17], $0x3E80  }
0x22c: {  	[sflag:s17] =	ssyncset.done $0x0  }
0x22d: {  	s18 =	simm.s32 $0xD00;
	[sflag:s17] =	ssyncadd.s32 $0xFFFFC180  }
0x22e: {  	[tilespmem:s9], [sflag:$0x1] =	stream.indirect.gather [hbm4b:s7+s8], $0x80, s18, s8, $0xb8;
	[tilespmem:$0x1F000] =	vst v63  }
0x22f: {  	_ =	swait.ge [sflag:s19], $0x3E80  }
0x230: {  	[sflag:s19] =	ssyncset.done $0x0  }
0x231: {  	s24 =	simm.s32 $0xD80;
	[sflag:s19] =	ssyncadd.s32 $0xFFFFC180  }
0x232: {  	[tilespmem:s11], [sflag:$0x2] =	stream.indirect.gather [hbm4b:s7+s8], $0x80, s24, s8, $0xb8;
	[tilespmem:$0x1F000] =	vst v63  }
0x233: {  	_ =	swait.ge [sflag:s14], $0x3E80  }
0x234: {  	[sflag:s14] =	ssyncset.done $0x0  }
0x235: {  	s10 =	simm.s32 $0x2500;
	[sflag:s14] =	ssyncadd.s32 $0xFFFFC180  }
0x236: {  	[spmem:s1] =	stream.indirect.scatter.add.f32 [tilespmem:s9], [sflag:$0x3], $0x80, s10, s8, $0xb8;
	[tilespmem:$0x1F000] =	vst v63  }
0x237: {  	_ =	swait.ge [sflag:s15], $0x3E80  }
0x238: {  	[sflag:s15] =	ssyncset.done $0x0  }
0x239: {  	s12 =	simm.s32 $0x2580;
	[sflag:s15] =	ssyncadd.s32 $0xFFFFC180  }
0x23a: {  	[spmem:s1] =	stream.indirect.scatter.add.f32 [tilespmem:s11], [sflag:$0x4], $0x80, s12, s8, $0xb8;
	[tilespmem:$0x1F000] =	vst v63  }
0x23b: {  	_ =	swait.ge [sflag:s17], $0x3E80  }
0x23c: {  	[sflag:s17] =	ssyncset.done $0x0  }
0x23d: {  	s18 =	simm.s32 $0xE00;
	[sflag:s17] =	ssyncadd.s32 $0xFFFFC180  }
0x23e: {  	[tilespmem:s9], [sflag:$0x1] =	stream.indirect.gather [hbm4b:s7+s8], $0x80, s18, s8, $0xb8;
	[tilespmem:$0x1F000] =	vst v63  }
0x23f: {  	_ =	swait.ge [sflag:s19], $0x3E80  }
0x240: {  	[sflag:s19] =	ssyncset.done $0x0  }
0x241: {  	s24 =	simm.s32 $0xE80;
	[sflag:s19] =	ssyncadd.s32 $0xFFFFC180  }
0x242: {  	[tilespmem:s11], [sflag:$0x2] =	stream.indirect.gather [hbm4b:s7+s8], $0x80, s24, s8, $0xb8;
	[tilespmem:$0x1F000] =	vst v63  }
0x243: {  	_ =	swait.ge [sflag:s14], $0x3E80  }
0x244: {  	[sflag:s14] =	ssyncset.done $0x0  }
0x245: {  	s10 =	simm.s32 $0x2600;
	[sflag:s14] =	ssyncadd.s32 $0xFFFFC180  }
0x246: {  	[spmem:s1] =	stream.indirect.scatter.add.f32 [tilespmem:s9], [sflag:$0x3], $0x80, s10, s8, $0xb8;
	[tilespmem:$0x1F000] =	vst v63  }
0x247: {  	_ =	swait.ge [sflag:s15], $0x3E80  }
0x248: {  	[sflag:s15] =	ssyncset.done $0x0  }
0x249: {  	s12 =	simm.s32 $0x2680;
	[sflag:s15] =	ssyncadd.s32 $0xFFFFC180  }
0x24a: {  	[spmem:s1] =	stream.indirect.scatter.add.f32 [tilespmem:s11], [sflag:$0x4], $0x80, s12, s8, $0xb8;
	[tilespmem:$0x1F000] =	vst v63  }
0x24b: {  	_ =	swait.ge [sflag:s17], $0x3E80  }
0x24c: {  	[sflag:s17] =	ssyncset.done $0x0  }
0x24d: {  	s18 =	simm.s32 $0xF00;
	[sflag:s17] =	ssyncadd.s32 $0xFFFFC180  }
0x24e: {  	[tilespmem:s9], [sflag:$0x1] =	stream.indirect.gather [hbm4b:s7+s8], $0x80, s18, s8, $0xb8;
	[tilespmem:$0x1F000] =	vst v63  }
0x24f: {  	_ =	swait.ge [sflag:s19], $0x3E80  }
0x250: {  	[sflag:s19] =	ssyncset.done $0x0  }
0x251: {  	s24 =	simm.s32 $0xF80;
	[sflag:s19] =	ssyncadd.s32 $0xFFFFC180  }
0x252: {  	[tilespmem:s11], [sflag:$0x2] =	stream.indirect.gather [hbm4b:s7+s8], $0x80, s24, s8, $0xb8;
	[tilespmem:$0x1F000] =	vst v63  }
0x253: {  	_ =	swait.ge [sflag:s14], $0x3E80  }
0x254: {  	[sflag:s14] =	ssyncset.done $0x0  }
0x255: {  	s10 =	simm.s32 $0x2700;
	[sflag:s14] =	ssyncadd.s32 $0xFFFFC180  }
0x256: {  	[spmem:s1] =	stream.indirect.scatter.add.f32 [tilespmem:s9], [sflag:$0x3], $0x80, s10, s8, $0xb8;
	[tilespmem:$0x1F000] =	vst v63  }
0x257: {  	_ =	swait.ge [sflag:s15], $0x3E80  }
0x258: {  	[sflag:s15] =	ssyncset.done $0x0  }
0x259: {  	s12 =	simm.s32 $0x2780;
	[sflag:s15] =	ssyncadd.s32 $0xFFFFC180  }
0x25a: {  	[spmem:s1] =	stream.indirect.scatter.add.f32 [tilespmem:s11], [sflag:$0x4], $0x80, s12, s8, $0xb8;
	[tilespmem:$0x1F000] =	vst v63  }
0x25b: {  	_ =	swait.ge [sflag:s17], $0x3E80  }
0x25c: {  	[sflag:s17] =	ssyncset.done $0x0  }
0x25d: {  	s18 =	simm.s32 $0x1000;
	[sflag:s17] =	ssyncadd.s32 $0xFFFFC180  }
0x25e: {  	[tilespmem:s9], [sflag:$0x1] =	stream.indirect.gather [hbm4b:s7+s8], $0x80, s18, s8, $0xb8;
	[tilespmem:$0x1F000] =	vst v63  }
0x25f: {  	_ =	swait.ge [sflag:s19], $0x3E80  }
0x260: {  	[sflag:s19] =	ssyncset.done $0x0  }
0x261: {  	s24 =	simm.s32 $0x1080;
	[sflag:s19] =	ssyncadd.s32 $0xFFFFC180  }
0x262: {  	[tilespmem:s11], [sflag:$0x2] =	stream.indirect.gather [hbm4b:s7+s8], $0x80, s24, s8, $0xb8;
	[tilespmem:$0x1F000] =	vst v63  }
0x263: {  	_ =	swait.ge [sflag:s14], $0x3E80  }
0x264: {  	[sflag:s14] =	ssyncset.done $0x0  }
0x265: {  	s10 =	simm.s32 $0x2800;
	[sflag:s14] =	ssyncadd.s32 $0xFFFFC180  }
0x266: {  	[spmem:s1] =	stream.indirect.scatter.add.f32 [tilespmem:s9], [sflag:$0x3], $0x80, s10, s8, $0xb8;
	[tilespmem:$0x1F000] =	vst v63  }
0x267: {  	_ =	swait.ge [sflag:s15], $0x3E80  }
0x268: {  	[sflag:s15] =	ssyncset.done $0x0  }
0x269: {  	s12 =	simm.s32 $0x2880;
	[sflag:s15] =	ssyncadd.s32 $0xFFFFC180  }
0x26a: {  	[spmem:s1] =	stream.indirect.scatter.add.f32 [tilespmem:s11], [sflag:$0x4], $0x80, s12, s8, $0xb8;
	[tilespmem:$0x1F000] =	vst v63  }
0x26b: {  	_ =	swait.ge [sflag:s17], $0x3E80  }
0x26c: {  	[sflag:s17] =	ssyncset.done $0x0  }
0x26d: {  	s18 =	simm.s32 $0x1100;
	[sflag:s17] =	ssyncadd.s32 $0xFFFFC180  }
0x26e: {  	[tilespmem:s9], [sflag:$0x1] =	stream.indirect.gather [hbm4b:s7+s8], $0x80, s18, s8, $0xb8;
	[tilespmem:$0x1F000] =	vst v63  }
0x26f: {  	_ =	swait.ge [sflag:s19], $0x3E80  }
0x270: {  	[sflag:s19] =	ssyncset.done $0x0  }
0x271: {  	s24 =	simm.s32 $0x1180;
	[sflag:s19] =	ssyncadd.s32 $0xFFFFC180  }
0x272: {  	[tilespmem:s11], [sflag:$0x2] =	stream.indirect.gather [hbm4b:s7+s8], $0x80, s24, s8, $0xb8;
	[tilespmem:$0x1F000] =	vst v63  }
0x273: {  	_ =	swait.ge [sflag:s14], $0x3E80  }
0x274: {  	[sflag:s14] =	ssyncset.done $0x0  }
0x275: {  	s10 =	simm.s32 $0x2900;
	[sflag:s14] =	ssyncadd.s32 $0xFFFFC180  }
0x276: {  	[spmem:s1] =	stream.indirect.scatter.add.f32 [tilespmem:s9], [sflag:$0x3], $0x80, s10, s8, $0xb8;
	[tilespmem:$0x1F000] =	vst v63  }
0x277: {  	_ =	swait.ge [sflag:s15], $0x3E80  }
0x278: {  	[sflag:s15] =	ssyncset.done $0x0  }
0x279: {  	s12 =	simm.s32 $0x2980;
	[sflag:s15] =	ssyncadd.s32 $0xFFFFC180  }
0x27a: {  	[spmem:s1] =	stream.indirect.scatter.add.f32 [tilespmem:s11], [sflag:$0x4], $0x80, s12, s8, $0xb8;
	[tilespmem:$0x1F000] =	vst v63  }
0x27b: {  	_ =	swait.ge [sflag:s17], $0x3E80  }
0x27c: {  	[sflag:s17] =	ssyncset.done $0x0  }
0x27d: {  	s18 =	simm.s32 $0x1200;
	[sflag:s17] =	ssyncadd.s32 $0xFFFFC180  }
0x27e: {  	[tilespmem:s9], [sflag:$0x1] =	stream.indirect.gather [hbm4b:s7+s8], $0x80, s18, s8, $0xb8;
	[tilespmem:$0x1F000] =	vst v63  }
0x27f: {  	_ =	swait.ge [sflag:s19], $0x3E80  }
0x280: {  	[sflag:s19] =	ssyncset.done $0x0  }
0x281: {  	s24 =	simm.s32 $0x1280;
	[sflag:s19] =	ssyncadd.s32 $0xFFFFC180  }
0x282: {  	[tilespmem:s11], [sflag:$0x2] =	stream.indirect.gather [hbm4b:s7+s8], $0x80, s24, s8, $0xb8;
	[tilespmem:$0x1F000] =	vst v63  }
0x283: {  	_ =	swait.ge [sflag:s14], $0x3E80  }
0x284: {  	[sflag:s14] =	ssyncset.done $0x0  }
0x285: {  	[sflag:s14] =	ssyncadd.s32 $0xFFFFC180  }
0x286: {  	[spmem:s1] =	stream.indirect.scatter.add.f32 [tilespmem:s9], [sflag:$0x3], $0x80, s31, s8, $0xb8;
	[tilespmem:$0x1F000] =	vst v63  }
0x287: {  	_ =	swait.ge [sflag:s15], $0x3E80  }
0x288: {  	[sflag:s15] =	ssyncset.done $0x0  }
0x289: {  	[sflag:s15] =	ssyncadd.s32 $0xFFFFC180  }
0x28a: {  	[spmem:s1] =	stream.indirect.scatter.add.f32 [tilespmem:s11], [sflag:$0x4], $0x80, s30, s8, $0xb8;
	[tilespmem:$0x1F000] =	vst v63  }
0x28b: {  	_ =	swait.ge [sflag:s17], $0x3E80  }
0x28c: {  	[sflag:s17] =	ssyncset.done $0x0  }
0x28d: {  	[sflag:s17] =	ssyncadd.s32 $0xFFFFC180  }
0x28e: {  	[tilespmem:s9], [sflag:$0x1] =	stream.indirect.gather [hbm4b:s7+s8], $0x80, s29, s8, $0xb8;
	[tilespmem:$0x1F000] =	vst v63  }
0x28f: {  	_ =	swait.ge [sflag:s19], $0x3E80  }
0x290: {  	[sflag:s19] =	ssyncset.done $0x0  }
0x291: {  	[sflag:s19] =	ssyncadd.s32 $0xFFFFC180  }
0x292: {  	[tilespmem:s11], [sflag:$0x2] =	stream.indirect.gather [hbm4b:s7+s8], $0x80, s28, s8, $0xb8;
	[tilespmem:$0x1F000] =	vst v63  }
0x293: {  	_ =	swait.ge [sflag:s14], $0x3E80  }
0x294: {  	[sflag:s14] =	ssyncset.done $0x0  }
0x295: {  	[sflag:s14] =	ssyncadd.s32 $0xFFFFC180  }
0x296: {  	[spmem:s1] =	stream.indirect.scatter.add.f32 [tilespmem:s9], [sflag:$0x3], $0x80, s26, s8, $0xb8;
	[tilespmem:$0x1F000] =	vst v63  }
0x297: {  	_ =	swait.ge [sflag:s15], $0x3E80  }
0x298: {  	[sflag:s15] =	ssyncset.done $0x0  }
0x299: {  	[sflag:s15] =	ssyncadd.s32 $0xFFFFC180  }
0x29a: {  	[spmem:s1] =	stream.indirect.scatter.add.f32 [tilespmem:s11], [sflag:$0x4], $0x80, s25, s8, $0xb8;
	[tilespmem:$0x1F000] =	vst v63  }
0x29b: {  	_ =	swait.ge [sflag:s17], $0x3E80  }
0x29c: {  	[sflag:s17] =	ssyncset.done $0x0  }
0x29d: {  	[sflag:s17] =	ssyncadd.s32 $0xFFFFC180  }
0x29e: {  	[tilespmem:s9], [sflag:$0x1] =	stream.indirect.gather [hbm4b:s7+s8], $0x80, s22, s8, $0xb8;
	[tilespmem:$0x1F000] =	vst v63  }
0x29f: {  	_ =	swait.ge [sflag:s19], $0x3E80  }
0x2a0: {  	[sflag:s19] =	ssyncset.done $0x0  }
0x2a1: {  	[sflag:s19] =	ssyncadd.s32 $0xFFFFC180  }
0x2a2: {  	[tilespmem:s11], [sflag:$0x2] =	stream.indirect.gather [hbm4b:s7+s8], $0x80, s21, s8, $0xb8;
	[tilespmem:$0x1F000] =	vst v63  }
0x2a3: {  	_ =	swait.ge [sflag:s14], $0x3E80  }
0x2a4: {  	[sflag:s14] =	ssyncset.done $0x0  }
0x2a5: {  	[sflag:s14] =	ssyncadd.s32 $0xFFFFC180  }
0x2a6: {  	[spmem:s1] =	stream.indirect.scatter.add.f32 [tilespmem:s9], [sflag:$0x3], $0x80, s20, s8, $0xb8;
	[tilespmem:$0x1F000] =	vst v63  }
0x2a7: {  	_ =	swait.ge [sflag:s15], $0x3E80  }
0x2a8: {  	[sflag:s15] =	ssyncset.done $0x0  }
0x2a9: {  	[sflag:s15] =	ssyncadd.s32 $0xFFFFC180  }
0x2aa: {  	[spmem:s1] =	stream.indirect.scatter.add.f32 [tilespmem:s11], [sflag:$0x4], $0x80, s16, s8, $0xb8;
	[tilespmem:$0x1F000] =	vst v63  }
0x2ab: {  	_ =	swait.ge [sflag:s17], $0x3E80  }
0x2ac: {  	[sflag:s17] =	ssyncset.done $0x0  }
0x2ad: {  	[sflag:s17] =	ssyncadd.s32 $0xFFFFC180  }
0x2ae: {  	[tilespmem:s9], [sflag:$0x1] =	stream.indirect.gather [hbm4b:s7+s8], $0x80, s13, s8, $0xb8;
	[tilespmem:$0x1F000] =	vst v63  }
0x2af: {  	_ =	swait.ge [sflag:s19], $0x3E80  }
0x2b0: {  	[sflag:s19] =	ssyncset.done $0x0  }
0x2b1: {  	[sflag:s19] =	ssyncadd.s32 $0xFFFFC180  }
0x2b2: {  	[tilespmem:s11], [sflag:$0x2] =	stream.indirect.gather [hbm4b:s7+s8], $0x80, s4, s8, $0xb8;
	[tilespmem:$0x1F000] =	vst v63  }
0x2b3: {  	_ =	swait.ge [sflag:s14], $0x3E80  }
0x2b4: {  	[sflag:s14] =	ssyncset.done $0x0  }
0x2b5: {  	[sflag:s14] =	ssyncadd.s32 $0xFFFFC180  }
0x2b6: {  	[spmem:s1] =	stream.indirect.scatter.add.f32 [tilespmem:s9], [sflag:$0x3], $0x80, s3, s8, $0xb8;
	[tilespmem:$0x1F000] =	vst v63  }
0x2b7: {  	_ =	swait.ge [sflag:s15], $0x3E80  }
0x2b8: {  	[sflag:s15] =	ssyncset.done $0x0  }
0x2b9: {  	[sflag:s15] =	ssyncadd.s32 $0xFFFFC180  }
0x2ba: {  	[spmem:s1] =	stream.indirect.scatter.add.f32 [tilespmem:s11], [sflag:$0x4], $0x80, s0, s8, $0xb8;
	[tilespmem:$0x1F000] =	vst v63  }
0x2bb: {  	_ =	swait.ge [sflag:s17], $0x3E80  }
0x2bc: {  	[sflag:s17] =	ssyncset.done $0x0  }
0x2bd: {  	[sflag:s17] =	ssyncadd.s32 $0xFFFFC180  }
0x2be: {  	_ =	swait.ge [sflag:s19], $0x3E80  }
0x2bf: {  	[sflag:s19] =	ssyncset.done $0x0  }
0x2c0: {  	[sflag:s19] =	ssyncadd.s32 $0xFFFFC180  }
0x2c1: {  	s29 =	stileid.u32;
	[bflag:$0x0] =	sbarrier.arrive $0xFFFF  }
0x2c2: {  	s30 =	sshll.u32 s29, $0x6;
	s26 =	rddreg [dreg:$0xc]  }
0x2c3: {  	s0 =	sor.u32 $0x1C06, s30;
	s28 =	rddreg [dreg:$0xe]  }
0x2c4: {  	[dreg:$0xf] =	wrdreg s0  }
0x2c5: {  	[hbm:s26], [sflag:s0] =	dma.local [spmem:s28], $0x2800  }
0x2c6: {  	s0 =	rddreg [dreg:$0x10]  }
0x2c7: {  	s0 =	ssub.s32 $0x2, s0  }
0x2c8: {  	s31 =	sshrl.u32 s0, $0x1  }
0x2c9: {  	s10 =	ssub.s32 s0, s31  }
0x2ca: {  	s10 =	smax.u32 s10, $0x1  }
0x2cb: {  	s10 =	sadd.s32 $0xFFFFFFFF, s10  }
0x2cc: {  	p1 =	sne.s32 s10, $0x0  }
.Ltmp0:
0x2cd: {  	_ = 	snop;
	(pc) =	sbr.rel @!p1 .LBB2_3-.Ltmp0, $2  }
0x2ce: {  	_ =	sdelay $0x2  }
0x2cf: {  	_ =	swait.ge [sflag:s2], $0x2800  }
0x2d0: {  	s2 =	simm.s32 $0x6;
	s13 =	simm.s32 $0xC00  }
0x2d1: {  	s3 =	simm.s32 $0x2400;
	s4 =	simm.s32 $0xD00;
	s5 =	simm.s32 $0xD80  }
0x2d2: {  	s21 =	simm.s32 $0x2580;
	s22 =	simm.s32 $0xE00;
	s24 =	simm.s32 $0xE80  }
0x2d3: {  	s25 =	simm.s32 $0x2600;
	s26 =	simm.s32 $0x2680;
	s28 =	simm.s32 $0xF00  }
0x2d4: {  	s29 =	simm.s32 $0xF80;
	s30 =	simm.s32 $0x2700;
	s31 =	simm.s32 $0x2780  }
.LBB2_2:
0x2d5: {  	[sflag:s2] =	ssyncset.done $0x0  }
0x2d6: {  	s16 =	rddreg [dreg:$0x4];
	[sflag:s2] =	ssyncadd.s32 $0xFFFFD800  }
0x2d7: {  	[tilespmem:s6], [sflag:$0x6] =	stream.linear.gather [hbm4b:s16+s6], $0xA00, $0x38;
	[tilespmem:$0x1F000] =	vst v63  }
0x2d8: {  	_ =	swait.ge [sflag:s2], $0xA00  }
0x2d9: {  	[sflag:s2] =	ssyncset.done $0x0  }
0x2da: {  	s12 =	simm.s32 $0x1800;
	s0 =	rddreg [dreg:$0x5];
	[sflag:s2] =	ssyncadd.s32 $0xFFFFF600  }
0x2db: {  	[tilespmem:s12], [sflag:$0x6] =	stream.linear.gather [hbm4b:s0+s6], $0xA00, $0x38;
	[tilespmem:$0x1F000] =	vst v63  }
0x2dc: {  	_ =	swait.ge [sflag:s2], $0xA00  }
0x2dd: {  	s20 =	simm.s32 @!p0 $0x1C06;
	[sflag:s2] =	ssyncset.done $0x0;
	s16 =	rddreg [dreg:$0x3]  }
0x2de: {  	s0 =	simm.s32 @!p0 $0x6;
	s18 =	rddreg [dreg:$0xd];
	[sflag:s2] =	ssyncadd.s32 $0xFFFFF600  }
0x2df: {  	[spmem:s18], [sflag:s20] =	dma.local @!p0 [hbm:s16], $0x28000  }
0x2e0: {  	_ =	swait.ge @!p0 [sflag:s0], $0x28000  }
0x2e1: {  	[sflag:s0] =	ssyncset.done @!p0 $0x0  }
0x2e2: {  	[sflag:s0] =	ssyncadd.s32 @!p0 $0xFFFD8000  }
0x2e3: {  	[bflag:$0x0] =	sbarrier.arrive $0xFFFF  }
0x2e4: {  	[tilespmem:s9], [sflag:$0x1] =	stream.indirect.gather [hbm4b:s7+s8], $0x80, s6, s8, $0xb8;
	[tilespmem:$0x1F000] =	vst v63  }
0x2e5: {  	s20 =	simm.s32 $0x80  }
0x2e6: {  	[tilespmem:s11], [sflag:$0x2] =	stream.indirect.gather [hbm4b:s7+s8], $0x80, s20, s8, $0xb8;
	[tilespmem:$0x1F000] =	vst v63  }
0x2e7: {  	s18 =	rddreg [dreg:$0x6]  }
0x2e8: {  	[tilespmem:s13], [sflag:$0x5] =	stream.linear.gather [hbm4b:s18+s6], $0xA00, $0x38;
	[tilespmem:$0x1F000] =	vst v63  }
0x2e9: {  	s0 =	rddreg [dreg:$0x7]  }
0x2ea: {  	[tilespmem:s3], [sflag:$0x5] =	stream.linear.gather [hbm4b:s0+s6], $0xA00, $0x38;
	[tilespmem:$0x1F000] =	vst v63  }
0x2eb: {  	_ =	swait.ge [sflag:s14], $0x3E80  }
0x2ec: {  	[sflag:s14] =	ssyncset.done $0x0  }
0x2ed: {  	[sflag:s14] =	ssyncadd.s32 $0xFFFFC180  }
0x2ee: {  	[spmem:s1] =	stream.indirect.scatter.add.f32 [tilespmem:s9], [sflag:$0x3], $0x80, s12, s8, $0xb8;
	[tilespmem:$0x1F000] =	vst v63  }
0x2ef: {  	_ =	swait.ge [sflag:s15], $0x3E80  }
0x2f0: {  	[sflag:s15] =	ssyncset.done $0x0  }
0x2f1: {  	s16 =	simm.s32 $0x1880;
	[sflag:s15] =	ssyncadd.s32 $0xFFFFC180  }
0x2f2: {  	[spmem:s1] =	stream.indirect.scatter.add.f32 [tilespmem:s11], [sflag:$0x4], $0x80, s16, s8, $0xb8;
	[tilespmem:$0x1F000] =	vst v63  }
0x2f3: {  	_ =	swait.ge [sflag:s17], $0x3E80  }
0x2f4: {  	[sflag:s17] =	ssyncset.done $0x0  }
0x2f5: {  	s18 =	simm.s32 $0x100;
	[sflag:s17] =	ssyncadd.s32 $0xFFFFC180  }
0x2f6: {  	[tilespmem:s9], [sflag:$0x1] =	stream.indirect.gather [hbm4b:s7+s8], $0x80, s18, s8, $0xb8;
	[tilespmem:$0x1F000] =	vst v63  }
0x2f7: {  	_ =	swait.ge [sflag:s19], $0x3E80  }
0x2f8: {  	[sflag:s19] =	ssyncset.done $0x0  }
0x2f9: {  	s20 =	simm.s32 $0x180;
	[sflag:s19] =	ssyncadd.s32 $0xFFFFC180  }
0x2fa: {  	[tilespmem:s11], [sflag:$0x2] =	stream.indirect.gather [hbm4b:s7+s8], $0x80, s20, s8, $0xb8;
	[tilespmem:$0x1F000] =	vst v63  }
0x2fb: {  	_ =	swait.ge [sflag:s14], $0x3E80  }
0x2fc: {  	[sflag:s14] =	ssyncset.done $0x0  }
0x2fd: {  	s16 =	simm.s32 $0x1900;
	[sflag:s14] =	ssyncadd.s32 $0xFFFFC180  }
0x2fe: {  	[spmem:s1] =	stream.indirect.scatter.add.f32 [tilespmem:s9], [sflag:$0x3], $0x80, s16, s8, $0xb8;
	[tilespmem:$0x1F000] =	vst v63  }
0x2ff: {  	_ =	swait.ge [sflag:s15], $0x3E80  }
0x300: {  	[sflag:s15] =	ssyncset.done $0x0  }
0x301: {  	s18 =	simm.s32 $0x1980;
	[sflag:s15] =	ssyncadd.s32 $0xFFFFC180  }
0x302: {  	[spmem:s1] =	stream.indirect.scatter.add.f32 [tilespmem:s11], [sflag:$0x4], $0x80, s18, s8, $0xb8;
	[tilespmem:$0x1F000] =	vst v63  }
0x303: {  	_ =	swait.ge [sflag:s17], $0x3E80  }
0x304: {  	[sflag:s17] =	ssyncset.done $0x0  }
0x305: {  	s20 =	simm.s32 $0x200;
	[sflag:s17] =	ssyncadd.s32 $0xFFFFC180  }
0x306: {  	[tilespmem:s9], [sflag:$0x1] =	stream.indirect.gather [hbm4b:s7+s8], $0x80, s20, s8, $0xb8;
	[tilespmem:$0x1F000] =	vst v63  }
0x307: {  	_ =	swait.ge [sflag:s19], $0x3E80  }
0x308: {  	[sflag:s19] =	ssyncset.done $0x0  }
0x309: {  	s16 =	simm.s32 $0x280;
	[sflag:s19] =	ssyncadd.s32 $0xFFFFC180  }
0x30a: {  	[tilespmem:s11], [sflag:$0x2] =	stream.indirect.gather [hbm4b:s7+s8], $0x80, s16, s8, $0xb8;
	[tilespmem:$0x1F000] =	vst v63  }
0x30b: {  	_ =	swait.ge [sflag:s14], $0x3E80  }
0x30c: {  	[sflag:s14] =	ssyncset.done $0x0  }
0x30d: {  	s18 =	simm.s32 $0x1A00;
	[sflag:s14] =	ssyncadd.s32 $0xFFFFC180  }
0x30e: {  	[spmem:s1] =	stream.indirect.scatter.add.f32 [tilespmem:s9], [sflag:$0x3], $0x80, s18, s8, $0xb8;
	[tilespmem:$0x1F000] =	vst v63  }
0x30f: {  	_ =	swait.ge [sflag:s15], $0x3E80  }
0x310: {  	[sflag:s15] =	ssyncset.done $0x0  }
0x311: {  	s20 =	simm.s32 $0x1A80;
	[sflag:s15] =	ssyncadd.s32 $0xFFFFC180  }
0x312: {  	[spmem:s1] =	stream.indirect.scatter.add.f32 [tilespmem:s11], [sflag:$0x4], $0x80, s20, s8, $0xb8;
	[tilespmem:$0x1F000] =	vst v63  }
0x313: {  	_ =	swait.ge [sflag:s17], $0x3E80  }
0x314: {  	[sflag:s17] =	ssyncset.done $0x0  }
0x315: {  	s16 =	simm.s32 $0x300;
	[sflag:s17] =	ssyncadd.s32 $0xFFFFC180  }
0x316: {  	[tilespmem:s9], [sflag:$0x1] =	stream.indirect.gather [hbm4b:s7+s8], $0x80, s16, s8, $0xb8;
	[tilespmem:$0x1F000] =	vst v63  }
0x317: {  	_ =	swait.ge [sflag:s19], $0x3E80  }
0x318: {  	[sflag:s19] =	ssyncset.done $0x0  }
0x319: {  	s18 =	simm.s32 $0x380;
	[sflag:s19] =	ssyncadd.s32 $0xFFFFC180  }
0x31a: {  	[tilespmem:s11], [sflag:$0x2] =	stream.indirect.gather [hbm4b:s7+s8], $0x80, s18, s8, $0xb8;
	[tilespmem:$0x1F000] =	vst v63  }
0x31b: {  	_ =	swait.ge [sflag:s14], $0x3E80  }
0x31c: {  	[sflag:s14] =	ssyncset.done $0x0  }
0x31d: {  	s20 =	simm.s32 $0x1B00;
	[sflag:s14] =	ssyncadd.s32 $0xFFFFC180  }
0x31e: {  	[spmem:s1] =	stream.indirect.scatter.add.f32 [tilespmem:s9], [sflag:$0x3], $0x80, s20, s8, $0xb8;
	[tilespmem:$0x1F000] =	vst v63  }
0x31f: {  	_ =	swait.ge [sflag:s15], $0x3E80  }
0x320: {  	[sflag:s15] =	ssyncset.done $0x0  }
0x321: {  	s16 =	simm.s32 $0x1B80;
	[sflag:s15] =	ssyncadd.s32 $0xFFFFC180  }
0x322: {  	[spmem:s1] =	stream.indirect.scatter.add.f32 [tilespmem:s11], [sflag:$0x4], $0x80, s16, s8, $0xb8;
	[tilespmem:$0x1F000] =	vst v63  }
0x323: {  	_ =	swait.ge [sflag:s17], $0x3E80  }
0x324: {  	[sflag:s17] =	ssyncset.done $0x0  }
0x325: {  	s18 =	simm.s32 $0x400;
	[sflag:s17] =	ssyncadd.s32 $0xFFFFC180  }
0x326: {  	[tilespmem:s9], [sflag:$0x1] =	stream.indirect.gather [hbm4b:s7+s8], $0x80, s18, s8, $0xb8;
	[tilespmem:$0x1F000] =	vst v63  }
0x327: {  	_ =	swait.ge [sflag:s19], $0x3E80  }
0x328: {  	[sflag:s19] =	ssyncset.done $0x0  }
0x329: {  	s20 =	simm.s32 $0x480;
	[sflag:s19] =	ssyncadd.s32 $0xFFFFC180  }
0x32a: {  	[tilespmem:s11], [sflag:$0x2] =	stream.indirect.gather [hbm4b:s7+s8], $0x80, s20, s8, $0xb8;
	[tilespmem:$0x1F000] =	vst v63  }
0x32b: {  	_ =	swait.ge [sflag:s14], $0x3E80  }
0x32c: {  	[sflag:s14] =	ssyncset.done $0x0  }
0x32d: {  	s16 =	simm.s32 $0x1C00;
	[sflag:s14] =	ssyncadd.s32 $0xFFFFC180  }
0x32e: {  	[spmem:s1] =	stream.indirect.scatter.add.f32 [tilespmem:s9], [sflag:$0x3], $0x80, s16, s8, $0xb8;
	[tilespmem:$0x1F000] =	vst v63  }
0x32f: {  	_ =	swait.ge [sflag:s15], $0x3E80  }
0x330: {  	[sflag:s15] =	ssyncset.done $0x0  }
0x331: {  	s18 =	simm.s32 $0x1C80;
	[sflag:s15] =	ssyncadd.s32 $0xFFFFC180  }
0x332: {  	[spmem:s1] =	stream.indirect.scatter.add.f32 [tilespmem:s11], [sflag:$0x4], $0x80, s18, s8, $0xb8;
	[tilespmem:$0x1F000] =	vst v63  }
0x333: {  	_ =	swait.ge [sflag:s17], $0x3E80  }
0x334: {  	[sflag:s17] =	ssyncset.done $0x0  }
0x335: {  	s20 =	simm.s32 $0x500;
	[sflag:s17] =	ssyncadd.s32 $0xFFFFC180  }
0x336: {  	[tilespmem:s9], [sflag:$0x1] =	stream.indirect.gather [hbm4b:s7+s8], $0x80, s20, s8, $0xb8;
	[tilespmem:$0x1F000] =	vst v63  }
0x337: {  	_ =	swait.ge [sflag:s19], $0x3E80  }
0x338: {  	[sflag:s19] =	ssyncset.done $0x0  }
0x339: {  	s16 =	simm.s32 $0x580;
	[sflag:s19] =	ssyncadd.s32 $0xFFFFC180  }
0x33a: {  	[tilespmem:s11], [sflag:$0x2] =	stream.indirect.gather [hbm4b:s7+s8], $0x80, s16, s8, $0xb8;
	[tilespmem:$0x1F000] =	vst v63  }
0x33b: {  	_ =	swait.ge [sflag:s14], $0x3E80  }
0x33c: {  	[sflag:s14] =	ssyncset.done $0x0  }
0x33d: {  	s18 =	simm.s32 $0x1D00;
	[sflag:s14] =	ssyncadd.s32 $0xFFFFC180  }
0x33e: {  	[spmem:s1] =	stream.indirect.scatter.add.f32 [tilespmem:s9], [sflag:$0x3], $0x80, s18, s8, $0xb8;
	[tilespmem:$0x1F000] =	vst v63  }
0x33f: {  	_ =	swait.ge [sflag:s15], $0x3E80  }
0x340: {  	[sflag:s15] =	ssyncset.done $0x0  }
0x341: {  	s20 =	simm.s32 $0x1D80;
	[sflag:s15] =	ssyncadd.s32 $0xFFFFC180  }
0x342: {  	[spmem:s1] =	stream.indirect.scatter.add.f32 [tilespmem:s11], [sflag:$0x4], $0x80, s20, s8, $0xb8;
	[tilespmem:$0x1F000] =	vst v63  }
0x343: {  	_ =	swait.ge [sflag:s17], $0x3E80  }
0x344: {  	[sflag:s17] =	ssyncset.done $0x0  }
0x345: {  	s16 =	simm.s32 $0x600;
	[sflag:s17] =	ssyncadd.s32 $0xFFFFC180  }
0x346: {  	[tilespmem:s9], [sflag:$0x1] =	stream.indirect.gather [hbm4b:s7+s8], $0x80, s16, s8, $0xb8;
	[tilespmem:$0x1F000] =	vst v63  }
0x347: {  	_ =	swait.ge [sflag:s19], $0x3E80  }
0x348: {  	[sflag:s19] =	ssyncset.done $0x0  }
0x349: {  	s18 =	simm.s32 $0x680;
	[sflag:s19] =	ssyncadd.s32 $0xFFFFC180  }
0x34a: {  	[tilespmem:s11], [sflag:$0x2] =	stream.indirect.gather [hbm4b:s7+s8], $0x80, s18, s8, $0xb8;
	[tilespmem:$0x1F000] =	vst v63  }
0x34b: {  	_ =	swait.ge [sflag:s14], $0x3E80  }
0x34c: {  	[sflag:s14] =	ssyncset.done $0x0  }
0x34d: {  	s20 =	simm.s32 $0x1E00;
	[sflag:s14] =	ssyncadd.s32 $0xFFFFC180  }
0x34e: {  	[spmem:s1] =	stream.indirect.scatter.add.f32 [tilespmem:s9], [sflag:$0x3], $0x80, s20, s8, $0xb8;
	[tilespmem:$0x1F000] =	vst v63  }
0x34f: {  	_ =	swait.ge [sflag:s15], $0x3E80  }
0x350: {  	[sflag:s15] =	ssyncset.done $0x0  }
0x351: {  	s16 =	simm.s32 $0x1E80;
	[sflag:s15] =	ssyncadd.s32 $0xFFFFC180  }
0x352: {  	[spmem:s1] =	stream.indirect.scatter.add.f32 [tilespmem:s11], [sflag:$0x4], $0x80, s16, s8, $0xb8;
	[tilespmem:$0x1F000] =	vst v63  }
0x353: {  	_ =	swait.ge [sflag:s17], $0x3E80  }
0x354: {  	[sflag:s17] =	ssyncset.done $0x0  }
0x355: {  	s18 =	simm.s32 $0x700;
	[sflag:s17] =	ssyncadd.s32 $0xFFFFC180  }
0x356: {  	[tilespmem:s9], [sflag:$0x1] =	stream.indirect.gather [hbm4b:s7+s8], $0x80, s18, s8, $0xb8;
	[tilespmem:$0x1F000] =	vst v63  }
0x357: {  	_ =	swait.ge [sflag:s19], $0x3E80  }
0x358: {  	[sflag:s19] =	ssyncset.done $0x0  }
0x359: {  	s20 =	simm.s32 $0x780;
	[sflag:s19] =	ssyncadd.s32 $0xFFFFC180  }
0x35a: {  	[tilespmem:s11], [sflag:$0x2] =	stream.indirect.gather [hbm4b:s7+s8], $0x80, s20, s8, $0xb8;
	[tilespmem:$0x1F000] =	vst v63  }
0x35b: {  	_ =	swait.ge [sflag:s14], $0x3E80  }
0x35c: {  	[sflag:s14] =	ssyncset.done $0x0  }
0x35d: {  	s16 =	simm.s32 $0x1F00;
	[sflag:s14] =	ssyncadd.s32 $0xFFFFC180  }
0x35e: {  	[spmem:s1] =	stream.indirect.scatter.add.f32 [tilespmem:s9], [sflag:$0x3], $0x80, s16, s8, $0xb8;
	[tilespmem:$0x1F000] =	vst v63  }
0x35f: {  	_ =	swait.ge [sflag:s15], $0x3E80  }
0x360: {  	[sflag:s15] =	ssyncset.done $0x0  }
0x361: {  	s18 =	simm.s32 $0x1F80;
	[sflag:s15] =	ssyncadd.s32 $0xFFFFC180  }
0x362: {  	[spmem:s1] =	stream.indirect.scatter.add.f32 [tilespmem:s11], [sflag:$0x4], $0x80, s18, s8, $0xb8;
	[tilespmem:$0x1F000] =	vst v63  }
0x363: {  	_ =	swait.ge [sflag:s17], $0x3E80  }
0x364: {  	[sflag:s17] =	ssyncset.done $0x0  }
0x365: {  	s20 =	simm.s32 $0x800;
	[sflag:s17] =	ssyncadd.s32 $0xFFFFC180  }
0x366: {  	[tilespmem:s9], [sflag:$0x1] =	stream.indirect.gather [hbm4b:s7+s8], $0x80, s20, s8, $0xb8;
	[tilespmem:$0x1F000] =	vst v63  }
0x367: {  	_ =	swait.ge [sflag:s19], $0x3E80  }
0x368: {  	[sflag:s19] =	ssyncset.done $0x0  }
0x369: {  	s16 =	simm.s32 $0x880;
	[sflag:s19] =	ssyncadd.s32 $0xFFFFC180  }
0x36a: {  	[tilespmem:s11], [sflag:$0x2] =	stream.indirect.gather [hbm4b:s7+s8], $0x80, s16, s8, $0xb8;
	[tilespmem:$0x1F000] =	vst v63  }
0x36b: {  	_ =	swait.ge [sflag:s14], $0x3E80  }
0x36c: {  	[sflag:s14] =	ssyncset.done $0x0  }
0x36d: {  	s18 =	simm.s32 $0x2000;
	[sflag:s14] =	ssyncadd.s32 $0xFFFFC180  }
0x36e: {  	[spmem:s1] =	stream.indirect.scatter.add.f32 [tilespmem:s9], [sflag:$0x3], $0x80, s18, s8, $0xb8;
	[tilespmem:$0x1F000] =	vst v63  }
0x36f: {  	_ =	swait.ge [sflag:s15], $0x3E80  }
0x370: {  	[sflag:s15] =	ssyncset.done $0x0  }
0x371: {  	s20 =	simm.s32 $0x2080;
	[sflag:s15] =	ssyncadd.s32 $0xFFFFC180  }
0x372: {  	[spmem:s1] =	stream.indirect.scatter.add.f32 [tilespmem:s11], [sflag:$0x4], $0x80, s20, s8, $0xb8;
	[tilespmem:$0x1F000] =	vst v63  }
0x373: {  	_ =	swait.ge [sflag:s17], $0x3E80  }
0x374: {  	[sflag:s17] =	ssyncset.done $0x0  }
0x375: {  	s16 =	simm.s32 $0x900;
	[sflag:s17] =	ssyncadd.s32 $0xFFFFC180  }
0x376: {  	[tilespmem:s9], [sflag:$0x1] =	stream.indirect.gather [hbm4b:s7+s8], $0x80, s16, s8, $0xb8;
	[tilespmem:$0x1F000] =	vst v63  }
0x377: {  	_ =	swait.ge [sflag:s19], $0x3E80  }
0x378: {  	[sflag:s19] =	ssyncset.done $0x0  }
0x379: {  	s18 =	simm.s32 $0x980;
	[sflag:s19] =	ssyncadd.s32 $0xFFFFC180  }
0x37a: {  	[tilespmem:s11], [sflag:$0x2] =	stream.indirect.gather [hbm4b:s7+s8], $0x80, s18, s8, $0xb8;
	[tilespmem:$0x1F000] =	vst v63  }
0x37b: {  	_ =	swait.ge [sflag:s14], $0x3E80  }
0x37c: {  	[sflag:s14] =	ssyncset.done $0x0  }
0x37d: {  	s20 =	simm.s32 $0x2100;
	[sflag:s14] =	ssyncadd.s32 $0xFFFFC180  }
0x37e: {  	[spmem:s1] =	stream.indirect.scatter.add.f32 [tilespmem:s9], [sflag:$0x3], $0x80, s20, s8, $0xb8;
	[tilespmem:$0x1F000] =	vst v63  }
0x37f: {  	_ =	swait.ge [sflag:s15], $0x3E80  }
0x380: {  	[sflag:s15] =	ssyncset.done $0x0  }
0x381: {  	s16 =	simm.s32 $0x2180;
	[sflag:s15] =	ssyncadd.s32 $0xFFFFC180  }
0x382: {  	[spmem:s1] =	stream.indirect.scatter.add.f32 [tilespmem:s11], [sflag:$0x4], $0x80, s16, s8, $0xb8;
	[tilespmem:$0x1F000] =	vst v63  }
0x383: {  	_ =	swait.ge [sflag:s23], $0xA00  }
0x384: {  	[sflag:s23] =	ssyncset.done $0x0  }
0x385: {  	[sflag:s23] =	ssyncadd.s32 $0xFFFFF600  }
0x386: {  	_ =	swait.ge [sflag:s23], $0xA00  }
0x387: {  	[sflag:s23] =	ssyncset.done $0x0  }
0x388: {  	[sflag:s23] =	ssyncadd.s32 $0xFFFFF600  }
0x389: {  	_ =	swait.ge [sflag:s17], $0x3E80  }
0x38a: {  	[sflag:s17] =	ssyncset.done $0x0  }
0x38b: {  	[sflag:s17] =	ssyncadd.s32 $0xFFFFC180  }
0x38c: {  	[tilespmem:s9], [sflag:$0x1] =	stream.indirect.gather [hbm4b:s7+s8], $0x80, s13, s8, $0xb8;
	[tilespmem:$0x1F000] =	vst v63  }
0x38d: {  	_ =	swait.ge [sflag:s19], $0x3E80  }
0x38e: {  	[sflag:s19] =	ssyncset.done $0x0  }
0x38f: {  	s20 =	simm.s32 $0xC80;
	[sflag:s19] =	ssyncadd.s32 $0xFFFFC180  }
0x390: {  	[tilespmem:s11], [sflag:$0x2] =	stream.indirect.gather [hbm4b:s7+s8], $0x80, s20, s8, $0xb8;
	[tilespmem:$0x1F000] =	vst v63  }
0x391: {  	s18 =	rddreg [dreg:$0x8]  }
0x392: {  	[tilespmem:s6], [sflag:$0x5] =	stream.linear.gather [hbm4b:s18+s6], $0xA00, $0x38;
	[tilespmem:$0x1F000] =	vst v63  }
0x393: {  	s0 =	rddreg [dreg:$0x9]  }
0x394: {  	[tilespmem:s12], [sflag:$0x5] =	stream.linear.gather [hbm4b:s0+s6], $0xA00, $0x38;
	[tilespmem:$0x1F000] =	vst v63  }
0x395: {  	_ =	swait.ge [sflag:s14], $0x3E80  }
0x396: {  	[sflag:s14] =	ssyncset.done $0x0  }
0x397: {  	[sflag:s14] =	ssyncadd.s32 $0xFFFFC180  }
0x398: {  	[spmem:s1] =	stream.indirect.scatter.add.f32 [tilespmem:s9], [sflag:$0x3], $0x80, s3, s8, $0xb8;
	[tilespmem:$0x1F000] =	vst v63  }
0x399: {  	_ =	swait.ge [sflag:s15], $0x3E80  }
0x39a: {  	[sflag:s15] =	ssyncset.done $0x0  }
0x39b: {  	s0 =	simm.s32 $0x2480;
	[sflag:s15] =	ssyncadd.s32 $0xFFFFC180  }
0x39c: {  	[spmem:s1] =	stream.indirect.scatter.add.f32 [tilespmem:s11], [sflag:$0x4], $0x80, s0, s8, $0xb8;
	[tilespmem:$0x1F000] =	vst v63  }
0x39d: {  	_ =	swait.ge [sflag:s17], $0x3E80  }
0x39e: {  	[sflag:s17] =	ssyncset.done $0x0  }
0x39f: {  	[sflag:s17] =	ssyncadd.s32 $0xFFFFC180  }
0x3a0: {  	[tilespmem:s9], [sflag:$0x1] =	stream.indirect.gather [hbm4b:s7+s8], $0x80, s4, s8, $0xb8;
	[tilespmem:$0x1F000] =	vst v63  }
0x3a1: {  	_ =	swait.ge [sflag:s19], $0x3E80  }
0x3a2: {  	[sflag:s19] =	ssyncset.done $0x0  }
0x3a3: {  	[sflag:s19] =	ssyncadd.s32 $0xFFFFC180  }
0x3a4: {  	[tilespmem:s11], [sflag:$0x2] =	stream.indirect.gather [hbm4b:s7+s8], $0x80, s5, s8, $0xb8;
	[tilespmem:$0x1F000] =	vst v63  }
0x3a5: {  	_ =	swait.ge [sflag:s14], $0x3E80  }
0x3a6: {  	[sflag:s14] =	ssyncset.done $0x0  }
0x3a7: {  	s20 =	simm.s32 $0x2500;
	[sflag:s14] =	ssyncadd.s32 $0xFFFFC180  }
0x3a8: {  	[spmem:s1] =	stream.indirect.scatter.add.f32 [tilespmem:s9], [sflag:$0x3], $0x80, s20, s8, $0xb8;
	[tilespmem:$0x1F000] =	vst v63  }
0x3a9: {  	_ =	swait.ge [sflag:s15], $0x3E80  }
0x3aa: {  	[sflag:s15] =	ssyncset.done $0x0  }
0x3ab: {  	[sflag:s15] =	ssyncadd.s32 $0xFFFFC180  }
0x3ac: {  	[spmem:s1] =	stream.indirect.scatter.add.f32 [tilespmem:s11], [sflag:$0x4], $0x80, s21, s8, $0xb8;
	[tilespmem:$0x1F000] =	vst v63  }
0x3ad: {  	_ =	swait.ge [sflag:s17], $0x3E80  }
0x3ae: {  	[sflag:s17] =	ssyncset.done $0x0  }
0x3af: {  	[sflag:s17] =	ssyncadd.s32 $0xFFFFC180  }
0x3b0: {  	[tilespmem:s9], [sflag:$0x1] =	stream.indirect.gather [hbm4b:s7+s8], $0x80, s22, s8, $0xb8;
	[tilespmem:$0x1F000] =	vst v63  }
0x3b1: {  	_ =	swait.ge [sflag:s19], $0x3E80  }
0x3b2: {  	[sflag:s19] =	ssyncset.done $0x0  }
0x3b3: {  	[sflag:s19] =	ssyncadd.s32 $0xFFFFC180  }
0x3b4: {  	[tilespmem:s11], [sflag:$0x2] =	stream.indirect.gather [hbm4b:s7+s8], $0x80, s24, s8, $0xb8;
	[tilespmem:$0x1F000] =	vst v63  }
0x3b5: {  	_ =	swait.ge [sflag:s14], $0x3E80  }
0x3b6: {  	[sflag:s14] =	ssyncset.done $0x0  }
0x3b7: {  	[sflag:s14] =	ssyncadd.s32 $0xFFFFC180  }
0x3b8: {  	[spmem:s1] =	stream.indirect.scatter.add.f32 [tilespmem:s9], [sflag:$0x3], $0x80, s25, s8, $0xb8;
	[tilespmem:$0x1F000] =	vst v63  }
0x3b9: {  	_ =	swait.ge [sflag:s15], $0x3E80  }
0x3ba: {  	[sflag:s15] =	ssyncset.done $0x0  }
0x3bb: {  	[sflag:s15] =	ssyncadd.s32 $0xFFFFC180  }
0x3bc: {  	[spmem:s1] =	stream.indirect.scatter.add.f32 [tilespmem:s11], [sflag:$0x4], $0x80, s26, s8, $0xb8;
	[tilespmem:$0x1F000] =	vst v63  }
0x3bd: {  	_ =	swait.ge [sflag:s17], $0x3E80  }
0x3be: {  	[sflag:s17] =	ssyncset.done $0x0  }
0x3bf: {  	[sflag:s17] =	ssyncadd.s32 $0xFFFFC180  }
0x3c0: {  	[tilespmem:s9], [sflag:$0x1] =	stream.indirect.gather [hbm4b:s7+s8], $0x80, s28, s8, $0xb8;
	[tilespmem:$0x1F000] =	vst v63  }
0x3c1: {  	_ =	swait.ge [sflag:s19], $0x3E80  }
0x3c2: {  	[sflag:s19] =	ssyncset.done $0x0  }
0x3c3: {  	[sflag:s19] =	ssyncadd.s32 $0xFFFFC180  }
0x3c4: {  	[tilespmem:s11], [sflag:$0x2] =	stream.indirect.gather [hbm4b:s7+s8], $0x80, s29, s8, $0xb8;
	[tilespmem:$0x1F000] =	vst v63  }
0x3c5: {  	_ =	swait.ge [sflag:s14], $0x3E80  }
0x3c6: {  	[sflag:s14] =	ssyncset.done $0x0  }
0x3c7: {  	[sflag:s14] =	ssyncadd.s32 $0xFFFFC180  }
0x3c8: {  	[spmem:s1] =	stream.indirect.scatter.add.f32 [tilespmem:s9], [sflag:$0x3], $0x80, s30, s8, $0xb8;
	[tilespmem:$0x1F000] =	vst v63  }
0x3c9: {  	_ =	swait.ge [sflag:s15], $0x3E80  }
0x3ca: {  	[sflag:s15] =	ssyncset.done $0x0  }
0x3cb: {  	[sflag:s15] =	ssyncadd.s32 $0xFFFFC180  }
0x3cc: {  	[spmem:s1] =	stream.indirect.scatter.add.f32 [tilespmem:s11], [sflag:$0x4], $0x80, s31, s8, $0xb8;
	[tilespmem:$0x1F000] =	vst v63  }
0x3cd: {  	_ =	swait.ge [sflag:s17], $0x3E80  }
0x3ce: {  	[sflag:s17] =	ssyncset.done $0x0  }
0x3cf: {  	s18 =	simm.s32 $0x1000;
	[sflag:s17] =	ssyncadd.s32 $0xFFFFC180  }
0x3d0: {  	[tilespmem:s9], [sflag:$0x1] =	stream.indirect.gather [hbm4b:s7+s8], $0x80, s18, s8, $0xb8;
	[tilespmem:$0x1F000] =	vst v63  }
0x3d1: {  	_ =	swait.ge [sflag:s19], $0x3E80  }
0x3d2: {  	[sflag:s19] =	ssyncset.done $0x0  }
0x3d3: {  	s18 =	simm.s32 $0x1080;
	[sflag:s19] =	ssyncadd.s32 $0xFFFFC180  }
0x3d4: {  	[tilespmem:s11], [sflag:$0x2] =	stream.indirect.gather [hbm4b:s7+s8], $0x80, s18, s8, $0xb8;
	[tilespmem:$0x1F000] =	vst v63  }
0x3d5: {  	_ =	swait.ge [sflag:s14], $0x3E80  }
0x3d6: {  	[sflag:s14] =	ssyncset.done $0x0  }
0x3d7: {  	s18 =	simm.s32 $0x2800;
	[sflag:s14] =	ssyncadd.s32 $0xFFFFC180  }
0x3d8: {  	[spmem:s1] =	stream.indirect.scatter.add.f32 [tilespmem:s9], [sflag:$0x3], $0x80, s18, s8, $0xb8;
	[tilespmem:$0x1F000] =	vst v63  }
0x3d9: {  	_ =	swait.ge [sflag:s15], $0x3E80  }
0x3da: {  	[sflag:s15] =	ssyncset.done $0x0  }
0x3db: {  	s18 =	simm.s32 $0x2880;
	[sflag:s15] =	ssyncadd.s32 $0xFFFFC180  }
0x3dc: {  	[spmem:s1] =	stream.indirect.scatter.add.f32 [tilespmem:s11], [sflag:$0x4], $0x80, s18, s8, $0xb8;
	[tilespmem:$0x1F000] =	vst v63  }
0x3dd: {  	_ =	swait.ge [sflag:s17], $0x3E80  }
0x3de: {  	[sflag:s17] =	ssyncset.done $0x0  }
0x3df: {  	s18 =	simm.s32 $0x1100;
	[sflag:s17] =	ssyncadd.s32 $0xFFFFC180  }
0x3e0: {  	[tilespmem:s9], [sflag:$0x1] =	stream.indirect.gather [hbm4b:s7+s8], $0x80, s18, s8, $0xb8;
	[tilespmem:$0x1F000] =	vst v63  }
0x3e1: {  	_ =	swait.ge [sflag:s19], $0x3E80  }
0x3e2: {  	[sflag:s19] =	ssyncset.done $0x0  }
0x3e3: {  	s18 =	simm.s32 $0x1180;
	[sflag:s19] =	ssyncadd.s32 $0xFFFFC180  }
0x3e4: {  	[tilespmem:s11], [sflag:$0x2] =	stream.indirect.gather [hbm4b:s7+s8], $0x80, s18, s8, $0xb8;
	[tilespmem:$0x1F000] =	vst v63  }
0x3e5: {  	_ =	swait.ge [sflag:s14], $0x3E80  }
0x3e6: {  	[sflag:s14] =	ssyncset.done $0x0  }
0x3e7: {  	s18 =	simm.s32 $0x2900;
	[sflag:s14] =	ssyncadd.s32 $0xFFFFC180  }
0x3e8: {  	[spmem:s1] =	stream.indirect.scatter.add.f32 [tilespmem:s9], [sflag:$0x3], $0x80, s18, s8, $0xb8;
	[tilespmem:$0x1F000] =	vst v63  }
0x3e9: {  	_ =	swait.ge [sflag:s15], $0x3E80  }
0x3ea: {  	[sflag:s15] =	ssyncset.done $0x0  }
0x3eb: {  	s18 =	simm.s32 $0x2980;
	[sflag:s15] =	ssyncadd.s32 $0xFFFFC180  }
0x3ec: {  	[spmem:s1] =	stream.indirect.scatter.add.f32 [tilespmem:s11], [sflag:$0x4], $0x80, s18, s8, $0xb8;
	[tilespmem:$0x1F000] =	vst v63  }
0x3ed: {  	_ =	swait.ge [sflag:s17], $0x3E80  }
0x3ee: {  	[sflag:s17] =	ssyncset.done $0x0  }
0x3ef: {  	s18 =	simm.s32 $0x1200;
	[sflag:s17] =	ssyncadd.s32 $0xFFFFC180  }
0x3f0: {  	[tilespmem:s9], [sflag:$0x1] =	stream.indirect.gather [hbm4b:s7+s8], $0x80, s18, s8, $0xb8;
	[tilespmem:$0x1F000] =	vst v63  }
0x3f1: {  	_ =	swait.ge [sflag:s19], $0x3E80  }
0x3f2: {  	[sflag:s19] =	ssyncset.done $0x0  }
0x3f3: {  	s18 =	simm.s32 $0x1280;
	[sflag:s19] =	ssyncadd.s32 $0xFFFFC180  }
0x3f4: {  	[tilespmem:s11], [sflag:$0x2] =	stream.indirect.gather [hbm4b:s7+s8], $0x80, s18, s8, $0xb8;
	[tilespmem:$0x1F000] =	vst v63  }
0x3f5: {  	_ =	swait.ge [sflag:s14], $0x3E80  }
0x3f6: {  	[sflag:s14] =	ssyncset.done $0x0  }
0x3f7: {  	s18 =	simm.s32 $0x2A00;
	[sflag:s14] =	ssyncadd.s32 $0xFFFFC180  }
0x3f8: {  	[spmem:s1] =	stream.indirect.scatter.add.f32 [tilespmem:s9], [sflag:$0x3], $0x80, s18, s8, $0xb8;
	[tilespmem:$0x1F000] =	vst v63  }
0x3f9: {  	_ =	swait.ge [sflag:s15], $0x3E80  }
0x3fa: {  	[sflag:s15] =	ssyncset.done $0x0  }
0x3fb: {  	s18 =	simm.s32 $0x2A80;
	[sflag:s15] =	ssyncadd.s32 $0xFFFFC180  }
0x3fc: {  	[spmem:s1] =	stream.indirect.scatter.add.f32 [tilespmem:s11], [sflag:$0x4], $0x80, s18, s8, $0xb8;
	[tilespmem:$0x1F000] =	vst v63  }
0x3fd: {  	_ =	swait.ge [sflag:s17], $0x3E80  }
0x3fe: {  	[sflag:s17] =	ssyncset.done $0x0  }
0x3ff: {  	s18 =	simm.s32 $0x1300;
	[sflag:s17] =	ssyncadd.s32 $0xFFFFC180  }
0x400: {  	[tilespmem:s9], [sflag:$0x1] =	stream.indirect.gather [hbm4b:s7+s8], $0x80, s18, s8, $0xb8;
	[tilespmem:$0x1F000] =	vst v63  }
0x401: {  	_ =	swait.ge [sflag:s19], $0x3E80  }
0x402: {  	[sflag:s19] =	ssyncset.done $0x0  }
0x403: {  	s18 =	simm.s32 $0x1380;
	[sflag:s19] =	ssyncadd.s32 $0xFFFFC180  }
0x404: {  	[tilespmem:s11], [sflag:$0x2] =	stream.indirect.gather [hbm4b:s7+s8], $0x80, s18, s8, $0xb8;
	[tilespmem:$0x1F000] =	vst v63  }
0x405: {  	_ =	swait.ge [sflag:s14], $0x3E80  }
0x406: {  	[sflag:s14] =	ssyncset.done $0x0  }
0x407: {  	s18 =	simm.s32 $0x2B00;
	[sflag:s14] =	ssyncadd.s32 $0xFFFFC180  }
0x408: {  	[spmem:s1] =	stream.indirect.scatter.add.f32 [tilespmem:s9], [sflag:$0x3], $0x80, s18, s8, $0xb8;
	[tilespmem:$0x1F000] =	vst v63  }
0x409: {  	_ =	swait.ge [sflag:s15], $0x3E80  }
0x40a: {  	[sflag:s15] =	ssyncset.done $0x0  }
0x40b: {  	s18 =	simm.s32 $0x2B80;
	[sflag:s15] =	ssyncadd.s32 $0xFFFFC180  }
0x40c: {  	[spmem:s1] =	stream.indirect.scatter.add.f32 [tilespmem:s11], [sflag:$0x4], $0x80, s18, s8, $0xb8;
	[tilespmem:$0x1F000] =	vst v63  }
0x40d: {  	_ =	swait.ge [sflag:s17], $0x3E80  }
0x40e: {  	[sflag:s17] =	ssyncset.done $0x0  }
0x40f: {  	s18 =	simm.s32 $0x1400;
	[sflag:s17] =	ssyncadd.s32 $0xFFFFC180  }
0x410: {  	[tilespmem:s9], [sflag:$0x1] =	stream.indirect.gather [hbm4b:s7+s8], $0x80, s18, s8, $0xb8;
	[tilespmem:$0x1F000] =	vst v63  }
0x411: {  	_ =	swait.ge [sflag:s19], $0x3E80  }
0x412: {  	[sflag:s19] =	ssyncset.done $0x0  }
0x413: {  	s18 =	simm.s32 $0x1480;
	[sflag:s19] =	ssyncadd.s32 $0xFFFFC180  }
0x414: {  	[tilespmem:s11], [sflag:$0x2] =	stream.indirect.gather [hbm4b:s7+s8], $0x80, s18, s8, $0xb8;
	[tilespmem:$0x1F000] =	vst v63  }
0x415: {  	_ =	swait.ge [sflag:s14], $0x3E80  }
0x416: {  	[sflag:s14] =	ssyncset.done $0x0  }
0x417: {  	s18 =	simm.s32 $0x2C00;
	[sflag:s14] =	ssyncadd.s32 $0xFFFFC180  }
0x418: {  	[spmem:s1] =	stream.indirect.scatter.add.f32 [tilespmem:s9], [sflag:$0x3], $0x80, s18, s8, $0xb8;
	[tilespmem:$0x1F000] =	vst v63  }
0x419: {  	_ =	swait.ge [sflag:s15], $0x3E80  }
0x41a: {  	[sflag:s15] =	ssyncset.done $0x0  }
0x41b: {  	s18 =	simm.s32 $0x2C80;
	[sflag:s15] =	ssyncadd.s32 $0xFFFFC180  }
0x41c: {  	[spmem:s1] =	stream.indirect.scatter.add.f32 [tilespmem:s11], [sflag:$0x4], $0x80, s18, s8, $0xb8;
	[tilespmem:$0x1F000] =	vst v63  }
0x41d: {  	_ =	swait.ge [sflag:s17], $0x3E80  }
0x41e: {  	[sflag:s17] =	ssyncset.done $0x0  }
0x41f: {  	s18 =	simm.s32 $0x1500;
	[sflag:s17] =	ssyncadd.s32 $0xFFFFC180  }
0x420: {  	[tilespmem:s9], [sflag:$0x1] =	stream.indirect.gather [hbm4b:s7+s8], $0x80, s18, s8, $0xb8;
	[tilespmem:$0x1F000] =	vst v63  }
0x421: {  	_ =	swait.ge [sflag:s19], $0x3E80  }
0x422: {  	[sflag:s19] =	ssyncset.done $0x0  }
0x423: {  	s18 =	simm.s32 $0x1580;
	[sflag:s19] =	ssyncadd.s32 $0xFFFFC180  }
0x424: {  	[tilespmem:s11], [sflag:$0x2] =	stream.indirect.gather [hbm4b:s7+s8], $0x80, s18, s8, $0xb8;
	[tilespmem:$0x1F000] =	vst v63  }
0x425: {  	_ =	swait.ge [sflag:s14], $0x3E80  }
0x426: {  	[sflag:s14] =	ssyncset.done $0x0  }
0x427: {  	s18 =	simm.s32 $0x2D00;
	[sflag:s14] =	ssyncadd.s32 $0xFFFFC180  }
0x428: {  	[spmem:s1] =	stream.indirect.scatter.add.f32 [tilespmem:s9], [sflag:$0x3], $0x80, s18, s8, $0xb8;
	[tilespmem:$0x1F000] =	vst v63  }
0x429: {  	_ =	swait.ge [sflag:s15], $0x3E80  }
0x42a: {  	[sflag:s15] =	ssyncset.done $0x0  }
0x42b: {  	s18 =	simm.s32 $0x2D80;
	[sflag:s15] =	ssyncadd.s32 $0xFFFFC180  }
0x42c: {  	[spmem:s1] =	stream.indirect.scatter.add.f32 [tilespmem:s11], [sflag:$0x4], $0x80, s18, s8, $0xb8;
	[tilespmem:$0x1F000] =	vst v63  }
0x42d: {  	_ =	swait.ge [sflag:s23], $0xA00  }
0x42e: {  	[sflag:s23] =	ssyncset.done $0x0  }
0x42f: {  	[sflag:s23] =	ssyncadd.s32 $0xFFFFF600  }
0x430: {  	_ =	swait.ge [sflag:s23], $0xA00  }
0x431: {  	[sflag:s23] =	ssyncset.done $0x0  }
0x432: {  	[sflag:s23] =	ssyncadd.s32 $0xFFFFF600  }
0x433: {  	_ =	swait.ge [sflag:s17], $0x3E80  }
0x434: {  	[sflag:s17] =	ssyncset.done $0x0  }
0x435: {  	[sflag:s17] =	ssyncadd.s32 $0xFFFFC180  }
0x436: {  	[tilespmem:s9], [sflag:$0x1] =	stream.indirect.gather [hbm4b:s7+s8], $0x80, s6, s8, $0xb8;
	[tilespmem:$0x1F000] =	vst v63  }
0x437: {  	_ =	swait.ge [sflag:s19], $0x3E80  }
0x438: {  	[sflag:s19] =	ssyncset.done $0x0  }
0x439: {  	s18 =	simm.s32 $0x80;
	[sflag:s19] =	ssyncadd.s32 $0xFFFFC180  }
0x43a: {  	[tilespmem:s11], [sflag:$0x2] =	stream.indirect.gather [hbm4b:s7+s8], $0x80, s18, s8, $0xb8;
	[tilespmem:$0x1F000] =	vst v63  }
0x43b: {  	s16 =	rddreg [dreg:$0xa]  }
0x43c: {  	[tilespmem:s13], [sflag:$0x5] =	stream.linear.gather [hbm4b:s16+s6], $0xA00, $0x38;
	[tilespmem:$0x1F000] =	vst v63  }
0x43d: {  	s18 =	rddreg [dreg:$0xb]  }
0x43e: {  	[tilespmem:s3], [sflag:$0x5] =	stream.linear.gather [hbm4b:s18+s6], $0xA00, $0x38;
	[tilespmem:$0x1F000] =	vst v63  }
0x43f: {  	_ =	swait.ge [sflag:s14], $0x3E80  }
0x440: {  	[sflag:s14] =	ssyncset.done $0x0  }
0x441: {  	[sflag:s14] =	ssyncadd.s32 $0xFFFFC180  }
0x442: {  	[spmem:s1] =	stream.indirect.scatter.add.f32 [tilespmem:s9], [sflag:$0x3], $0x80, s12, s8, $0xb8;
	[tilespmem:$0x1F000] =	vst v63  }
0x443: {  	_ =	swait.ge [sflag:s15], $0x3E80  }
0x444: {  	[sflag:s15] =	ssyncset.done $0x0  }
0x445: {  	s16 =	simm.s32 $0x1880;
	[sflag:s15] =	ssyncadd.s32 $0xFFFFC180  }
0x446: {  	[spmem:s1] =	stream.indirect.scatter.add.f32 [tilespmem:s11], [sflag:$0x4], $0x80, s16, s8, $0xb8;
	[tilespmem:$0x1F000] =	vst v63  }
0x447: {  	_ =	swait.ge [sflag:s17], $0x3E80  }
0x448: {  	[sflag:s17] =	ssyncset.done $0x0  }
0x449: {  	s18 =	simm.s32 $0x100;
	[sflag:s17] =	ssyncadd.s32 $0xFFFFC180  }
0x44a: {  	[tilespmem:s9], [sflag:$0x1] =	stream.indirect.gather [hbm4b:s7+s8], $0x80, s18, s8, $0xb8;
	[tilespmem:$0x1F000] =	vst v63  }
0x44b: {  	_ =	swait.ge [sflag:s19], $0x3E80  }
0x44c: {  	[sflag:s19] =	ssyncset.done $0x0  }
0x44d: {  	s16 =	simm.s32 $0x180;
	[sflag:s19] =	ssyncadd.s32 $0xFFFFC180  }
0x44e: {  	[tilespmem:s11], [sflag:$0x2] =	stream.indirect.gather [hbm4b:s7+s8], $0x80, s16, s8, $0xb8;
	[tilespmem:$0x1F000] =	vst v63  }
0x44f: {  	_ =	swait.ge [sflag:s14], $0x3E80  }
0x450: {  	[sflag:s14] =	ssyncset.done $0x0  }
0x451: {  	s18 =	simm.s32 $0x1900;
	[sflag:s14] =	ssyncadd.s32 $0xFFFFC180  }
0x452: {  	[spmem:s1] =	stream.indirect.scatter.add.f32 [tilespmem:s9], [sflag:$0x3], $0x80, s18, s8, $0xb8;
	[tilespmem:$0x1F000] =	vst v63  }
0x453: {  	_ =	swait.ge [sflag:s15], $0x3E80  }
0x454: {  	[sflag:s15] =	ssyncset.done $0x0  }
0x455: {  	s16 =	simm.s32 $0x1980;
	[sflag:s15] =	ssyncadd.s32 $0xFFFFC180  }
0x456: {  	[spmem:s1] =	stream.indirect.scatter.add.f32 [tilespmem:s11], [sflag:$0x4], $0x80, s16, s8, $0xb8;
	[tilespmem:$0x1F000] =	vst v63  }
0x457: {  	_ =	swait.ge [sflag:s17], $0x3E80  }
0x458: {  	[sflag:s17] =	ssyncset.done $0x0  }
0x459: {  	s18 =	simm.s32 $0x200;
	[sflag:s17] =	ssyncadd.s32 $0xFFFFC180  }
0x45a: {  	[tilespmem:s9], [sflag:$0x1] =	stream.indirect.gather [hbm4b:s7+s8], $0x80, s18, s8, $0xb8;
	[tilespmem:$0x1F000] =	vst v63  }
0x45b: {  	_ =	swait.ge [sflag:s19], $0x3E80  }
0x45c: {  	[sflag:s19] =	ssyncset.done $0x0  }
0x45d: {  	s16 =	simm.s32 $0x280;
	[sflag:s19] =	ssyncadd.s32 $0xFFFFC180  }
0x45e: {  	[tilespmem:s11], [sflag:$0x2] =	stream.indirect.gather [hbm4b:s7+s8], $0x80, s16, s8, $0xb8;
	[tilespmem:$0x1F000] =	vst v63  }
0x45f: {  	_ =	swait.ge [sflag:s14], $0x3E80  }
0x460: {  	[sflag:s14] =	ssyncset.done $0x0  }
0x461: {  	s18 =	simm.s32 $0x1A00;
	[sflag:s14] =	ssyncadd.s32 $0xFFFFC180  }
0x462: {  	[spmem:s1] =	stream.indirect.scatter.add.f32 [tilespmem:s9], [sflag:$0x3], $0x80, s18, s8, $0xb8;
	[tilespmem:$0x1F000] =	vst v63  }
0x463: {  	_ =	swait.ge [sflag:s15], $0x3E80  }
0x464: {  	[sflag:s15] =	ssyncset.done $0x0  }
0x465: {  	s16 =	simm.s32 $0x1A80;
	[sflag:s15] =	ssyncadd.s32 $0xFFFFC180  }
0x466: {  	[spmem:s1] =	stream.indirect.scatter.add.f32 [tilespmem:s11], [sflag:$0x4], $0x80, s16, s8, $0xb8;
	[tilespmem:$0x1F000] =	vst v63  }
0x467: {  	_ =	swait.ge [sflag:s17], $0x3E80  }
0x468: {  	[sflag:s17] =	ssyncset.done $0x0  }
0x469: {  	s18 =	simm.s32 $0x300;
	[sflag:s17] =	ssyncadd.s32 $0xFFFFC180  }
0x46a: {  	[tilespmem:s9], [sflag:$0x1] =	stream.indirect.gather [hbm4b:s7+s8], $0x80, s18, s8, $0xb8;
	[tilespmem:$0x1F000] =	vst v63  }
0x46b: {  	_ =	swait.ge [sflag:s19], $0x3E80  }
0x46c: {  	[sflag:s19] =	ssyncset.done $0x0  }
0x46d: {  	s16 =	simm.s32 $0x380;
	[sflag:s19] =	ssyncadd.s32 $0xFFFFC180  }
0x46e: {  	[tilespmem:s11], [sflag:$0x2] =	stream.indirect.gather [hbm4b:s7+s8], $0x80, s16, s8, $0xb8;
	[tilespmem:$0x1F000] =	vst v63  }
0x46f: {  	_ =	swait.ge [sflag:s14], $0x3E80  }
0x470: {  	[sflag:s14] =	ssyncset.done $0x0  }
0x471: {  	s18 =	simm.s32 $0x1B00;
	[sflag:s14] =	ssyncadd.s32 $0xFFFFC180  }
0x472: {  	[spmem:s1] =	stream.indirect.scatter.add.f32 [tilespmem:s9], [sflag:$0x3], $0x80, s18, s8, $0xb8;
	[tilespmem:$0x1F000] =	vst v63  }
0x473: {  	_ =	swait.ge [sflag:s15], $0x3E80  }
0x474: {  	[sflag:s15] =	ssyncset.done $0x0  }
0x475: {  	s16 =	simm.s32 $0x1B80;
	[sflag:s15] =	ssyncadd.s32 $0xFFFFC180  }
0x476: {  	[spmem:s1] =	stream.indirect.scatter.add.f32 [tilespmem:s11], [sflag:$0x4], $0x80, s16, s8, $0xb8;
	[tilespmem:$0x1F000] =	vst v63  }
0x477: {  	_ =	swait.ge [sflag:s17], $0x3E80  }
0x478: {  	[sflag:s17] =	ssyncset.done $0x0  }
0x479: {  	s18 =	simm.s32 $0x400;
	[sflag:s17] =	ssyncadd.s32 $0xFFFFC180  }
0x47a: {  	[tilespmem:s9], [sflag:$0x1] =	stream.indirect.gather [hbm4b:s7+s8], $0x80, s18, s8, $0xb8;
	[tilespmem:$0x1F000] =	vst v63  }
0x47b: {  	_ =	swait.ge [sflag:s19], $0x3E80  }
0x47c: {  	[sflag:s19] =	ssyncset.done $0x0  }
0x47d: {  	s16 =	simm.s32 $0x480;
	[sflag:s19] =	ssyncadd.s32 $0xFFFFC180  }
0x47e: {  	[tilespmem:s11], [sflag:$0x2] =	stream.indirect.gather [hbm4b:s7+s8], $0x80, s16, s8, $0xb8;
	[tilespmem:$0x1F000] =	vst v63  }
0x47f: {  	_ =	swait.ge [sflag:s14], $0x3E80  }
0x480: {  	[sflag:s14] =	ssyncset.done $0x0  }
0x481: {  	s18 =	simm.s32 $0x1C00;
	[sflag:s14] =	ssyncadd.s32 $0xFFFFC180  }
0x482: {  	[spmem:s1] =	stream.indirect.scatter.add.f32 [tilespmem:s9], [sflag:$0x3], $0x80, s18, s8, $0xb8;
	[tilespmem:$0x1F000] =	vst v63  }
0x483: {  	_ =	swait.ge [sflag:s15], $0x3E80  }
0x484: {  	[sflag:s15] =	ssyncset.done $0x0  }
0x485: {  	s16 =	simm.s32 $0x1C80;
	[sflag:s15] =	ssyncadd.s32 $0xFFFFC180  }
0x486: {  	[spmem:s1] =	stream.indirect.scatter.add.f32 [tilespmem:s11], [sflag:$0x4], $0x80, s16, s8, $0xb8;
	[tilespmem:$0x1F000] =	vst v63  }
0x487: {  	_ =	swait.ge [sflag:s17], $0x3E80  }
0x488: {  	[sflag:s17] =	ssyncset.done $0x0  }
0x489: {  	s18 =	simm.s32 $0x500;
	[sflag:s17] =	ssyncadd.s32 $0xFFFFC180  }
0x48a: {  	[tilespmem:s9], [sflag:$0x1] =	stream.indirect.gather [hbm4b:s7+s8], $0x80, s18, s8, $0xb8;
	[tilespmem:$0x1F000] =	vst v63  }
0x48b: {  	_ =	swait.ge [sflag:s19], $0x3E80  }
0x48c: {  	[sflag:s19] =	ssyncset.done $0x0  }
0x48d: {  	s16 =	simm.s32 $0x580;
	[sflag:s19] =	ssyncadd.s32 $0xFFFFC180  }
0x48e: {  	[tilespmem:s11], [sflag:$0x2] =	stream.indirect.gather [hbm4b:s7+s8], $0x80, s16, s8, $0xb8;
	[tilespmem:$0x1F000] =	vst v63  }
0x48f: {  	_ =	swait.ge [sflag:s14], $0x3E80  }
0x490: {  	[sflag:s14] =	ssyncset.done $0x0  }
0x491: {  	s18 =	simm.s32 $0x1D00;
	[sflag:s14] =	ssyncadd.s32 $0xFFFFC180  }
0x492: {  	[spmem:s1] =	stream.indirect.scatter.add.f32 [tilespmem:s9], [sflag:$0x3], $0x80, s18, s8, $0xb8;
	[tilespmem:$0x1F000] =	vst v63  }
0x493: {  	_ =	swait.ge [sflag:s15], $0x3E80  }
0x494: {  	[sflag:s15] =	ssyncset.done $0x0  }
0x495: {  	s16 =	simm.s32 $0x1D80;
	[sflag:s15] =	ssyncadd.s32 $0xFFFFC180  }
0x496: {  	[spmem:s1] =	stream.indirect.scatter.add.f32 [tilespmem:s11], [sflag:$0x4], $0x80, s16, s8, $0xb8;
	[tilespmem:$0x1F000] =	vst v63  }
0x497: {  	_ =	swait.ge [sflag:s17], $0x3E80  }
0x498: {  	[sflag:s17] =	ssyncset.done $0x0  }
0x499: {  	s18 =	simm.s32 $0x600;
	[sflag:s17] =	ssyncadd.s32 $0xFFFFC180  }
0x49a: {  	[tilespmem:s9], [sflag:$0x1] =	stream.indirect.gather [hbm4b:s7+s8], $0x80, s18, s8, $0xb8;
	[tilespmem:$0x1F000] =	vst v63  }
0x49b: {  	_ =	swait.ge [sflag:s19], $0x3E80  }
0x49c: {  	[sflag:s19] =	ssyncset.done $0x0  }
0x49d: {  	s16 =	simm.s32 $0x680;
	[sflag:s19] =	ssyncadd.s32 $0xFFFFC180  }
0x49e: {  	[tilespmem:s11], [sflag:$0x2] =	stream.indirect.gather [hbm4b:s7+s8], $0x80, s16, s8, $0xb8;
	[tilespmem:$0x1F000] =	vst v63  }
0x49f: {  	_ =	swait.ge [sflag:s14], $0x3E80  }
0x4a0: {  	[sflag:s14] =	ssyncset.done $0x0  }
0x4a1: {  	s18 =	simm.s32 $0x1E00;
	[sflag:s14] =	ssyncadd.s32 $0xFFFFC180  }
0x4a2: {  	[spmem:s1] =	stream.indirect.scatter.add.f32 [tilespmem:s9], [sflag:$0x3], $0x80, s18, s8, $0xb8;
	[tilespmem:$0x1F000] =	vst v63  }
0x4a3: {  	_ =	swait.ge [sflag:s15], $0x3E80  }
0x4a4: {  	[sflag:s15] =	ssyncset.done $0x0  }
0x4a5: {  	s16 =	simm.s32 $0x1E80;
	[sflag:s15] =	ssyncadd.s32 $0xFFFFC180  }
0x4a6: {  	[spmem:s1] =	stream.indirect.scatter.add.f32 [tilespmem:s11], [sflag:$0x4], $0x80, s16, s8, $0xb8;
	[tilespmem:$0x1F000] =	vst v63  }
0x4a7: {  	_ =	swait.ge [sflag:s17], $0x3E80  }
0x4a8: {  	[sflag:s17] =	ssyncset.done $0x0  }
0x4a9: {  	s18 =	simm.s32 $0x700;
	[sflag:s17] =	ssyncadd.s32 $0xFFFFC180  }
0x4aa: {  	[tilespmem:s9], [sflag:$0x1] =	stream.indirect.gather [hbm4b:s7+s8], $0x80, s18, s8, $0xb8;
	[tilespmem:$0x1F000] =	vst v63  }
0x4ab: {  	_ =	swait.ge [sflag:s19], $0x3E80  }
0x4ac: {  	[sflag:s19] =	ssyncset.done $0x0  }
0x4ad: {  	s16 =	simm.s32 $0x780;
	[sflag:s19] =	ssyncadd.s32 $0xFFFFC180  }
0x4ae: {  	[tilespmem:s11], [sflag:$0x2] =	stream.indirect.gather [hbm4b:s7+s8], $0x80, s16, s8, $0xb8;
	[tilespmem:$0x1F000] =	vst v63  }
0x4af: {  	_ =	swait.ge [sflag:s14], $0x3E80  }
0x4b0: {  	[sflag:s14] =	ssyncset.done $0x0  }
0x4b1: {  	s18 =	simm.s32 $0x1F00;
	[sflag:s14] =	ssyncadd.s32 $0xFFFFC180  }
0x4b2: {  	[spmem:s1] =	stream.indirect.scatter.add.f32 [tilespmem:s9], [sflag:$0x3], $0x80, s18, s8, $0xb8;
	[tilespmem:$0x1F000] =	vst v63  }
0x4b3: {  	_ =	swait.ge [sflag:s15], $0x3E80  }
0x4b4: {  	[sflag:s15] =	ssyncset.done $0x0  }
0x4b5: {  	s16 =	simm.s32 $0x1F80;
	[sflag:s15] =	ssyncadd.s32 $0xFFFFC180  }
0x4b6: {  	[spmem:s1] =	stream.indirect.scatter.add.f32 [tilespmem:s11], [sflag:$0x4], $0x80, s16, s8, $0xb8;
	[tilespmem:$0x1F000] =	vst v63  }
0x4b7: {  	_ =	swait.ge [sflag:s17], $0x3E80  }
0x4b8: {  	[sflag:s17] =	ssyncset.done $0x0  }
0x4b9: {  	s18 =	simm.s32 $0x800;
	[sflag:s17] =	ssyncadd.s32 $0xFFFFC180  }
0x4ba: {  	[tilespmem:s9], [sflag:$0x1] =	stream.indirect.gather [hbm4b:s7+s8], $0x80, s18, s8, $0xb8;
	[tilespmem:$0x1F000] =	vst v63  }
0x4bb: {  	_ =	swait.ge [sflag:s19], $0x3E80  }
0x4bc: {  	[sflag:s19] =	ssyncset.done $0x0  }
0x4bd: {  	s16 =	simm.s32 $0x880;
	[sflag:s19] =	ssyncadd.s32 $0xFFFFC180  }
0x4be: {  	[tilespmem:s11], [sflag:$0x2] =	stream.indirect.gather [hbm4b:s7+s8], $0x80, s16, s8, $0xb8;
	[tilespmem:$0x1F000] =	vst v63  }
0x4bf: {  	_ =	swait.ge [sflag:s14], $0x3E80  }
0x4c0: {  	[sflag:s14] =	ssyncset.done $0x0  }
0x4c1: {  	s18 =	simm.s32 $0x2000;
	[sflag:s14] =	ssyncadd.s32 $0xFFFFC180  }
0x4c2: {  	[spmem:s1] =	stream.indirect.scatter.add.f32 [tilespmem:s9], [sflag:$0x3], $0x80, s18, s8, $0xb8;
	[tilespmem:$0x1F000] =	vst v63  }
0x4c3: {  	_ =	swait.ge [sflag:s15], $0x3E80  }
0x4c4: {  	[sflag:s15] =	ssyncset.done $0x0  }
0x4c5: {  	s16 =	simm.s32 $0x2080;
	[sflag:s15] =	ssyncadd.s32 $0xFFFFC180  }
0x4c6: {  	[spmem:s1] =	stream.indirect.scatter.add.f32 [tilespmem:s11], [sflag:$0x4], $0x80, s16, s8, $0xb8;
	[tilespmem:$0x1F000] =	vst v63  }
0x4c7: {  	_ =	swait.ge [sflag:s17], $0x3E80  }
0x4c8: {  	[sflag:s17] =	ssyncset.done $0x0  }
0x4c9: {  	s18 =	simm.s32 $0x900;
	[sflag:s17] =	ssyncadd.s32 $0xFFFFC180  }
0x4ca: {  	[tilespmem:s9], [sflag:$0x1] =	stream.indirect.gather [hbm4b:s7+s8], $0x80, s18, s8, $0xb8;
	[tilespmem:$0x1F000] =	vst v63  }
0x4cb: {  	_ =	swait.ge [sflag:s19], $0x3E80  }
0x4cc: {  	[sflag:s19] =	ssyncset.done $0x0  }
0x4cd: {  	s16 =	simm.s32 $0x980;
	[sflag:s19] =	ssyncadd.s32 $0xFFFFC180  }
0x4ce: {  	[tilespmem:s11], [sflag:$0x2] =	stream.indirect.gather [hbm4b:s7+s8], $0x80, s16, s8, $0xb8;
	[tilespmem:$0x1F000] =	vst v63  }
0x4cf: {  	_ =	swait.ge [sflag:s14], $0x3E80  }
0x4d0: {  	[sflag:s14] =	ssyncset.done $0x0  }
0x4d1: {  	s18 =	simm.s32 $0x2100;
	[sflag:s14] =	ssyncadd.s32 $0xFFFFC180  }
0x4d2: {  	[spmem:s1] =	stream.indirect.scatter.add.f32 [tilespmem:s9], [sflag:$0x3], $0x80, s18, s8, $0xb8;
	[tilespmem:$0x1F000] =	vst v63  }
0x4d3: {  	_ =	swait.ge [sflag:s15], $0x3E80  }
0x4d4: {  	[sflag:s15] =	ssyncset.done $0x0  }
0x4d5: {  	s16 =	simm.s32 $0x2180;
	[sflag:s15] =	ssyncadd.s32 $0xFFFFC180  }
0x4d6: {  	[spmem:s1] =	stream.indirect.scatter.add.f32 [tilespmem:s11], [sflag:$0x4], $0x80, s16, s8, $0xb8;
	[tilespmem:$0x1F000] =	vst v63  }
0x4d7: {  	_ =	swait.ge [sflag:s23], $0xA00  }
0x4d8: {  	[sflag:s23] =	ssyncset.done $0x0  }
0x4d9: {  	[sflag:s23] =	ssyncadd.s32 $0xFFFFF600  }
0x4da: {  	_ =	swait.ge [sflag:s23], $0xA00  }
0x4db: {  	[sflag:s23] =	ssyncset.done $0x0  }
0x4dc: {  	[sflag:s23] =	ssyncadd.s32 $0xFFFFF600  }
0x4dd: {  	_ =	swait.ge [sflag:s17], $0x3E80  }
0x4de: {  	[sflag:s17] =	ssyncset.done $0x0  }
0x4df: {  	[sflag:s17] =	ssyncadd.s32 $0xFFFFC180  }
0x4e0: {  	[tilespmem:s9], [sflag:$0x1] =	stream.indirect.gather [hbm4b:s7+s8], $0x80, s13, s8, $0xb8;
	[tilespmem:$0x1F000] =	vst v63  }
0x4e1: {  	_ =	swait.ge [sflag:s19], $0x3E80  }
0x4e2: {  	[sflag:s19] =	ssyncset.done $0x0  }
0x4e3: {  	s18 =	simm.s32 $0xC80;
	[sflag:s19] =	ssyncadd.s32 $0xFFFFC180  }
0x4e4: {  	[tilespmem:s11], [sflag:$0x2] =	stream.indirect.gather [hbm4b:s7+s8], $0x80, s18, s8, $0xb8;
	[tilespmem:$0x1F000] =	vst v63  }
0x4e5: {  	_ =	swait.ge [sflag:s14], $0x3E80  }
0x4e6: {  	[sflag:s14] =	ssyncset.done $0x0  }
0x4e7: {  	[sflag:s14] =	ssyncadd.s32 $0xFFFFC180  }
0x4e8: {  	[spmem:s1] =	stream.indirect.scatter.add.f32 [tilespmem:s9], [sflag:$0x3], $0x80, s3, s8, $0xb8;
	[tilespmem:$0x1F000] =	vst v63  }
0x4e9: {  	_ =	swait.ge [sflag:s15], $0x3E80  }
0x4ea: {  	[sflag:s15] =	ssyncset.done $0x0  }
0x4eb: {  	[sflag:s15] =	ssyncadd.s32 $0xFFFFC180  }
0x4ec: {  	[spmem:s1] =	stream.indirect.scatter.add.f32 [tilespmem:s11], [sflag:$0x4], $0x80, s0, s8, $0xb8;
	[tilespmem:$0x1F000] =	vst v63  }
0x4ed: {  	_ =	swait.ge [sflag:s17], $0x3E80  }
0x4ee: {  	[sflag:s17] =	ssyncset.done $0x0  }
0x4ef: {  	[sflag:s17] =	ssyncadd.s32 $0xFFFFC180  }
0x4f0: {  	[tilespmem:s9], [sflag:$0x1] =	stream.indirect.gather [hbm4b:s7+s8], $0x80, s4, s8, $0xb8;
	[tilespmem:$0x1F000] =	vst v63  }
0x4f1: {  	_ =	swait.ge [sflag:s19], $0x3E80  }
0x4f2: {  	[sflag:s19] =	ssyncset.done $0x0  }
0x4f3: {  	[sflag:s19] =	ssyncadd.s32 $0xFFFFC180  }
0x4f4: {  	[tilespmem:s11], [sflag:$0x2] =	stream.indirect.gather [hbm4b:s7+s8], $0x80, s5, s8, $0xb8;
	[tilespmem:$0x1F000] =	vst v63  }
0x4f5: {  	_ =	swait.ge [sflag:s14], $0x3E80  }
0x4f6: {  	[sflag:s14] =	ssyncset.done $0x0  }
0x4f7: {  	[sflag:s14] =	ssyncadd.s32 $0xFFFFC180  }
0x4f8: {  	[spmem:s1] =	stream.indirect.scatter.add.f32 [tilespmem:s9], [sflag:$0x3], $0x80, s20, s8, $0xb8;
	[tilespmem:$0x1F000] =	vst v63  }
0x4f9: {  	_ =	swait.ge [sflag:s15], $0x3E80  }
0x4fa: {  	[sflag:s15] =	ssyncset.done $0x0  }
0x4fb: {  	[sflag:s15] =	ssyncadd.s32 $0xFFFFC180  }
0x4fc: {  	[spmem:s1] =	stream.indirect.scatter.add.f32 [tilespmem:s11], [sflag:$0x4], $0x80, s21, s8, $0xb8;
	[tilespmem:$0x1F000] =	vst v63  }
0x4fd: {  	_ =	swait.ge [sflag:s17], $0x3E80  }
0x4fe: {  	[sflag:s17] =	ssyncset.done $0x0  }
0x4ff: {  	[sflag:s17] =	ssyncadd.s32 $0xFFFFC180  }
0x500: {  	[tilespmem:s9], [sflag:$0x1] =	stream.indirect.gather [hbm4b:s7+s8], $0x80, s22, s8, $0xb8;
	[tilespmem:$0x1F000] =	vst v63  }
0x501: {  	_ =	swait.ge [sflag:s19], $0x3E80  }
0x502: {  	[sflag:s19] =	ssyncset.done $0x0  }
0x503: {  	[sflag:s19] =	ssyncadd.s32 $0xFFFFC180  }
0x504: {  	[tilespmem:s11], [sflag:$0x2] =	stream.indirect.gather [hbm4b:s7+s8], $0x80, s24, s8, $0xb8;
	[tilespmem:$0x1F000] =	vst v63  }
0x505: {  	_ =	swait.ge [sflag:s14], $0x3E80  }
0x506: {  	[sflag:s14] =	ssyncset.done $0x0  }
0x507: {  	[sflag:s14] =	ssyncadd.s32 $0xFFFFC180  }
0x508: {  	[spmem:s1] =	stream.indirect.scatter.add.f32 [tilespmem:s9], [sflag:$0x3], $0x80, s25, s8, $0xb8;
	[tilespmem:$0x1F000] =	vst v63  }
0x509: {  	_ =	swait.ge [sflag:s15], $0x3E80  }
0x50a: {  	[sflag:s15] =	ssyncset.done $0x0  }
0x50b: {  	[sflag:s15] =	ssyncadd.s32 $0xFFFFC180  }
0x50c: {  	[spmem:s1] =	stream.indirect.scatter.add.f32 [tilespmem:s11], [sflag:$0x4], $0x80, s26, s8, $0xb8;
	[tilespmem:$0x1F000] =	vst v63  }
0x50d: {  	_ =	swait.ge [sflag:s17], $0x3E80  }
0x50e: {  	[sflag:s17] =	ssyncset.done $0x0  }
0x50f: {  	[sflag:s17] =	ssyncadd.s32 $0xFFFFC180  }
0x510: {  	[tilespmem:s9], [sflag:$0x1] =	stream.indirect.gather [hbm4b:s7+s8], $0x80, s28, s8, $0xb8;
	[tilespmem:$0x1F000] =	vst v63  }
0x511: {  	_ =	swait.ge [sflag:s19], $0x3E80  }
0x512: {  	[sflag:s19] =	ssyncset.done $0x0  }
0x513: {  	[sflag:s19] =	ssyncadd.s32 $0xFFFFC180  }
0x514: {  	[tilespmem:s11], [sflag:$0x2] =	stream.indirect.gather [hbm4b:s7+s8], $0x80, s29, s8, $0xb8;
	[tilespmem:$0x1F000] =	vst v63  }
0x515: {  	_ =	swait.ge [sflag:s14], $0x3E80  }
0x516: {  	[sflag:s14] =	ssyncset.done $0x0  }
0x517: {  	[sflag:s14] =	ssyncadd.s32 $0xFFFFC180  }
0x518: {  	[spmem:s1] =	stream.indirect.scatter.add.f32 [tilespmem:s9], [sflag:$0x3], $0x80, s30, s8, $0xb8;
	[tilespmem:$0x1F000] =	vst v63  }
0x519: {  	_ =	swait.ge [sflag:s15], $0x3E80  }
0x51a: {  	[sflag:s15] =	ssyncset.done $0x0  }
0x51b: {  	[sflag:s15] =	ssyncadd.s32 $0xFFFFC180  }
0x51c: {  	[spmem:s1] =	stream.indirect.scatter.add.f32 [tilespmem:s11], [sflag:$0x4], $0x80, s31, s8, $0xb8;
	[tilespmem:$0x1F000] =	vst v63  }
0x51d: {  	_ =	swait.ge [sflag:s17], $0x3E80  }
0x51e: {  	[sflag:s17] =	ssyncset.done $0x0  }
0x51f: {  	s12 =	simm.s32 $0x1000;
	[sflag:s17] =	ssyncadd.s32 $0xFFFFC180  }
0x520: {  	[tilespmem:s9], [sflag:$0x1] =	stream.indirect.gather [hbm4b:s7+s8], $0x80, s12, s8, $0xb8;
	[tilespmem:$0x1F000] =	vst v63  }
0x521: {  	_ =	swait.ge [sflag:s19], $0x3E80  }
0x522: {  	[sflag:s19] =	ssyncset.done $0x0  }
0x523: {  	s16 =	simm.s32 $0x1080;
	[sflag:s19] =	ssyncadd.s32 $0xFFFFC180  }
0x524: {  	[tilespmem:s11], [sflag:$0x2] =	stream.indirect.gather [hbm4b:s7+s8], $0x80, s16, s8, $0xb8;
	[tilespmem:$0x1F000] =	vst v63  }
0x525: {  	_ =	swait.ge [sflag:s14], $0x3E80  }
0x526: {  	[sflag:s14] =	ssyncset.done $0x0  }
0x527: {  	s18 =	simm.s32 $0x2800;
	[sflag:s14] =	ssyncadd.s32 $0xFFFFC180  }
0x528: {  	[spmem:s1] =	stream.indirect.scatter.add.f32 [tilespmem:s9], [sflag:$0x3], $0x80, s18, s8, $0xb8;
	[tilespmem:$0x1F000] =	vst v63  }
0x529: {  	_ =	swait.ge [sflag:s15], $0x3E80  }
0x52a: {  	[sflag:s15] =	ssyncset.done $0x0  }
0x52b: {  	s20 =	simm.s32 $0x2880;
	[sflag:s15] =	ssyncadd.s32 $0xFFFFC180  }
0x52c: {  	[spmem:s1] =	stream.indirect.scatter.add.f32 [tilespmem:s11], [sflag:$0x4], $0x80, s20, s8, $0xb8;
	[tilespmem:$0x1F000] =	vst v63  }
0x52d: {  	_ =	swait.ge [sflag:s17], $0x3E80  }
0x52e: {  	[sflag:s17] =	ssyncset.done $0x0  }
0x52f: {  	s12 =	simm.s32 $0x1100;
	[sflag:s17] =	ssyncadd.s32 $0xFFFFC180  }
0x530: {  	[tilespmem:s9], [sflag:$0x1] =	stream.indirect.gather [hbm4b:s7+s8], $0x80, s12, s8, $0xb8;
	[tilespmem:$0x1F000] =	vst v63  }
0x531: {  	_ =	swait.ge [sflag:s19], $0x3E80  }
0x532: {  	[sflag:s19] =	ssyncset.done $0x0  }
0x533: {  	s16 =	simm.s32 $0x1180;
	[sflag:s19] =	ssyncadd.s32 $0xFFFFC180  }
0x534: {  	[tilespmem:s11], [sflag:$0x2] =	stream.indirect.gather [hbm4b:s7+s8], $0x80, s16, s8, $0xb8;
	[tilespmem:$0x1F000] =	vst v63  }
0x535: {  	_ =	swait.ge [sflag:s14], $0x3E80  }
0x536: {  	[sflag:s14] =	ssyncset.done $0x0  }
0x537: {  	s18 =	simm.s32 $0x2900;
	[sflag:s14] =	ssyncadd.s32 $0xFFFFC180  }
0x538: {  	[spmem:s1] =	stream.indirect.scatter.add.f32 [tilespmem:s9], [sflag:$0x3], $0x80, s18, s8, $0xb8;
	[tilespmem:$0x1F000] =	vst v63  }
0x539: {  	_ =	swait.ge [sflag:s15], $0x3E80  }
0x53a: {  	[sflag:s15] =	ssyncset.done $0x0  }
0x53b: {  	s20 =	simm.s32 $0x2980;
	[sflag:s15] =	ssyncadd.s32 $0xFFFFC180  }
0x53c: {  	[spmem:s1] =	stream.indirect.scatter.add.f32 [tilespmem:s11], [sflag:$0x4], $0x80, s20, s8, $0xb8;
	[tilespmem:$0x1F000] =	vst v63  }
0x53d: {  	_ =	swait.ge [sflag:s17], $0x3E80  }
0x53e: {  	[sflag:s17] =	ssyncset.done $0x0  }
0x53f: {  	s12 =	simm.s32 $0x1200;
	[sflag:s17] =	ssyncadd.s32 $0xFFFFC180  }
0x540: {  	[tilespmem:s9], [sflag:$0x1] =	stream.indirect.gather [hbm4b:s7+s8], $0x80, s12, s8, $0xb8;
	[tilespmem:$0x1F000] =	vst v63  }
0x541: {  	_ =	swait.ge [sflag:s19], $0x3E80  }
0x542: {  	[sflag:s19] =	ssyncset.done $0x0  }
0x543: {  	s16 =	simm.s32 $0x1280;
	[sflag:s19] =	ssyncadd.s32 $0xFFFFC180  }
0x544: {  	[tilespmem:s11], [sflag:$0x2] =	stream.indirect.gather [hbm4b:s7+s8], $0x80, s16, s8, $0xb8;
	[tilespmem:$0x1F000] =	vst v63  }
0x545: {  	_ =	swait.ge [sflag:s14], $0x3E80  }
0x546: {  	[sflag:s14] =	ssyncset.done $0x0  }
0x547: {  	s18 =	simm.s32 $0x2A00;
	[sflag:s14] =	ssyncadd.s32 $0xFFFFC180  }
0x548: {  	[spmem:s1] =	stream.indirect.scatter.add.f32 [tilespmem:s9], [sflag:$0x3], $0x80, s18, s8, $0xb8;
	[tilespmem:$0x1F000] =	vst v63  }
0x549: {  	_ =	swait.ge [sflag:s15], $0x3E80  }
0x54a: {  	[sflag:s15] =	ssyncset.done $0x0  }
0x54b: {  	s20 =	simm.s32 $0x2A80;
	[sflag:s15] =	ssyncadd.s32 $0xFFFFC180  }
0x54c: {  	[spmem:s1] =	stream.indirect.scatter.add.f32 [tilespmem:s11], [sflag:$0x4], $0x80, s20, s8, $0xb8;
	[tilespmem:$0x1F000] =	vst v63  }
0x54d: {  	_ =	swait.ge [sflag:s17], $0x3E80  }
0x54e: {  	[sflag:s17] =	ssyncset.done $0x0  }
0x54f: {  	s12 =	simm.s32 $0x1300;
	[sflag:s17] =	ssyncadd.s32 $0xFFFFC180  }
0x550: {  	[tilespmem:s9], [sflag:$0x1] =	stream.indirect.gather [hbm4b:s7+s8], $0x80, s12, s8, $0xb8;
	[tilespmem:$0x1F000] =	vst v63  }
0x551: {  	_ =	swait.ge [sflag:s19], $0x3E80  }
0x552: {  	[sflag:s19] =	ssyncset.done $0x0  }
0x553: {  	s16 =	simm.s32 $0x1380;
	[sflag:s19] =	ssyncadd.s32 $0xFFFFC180  }
0x554: {  	[tilespmem:s11], [sflag:$0x2] =	stream.indirect.gather [hbm4b:s7+s8], $0x80, s16, s8, $0xb8;
	[tilespmem:$0x1F000] =	vst v63  }
0x555: {  	_ =	swait.ge [sflag:s14], $0x3E80  }
0x556: {  	[sflag:s14] =	ssyncset.done $0x0  }
0x557: {  	s18 =	simm.s32 $0x2B00;
	[sflag:s14] =	ssyncadd.s32 $0xFFFFC180  }
0x558: {  	[spmem:s1] =	stream.indirect.scatter.add.f32 [tilespmem:s9], [sflag:$0x3], $0x80, s18, s8, $0xb8;
	[tilespmem:$0x1F000] =	vst v63  }
0x559: {  	_ =	swait.ge [sflag:s15], $0x3E80  }
0x55a: {  	[sflag:s15] =	ssyncset.done $0x0  }
0x55b: {  	s20 =	simm.s32 $0x2B80;
	[sflag:s15] =	ssyncadd.s32 $0xFFFFC180  }
0x55c: {  	[spmem:s1] =	stream.indirect.scatter.add.f32 [tilespmem:s11], [sflag:$0x4], $0x80, s20, s8, $0xb8;
	[tilespmem:$0x1F000] =	vst v63  }
0x55d: {  	_ =	swait.ge [sflag:s17], $0x3E80  }
0x55e: {  	[sflag:s17] =	ssyncset.done $0x0  }
0x55f: {  	s12 =	simm.s32 $0x1400;
	[sflag:s17] =	ssyncadd.s32 $0xFFFFC180  }
0x560: {  	[tilespmem:s9], [sflag:$0x1] =	stream.indirect.gather [hbm4b:s7+s8], $0x80, s12, s8, $0xb8;
	[tilespmem:$0x1F000] =	vst v63  }
0x561: {  	_ =	swait.ge [sflag:s19], $0x3E80  }
0x562: {  	[sflag:s19] =	ssyncset.done $0x0  }
0x563: {  	s16 =	simm.s32 $0x1480;
	[sflag:s19] =	ssyncadd.s32 $0xFFFFC180  }
0x564: {  	[tilespmem:s11], [sflag:$0x2] =	stream.indirect.gather [hbm4b:s7+s8], $0x80, s16, s8, $0xb8;
	[tilespmem:$0x1F000] =	vst v63  }
0x565: {  	_ =	swait.ge [sflag:s14], $0x3E80  }
0x566: {  	[sflag:s14] =	ssyncset.done $0x0  }
0x567: {  	s18 =	simm.s32 $0x2C00;
	[sflag:s14] =	ssyncadd.s32 $0xFFFFC180  }
0x568: {  	[spmem:s1] =	stream.indirect.scatter.add.f32 [tilespmem:s9], [sflag:$0x3], $0x80, s18, s8, $0xb8;
	[tilespmem:$0x1F000] =	vst v63  }
0x569: {  	_ =	swait.ge [sflag:s15], $0x3E80  }
0x56a: {  	[sflag:s15] =	ssyncset.done $0x0  }
0x56b: {  	s20 =	simm.s32 $0x2C80;
	[sflag:s15] =	ssyncadd.s32 $0xFFFFC180  }
0x56c: {  	[spmem:s1] =	stream.indirect.scatter.add.f32 [tilespmem:s11], [sflag:$0x4], $0x80, s20, s8, $0xb8;
	[tilespmem:$0x1F000] =	vst v63  }
0x56d: {  	_ =	swait.ge [sflag:s17], $0x3E80  }
0x56e: {  	[sflag:s17] =	ssyncset.done $0x0  }
0x56f: {  	s12 =	simm.s32 $0x1500;
	[sflag:s17] =	ssyncadd.s32 $0xFFFFC180  }
0x570: {  	[tilespmem:s9], [sflag:$0x1] =	stream.indirect.gather [hbm4b:s7+s8], $0x80, s12, s8, $0xb8;
	[tilespmem:$0x1F000] =	vst v63  }
0x571: {  	_ =	swait.ge [sflag:s19], $0x3E80  }
0x572: {  	[sflag:s19] =	ssyncset.done $0x0  }
0x573: {  	s16 =	simm.s32 $0x1580;
	[sflag:s19] =	ssyncadd.s32 $0xFFFFC180  }
0x574: {  	[tilespmem:s11], [sflag:$0x2] =	stream.indirect.gather [hbm4b:s7+s8], $0x80, s16, s8, $0xb8;
	[tilespmem:$0x1F000] =	vst v63  }
0x575: {  	_ =	swait.ge [sflag:s14], $0x3E80  }
0x576: {  	[sflag:s14] =	ssyncset.done $0x0  }
0x577: {  	s18 =	simm.s32 $0x2D00;
	[sflag:s14] =	ssyncadd.s32 $0xFFFFC180  }
0x578: {  	[spmem:s1] =	stream.indirect.scatter.add.f32 [tilespmem:s9], [sflag:$0x3], $0x80, s18, s8, $0xb8;
	[tilespmem:$0x1F000] =	vst v63  }
0x579: {  	_ =	swait.ge [sflag:s15], $0x3E80  }
0x57a: {  	[sflag:s15] =	ssyncset.done $0x0  }
0x57b: {  	s20 =	simm.s32 $0x2D80;
	[sflag:s15] =	ssyncadd.s32 $0xFFFFC180  }
0x57c: {  	[spmem:s1] =	stream.indirect.scatter.add.f32 [tilespmem:s11], [sflag:$0x4], $0x80, s20, s8, $0xb8;
	[tilespmem:$0x1F000] =	vst v63  }
0x57d: {  	_ =	swait.ge [sflag:s17], $0x3E80  }
0x57e: {  	[sflag:s17] =	ssyncset.done $0x0  }
0x57f: {  	[sflag:s17] =	ssyncadd.s32 $0xFFFFC180  }
0x580: {  	_ =	swait.ge [sflag:s19], $0x3E80  }
0x581: {  	[sflag:s19] =	ssyncset.done $0x0  }
0x582: {  	s10 =	sadd.s32 $0xFFFFFFFF, s10;
	[sflag:s19] =	ssyncadd.s32 $0xFFFFC180  }
0x583: {  	p1 =	sne.s32 s10, $0x0;
	[bflag:$0x0] =	sbarrier.arrive $0xFFFF  }
.Ltmp1:
0x584: {  	s0 =	rddreg [dreg:$0xc];
	(pc) =	sbr.rel @p1 .LBB2_2-.Ltmp1, $4  }
0x585: {  	s12 =	rddreg [dreg:$0xe]  }
0x586: {  	s20 =	rddreg [dreg:$0xf]  }
0x587: {  	[hbm:s0], [sflag:s20] =	dma.local [spmem:s12], $0x2800  }
0x588: {  	_ =	swait.ge [sflag:s2], $0x2800  }
.LBB2_3:
0x589: {  	s0 =	simm.s32 $0x6  }
0x58a: {  	[sflag:s0] =	ssyncset.done $0x0  }
0x58b: {  	[sflag:s0] =	ssyncadd.s32 $0xFFFFD800  }
0x58c: {  	_ =	sfence.sel $0x180000  }
0x58d: {  	[bflag:$0x0] =	sbarrier.arrive $0xFFFF  }
0x58e: {  	_ =	strace $0x9000004A  }
0x58f: {  	[bflag:$0x2] =	sbarrier.arrive $0xFFFF  }
0x590: {  	s0 =	rddreg [dreg:$0x2]  }
0x591: {  	s0 =	sadd.s32 @!p0 $0x100000, s0  }
0x592: {  	[sflag:s0] =	ssyncadd.tile.s32 @!p0 $0x1;
	_ =	shalt  }
.Lfunc_end2:
_tile_overlayer_lowered:
.L_overlay_start_2:
0x593: {  	(tag) =	ssettag $0x2  }
0x594: {  	s0 =	rddreg [dreg:$0x0];
	s2 =	stileid.u32  }
0x595: {  	s1 =	rddreg [dreg:$0x1];
	p0 =	sne.s32 s2, $0x0  }
0x596: {  	s3 =	rddreg [dreg:$0x2];
	[bflag:$0x3] =	sbarrier.arrive $0xFFFF;
	s2 =	simm.s32 @!p0 $0x1C06  }
0x597: {  	[timem:s3], [sflag:s2] =	dma.local @!p0 [hbm:s0], s1  }
0x598: {  	s0 =	simm.s32 @!p0 $0x6  }
0x599: {  	_ =	swait.ge @!p0 [sflag:s0], s1  }
0x59a: {  	s1 =	ssub.s32 @!p0 $0x0, s1;
	[sflag:s0] =	ssyncset.done @!p0 $0x0  }
0x59b: {  	[sflag:s0] =	ssyncadd.s32 @!p0 s1  }
0x59c: {  	[bflag:$0x3] =	sbarrier.arrive $0xFFFF  }
0x59d: {  	_ =	shalt  }

// kernel: kernel.14.cloned.1.call-start
scs
__scs_entry_jumppad:
0x0: {  	(pc) =	sbr.rel $0x88, $3  }
0x1: {  	(tag) =	ssettag $0x0;
	lr =	simm.s32 $0x1  }
0x2: {  	[smem:$0x3F99] =	sst lr;
	_ =	strace $0xD0000000  }
0x3: {  	_ = 	snop  }
0x4: {  	_ = 	snop  }
0x5: {  	_ = 	snop  }
0x6: {  	_ = 	snop  }
0x7: {  	_ = 	snop  }
__scs_overlays_trampoline_lowered:
0x8: {  	[smem:$0x3FA8] =	sst s0  }
0x9: {  	[smem:$0x3FA9] =	sst s1  }
0xa: {  	[smem:$0x3FAA] =	sst s2  }
0xb: {  	[smem:$0x3FAB] =	sst s3  }
0xc: {  	[smem:$0x3FAC] =	sst s4  }
0xd: {  	[smem:$0x3FAD] =	sst s5  }
0xe: {  	[smem:$0x3FAE] =	sst s6  }
0xf: {  	[smem:$0x3FAF] =	sst s7  }
0x10: {  	[smem:$0x3FB0] =	sst s8  }
0x11: {  	[smem:$0x3FB1] =	sst s9;
	s0 =	simm.s32 @!p0 $0x0  }
0x12: {  	s1 =	sld [smem:$0x3F97];
	s0 =	simm.s32 @p0 $0x1  }
0x13: {  	[smem:$0x3FB2] =	sst s0;
	s0 =	simm.s32 @!p1 $0x0  }
0x14: {  	s2 =	sld [smem:$0x3F96];
	s0 =	simm.s32 @p1 $0x1  }
0x15: {  	[smem:$0x3FB3] =	sst s0;
	s0 =	simm.s32 @!p2 $0x0  }
0x16: {  	s3 =	sld [smem:$0x3FDB];
	s0 =	simm.s32 @p2 $0x1  }
0x17: {  	s4 =	simm.s32 $0x1BF5;
	[smem:$0x3FB5] =	sst s0  }
0x18: {  	s0 =	sld [smem:$0x3F98];
	_ =	swait.ge [sflag:s4], $0x0  }
0x19: {  	s7 =	sld [smem:$0x3F99]  }
0x1a: {  	s8 =	sadd.s32 $0xFFFFE003, lr  }
0x1b: {  	s9 =	sadd.s32 $0xFFFFFEF7, lr;
	s5 =	simm.s32 $0xFFFFFFFF;
	p2 =	slt.u32 s8, $0xFFFFF086  }
0x1c: {  	p1 =	slt.u32 s9, $0xF7A;
	s5 =	simm.s32 @!p2 $0x0  }
0x1d: {  	s5 =	simm.s32 @p1 $0x1;
	p0 =	seq.s32 s7, s2  }
0x1e: {  	s7 =	smul.u32 @!p0 $0xF7A, s2;
	p2 =	seq.s32 @!p0 s5, $0x0  }
0x1f: {  	s9 =	smul.u32 $0xF7A, s1;
	s8 =	simm.s32 @!p0 $0x1BF5;
	p2 =	por !p2, p0  }
0x20: {  	[sflag:s8] =	ssyncset.s32 @!p0 $0xFFFFF086;
	s6 =	sadd.s32 @!p0 s3, s7;
	s7 =	simm.s32 @!p0 $0x108  }
0x21: {  	s3 =	sadd.s32 s3, s9;
	s6 =	sadd.s32 @!p0 $0x88, s6;
	s7 =	simm.s32 @p2 $0x1082  }
0x22: {  	[simem:s7], [sflag:s8] =	dma.local @!p0 [hbm:s6], $0xF7A  }
0x23: {  	s9 =	sor.u32 $0xD0000000, s2;
	s6 =	simm.s32 $0x108;
	_ =	swait.ge @!p0 [sflag:s8], $0x0  }
0x24: {  	s3 =	sadd.s32 $0x88, s3;
	s6 =	simm.s32 @!p1 $0x1082;
	[sflag:s4] =	ssyncset.s32 $0xFFFFF086  }
0x25: {  	[simem:s6], [sflag:s4] =	dma.local [hbm:s3], $0xF7A  }
0x26: {  	[smem:$0x3F99] =	sst s1;
	(tag) =	ssettag s2;
	_ =	strace s9  }
0x27: {  	s1 =	sld [smem:$0x3FA9]  }
0x28: {  	s2 =	sld [smem:$0x3FAA]  }
0x29: {  	s4 =	sld [smem:$0x3FAC]  }
0x2a: {  	p0 =	seq.s32 s5, $0x0;
	s5 =	sld [smem:$0x3FAD]  }
0x2b: {  	s6 =	sld [smem:$0x3FAE]  }
0x2c: {  	s7 =	sld [smem:$0x3FAF]  }
0x2d: {  	s3 =	simm.s32 $0x108;
	s8 =	sld [smem:$0x3FB0]  }
0x2e: {  	s3 =	simm.s32 @!p0 $0x1082;
	s9 =	sld [smem:$0x3FB1]  }
0x2f: {  	lr =	sadd.s32 s0, s3;
	s0 =	sld [smem:$0x3FA8]  }
0x30: {  	s3 =	sld [smem:$0x3FAB]  }
0x31: {  	[smem:$0x3FB4] =	sst s10  }
0x32: {  	s10 =	sld [smem:$0x3FB2];
	_ =	sdelay $0x3  }
0x33: {  	p0 =	seq.s32 s10, $0x1;
	s10 =	sld [smem:$0x3FB4];
	_ =	sdelay $0x3  }
0x34: {  	[smem:$0x3FB4] =	sst s10  }
0x35: {  	s10 =	sld [smem:$0x3FB3];
	_ =	sdelay $0x3  }
0x36: {  	p1 =	seq.s32 s10, $0x1;
	s10 =	sld [smem:$0x3FB4];
	_ =	sdelay $0x3  }
0x37: {  	[smem:$0x3FB4] =	sst s10  }
0x38: {  	s10 =	sld [smem:$0x3FB5]  }
0x39: {  	_ = 	snop;
	(pc) =	sbr.ind lr, $3  }
0x3a: {  	_ = 	snop  }
0x3b: {  	_ = 	snop  }
0x3c: {  	p2 =	seq.s32 s10, $0x1;
	s10 =	sld [smem:$0x3FB4]  }
0x3d: {  	_ =	shalt  }
0x3e: {  	_ =	shalt  }
0x3f: {  	_ =	shalt  }
0x40: {  	_ =	shalt  }
0x41: {  	_ =	shalt  }
0x42: {  	_ =	shalt  }
0x43: {  	_ =	shalt  }
0x44: {  	_ =	shalt  }
0x45: {  	_ =	shalt  }
0x46: {  	_ =	shalt  }
0x47: {  	_ =	shalt  }
0x48: {  	_ =	shalt  }
0x49: {  	_ =	shalt  }
0x4a: {  	_ =	shalt  }
0x4b: {  	_ =	shalt  }
0x4c: {  	_ =	shalt  }
0x4d: {  	_ =	shalt  }
0x4e: {  	_ =	shalt  }
0x4f: {  	_ =	shalt  }
0x50: {  	_ =	shalt  }
0x51: {  	_ =	shalt  }
0x52: {  	_ =	shalt  }
0x53: {  	_ =	shalt  }
0x54: {  	_ =	shalt  }
0x55: {  	_ =	shalt  }
0x56: {  	_ =	shalt  }
0x57: {  	_ =	shalt  }
0x58: {  	_ =	shalt  }
0x59: {  	_ =	shalt  }
0x5a: {  	_ =	shalt  }
0x5b: {  	_ =	shalt  }
0x5c: {  	_ =	shalt  }
0x5d: {  	_ =	shalt  }
0x5e: {  	_ =	shalt  }
0x5f: {  	_ =	shalt  }
0x60: {  	_ =	shalt  }
0x61: {  	_ =	shalt  }
0x62: {  	_ =	shalt  }
0x63: {  	_ =	shalt  }
0x64: {  	_ =	shalt  }
0x65: {  	_ =	shalt  }
0x66: {  	_ =	shalt  }
0x67: {  	_ =	shalt  }
0x68: {  	_ =	shalt  }
0x69: {  	_ =	shalt  }
0x6a: {  	_ =	shalt  }
0x6b: {  	_ =	shalt  }
0x6c: {  	_ =	shalt  }
0x6d: {  	_ =	shalt  }
0x6e: {  	_ =	shalt  }
0x6f: {  	_ =	shalt  }
0x70: {  	_ =	shalt  }
0x71: {  	_ =	shalt  }
0x72: {  	_ =	shalt  }
0x73: {  	_ =	shalt  }
0x74: {  	_ =	shalt  }
0x75: {  	_ =	shalt  }
0x76: {  	_ =	shalt  }
0x77: {  	_ =	shalt  }
0x78: {  	_ =	shalt  }
0x79: {  	_ =	shalt  }
0x7a: {  	_ =	shalt  }
0x7b: {  	_ =	shalt  }
0x7c: {  	_ =	shalt  }
0x7d: {  	_ =	shalt  }
0x7e: {  	_ =	shalt  }
0x7f: {  	_ =	shalt  }
0x80: {  	_ =	shalt  }
0x81: {  	_ =	shalt  }
0x82: {  	_ =	shalt  }
0x83: {  	_ =	shalt  }
0x84: {  	_ =	shalt  }
0x85: {  	_ =	shalt  }
0x86: {  	_ =	shalt  }
0x87: {  	_ =	shalt  }
.Lfunc_end0:
.L_simem_size_0:
called_computation.2_lowered:
.L_overlay_start_0:
0x88: {  	s2 =	sld [smem:$0x3FD9]  }
0x89: {  	s3 =	sld [smem:$0x3FFE];
	_ =	sdelay $0x1  }
0x8a: {  	s1 =	srdreg.scid  }
0x8b: {  	s0 =	sand.u32 $0x1, s1  }
0x8c: {  	s16 =	sshll.u32 s0, $0xA;
	s2 =	sadd.s32 s3, s2  }
0x8d: {  	s2 =	sadd.s32 s2, s16  }
0x8e: {  	[smem:$0x3FC0] =	sst s2  }
0x8f: {  	_ = 	snop  }
0x90: {  	(tm) =	ssettm $0x1  }
0x91: {  	s17 =	sld [smem:$0x3FFB];
	_ =	sdelay $0x3  }
0x92: {  	_ =	strace s17  }
0x93: {  	s2 =	sld [smem:$0x3FFC];
	_ =	sdelay $0x3  }
0x94: {  	_ =	strace s2  }
0x95: {  	s2 =	sld [smem:$0x3FFD];
	_ =	sdelay $0x3  }
0x96: {  	_ =	strace s2  }
0x97: {  	_ =	strace $0x8FFFFFFF  }
0x98: {  	s18 =	sld [smem:$0x3FDB];
	_ =	sdelay $0x1  }
0x99: {  	s19 =	simm.s32 $_scs_section_size  }
0x9a: {  	s4 =	simm.s32 $_size__tile_overlayer_lowered;
	s5 =	simm.s32 $_tile_overlayer_lowered  }
0x9b: {  	s22 =	simm.s32 $0x1BFF;
	s21 =	sshll.u32 s5, $0x1;
	s2 =	sadd.s32 s19, s18  }
0x9c: {  	s6 =	simm.s32 $0x0;
	s20 =	sshll.u32 s4, $0x1;
	s4 =	sadd.s32 s21, s2  }
0x9d: {  	[timem:s6], [sflag:s22] =	dma.local [hbm:s4], s20  }
0x9e: {  	_ =	swait.ge [sflag:s22], s20  }
0x9f: {  	s3 =	ssub.s32 $0x0, s20;
	[sflag:s22] =	ssyncset.done $0x0  }
0xa0: {  	[sflag:s22] =	ssyncadd.s32 s3;
	_ =	sdelay $0x1  }
0xa1: {  	s23 =	simm.s32 $0x1B8B  }
0xa2: {  	_ =	swait.ge [sflag:s23], $0x1  }
0xa3: {  	[sflag:s23] =	ssyncset.done $0x0  }
0xa4: {  	s25 =	simm.s32 $0x1B8E;
	s24 =	sld [smem:$0x3FFE];
	[sflag:s23] =	ssyncadd.s32 $0xFFFFFFFF  }
0xa5: {  	s26 =	simm.s32 $execute0_lowered;
	[smem:$0x3FD2] =	sst s25  }
0xa6: {  	s4 =	sshll.u32 s26, $0x1;
	_ =	strace $0x8000004C;
	[dreg:$0x1] =	wrdreg $0xFFFFFFFF  }
0xa7: {  	s28 =	simm.s32 $_size_execute0_lowered;
	s2 =	sadd.s32 s2, s4;
	[dreg:$0x0] =	wrdreg $0x0  }
0xa8: {  	s4 =	sshll.u32 s28, $0x1;
	[dreg:$0x2] =	wrdreg s2  }
0xa9: {  	[dreg:$0x3] =	wrdreg s4  }
0xaa: {  	[dreg:$0x4] =	wrdreg $0xC0  }
0xab: {  	_ =	task [dreg:s6], $0x5FFFF  }
0xac: {  	[dreg:$0x1] =	wrdreg $0xFFFFFFFF  }
0xad: {  	[dreg:$0x0] =	wrdreg $0x60  }
0xae: {  	[dreg:$0x2] =	wrdreg s24  }
0xaf: {  	[dreg:$0x3] =	wrdreg $0xB0000  }
0xb0: {  	[dreg:$0x4] =	wrdreg $0x9  }
0xb1: {  	_ =	task.clear_ibuf [dreg:s6], $0x5FFFF;
	_ =	strace $0x9000004C  }
0xb2: {  	s29 =	simm.s32 $0x9;
	_ =	strace $0x8000004E  }
0xb3: {  	_ =	swait.ge [sflag:s29], $0x1  }
0xb4: {  	[sflag:s29] =	ssyncadd.s32 $0xFFFFFFFF  }
0xb5: {  	_ =	strace $0x9000004E  }
0xb6: {  	_ =	sfence  }
0xb7: {  	s30 =	sld [smem:$0x0];
	_ =	sdelay $0x2  }
0xb8: {  	s31 =	sshll.u32 s1, $0xD;
	s1 =	sshrl.u32 s1, $0x2  }
0xb9: {  	s3 =	sand.u32 $0x4000, s31;
	s1 =	sadd.s32 s1, s30  }
0xba: {  	s0 =	sor.u32 s3, s0;
	s1 =	sshll.u32 s1, $0x11  }
0xbb: {  	s0 =	sor.u32 s1, s0  }
0xbc: {  	s0 =	sadd.s32 $0x8F2B, s0  }
0xbd: {  	[sflag:s0] =	ssyncadd.remote.s32 $0x1  }
0xbe: {  	_ =	sfence.sel $0xFFFF  }
0xbf: {  	[dreg:$0x0] =	wrdreg $0xFFFFFFFF;
	(pc) =	sbr.abs _section_cstart, $3  }
0xc0: {  	[dreg:$0x1] =	wrdreg $0xFFFFFFFF  }
0xc1: {  	_ =	task.clear_ibuf [dreg:s6], $0x2FFFF;
	_ =	strace $0x9FFFFFFF  }
0xc2: {  	(tm) =	ssettm $0x7FFFFFFF  }
0xc3: {  	_ =	shalt  }
tec
execute0_lowered:
.L_overlay_start_1:
0x0: {  	(tag) =	ssettag $0x1  }
0x1: {  	s1 =	srdreg.scid;
	s0 =	rddreg [dreg:$0x0]  }
0x2: {  	s9 =	stileid.u32;
	s6 =	simm.s32 $0x0;
	s5 =	sand.u32 $0x1, s1  }
0x3: {  	s1 =	rddreg [dreg:$0x1];
	s14 =	smul.u32 $0x14000, s9;
	s3 =	sshll.u32 s5, $0x4  }
0x4: {  	[smem:$0x7FF] =	sst s6;
	s8 =	smul.u32 $0x140000, s5;
	s3 =	sor.u32 s9, s3  }
0x5: {  	[dreg:$0x10] =	wrdreg s5;
	s3 =	smul.u32 $0x3000, s3  }
0x6: {  	s4 =	sadd.s32 $0x90000, s0;
	s7 =	sadd.s32 $0x9C000, s0;
	_ =	strace $0x8000004D  }
0x7: {  	[dreg:$0x3] =	wrdreg s7;
	s7 =	sadd.s32 s14, s8;
	s3 =	sshrl.u32 s3, $0x3  }
0x8: {  	s2 =	sadd.s32 $0x84000, s0;
	s7 =	sshrl.u32 s7, $0x3;
	s15 =	sadd.s32 s4, s3  }
0x9: {  	s7 =	sadd.s32 s7, s0;
	s16 =	sadd.s32 s2, s3;
	[dreg:$0x4] =	wrdreg s15  }
0xa: {  	s11 =	sor.u32 $0x180, s3;
	s24 =	sadd.s32 $0xC4000, s7;
	[dreg:$0x5] =	wrdreg s16  }
0xb: {  	s17 =	sadd.s32 s4, s11;
	[dreg:$0xc] =	wrdreg s24  }
0xc: {  	s19 =	sadd.s32 $0x300, s3;
	s18 =	sadd.s32 s2, s11;
	[dreg:$0x6] =	wrdreg s17  }
0xd: {  	s22 =	stileid.u32;
	s20 =	sadd.s32 s4, s19;
	[dreg:$0x7] =	wrdreg s18  }
0xe: {  	s3 =	sadd.s32 $0x480, s3;
	s21 =	sadd.s32 s2, s19;
	[dreg:$0x8] =	wrdreg s20  }
0xf: {  	s23 =	smul.u32 $0x50000, s22;
	s4 =	sadd.s32 s4, s3;
	[dreg:$0x9] =	wrdreg s21  }
0x10: {  	s3 =	sadd.s32 s2, s3;
	[dreg:$0xa] =	wrdreg s4  }
0x11: {  	p0 =	sne.s32 s22, $0x0;
	s25 =	sshrl.u32 s23, $0x2;
	[dreg:$0xb] =	wrdreg s3  }
0x12: {  	s3 =	sadd.s32 s25, s1;
	s4 =	sshrl.u32 @!p0 s1, $0x3;
	s26 =	rddreg [dreg:$0x4]  }
0x13: {  	[dreg:$0xd] =	wrdreg s4;
	s28 =	sshrl.u32 s3, $0x3  }
0x14: {  	[tilespmem:s6], [sflag:$0x6] =	stream.linear.gather [hbm4b:s26+s6], $0xA00, $0x38;
	[tilespmem:$0x1F000] =	vst v63  }
0x15: {  	s2 =	simm.s32 $0x6;
	[dreg:$0xe] =	wrdreg s28  }
0x16: {  	_ =	swait.ge [sflag:s2], $0xA00  }
0x17: {  	[sflag:s2] =	ssyncset.done $0x0  }
0x18: {  	s12 =	simm.s32 $0x1800;
	s29 =	rddreg [dreg:$0x5];
	[sflag:s2] =	ssyncadd.s32 $0xFFFFF600  }
0x19: {  	[tilespmem:s12], [sflag:$0x6] =	stream.linear.gather [hbm4b:s29+s6], $0xA00, $0x38;
	[tilespmem:$0x1F000] =	vst v63  }
0x1a: {  	_ =	swait.ge [sflag:s2], $0xA00  }
0x1b: {  	s5 =	simm.s32 @!p0 $0x1C06;
	s7 =	rddreg [dreg:$0x3];
	[sflag:s2] =	ssyncset.done $0x0  }
0x1c: {  	s3 =	simm.s32 @!p0 $0x6;
	s8 =	rddreg [dreg:$0xd];
	[sflag:s2] =	ssyncadd.s32 $0xFFFFF600  }
0x1d: {  	[spmem:s8], [sflag:s5] =	dma.local @!p0 [hbm:s7], $0x28000  }
0x1e: {  	_ =	swait.ge @!p0 [sflag:s3], $0x28000  }
0x1f: {  	[sflag:s3] =	ssyncset.done @!p0 $0x0  }
0x20: {  	s9 =	simm.s32 $0x3000;
	[sflag:s3] =	ssyncadd.s32 @!p0 $0xFFFD8000  }
0x21: {  	s7 =	sadd.s32 $0x2000, s0;
	s8 =	simm.s32 $0x7D;
	[bflag:$0x0] =	sbarrier.arrive $0xFFFF  }
0x22: {  	[tilespmem:s9], [sflag:$0x1] =	stream.indirect.gather [hbm4b:s7+s8], $0x80, s6, s8, $0xb8;
	[tilespmem:$0x1F000] =	vst v63  }
0x23: {  	s11 =	simm.s32 $0x7000;
	s5 =	simm.s32 $0x80  }
0x24: {  	[tilespmem:s11], [sflag:$0x2] =	stream.indirect.gather [hbm4b:s7+s8], $0x80, s5, s8, $0xb8;
	[tilespmem:$0x1F000] =	vst v63  }
0x25: {  	s18 =	simm.s32 $0xC00;
	s30 =	rddreg [dreg:$0x6]  }
0x26: {  	[tilespmem:s18], [sflag:$0x5] =	stream.linear.gather [hbm4b:s30+s6], $0xA00, $0x38;
	[tilespmem:$0x1F000] =	vst v63  }
0x27: {  	s14 =	simm.s32 $0x1;
	s24 =	simm.s32 $0x2400;
	s15 =	rddreg [dreg:$0x7]  }
0x28: {  	[tilespmem:s24], [sflag:$0x5] =	stream.linear.gather [hbm4b:s15+s6], $0xA00, $0x38;
	[tilespmem:$0x1F000] =	vst v63  }
0x29: {  	_ =	swait.ge [sflag:s14], $0x3E80  }
0x2a: {  	[sflag:s14] =	ssyncset.done $0x0  }
0x2b: {  	s15 =	simm.s32 $0x2;
	[sflag:s14] =	ssyncadd.s32 $0xFFFFC180  }
0x2c: {  	[spmem:s1] =	stream.indirect.scatter.add.f32 [tilespmem:s9], [sflag:$0x3], $0x80, s12, s8, $0xb8;
	[tilespmem:$0x1F000] =	vst v63  }
0x2d: {  	_ =	swait.ge [sflag:s15], $0x3E80  }
0x2e: {  	[sflag:s15] =	ssyncset.done $0x0  }
0x2f: {  	s31 =	simm.s32 $0x1880;
	s17 =	simm.s32 $0x3;
	[sflag:s15] =	ssyncadd.s32 $0xFFFFC180  }
0x30: {  	[spmem:s1] =	stream.indirect.scatter.add.f32 [tilespmem:s11], [sflag:$0x4], $0x80, s31, s8, $0xb8;
	[tilespmem:$0x1F000] =	vst v63  }
0x31: {  	_ =	swait.ge [sflag:s17], $0x3E80  }
0x32: {  	[sflag:s17] =	ssyncset.done $0x0  }
0x33: {  	s19 =	simm.s32 $0x4;
	s3 =	simm.s32 $0x100;
	[sflag:s17] =	ssyncadd.s32 $0xFFFFC180  }
0x34: {  	[tilespmem:s9], [sflag:$0x1] =	stream.indirect.gather [hbm4b:s7+s8], $0x80, s3, s8, $0xb8;
	[tilespmem:$0x1F000] =	vst v63  }
0x35: {  	_ =	swait.ge [sflag:s19], $0x3E80  }
0x36: {  	[sflag:s19] =	ssyncset.done $0x0  }
0x37: {  	s4 =	simm.s32 $0x180;
	[sflag:s19] =	ssyncadd.s32 $0xFFFFC180  }
0x38: {  	[tilespmem:s11], [sflag:$0x2] =	stream.indirect.gather [hbm4b:s7+s8], $0x80, s4, s8, $0xb8;
	[tilespmem:$0x1F000] =	vst v63  }
0x39: {  	_ =	swait.ge [sflag:s14], $0x3E80  }
0x3a: {  	[sflag:s14] =	ssyncset.done $0x0  }
0x3b: {  	s10 =	simm.s32 $0x1900;
	[sflag:s14] =	ssyncadd.s32 $0xFFFFC180  }
0x3c: {  	[spmem:s1] =	stream.indirect.scatter.add.f32 [tilespmem:s9], [sflag:$0x3], $0x80, s10, s8, $0xb8;
	[tilespmem:$0x1F000] =	vst v63  }
0x3d: {  	_ =	swait.ge [sflag:s15], $0x3E80  }
0x3e: {  	[sflag:s15] =	ssyncset.done $0x0  }
0x3f: {  	s13 =	simm.s32 $0x1980;
	[sflag:s15] =	ssyncadd.s32 $0xFFFFC180  }
0x40: {  	[spmem:s1] =	stream.indirect.scatter.add.f32 [tilespmem:s11], [sflag:$0x4], $0x80, s13, s8, $0xb8;
	[tilespmem:$0x1F000] =	vst v63  }
0x41: {  	_ =	swait.ge [sflag:s17], $0x3E80  }
0x42: {  	[sflag:s17] =	ssyncset.done $0x0  }
0x43: {  	s16 =	simm.s32 $0x200;
	[sflag:s17] =	ssyncadd.s32 $0xFFFFC180  }
0x44: {  	[tilespmem:s9], [sflag:$0x1] =	stream.indirect.gather [hbm4b:s7+s8], $0x80, s16, s8, $0xb8;
	[tilespmem:$0x1F000] =	vst v63  }
0x45: {  	_ =	swait.ge [sflag:s19], $0x3E80  }
0x46: {  	[sflag:s19] =	ssyncset.done $0x0  }
0x47: {  	s20 =	simm.s32 $0x280;
	[sflag:s19] =	ssyncadd.s32 $0xFFFFC180  }
0x48: {  	[tilespmem:s11], [sflag:$0x2] =	stream.indirect.gather [hbm4b:s7+s8], $0x80, s20, s8, $0xb8;
	[tilespmem:$0x1F000] =	vst v63  }
0x49: {  	_ =	swait.ge [sflag:s14], $0x3E80  }
0x4a: {  	[sflag:s14] =	ssyncset.done $0x0  }
0x4b: {  	s21 =	simm.s32 $0x1A00;
	[sflag:s14] =	ssyncadd.s32 $0xFFFFC180  }
0x4c: {  	[spmem:s1] =	stream.indirect.scatter.add.f32 [tilespmem:s9], [sflag:$0x3], $0x80, s21, s8, $0xb8;
	[tilespmem:$0x1F000] =	vst v63  }
0x4d: {  	_ =	swait.ge [sflag:s15], $0x3E80  }
0x4e: {  	[sflag:s15] =	ssyncset.done $0x0  }
0x4f: {  	s22 =	simm.s32 $0x1A80;
	[sflag:s15] =	ssyncadd.s32 $0xFFFFC180  }
0x50: {  	[spmem:s1] =	stream.indirect.scatter.add.f32 [tilespmem:s11], [sflag:$0x4], $0x80, s22, s8, $0xb8;
	[tilespmem:$0x1F000] =	vst v63  }
0x51: {  	_ =	swait.ge [sflag:s17], $0x3E80  }
0x52: {  	[sflag:s17] =	ssyncset.done $0x0  }
0x53: {  	s23 =	simm.s32 $0x300;
	[sflag:s17] =	ssyncadd.s32 $0xFFFFC180  }
0x54: {  	[tilespmem:s9], [sflag:$0x1] =	stream.indirect.gather [hbm4b:s7+s8], $0x80, s23, s8, $0xb8;
	[tilespmem:$0x1F000] =	vst v63  }
0x55: {  	_ =	swait.ge [sflag:s19], $0x3E80  }
0x56: {  	[sflag:s19] =	ssyncset.done $0x0  }
0x57: {  	s25 =	simm.s32 $0x380;
	[sflag:s19] =	ssyncadd.s32 $0xFFFFC180  }
0x58: {  	[tilespmem:s11], [sflag:$0x2] =	stream.indirect.gather [hbm4b:s7+s8], $0x80, s25, s8, $0xb8;
	[tilespmem:$0x1F000] =	vst v63  }
0x59: {  	_ =	swait.ge [sflag:s14], $0x3E80  }
0x5a: {  	[sflag:s14] =	ssyncset.done $0x0  }
0x5b: {  	s26 =	simm.s32 $0x1B00;
	[sflag:s14] =	ssyncadd.s32 $0xFFFFC180  }
0x5c: {  	[spmem:s1] =	stream.indirect.scatter.add.f32 [tilespmem:s9], [sflag:$0x3], $0x80, s26, s8, $0xb8;
	[tilespmem:$0x1F000] =	vst v63  }
0x5d: {  	_ =	swait.ge [sflag:s15], $0x3E80  }
0x5e: {  	[sflag:s15] =	ssyncset.done $0x0  }
0x5f: {  	s28 =	simm.s32 $0x1B80;
	[sflag:s15] =	ssyncadd.s32 $0xFFFFC180  }
0x60: {  	[spmem:s1] =	stream.indirect.scatter.add.f32 [tilespmem:s11], [sflag:$0x4], $0x80, s28, s8, $0xb8;
	[tilespmem:$0x1F000] =	vst v63  }
0x61: {  	_ =	swait.ge [sflag:s17], $0x3E80  }
0x62: {  	[sflag:s17] =	ssyncset.done $0x0  }
0x63: {  	s29 =	simm.s32 $0x400;
	[sflag:s17] =	ssyncadd.s32 $0xFFFFC180  }
0x64: {  	[tilespmem:s9], [sflag:$0x1] =	stream.indirect.gather [hbm4b:s7+s8], $0x80, s29, s8, $0xb8;
	[tilespmem:$0x1F000] =	vst v63  }
0x65: {  	_ =	swait.ge [sflag:s19], $0x3E80  }
0x66: {  	[sflag:s19] =	ssyncset.done $0x0  }
0x67: {  	s30 =	simm.s32 $0x480;
	[sflag:s19] =	ssyncadd.s32 $0xFFFFC180  }
0x68: {  	[tilespmem:s11], [sflag:$0x2] =	stream.indirect.gather [hbm4b:s7+s8], $0x80, s30, s8, $0xb8;
	[tilespmem:$0x1F000] =	vst v63  }
0x69: {  	_ =	swait.ge [sflag:s14], $0x3E80  }
0x6a: {  	[sflag:s14] =	ssyncset.done $0x0  }
0x6b: {  	s31 =	simm.s32 $0x1C00;
	[sflag:s14] =	ssyncadd.s32 $0xFFFFC180  }
0x6c: {  	[spmem:s1] =	stream.indirect.scatter.add.f32 [tilespmem:s9], [sflag:$0x3], $0x80, s31, s8, $0xb8;
	[tilespmem:$0x1F000] =	vst v63  }
0x6d: {  	_ =	swait.ge [sflag:s15], $0x3E80  }
0x6e: {  	[sflag:s15] =	ssyncset.done $0x0  }
0x6f: {  	s3 =	simm.s32 $0x1C80;
	[sflag:s15] =	ssyncadd.s32 $0xFFFFC180  }
0x70: {  	[spmem:s1] =	stream.indirect.scatter.add.f32 [tilespmem:s11], [sflag:$0x4], $0x80, s3, s8, $0xb8;
	[tilespmem:$0x1F000] =	vst v63  }
0x71: {  	_ =	swait.ge [sflag:s17], $0x3E80  }
0x72: {  	[sflag:s17] =	ssyncset.done $0x0  }
0x73: {  	s4 =	simm.s32 $0x500;
	[sflag:s17] =	ssyncadd.s32 $0xFFFFC180  }
0x74: {  	[tilespmem:s9], [sflag:$0x1] =	stream.indirect.gather [hbm4b:s7+s8], $0x80, s4, s8, $0xb8;
	[tilespmem:$0x1F000] =	vst v63  }
0x75: {  	_ =	swait.ge [sflag:s19], $0x3E80  }
0x76: {  	[sflag:s19] =	ssyncset.done $0x0  }
0x77: {  	s10 =	simm.s32 $0x580;
	[sflag:s19] =	ssyncadd.s32 $0xFFFFC180  }
0x78: {  	[tilespmem:s11], [sflag:$0x2] =	stream.indirect.gather [hbm4b:s7+s8], $0x80, s10, s8, $0xb8;
	[tilespmem:$0x1F000] =	vst v63  }
0x79: {  	_ =	swait.ge [sflag:s14], $0x3E80  }
0x7a: {  	[sflag:s14] =	ssyncset.done $0x0  }
0x7b: {  	s13 =	simm.s32 $0x1D00;
	[sflag:s14] =	ssyncadd.s32 $0xFFFFC180  }
0x7c: {  	[spmem:s1] =	stream.indirect.scatter.add.f32 [tilespmem:s9], [sflag:$0x3], $0x80, s13, s8, $0xb8;
	[tilespmem:$0x1F000] =	vst v63  }
0x7d: {  	_ =	swait.ge [sflag:s15], $0x3E80  }
0x7e: {  	[sflag:s15] =	ssyncset.done $0x0  }
0x7f: {  	s16 =	simm.s32 $0x1D80;
	[sflag:s15] =	ssyncadd.s32 $0xFFFFC180  }
0x80: {  	[spmem:s1] =	stream.indirect.scatter.add.f32 [tilespmem:s11], [sflag:$0x4], $0x80, s16, s8, $0xb8;
	[tilespmem:$0x1F000] =	vst v63  }
0x81: {  	_ =	swait.ge [sflag:s17], $0x3E80  }
0x82: {  	[sflag:s17] =	ssyncset.done $0x0  }
0x83: {  	s20 =	simm.s32 $0x600;
	[sflag:s17] =	ssyncadd.s32 $0xFFFFC180  }
0x84: {  	[tilespmem:s9], [sflag:$0x1] =	stream.indirect.gather [hbm4b:s7+s8], $0x80, s20, s8, $0xb8;
	[tilespmem:$0x1F000] =	vst v63  }
0x85: {  	_ =	swait.ge [sflag:s19], $0x3E80  }
0x86: {  	[sflag:s19] =	ssyncset.done $0x0  }
0x87: {  	s21 =	simm.s32 $0x680;
	[sflag:s19] =	ssyncadd.s32 $0xFFFFC180  }
0x88: {  	[tilespmem:s11], [sflag:$0x2] =	stream.indirect.gather [hbm4b:s7+s8], $0x80, s21, s8, $0xb8;
	[tilespmem:$0x1F000] =	vst v63  }
0x89: {  	_ =	swait.ge [sflag:s14], $0x3E80  }
0x8a: {  	[sflag:s14] =	ssyncset.done $0x0  }
0x8b: {  	s22 =	simm.s32 $0x1E00;
	[sflag:s14] =	ssyncadd.s32 $0xFFFFC180  }
0x8c: {  	[spmem:s1] =	stream.indirect.scatter.add.f32 [tilespmem:s9], [sflag:$0x3], $0x80, s22, s8, $0xb8;
	[tilespmem:$0x1F000] =	vst v63  }
0x8d: {  	_ =	swait.ge [sflag:s15], $0x3E80  }
0x8e: {  	[sflag:s15] =	ssyncset.done $0x0  }
0x8f: {  	s23 =	simm.s32 $0x1E80;
	[sflag:s15] =	ssyncadd.s32 $0xFFFFC180  }
0x90: {  	[spmem:s1] =	stream.indirect.scatter.add.f32 [tilespmem:s11], [sflag:$0x4], $0x80, s23, s8, $0xb8;
	[tilespmem:$0x1F000] =	vst v63  }
0x91: {  	_ =	swait.ge [sflag:s17], $0x3E80  }
0x92: {  	[sflag:s17] =	ssyncset.done $0x0  }
0x93: {  	s25 =	simm.s32 $0x700;
	[sflag:s17] =	ssyncadd.s32 $0xFFFFC180  }
0x94: {  	[tilespmem:s9], [sflag:$0x1] =	stream.indirect.gather [hbm4b:s7+s8], $0x80, s25, s8, $0xb8;
	[tilespmem:$0x1F000] =	vst v63  }
0x95: {  	_ =	swait.ge [sflag:s19], $0x3E80  }
0x96: {  	[sflag:s19] =	ssyncset.done $0x0  }
0x97: {  	s26 =	simm.s32 $0x780;
	[sflag:s19] =	ssyncadd.s32 $0xFFFFC180  }
0x98: {  	[tilespmem:s11], [sflag:$0x2] =	stream.indirect.gather [hbm4b:s7+s8], $0x80, s26, s8, $0xb8;
	[tilespmem:$0x1F000] =	vst v63  }
0x99: {  	_ =	swait.ge [sflag:s14], $0x3E80  }
0x9a: {  	[sflag:s14] =	ssyncset.done $0x0  }
0x9b: {  	s28 =	simm.s32 $0x1F00;
	[sflag:s14] =	ssyncadd.s32 $0xFFFFC180  }
0x9c: {  	[spmem:s1] =	stream.indirect.scatter.add.f32 [tilespmem:s9], [sflag:$0x3], $0x80, s28, s8, $0xb8;
	[tilespmem:$0x1F000] =	vst v63  }
0x9d: {  	_ =	swait.ge [sflag:s15], $0x3E80  }
0x9e: {  	[sflag:s15] =	ssyncset.done $0x0  }
0x9f: {  	s29 =	simm.s32 $0x1F80;
	[sflag:s15] =	ssyncadd.s32 $0xFFFFC180  }
0xa0: {  	[spmem:s1] =	stream.indirect.scatter.add.f32 [tilespmem:s11], [sflag:$0x4], $0x80, s29, s8, $0xb8;
	[tilespmem:$0x1F000] =	vst v63  }
0xa1: {  	_ =	swait.ge [sflag:s17], $0x3E80  }
0xa2: {  	[sflag:s17] =	ssyncset.done $0x0  }
0xa3: {  	s30 =	simm.s32 $0x800;
	[sflag:s17] =	ssyncadd.s32 $0xFFFFC180  }
0xa4: {  	[tilespmem:s9], [sflag:$0x1] =	stream.indirect.gather [hbm4b:s7+s8], $0x80, s30, s8, $0xb8;
	[tilespmem:$0x1F000] =	vst v63  }
0xa5: {  	_ =	swait.ge [sflag:s19], $0x3E80  }
0xa6: {  	[sflag:s19] =	ssyncset.done $0x0  }
0xa7: {  	s31 =	simm.s32 $0x880;
	[sflag:s19] =	ssyncadd.s32 $0xFFFFC180  }
0xa8: {  	[tilespmem:s11], [sflag:$0x2] =	stream.indirect.gather [hbm4b:s7+s8], $0x80, s31, s8, $0xb8;
	[tilespmem:$0x1F000] =	vst v63  }
0xa9: {  	_ =	swait.ge [sflag:s14], $0x3E80  }
0xaa: {  	[sflag:s14] =	ssyncset.done $0x0  }
0xab: {  	s3 =	simm.s32 $0x2000;
	[sflag:s14] =	ssyncadd.s32 $0xFFFFC180  }
0xac: {  	[spmem:s1] =	stream.indirect.scatter.add.f32 [tilespmem:s9], [sflag:$0x3], $0x80, s3, s8, $0xb8;
	[tilespmem:$0x1F000] =	vst v63  }
0xad: {  	_ =	swait.ge [sflag:s15], $0x3E80  }
0xae: {  	[sflag:s15] =	ssyncset.done $0x0  }
0xaf: {  	s4 =	simm.s32 $0x2080;
	[sflag:s15] =	ssyncadd.s32 $0xFFFFC180  }
0xb0: {  	[spmem:s1] =	stream.indirect.scatter.add.f32 [tilespmem:s11], [sflag:$0x4], $0x80, s4, s8, $0xb8;
	[tilespmem:$0x1F000] =	vst v63  }
0xb1: {  	_ =	swait.ge [sflag:s17], $0x3E80  }
0xb2: {  	[sflag:s17] =	ssyncset.done $0x0  }
0xb3: {  	s10 =	simm.s32 $0x900;
	[sflag:s17] =	ssyncadd.s32 $0xFFFFC180  }
0xb4: {  	[tilespmem:s9], [sflag:$0x1] =	stream.indirect.gather [hbm4b:s7+s8], $0x80, s10, s8, $0xb8;
	[tilespmem:$0x1F000] =	vst v63  }
0xb5: {  	_ =	swait.ge [sflag:s19], $0x3E80  }
0xb6: {  	[sflag:s19] =	ssyncset.done $0x0  }
0xb7: {  	s13 =	simm.s32 $0x980;
	[sflag:s19] =	ssyncadd.s32 $0xFFFFC180  }
0xb8: {  	[tilespmem:s11], [sflag:$0x2] =	stream.indirect.gather [hbm4b:s7+s8], $0x80, s13, s8, $0xb8;
	[tilespmem:$0x1F000] =	vst v63  }
0xb9: {  	_ =	swait.ge [sflag:s14], $0x3E80  }
0xba: {  	[sflag:s14] =	ssyncset.done $0x0  }
0xbb: {  	s16 =	simm.s32 $0x2100;
	[sflag:s14] =	ssyncadd.s32 $0xFFFFC180  }
0xbc: {  	[spmem:s1] =	stream.indirect.scatter.add.f32 [tilespmem:s9], [sflag:$0x3], $0x80, s16, s8, $0xb8;
	[tilespmem:$0x1F000] =	vst v63  }
0xbd: {  	_ =	swait.ge [sflag:s15], $0x3E80  }
0xbe: {  	[sflag:s15] =	ssyncset.done $0x0  }
0xbf: {  	s20 =	simm.s32 $0x2180;
	s23 =	simm.s32 $0x5;
	[sflag:s15] =	ssyncadd.s32 $0xFFFFC180  }
0xc0: {  	[spmem:s1] =	stream.indirect.scatter.add.f32 [tilespmem:s11], [sflag:$0x4], $0x80, s20, s8, $0xb8;
	[tilespmem:$0x1F000] =	vst v63  }
0xc1: {  	_ =	swait.ge [sflag:s23], $0xA00  }
0xc2: {  	[sflag:s23] =	ssyncset.done $0x0  }
0xc3: {  	[sflag:s23] =	ssyncadd.s32 $0xFFFFF600  }
0xc4: {  	_ =	swait.ge [sflag:s23], $0xA00  }
0xc5: {  	[sflag:s23] =	ssyncset.done $0x0  }
0xc6: {  	[sflag:s23] =	ssyncadd.s32 $0xFFFFF600  }
0xc7: {  	_ =	swait.ge [sflag:s17], $0x3E80  }
0xc8: {  	[sflag:s17] =	ssyncset.done $0x0  }
0xc9: {  	[sflag:s17] =	ssyncadd.s32 $0xFFFFC180  }
0xca: {  	[tilespmem:s9], [sflag:$0x1] =	stream.indirect.gather [hbm4b:s7+s8], $0x80, s18, s8, $0xb8;
	[tilespmem:$0x1F000] =	vst v63  }
0xcb: {  	_ =	swait.ge [sflag:s19], $0x3E80  }
0xcc: {  	[sflag:s19] =	ssyncset.done $0x0  }
0xcd: {  	s21 =	simm.s32 $0xC80;
	[sflag:s19] =	ssyncadd.s32 $0xFFFFC180  }
0xce: {  	[tilespmem:s11], [sflag:$0x2] =	stream.indirect.gather [hbm4b:s7+s8], $0x80, s21, s8, $0xb8;
	[tilespmem:$0x1F000] =	vst v63  }
0xcf: {  	s22 =	rddreg [dreg:$0x8]  }
0xd0: {  	[tilespmem:s6], [sflag:$0x5] =	stream.linear.gather [hbm4b:s22+s6], $0xA00, $0x38;
	[tilespmem:$0x1F000] =	vst v63  }
0xd1: {  	s16 =	rddreg [dreg:$0x9]  }
0xd2: {  	[tilespmem:s12], [sflag:$0x5] =	stream.linear.gather [hbm4b:s16+s6], $0xA00, $0x38;
	[tilespmem:$0x1F000] =	vst v63  }
0xd3: {  	_ =	swait.ge [sflag:s14], $0x3E80  }
0xd4: {  	[sflag:s14] =	ssyncset.done $0x0  }
0xd5: {  	[sflag:s14] =	ssyncadd.s32 $0xFFFFC180  }
0xd6: {  	[spmem:s1] =	stream.indirect.scatter.add.f32 [tilespmem:s9], [sflag:$0x3], $0x80, s24, s8, $0xb8;
	[tilespmem:$0x1F000] =	vst v63  }
0xd7: {  	_ =	swait.ge [sflag:s15], $0x3E80  }
0xd8: {  	[sflag:s15] =	ssyncset.done $0x0  }
0xd9: {  	s25 =	simm.s32 $0x2480;
	[sflag:s15] =	ssyncadd.s32 $0xFFFFC180  }
0xda: {  	[spmem:s1] =	stream.indirect.scatter.add.f32 [tilespmem:s11], [sflag:$0x4], $0x80, s25, s8, $0xb8;
	[tilespmem:$0x1F000] =	vst v63  }
0xdb: {  	_ =	swait.ge [sflag:s17], $0x3E80  }
0xdc: {  	[sflag:s17] =	ssyncset.done $0x0  }
0xdd: {  	s26 =	simm.s32 $0xD00;
	[sflag:s17] =	ssyncadd.s32 $0xFFFFC180  }
0xde: {  	[tilespmem:s9], [sflag:$0x1] =	stream.indirect.gather [hbm4b:s7+s8], $0x80, s26, s8, $0xb8;
	[tilespmem:$0x1F000] =	vst v63  }
0xdf: {  	_ =	swait.ge [sflag:s19], $0x3E80  }
0xe0: {  	[sflag:s19] =	ssyncset.done $0x0  }
0xe1: {  	s28 =	simm.s32 $0xD80;
	[sflag:s19] =	ssyncadd.s32 $0xFFFFC180  }
0xe2: {  	[tilespmem:s11], [sflag:$0x2] =	stream.indirect.gather [hbm4b:s7+s8], $0x80, s28, s8, $0xb8;
	[tilespmem:$0x1F000] =	vst v63  }
0xe3: {  	_ =	swait.ge [sflag:s14], $0x3E80  }
0xe4: {  	[sflag:s14] =	ssyncset.done $0x0  }
0xe5: {  	s29 =	simm.s32 $0x2500;
	[sflag:s14] =	ssyncadd.s32 $0xFFFFC180  }
0xe6: {  	[spmem:s1] =	stream.indirect.scatter.add.f32 [tilespmem:s9], [sflag:$0x3], $0x80, s29, s8, $0xb8;
	[tilespmem:$0x1F000] =	vst v63  }
0xe7: {  	_ =	swait.ge [sflag:s15], $0x3E80  }
0xe8: {  	[sflag:s15] =	ssyncset.done $0x0  }
0xe9: {  	s30 =	simm.s32 $0x2580;
	[sflag:s15] =	ssyncadd.s32 $0xFFFFC180  }
0xea: {  	[spmem:s1] =	stream.indirect.scatter.add.f32 [tilespmem:s11], [sflag:$0x4], $0x80, s30, s8, $0xb8;
	[tilespmem:$0x1F000] =	vst v63  }
0xeb: {  	_ =	swait.ge [sflag:s17], $0x3E80  }
0xec: {  	[sflag:s17] =	ssyncset.done $0x0  }
0xed: {  	s31 =	simm.s32 $0xE00;
	[sflag:s17] =	ssyncadd.s32 $0xFFFFC180  }
0xee: {  	[tilespmem:s9], [sflag:$0x1] =	stream.indirect.gather [hbm4b:s7+s8], $0x80, s31, s8, $0xb8;
	[tilespmem:$0x1F000] =	vst v63  }
0xef: {  	_ =	swait.ge [sflag:s19], $0x3E80  }
0xf0: {  	[sflag:s19] =	ssyncset.done $0x0  }
0xf1: {  	s3 =	simm.s32 $0xE80;
	[sflag:s19] =	ssyncadd.s32 $0xFFFFC180  }
0xf2: {  	[tilespmem:s11], [sflag:$0x2] =	stream.indirect.gather [hbm4b:s7+s8], $0x80, s3, s8, $0xb8;
	[tilespmem:$0x1F000] =	vst v63  }
0xf3: {  	_ =	swait.ge [sflag:s14], $0x3E80  }
0xf4: {  	[sflag:s14] =	ssyncset.done $0x0  }
0xf5: {  	s4 =	simm.s32 $0x2600;
	[sflag:s14] =	ssyncadd.s32 $0xFFFFC180  }
0xf6: {  	[spmem:s1] =	stream.indirect.scatter.add.f32 [tilespmem:s9], [sflag:$0x3], $0x80, s4, s8, $0xb8;
	[tilespmem:$0x1F000] =	vst v63  }
0xf7: {  	_ =	swait.ge [sflag:s15], $0x3E80  }
0xf8: {  	[sflag:s15] =	ssyncset.done $0x0  }
0xf9: {  	s10 =	simm.s32 $0x2680;
	[sflag:s15] =	ssyncadd.s32 $0xFFFFC180  }
0xfa: {  	[spmem:s1] =	stream.indirect.scatter.add.f32 [tilespmem:s11], [sflag:$0x4], $0x80, s10, s8, $0xb8;
	[tilespmem:$0x1F000] =	vst v63  }
0xfb: {  	_ =	swait.ge [sflag:s17], $0x3E80  }
0xfc: {  	[sflag:s17] =	ssyncset.done $0x0  }
0xfd: {  	s13 =	simm.s32 $0xF00;
	[sflag:s17] =	ssyncadd.s32 $0xFFFFC180  }
0xfe: {  	[tilespmem:s9], [sflag:$0x1] =	stream.indirect.gather [hbm4b:s7+s8], $0x80, s13, s8, $0xb8;
	[tilespmem:$0x1F000] =	vst v63  }
0xff: {  	_ =	swait.ge [sflag:s19], $0x3E80  }
0x100: {  	[sflag:s19] =	ssyncset.done $0x0  }
0x101: {  	s16 =	simm.s32 $0xF80;
	[sflag:s19] =	ssyncadd.s32 $0xFFFFC180  }
0x102: {  	[tilespmem:s11], [sflag:$0x2] =	stream.indirect.gather [hbm4b:s7+s8], $0x80, s16, s8, $0xb8;
	[tilespmem:$0x1F000] =	vst v63  }
0x103: {  	_ =	swait.ge [sflag:s14], $0x3E80  }
0x104: {  	[sflag:s14] =	ssyncset.done $0x0  }
0x105: {  	s20 =	simm.s32 $0x2700;
	[sflag:s14] =	ssyncadd.s32 $0xFFFFC180  }
0x106: {  	[spmem:s1] =	stream.indirect.scatter.add.f32 [tilespmem:s9], [sflag:$0x3], $0x80, s20, s8, $0xb8;
	[tilespmem:$0x1F000] =	vst v63  }
0x107: {  	_ =	swait.ge [sflag:s15], $0x3E80  }
0x108: {  	[sflag:s15] =	ssyncset.done $0x0  }
0x109: {  	s21 =	simm.s32 $0x2780;
	[sflag:s15] =	ssyncadd.s32 $0xFFFFC180  }
0x10a: {  	[spmem:s1] =	stream.indirect.scatter.add.f32 [tilespmem:s11], [sflag:$0x4], $0x80, s21, s8, $0xb8;
	[tilespmem:$0x1F000] =	vst v63  }
0x10b: {  	_ =	swait.ge [sflag:s17], $0x3E80  }
0x10c: {  	[sflag:s17] =	ssyncset.done $0x0  }
0x10d: {  	s22 =	simm.s32 $0x1000;
	[sflag:s17] =	ssyncadd.s32 $0xFFFFC180  }
0x10e: {  	[tilespmem:s9], [sflag:$0x1] =	stream.indirect.gather [hbm4b:s7+s8], $0x80, s22, s8, $0xb8;
	[tilespmem:$0x1F000] =	vst v63  }
0x10f: {  	_ =	swait.ge [sflag:s19], $0x3E80  }
0x110: {  	[sflag:s19] =	ssyncset.done $0x0  }
0x111: {  	s25 =	simm.s32 $0x1080;
	[sflag:s19] =	ssyncadd.s32 $0xFFFFC180  }
0x112: {  	[tilespmem:s11], [sflag:$0x2] =	stream.indirect.gather [hbm4b:s7+s8], $0x80, s25, s8, $0xb8;
	[tilespmem:$0x1F000] =	vst v63  }
0x113: {  	_ =	swait.ge [sflag:s14], $0x3E80  }
0x114: {  	[sflag:s14] =	ssyncset.done $0x0  }
0x115: {  	s26 =	simm.s32 $0x2800;
	[sflag:s14] =	ssyncadd.s32 $0xFFFFC180  }
0x116: {  	[spmem:s1] =	stream.indirect.scatter.add.f32 [tilespmem:s9], [sflag:$0x3], $0x80, s26, s8, $0xb8;
	[tilespmem:$0x1F000] =	vst v63  }
0x117: {  	_ =	swait.ge [sflag:s15], $0x3E80  }
0x118: {  	[sflag:s15] =	ssyncset.done $0x0  }
0x119: {  	s28 =	simm.s32 $0x2880;
	[sflag:s15] =	ssyncadd.s32 $0xFFFFC180  }
0x11a: {  	[spmem:s1] =	stream.indirect.scatter.add.f32 [tilespmem:s11], [sflag:$0x4], $0x80, s28, s8, $0xb8;
	[tilespmem:$0x1F000] =	vst v63  }
0x11b: {  	_ =	swait.ge [sflag:s17], $0x3E80  }
0x11c: {  	[sflag:s17] =	ssyncset.done $0x0  }
0x11d: {  	s29 =	simm.s32 $0x1100;
	[sflag:s17] =	ssyncadd.s32 $0xFFFFC180  }
0x11e: {  	[tilespmem:s9], [sflag:$0x1] =	stream.indirect.gather [hbm4b:s7+s8], $0x80, s29, s8, $0xb8;
	[tilespmem:$0x1F000] =	vst v63  }
0x11f: {  	_ =	swait.ge [sflag:s19], $0x3E80  }
0x120: {  	[sflag:s19] =	ssyncset.done $0x0  }
0x121: {  	s30 =	simm.s32 $0x1180;
	[sflag:s19] =	ssyncadd.s32 $0xFFFFC180  }
0x122: {  	[tilespmem:s11], [sflag:$0x2] =	stream.indirect.gather [hbm4b:s7+s8], $0x80, s30, s8, $0xb8;
	[tilespmem:$0x1F000] =	vst v63  }
0x123: {  	_ =	swait.ge [sflag:s14], $0x3E80  }
0x124: {  	[sflag:s14] =	ssyncset.done $0x0  }
0x125: {  	s31 =	simm.s32 $0x2900;
	[sflag:s14] =	ssyncadd.s32 $0xFFFFC180  }
0x126: {  	[spmem:s1] =	stream.indirect.scatter.add.f32 [tilespmem:s9], [sflag:$0x3], $0x80, s31, s8, $0xb8;
	[tilespmem:$0x1F000] =	vst v63  }
0x127: {  	_ =	swait.ge [sflag:s15], $0x3E80  }
0x128: {  	[sflag:s15] =	ssyncset.done $0x0  }
0x129: {  	s3 =	simm.s32 $0x2980;
	[sflag:s15] =	ssyncadd.s32 $0xFFFFC180  }
0x12a: {  	[spmem:s1] =	stream.indirect.scatter.add.f32 [tilespmem:s11], [sflag:$0x4], $0x80, s3, s8, $0xb8;
	[tilespmem:$0x1F000] =	vst v63  }
0x12b: {  	_ =	swait.ge [sflag:s17], $0x3E80  }
0x12c: {  	[sflag:s17] =	ssyncset.done $0x0  }
0x12d: {  	s4 =	simm.s32 $0x1200;
	[sflag:s17] =	ssyncadd.s32 $0xFFFFC180  }
0x12e: {  	[tilespmem:s9], [sflag:$0x1] =	stream.indirect.gather [hbm4b:s7+s8], $0x80, s4, s8, $0xb8;
	[tilespmem:$0x1F000] =	vst v63  }
0x12f: {  	_ =	swait.ge [sflag:s19], $0x3E80  }
0x130: {  	[sflag:s19] =	ssyncset.done $0x0  }
0x131: {  	s10 =	simm.s32 $0x1280;
	[sflag:s19] =	ssyncadd.s32 $0xFFFFC180  }
0x132: {  	[tilespmem:s11], [sflag:$0x2] =	stream.indirect.gather [hbm4b:s7+s8], $0x80, s10, s8, $0xb8;
	[tilespmem:$0x1F000] =	vst v63  }
0x133: {  	_ =	swait.ge [sflag:s14], $0x3E80  }
0x134: {  	[sflag:s14] =	ssyncset.done $0x0  }
0x135: {  	s31 =	simm.s32 $0x2A00;
	[sflag:s14] =	ssyncadd.s32 $0xFFFFC180  }
0x136: {  	[spmem:s1] =	stream.indirect.scatter.add.f32 [tilespmem:s9], [sflag:$0x3], $0x80, s31, s8, $0xb8;
	[tilespmem:$0x1F000] =	vst v63  }
0x137: {  	_ =	swait.ge [sflag:s15], $0x3E80  }
0x138: {  	[sflag:s15] =	ssyncset.done $0x0  }
0x139: {  	s30 =	simm.s32 $0x2A80;
	[sflag:s15] =	ssyncadd.s32 $0xFFFFC180  }
0x13a: {  	[spmem:s1] =	stream.indirect.scatter.add.f32 [tilespmem:s11], [sflag:$0x4], $0x80, s30, s8, $0xb8;
	[tilespmem:$0x1F000] =	vst v63  }
0x13b: {  	_ =	swait.ge [sflag:s17], $0x3E80  }
0x13c: {  	[sflag:s17] =	ssyncset.done $0x0  }
0x13d: {  	s29 =	simm.s32 $0x1300;
	[sflag:s17] =	ssyncadd.s32 $0xFFFFC180  }
0x13e: {  	[tilespmem:s9], [sflag:$0x1] =	stream.indirect.gather [hbm4b:s7+s8], $0x80, s29, s8, $0xb8;
	[tilespmem:$0x1F000] =	vst v63  }
0x13f: {  	_ =	swait.ge [sflag:s19], $0x3E80  }
0x140: {  	[sflag:s19] =	ssyncset.done $0x0  }
0x141: {  	s28 =	simm.s32 $0x1380;
	[sflag:s19] =	ssyncadd.s32 $0xFFFFC180  }
0x142: {  	[tilespmem:s11], [sflag:$0x2] =	stream.indirect.gather [hbm4b:s7+s8], $0x80, s28, s8, $0xb8;
	[tilespmem:$0x1F000] =	vst v63  }
0x143: {  	_ =	swait.ge [sflag:s14], $0x3E80  }
0x144: {  	[sflag:s14] =	ssyncset.done $0x0  }
0x145: {  	s26 =	simm.s32 $0x2B00;
	[sflag:s14] =	ssyncadd.s32 $0xFFFFC180  }
0x146: {  	[spmem:s1] =	stream.indirect.scatter.add.f32 [tilespmem:s9], [sflag:$0x3], $0x80, s26, s8, $0xb8;
	[tilespmem:$0x1F000] =	vst v63  }
0x147: {  	_ =	swait.ge [sflag:s15], $0x3E80  }
0x148: {  	[sflag:s15] =	ssyncset.done $0x0  }
0x149: {  	s25 =	simm.s32 $0x2B80;
	[sflag:s15] =	ssyncadd.s32 $0xFFFFC180  }
0x14a: {  	[spmem:s1] =	stream.indirect.scatter.add.f32 [tilespmem:s11], [sflag:$0x4], $0x80, s25, s8, $0xb8;
	[tilespmem:$0x1F000] =	vst v63  }
0x14b: {  	_ =	swait.ge [sflag:s17], $0x3E80  }
0x14c: {  	[sflag:s17] =	ssyncset.done $0x0  }
0x14d: {  	s22 =	simm.s32 $0x1400;
	[sflag:s17] =	ssyncadd.s32 $0xFFFFC180  }
0x14e: {  	[tilespmem:s9], [sflag:$0x1] =	stream.indirect.gather [hbm4b:s7+s8], $0x80, s22, s8, $0xb8;
	[tilespmem:$0x1F000] =	vst v63  }
0x14f: {  	_ =	swait.ge [sflag:s19], $0x3E80  }
0x150: {  	[sflag:s19] =	ssyncset.done $0x0  }
0x151: {  	s21 =	simm.s32 $0x1480;
	[sflag:s19] =	ssyncadd.s32 $0xFFFFC180  }
0x152: {  	[tilespmem:s11], [sflag:$0x2] =	stream.indirect.gather [hbm4b:s7+s8], $0x80, s21, s8, $0xb8;
	[tilespmem:$0x1F000] =	vst v63  }
0x153: {  	_ =	swait.ge [sflag:s14], $0x3E80  }
0x154: {  	[sflag:s14] =	ssyncset.done $0x0  }
0x155: {  	s20 =	simm.s32 $0x2C00;
	[sflag:s14] =	ssyncadd.s32 $0xFFFFC180  }
0x156: {  	[spmem:s1] =	stream.indirect.scatter.add.f32 [tilespmem:s9], [sflag:$0x3], $0x80, s20, s8, $0xb8;
	[tilespmem:$0x1F000] =	vst v63  }
0x157: {  	_ =	swait.ge [sflag:s15], $0x3E80  }
0x158: {  	[sflag:s15] =	ssyncset.done $0x0  }
0x159: {  	s16 =	simm.s32 $0x2C80;
	[sflag:s15] =	ssyncadd.s32 $0xFFFFC180  }
0x15a: {  	[spmem:s1] =	stream.indirect.scatter.add.f32 [tilespmem:s11], [sflag:$0x4], $0x80, s16, s8, $0xb8;
	[tilespmem:$0x1F000] =	vst v63  }
0x15b: {  	_ =	swait.ge [sflag:s17], $0x3E80  }
0x15c: {  	[sflag:s17] =	ssyncset.done $0x0  }
0x15d: {  	s13 =	simm.s32 $0x1500;
	[sflag:s17] =	ssyncadd.s32 $0xFFFFC180  }
0x15e: {  	[tilespmem:s9], [sflag:$0x1] =	stream.indirect.gather [hbm4b:s7+s8], $0x80, s13, s8, $0xb8;
	[tilespmem:$0x1F000] =	vst v63  }
0x15f: {  	_ =	swait.ge [sflag:s19], $0x3E80  }
0x160: {  	[sflag:s19] =	ssyncset.done $0x0  }
0x161: {  	s4 =	simm.s32 $0x1580;
	[sflag:s19] =	ssyncadd.s32 $0xFFFFC180  }
0x162: {  	[tilespmem:s11], [sflag:$0x2] =	stream.indirect.gather [hbm4b:s7+s8], $0x80, s4, s8, $0xb8;
	[tilespmem:$0x1F000] =	vst v63  }
0x163: {  	_ =	swait.ge [sflag:s14], $0x3E80  }
0x164: {  	[sflag:s14] =	ssyncset.done $0x0  }
0x165: {  	s3 =	simm.s32 $0x2D00;
	[sflag:s14] =	ssyncadd.s32 $0xFFFFC180  }
0x166: {  	[spmem:s1] =	stream.indirect.scatter.add.f32 [tilespmem:s9], [sflag:$0x3], $0x80, s3, s8, $0xb8;
	[tilespmem:$0x1F000] =	vst v63  }
0x167: {  	_ =	swait.ge [sflag:s15], $0x3E80  }
0x168: {  	[sflag:s15] =	ssyncset.done $0x0  }
0x169: {  	s0 =	simm.s32 $0x2D80;
	[sflag:s15] =	ssyncadd.s32 $0xFFFFC180  }
0x16a: {  	[spmem:s1] =	stream.indirect.scatter.add.f32 [tilespmem:s11], [sflag:$0x4], $0x80, s0, s8, $0xb8;
	[tilespmem:$0x1F000] =	vst v63  }
0x16b: {  	_ =	swait.ge [sflag:s23], $0xA00  }
0x16c: {  	[sflag:s23] =	ssyncset.done $0x0  }
0x16d: {  	[sflag:s23] =	ssyncadd.s32 $0xFFFFF600  }
0x16e: {  	_ =	swait.ge [sflag:s23], $0xA00  }
0x16f: {  	[sflag:s23] =	ssyncset.done $0x0  }
0x170: {  	[sflag:s23] =	ssyncadd.s32 $0xFFFFF600  }
0x171: {  	_ =	swait.ge [sflag:s17], $0x3E80  }
0x172: {  	[sflag:s17] =	ssyncset.done $0x0  }
0x173: {  	[sflag:s17] =	ssyncadd.s32 $0xFFFFC180  }
0x174: {  	[tilespmem:s9], [sflag:$0x1] =	stream.indirect.gather [hbm4b:s7+s8], $0x80, s6, s8, $0xb8;
	[tilespmem:$0x1F000] =	vst v63  }
0x175: {  	_ =	swait.ge [sflag:s19], $0x3E80  }
0x176: {  	[sflag:s19] =	ssyncset.done $0x0  }
0x177: {  	[sflag:s19] =	ssyncadd.s32 $0xFFFFC180  }
0x178: {  	[tilespmem:s11], [sflag:$0x2] =	stream.indirect.gather [hbm4b:s7+s8], $0x80, s5, s8, $0xb8;
	[tilespmem:$0x1F000] =	vst v63  }
0x179: {  	s10 =	rddreg [dreg:$0xa]  }
0x17a: {  	[tilespmem:s18], [sflag:$0x5] =	stream.linear.gather [hbm4b:s10+s6], $0xA00, $0x38;
	[tilespmem:$0x1F000] =	vst v63  }
0x17b: {  	s5 =	rddreg [dreg:$0xb]  }
0x17c: {  	[tilespmem:s24], [sflag:$0x5] =	stream.linear.gather [hbm4b:s5+s6], $0xA00, $0x38;
	[tilespmem:$0x1F000] =	vst v63  }
0x17d: {  	_ =	swait.ge [sflag:s14], $0x3E80  }
0x17e: {  	[sflag:s14] =	ssyncset.done $0x0  }
0x17f: {  	[sflag:s14] =	ssyncadd.s32 $0xFFFFC180  }
0x180: {  	[spmem:s1] =	stream.indirect.scatter.add.f32 [tilespmem:s9], [sflag:$0x3], $0x80, s12, s8, $0xb8;
	[tilespmem:$0x1F000] =	vst v63  }
0x181: {  	_ =	swait.ge [sflag:s15], $0x3E80  }
0x182: {  	[sflag:s15] =	ssyncset.done $0x0  }
0x183: {  	s12 =	simm.s32 $0x1880;
	[sflag:s15] =	ssyncadd.s32 $0xFFFFC180  }
0x184: {  	[spmem:s1] =	stream.indirect.scatter.add.f32 [tilespmem:s11], [sflag:$0x4], $0x80, s12, s8, $0xb8;
	[tilespmem:$0x1F000] =	vst v63  }
0x185: {  	_ =	swait.ge [sflag:s17], $0x3E80  }
0x186: {  	[sflag:s17] =	ssyncset.done $0x0  }
0x187: {  	s10 =	simm.s32 $0x100;
	[sflag:s17] =	ssyncadd.s32 $0xFFFFC180  }
0x188: {  	[tilespmem:s9], [sflag:$0x1] =	stream.indirect.gather [hbm4b:s7+s8], $0x80, s10, s8, $0xb8;
	[tilespmem:$0x1F000] =	vst v63  }
0x189: {  	_ =	swait.ge [sflag:s19], $0x3E80  }
0x18a: {  	[sflag:s19] =	ssyncset.done $0x0  }
0x18b: {  	s12 =	simm.s32 $0x180;
	[sflag:s19] =	ssyncadd.s32 $0xFFFFC180  }
0x18c: {  	[tilespmem:s11], [sflag:$0x2] =	stream.indirect.gather [hbm4b:s7+s8], $0x80, s12, s8, $0xb8;
	[tilespmem:$0x1F000] =	vst v63  }
0x18d: {  	_ =	swait.ge [sflag:s14], $0x3E80  }
0x18e: {  	[sflag:s14] =	ssyncset.done $0x0  }
0x18f: {  	s10 =	simm.s32 $0x1900;
	[sflag:s14] =	ssyncadd.s32 $0xFFFFC180  }
0x190: {  	[spmem:s1] =	stream.indirect.scatter.add.f32 [tilespmem:s9], [sflag:$0x3], $0x80, s10, s8, $0xb8;
	[tilespmem:$0x1F000] =	vst v63  }
0x191: {  	_ =	swait.ge [sflag:s15], $0x3E80  }
0x192: {  	[sflag:s15] =	ssyncset.done $0x0  }
0x193: {  	s12 =	simm.s32 $0x1980;
	[sflag:s15] =	ssyncadd.s32 $0xFFFFC180  }
0x194: {  	[spmem:s1] =	stream.indirect.scatter.add.f32 [tilespmem:s11], [sflag:$0x4], $0x80, s12, s8, $0xb8;
	[tilespmem:$0x1F000] =	vst v63  }
0x195: {  	_ =	swait.ge [sflag:s17], $0x3E80  }
0x196: {  	[sflag:s17] =	ssyncset.done $0x0  }
0x197: {  	s10 =	simm.s32 $0x200;
	[sflag:s17] =	ssyncadd.s32 $0xFFFFC180  }
0x198: {  	[tilespmem:s9], [sflag:$0x1] =	stream.indirect.gather [hbm4b:s7+s8], $0x80, s10, s8, $0xb8;
	[tilespmem:$0x1F000] =	vst v63  }
0x199: {  	_ =	swait.ge [sflag:s19], $0x3E80  }
0x19a: {  	[sflag:s19] =	ssyncset.done $0x0  }
0x19b: {  	s12 =	simm.s32 $0x280;
	[sflag:s19] =	ssyncadd.s32 $0xFFFFC180  }
0x19c: {  	[tilespmem:s11], [sflag:$0x2] =	stream.indirect.gather [hbm4b:s7+s8], $0x80, s12, s8, $0xb8;
	[tilespmem:$0x1F000] =	vst v63  }
0x19d: {  	_ =	swait.ge [sflag:s14], $0x3E80  }
0x19e: {  	[sflag:s14] =	ssyncset.done $0x0  }
0x19f: {  	s10 =	simm.s32 $0x1A00;
	[sflag:s14] =	ssyncadd.s32 $0xFFFFC180  }
0x1a0: {  	[spmem:s1] =	stream.indirect.scatter.add.f32 [tilespmem:s9], [sflag:$0x3], $0x80, s10, s8, $0xb8;
	[tilespmem:$0x1F000] =	vst v63  }
0x1a1: {  	_ =	swait.ge [sflag:s15], $0x3E80  }
0x1a2: {  	[sflag:s15] =	ssyncset.done $0x0  }
0x1a3: {  	s12 =	simm.s32 $0x1A80;
	[sflag:s15] =	ssyncadd.s32 $0xFFFFC180  }
0x1a4: {  	[spmem:s1] =	stream.indirect.scatter.add.f32 [tilespmem:s11], [sflag:$0x4], $0x80, s12, s8, $0xb8;
	[tilespmem:$0x1F000] =	vst v63  }
0x1a5: {  	_ =	swait.ge [sflag:s17], $0x3E80  }
0x1a6: {  	[sflag:s17] =	ssyncset.done $0x0  }
0x1a7: {  	s10 =	simm.s32 $0x300;
	[sflag:s17] =	ssyncadd.s32 $0xFFFFC180  }
0x1a8: {  	[tilespmem:s9], [sflag:$0x1] =	stream.indirect.gather [hbm4b:s7+s8], $0x80, s10, s8, $0xb8;
	[tilespmem:$0x1F000] =	vst v63  }
0x1a9: {  	_ =	swait.ge [sflag:s19], $0x3E80  }
0x1aa: {  	[sflag:s19] =	ssyncset.done $0x0  }
0x1ab: {  	s12 =	simm.s32 $0x380;
	[sflag:s19] =	ssyncadd.s32 $0xFFFFC180  }
0x1ac: {  	[tilespmem:s11], [sflag:$0x2] =	stream.indirect.gather [hbm4b:s7+s8], $0x80, s12, s8, $0xb8;
	[tilespmem:$0x1F000] =	vst v63  }
0x1ad: {  	_ =	swait.ge [sflag:s14], $0x3E80  }
0x1ae: {  	[sflag:s14] =	ssyncset.done $0x0  }
0x1af: {  	s10 =	simm.s32 $0x1B00;
	[sflag:s14] =	ssyncadd.s32 $0xFFFFC180  }
0x1b0: {  	[spmem:s1] =	stream.indirect.scatter.add.f32 [tilespmem:s9], [sflag:$0x3], $0x80, s10, s8, $0xb8;
	[tilespmem:$0x1F000] =	vst v63  }
0x1b1: {  	_ =	swait.ge [sflag:s15], $0x3E80  }
0x1b2: {  	[sflag:s15] =	ssyncset.done $0x0  }
0x1b3: {  	s12 =	simm.s32 $0x1B80;
	[sflag:s15] =	ssyncadd.s32 $0xFFFFC180  }
0x1b4: {  	[spmem:s1] =	stream.indirect.scatter.add.f32 [tilespmem:s11], [sflag:$0x4], $0x80, s12, s8, $0xb8;
	[tilespmem:$0x1F000] =	vst v63  }
0x1b5: {  	_ =	swait.ge [sflag:s17], $0x3E80  }
0x1b6: {  	[sflag:s17] =	ssyncset.done $0x0  }
0x1b7: {  	s10 =	simm.s32 $0x400;
	[sflag:s17] =	ssyncadd.s32 $0xFFFFC180  }
0x1b8: {  	[tilespmem:s9], [sflag:$0x1] =	stream.indirect.gather [hbm4b:s7+s8], $0x80, s10, s8, $0xb8;
	[tilespmem:$0x1F000] =	vst v63  }
0x1b9: {  	_ =	swait.ge [sflag:s19], $0x3E80  }
0x1ba: {  	[sflag:s19] =	ssyncset.done $0x0  }
0x1bb: {  	s12 =	simm.s32 $0x480;
	[sflag:s19] =	ssyncadd.s32 $0xFFFFC180  }
0x1bc: {  	[tilespmem:s11], [sflag:$0x2] =	stream.indirect.gather [hbm4b:s7+s8], $0x80, s12, s8, $0xb8;
	[tilespmem:$0x1F000] =	vst v63  }
0x1bd: {  	_ =	swait.ge [sflag:s14], $0x3E80  }
0x1be: {  	[sflag:s14] =	ssyncset.done $0x0  }
0x1bf: {  	s10 =	simm.s32 $0x1C00;
	[sflag:s14] =	ssyncadd.s32 $0xFFFFC180  }
0x1c0: {  	[spmem:s1] =	stream.indirect.scatter.add.f32 [tilespmem:s9], [sflag:$0x3], $0x80, s10, s8, $0xb8;
	[tilespmem:$0x1F000] =	vst v63  }
0x1c1: {  	_ =	swait.ge [sflag:s15], $0x3E80  }
0x1c2: {  	[sflag:s15] =	ssyncset.done $0x0  }
0x1c3: {  	s12 =	simm.s32 $0x1C80;
	[sflag:s15] =	ssyncadd.s32 $0xFFFFC180  }
0x1c4: {  	[spmem:s1] =	stream.indirect.scatter.add.f32 [tilespmem:s11], [sflag:$0x4], $0x80, s12, s8, $0xb8;
	[tilespmem:$0x1F000] =	vst v63  }
0x1c5: {  	_ =	swait.ge [sflag:s17], $0x3E80  }
0x1c6: {  	[sflag:s17] =	ssyncset.done $0x0  }
0x1c7: {  	s10 =	simm.s32 $0x500;
	[sflag:s17] =	ssyncadd.s32 $0xFFFFC180  }
0x1c8: {  	[tilespmem:s9], [sflag:$0x1] =	stream.indirect.gather [hbm4b:s7+s8], $0x80, s10, s8, $0xb8;
	[tilespmem:$0x1F000] =	vst v63  }
0x1c9: {  	_ =	swait.ge [sflag:s19], $0x3E80  }
0x1ca: {  	[sflag:s19] =	ssyncset.done $0x0  }
0x1cb: {  	s12 =	simm.s32 $0x580;
	[sflag:s19] =	ssyncadd.s32 $0xFFFFC180  }
0x1cc: {  	[tilespmem:s11], [sflag:$0x2] =	stream.indirect.gather [hbm4b:s7+s8], $0x80, s12, s8, $0xb8;
	[tilespmem:$0x1F000] =	vst v63  }
0x1cd: {  	_ =	swait.ge [sflag:s14], $0x3E80  }
0x1ce: {  	[sflag:s14] =	ssyncset.done $0x0  }
0x1cf: {  	s10 =	simm.s32 $0x1D00;
	[sflag:s14] =	ssyncadd.s32 $0xFFFFC180  }
0x1d0: {  	[spmem:s1] =	stream.indirect.scatter.add.f32 [tilespmem:s9], [sflag:$0x3], $0x80, s10, s8, $0xb8;
	[tilespmem:$0x1F000] =	vst v63  }
0x1d1: {  	_ =	swait.ge [sflag:s15], $0x3E80  }
0x1d2: {  	[sflag:s15] =	ssyncset.done $0x0  }
0x1d3: {  	s12 =	simm.s32 $0x1D80;
	[sflag:s15] =	ssyncadd.s32 $0xFFFFC180  }
0x1d4: {  	[spmem:s1] =	stream.indirect.scatter.add.f32 [tilespmem:s11], [sflag:$0x4], $0x80, s12, s8, $0xb8;
	[tilespmem:$0x1F000] =	vst v63  }
0x1d5: {  	_ =	swait.ge [sflag:s17], $0x3E80  }
0x1d6: {  	[sflag:s17] =	ssyncset.done $0x0  }
0x1d7: {  	s10 =	simm.s32 $0x600;
	[sflag:s17] =	ssyncadd.s32 $0xFFFFC180  }
0x1d8: {  	[tilespmem:s9], [sflag:$0x1] =	stream.indirect.gather [hbm4b:s7+s8], $0x80, s10, s8, $0xb8;
	[tilespmem:$0x1F000] =	vst v63  }
0x1d9: {  	_ =	swait.ge [sflag:s19], $0x3E80  }
0x1da: {  	[sflag:s19] =	ssyncset.done $0x0  }
0x1db: {  	s12 =	simm.s32 $0x680;
	[sflag:s19] =	ssyncadd.s32 $0xFFFFC180  }
0x1dc: {  	[tilespmem:s11], [sflag:$0x2] =	stream.indirect.gather [hbm4b:s7+s8], $0x80, s12, s8, $0xb8;
	[tilespmem:$0x1F000] =	vst v63  }
0x1dd: {  	_ =	swait.ge [sflag:s14], $0x3E80  }
0x1de: {  	[sflag:s14] =	ssyncset.done $0x0  }
0x1df: {  	s10 =	simm.s32 $0x1E00;
	[sflag:s14] =	ssyncadd.s32 $0xFFFFC180  }
0x1e0: {  	[spmem:s1] =	stream.indirect.scatter.add.f32 [tilespmem:s9], [sflag:$0x3], $0x80, s10, s8, $0xb8;
	[tilespmem:$0x1F000] =	vst v63  }
0x1e1: {  	_ =	swait.ge [sflag:s15], $0x3E80  }
0x1e2: {  	[sflag:s15] =	ssyncset.done $0x0  }
0x1e3: {  	s12 =	simm.s32 $0x1E80;
	[sflag:s15] =	ssyncadd.s32 $0xFFFFC180  }
0x1e4: {  	[spmem:s1] =	stream.indirect.scatter.add.f32 [tilespmem:s11], [sflag:$0x4], $0x80, s12, s8, $0xb8;
	[tilespmem:$0x1F000] =	vst v63  }
0x1e5: {  	_ =	swait.ge [sflag:s17], $0x3E80  }
0x1e6: {  	[sflag:s17] =	ssyncset.done $0x0  }
0x1e7: {  	s10 =	simm.s32 $0x700;
	[sflag:s17] =	ssyncadd.s32 $0xFFFFC180  }
0x1e8: {  	[tilespmem:s9], [sflag:$0x1] =	stream.indirect.gather [hbm4b:s7+s8], $0x80, s10, s8, $0xb8;
	[tilespmem:$0x1F000] =	vst v63  }
0x1e9: {  	_ =	swait.ge [sflag:s19], $0x3E80  }
0x1ea: {  	[sflag:s19] =	ssyncset.done $0x0  }
0x1eb: {  	s12 =	simm.s32 $0x780;
	[sflag:s19] =	ssyncadd.s32 $0xFFFFC180  }
0x1ec: {  	[tilespmem:s11], [sflag:$0x2] =	stream.indirect.gather [hbm4b:s7+s8], $0x80, s12, s8, $0xb8;
	[tilespmem:$0x1F000] =	vst v63  }
0x1ed: {  	_ =	swait.ge [sflag:s14], $0x3E80  }
0x1ee: {  	[sflag:s14] =	ssyncset.done $0x0  }
0x1ef: {  	s10 =	simm.s32 $0x1F00;
	[sflag:s14] =	ssyncadd.s32 $0xFFFFC180  }
0x1f0: {  	[spmem:s1] =	stream.indirect.scatter.add.f32 [tilespmem:s9], [sflag:$0x3], $0x80, s10, s8, $0xb8;
	[tilespmem:$0x1F000] =	vst v63  }
0x1f1: {  	_ =	swait.ge [sflag:s15], $0x3E80  }
0x1f2: {  	[sflag:s15] =	ssyncset.done $0x0  }
0x1f3: {  	s12 =	simm.s32 $0x1F80;
	[sflag:s15] =	ssyncadd.s32 $0xFFFFC180  }
0x1f4: {  	[spmem:s1] =	stream.indirect.scatter.add.f32 [tilespmem:s11], [sflag:$0x4], $0x80, s12, s8, $0xb8;
	[tilespmem:$0x1F000] =	vst v63  }
0x1f5: {  	_ =	swait.ge [sflag:s17], $0x3E80  }
0x1f6: {  	[sflag:s17] =	ssyncset.done $0x0  }
0x1f7: {  	s10 =	simm.s32 $0x800;
	[sflag:s17] =	ssyncadd.s32 $0xFFFFC180  }
0x1f8: {  	[tilespmem:s9], [sflag:$0x1] =	stream.indirect.gather [hbm4b:s7+s8], $0x80, s10, s8, $0xb8;
	[tilespmem:$0x1F000] =	vst v63  }
0x1f9: {  	_ =	swait.ge [sflag:s19], $0x3E80  }
0x1fa: {  	[sflag:s19] =	ssyncset.done $0x0  }
0x1fb: {  	s12 =	simm.s32 $0x880;
	[sflag:s19] =	ssyncadd.s32 $0xFFFFC180  }
0x1fc: {  	[tilespmem:s11], [sflag:$0x2] =	stream.indirect.gather [hbm4b:s7+s8], $0x80, s12, s8, $0xb8;
	[tilespmem:$0x1F000] =	vst v63  }
0x1fd: {  	_ =	swait.ge [sflag:s14], $0x3E80  }
0x1fe: {  	[sflag:s14] =	ssyncset.done $0x0  }
0x1ff: {  	s10 =	simm.s32 $0x2000;
	[sflag:s14] =	ssyncadd.s32 $0xFFFFC180  }
0x200: {  	[spmem:s1] =	stream.indirect.scatter.add.f32 [tilespmem:s9], [sflag:$0x3], $0x80, s10, s8, $0xb8;
	[tilespmem:$0x1F000] =	vst v63  }
0x201: {  	_ =	swait.ge [sflag:s15], $0x3E80  }
0x202: {  	[sflag:s15] =	ssyncset.done $0x0  }
0x203: {  	s12 =	simm.s32 $0x2080;
	[sflag:s15] =	ssyncadd.s32 $0xFFFFC180  }
0x204: {  	[spmem:s1] =	stream.indirect.scatter.add.f32 [tilespmem:s11], [sflag:$0x4], $0x80, s12, s8, $0xb8;
	[tilespmem:$0x1F000] =	vst v63  }
0x205: {  	_ =	swait.ge [sflag:s17], $0x3E80  }
0x206: {  	[sflag:s17] =	ssyncset.done $0x0  }
0x207: {  	s10 =	simm.s32 $0x900;
	[sflag:s17] =	ssyncadd.s32 $0xFFFFC180  }
0x208: {  	[tilespmem:s9], [sflag:$0x1] =	stream.indirect.gather [hbm4b:s7+s8], $0x80, s10, s8, $0xb8;
	[tilespmem:$0x1F000] =	vst v63  }
0x209: {  	_ =	swait.ge [sflag:s19], $0x3E80  }
0x20a: {  	[sflag:s19] =	ssyncset.done $0x0  }
0x20b: {  	s12 =	simm.s32 $0x980;
	[sflag:s19] =	ssyncadd.s32 $0xFFFFC180  }
0x20c: {  	[tilespmem:s11], [sflag:$0x2] =	stream.indirect.gather [hbm4b:s7+s8], $0x80, s12, s8, $0xb8;
	[tilespmem:$0x1F000] =	vst v63  }
0x20d: {  	_ =	swait.ge [sflag:s14], $0x3E80  }
0x20e: {  	[sflag:s14] =	ssyncset.done $0x0  }
0x20f: {  	s10 =	simm.s32 $0x2100;
	[sflag:s14] =	ssyncadd.s32 $0xFFFFC180  }
0x210: {  	[spmem:s1] =	stream.indirect.scatter.add.f32 [tilespmem:s9], [sflag:$0x3], $0x80, s10, s8, $0xb8;
	[tilespmem:$0x1F000] =	vst v63  }
0x211: {  	_ =	swait.ge [sflag:s15], $0x3E80  }
0x212: {  	[sflag:s15] =	ssyncset.done $0x0  }
0x213: {  	s12 =	simm.s32 $0x2180;
	[sflag:s15] =	ssyncadd.s32 $0xFFFFC180  }
0x214: {  	[spmem:s1] =	stream.indirect.scatter.add.f32 [tilespmem:s11], [sflag:$0x4], $0x80, s12, s8, $0xb8;
	[tilespmem:$0x1F000] =	vst v63  }
0x215: {  	_ =	swait.ge [sflag:s23], $0xA00  }
0x216: {  	[sflag:s23] =	ssyncset.done $0x0  }
0x217: {  	[sflag:s23] =	ssyncadd.s32 $0xFFFFF600  }
0x218: {  	_ =	swait.ge [sflag:s23], $0xA00  }
0x219: {  	[sflag:s23] =	ssyncset.done $0x0  }
0x21a: {  	[sflag:s23] =	ssyncadd.s32 $0xFFFFF600  }
0x21b: {  	_ =	swait.ge [sflag:s17], $0x3E80  }
0x21c: {  	[sflag:s17] =	ssyncset.done $0x0  }
0x21d: {  	[sflag:s17] =	ssyncadd.s32 $0xFFFFC180  }
0x21e: {  	[tilespmem:s9], [sflag:$0x1] =	stream.indirect.gather [hbm4b:s7+s8], $0x80, s18, s8, $0xb8;
	[tilespmem:$0x1F000] =	vst v63  }
0x21f: {  	_ =	swait.ge [sflag:s19], $0x3E80  }
0x220: {  	[sflag:s19] =	ssyncset.done $0x0  }
0x221: {  	s10 =	simm.s32 $0xC80;
	[sflag:s19] =	ssyncadd.s32 $0xFFFFC180  }
0x222: {  	[tilespmem:s11], [sflag:$0x2] =	stream.indirect.gather [hbm4b:s7+s8], $0x80, s10, s8, $0xb8;
	[tilespmem:$0x1F000] =	vst v63  }
0x223: {  	_ =	swait.ge [sflag:s14], $0x3E80  }
0x224: {  	[sflag:s14] =	ssyncset.done $0x0  }
0x225: {  	[sflag:s14] =	ssyncadd.s32 $0xFFFFC180  }
0x226: {  	[spmem:s1] =	stream.indirect.scatter.add.f32 [tilespmem:s9], [sflag:$0x3], $0x80, s24, s8, $0xb8;
	[tilespmem:$0x1F000] =	vst v63  }
0x227: {  	_ =	swait.ge [sflag:s15], $0x3E80  }
0x228: {  	[sflag:s15] =	ssyncset.done $0x0  }
0x229: {  	s12 =	simm.s32 $0x2480;
	[sflag:s15] =	ssyncadd.s32 $0xFFFFC180  }
0x22a: {  	[spmem:s1] =	stream.indirect.scatter.add.f32 [tilespmem:s11], [sflag:$0x4], $0x80, s12, s8, $0xb8;
	[tilespmem:$0x1F000] =	vst v63  }
0x22b: {  	_ =	swait.ge [sflag:s17], $0x3E80  }
0x22c: {  	[sflag:s17] =	ssyncset.done $0x0  }
0x22d: {  	s18 =	simm.s32 $0xD00;
	[sflag:s17] =	ssyncadd.s32 $0xFFFFC180  }
0x22e: {  	[tilespmem:s9], [sflag:$0x1] =	stream.indirect.gather [hbm4b:s7+s8], $0x80, s18, s8, $0xb8;
	[tilespmem:$0x1F000] =	vst v63  }
0x22f: {  	_ =	swait.ge [sflag:s19], $0x3E80  }
0x230: {  	[sflag:s19] =	ssyncset.done $0x0  }
0x231: {  	s24 =	simm.s32 $0xD80;
	[sflag:s19] =	ssyncadd.s32 $0xFFFFC180  }
0x232: {  	[tilespmem:s11], [sflag:$0x2] =	stream.indirect.gather [hbm4b:s7+s8], $0x80, s24, s8, $0xb8;
	[tilespmem:$0x1F000] =	vst v63  }
0x233: {  	_ =	swait.ge [sflag:s14], $0x3E80  }
0x234: {  	[sflag:s14] =	ssyncset.done $0x0  }
0x235: {  	s10 =	simm.s32 $0x2500;
	[sflag:s14] =	ssyncadd.s32 $0xFFFFC180  }
0x236: {  	[spmem:s1] =	stream.indirect.scatter.add.f32 [tilespmem:s9], [sflag:$0x3], $0x80, s10, s8, $0xb8;
	[tilespmem:$0x1F000] =	vst v63  }
0x237: {  	_ =	swait.ge [sflag:s15], $0x3E80  }
0x238: {  	[sflag:s15] =	ssyncset.done $0x0  }
0x239: {  	s12 =	simm.s32 $0x2580;
	[sflag:s15] =	ssyncadd.s32 $0xFFFFC180  }
0x23a: {  	[spmem:s1] =	stream.indirect.scatter.add.f32 [tilespmem:s11], [sflag:$0x4], $0x80, s12, s8, $0xb8;
	[tilespmem:$0x1F000] =	vst v63  }
0x23b: {  	_ =	swait.ge [sflag:s17], $0x3E80  }
0x23c: {  	[sflag:s17] =	ssyncset.done $0x0  }
0x23d: {  	s18 =	simm.s32 $0xE00;
	[sflag:s17] =	ssyncadd.s32 $0xFFFFC180  }
0x23e: {  	[tilespmem:s9], [sflag:$0x1] =	stream.indirect.gather [hbm4b:s7+s8], $0x80, s18, s8, $0xb8;
	[tilespmem:$0x1F000] =	vst v63  }
0x23f: {  	_ =	swait.ge [sflag:s19], $0x3E80  }
0x240: {  	[sflag:s19] =	ssyncset.done $0x0  }
0x241: {  	s24 =	simm.s32 $0xE80;
	[sflag:s19] =	ssyncadd.s32 $0xFFFFC180  }
0x242: {  	[tilespmem:s11], [sflag:$0x2] =	stream.indirect.gather [hbm4b:s7+s8], $0x80, s24, s8, $0xb8;
	[tilespmem:$0x1F000] =	vst v63  }
0x243: {  	_ =	swait.ge [sflag:s14], $0x3E80  }
0x244: {  	[sflag:s14] =	ssyncset.done $0x0  }
0x245: {  	s10 =	simm.s32 $0x2600;
	[sflag:s14] =	ssyncadd.s32 $0xFFFFC180  }
0x246: {  	[spmem:s1] =	stream.indirect.scatter.add.f32 [tilespmem:s9], [sflag:$0x3], $0x80, s10, s8, $0xb8;
	[tilespmem:$0x1F000] =	vst v63  }
0x247: {  	_ =	swait.ge [sflag:s15], $0x3E80  }
0x248: {  	[sflag:s15] =	ssyncset.done $0x0  }
0x249: {  	s12 =	simm.s32 $0x2680;
	[sflag:s15] =	ssyncadd.s32 $0xFFFFC180  }
0x24a: {  	[spmem:s1] =	stream.indirect.scatter.add.f32 [tilespmem:s11], [sflag:$0x4], $0x80, s12, s8, $0xb8;
	[tilespmem:$0x1F000] =	vst v63  }
0x24b: {  	_ =	swait.ge [sflag:s17], $0x3E80  }
0x24c: {  	[sflag:s17] =	ssyncset.done $0x0  }
0x24d: {  	s18 =	simm.s32 $0xF00;
	[sflag:s17] =	ssyncadd.s32 $0xFFFFC180  }
0x24e: {  	[tilespmem:s9], [sflag:$0x1] =	stream.indirect.gather [hbm4b:s7+s8], $0x80, s18, s8, $0xb8;
	[tilespmem:$0x1F000] =	vst v63  }
0x24f: {  	_ =	swait.ge [sflag:s19], $0x3E80  }
0x250: {  	[sflag:s19] =	ssyncset.done $0x0  }
0x251: {  	s24 =	simm.s32 $0xF80;
	[sflag:s19] =	ssyncadd.s32 $0xFFFFC180  }
0x252: {  	[tilespmem:s11], [sflag:$0x2] =	stream.indirect.gather [hbm4b:s7+s8], $0x80, s24, s8, $0xb8;
	[tilespmem:$0x1F000] =	vst v63  }
0x253: {  	_ =	swait.ge [sflag:s14], $0x3E80  }
0x254: {  	[sflag:s14] =	ssyncset.done $0x0  }
0x255: {  	s10 =	simm.s32 $0x2700;
	[sflag:s14] =	ssyncadd.s32 $0xFFFFC180  }
0x256: {  	[spmem:s1] =	stream.indirect.scatter.add.f32 [tilespmem:s9], [sflag:$0x3], $0x80, s10, s8, $0xb8;
	[tilespmem:$0x1F000] =	vst v63  }
0x257: {  	_ =	swait.ge [sflag:s15], $0x3E80  }
0x258: {  	[sflag:s15] =	ssyncset.done $0x0  }
0x259: {  	s12 =	simm.s32 $0x2780;
	[sflag:s15] =	ssyncadd.s32 $0xFFFFC180  }
0x25a: {  	[spmem:s1] =	stream.indirect.scatter.add.f32 [tilespmem:s11], [sflag:$0x4], $0x80, s12, s8, $0xb8;
	[tilespmem:$0x1F000] =	vst v63  }
0x25b: {  	_ =	swait.ge [sflag:s17], $0x3E80  }
0x25c: {  	[sflag:s17] =	ssyncset.done $0x0  }
0x25d: {  	s18 =	simm.s32 $0x1000;
	[sflag:s17] =	ssyncadd.s32 $0xFFFFC180  }
0x25e: {  	[tilespmem:s9], [sflag:$0x1] =	stream.indirect.gather [hbm4b:s7+s8], $0x80, s18, s8, $0xb8;
	[tilespmem:$0x1F000] =	vst v63  }
0x25f: {  	_ =	swait.ge [sflag:s19], $0x3E80  }
0x260: {  	[sflag:s19] =	ssyncset.done $0x0  }
0x261: {  	s24 =	simm.s32 $0x1080;
	[sflag:s19] =	ssyncadd.s32 $0xFFFFC180  }
0x262: {  	[tilespmem:s11], [sflag:$0x2] =	stream.indirect.gather [hbm4b:s7+s8], $0x80, s24, s8, $0xb8;
	[tilespmem:$0x1F000] =	vst v63  }
0x263: {  	_ =	swait.ge [sflag:s14], $0x3E80  }
0x264: {  	[sflag:s14] =	ssyncset.done $0x0  }
0x265: {  	s10 =	simm.s32 $0x2800;
	[sflag:s14] =	ssyncadd.s32 $0xFFFFC180  }
0x266: {  	[spmem:s1] =	stream.indirect.scatter.add.f32 [tilespmem:s9], [sflag:$0x3], $0x80, s10, s8, $0xb8;
	[tilespmem:$0x1F000] =	vst v63  }
0x267: {  	_ =	swait.ge [sflag:s15], $0x3E80  }
0x268: {  	[sflag:s15] =	ssyncset.done $0x0  }
0x269: {  	s12 =	simm.s32 $0x2880;
	[sflag:s15] =	ssyncadd.s32 $0xFFFFC180  }
0x26a: {  	[spmem:s1] =	stream.indirect.scatter.add.f32 [tilespmem:s11], [sflag:$0x4], $0x80, s12, s8, $0xb8;
	[tilespmem:$0x1F000] =	vst v63  }
0x26b: {  	_ =	swait.ge [sflag:s17], $0x3E80  }
0x26c: {  	[sflag:s17] =	ssyncset.done $0x0  }
0x26d: {  	s18 =	simm.s32 $0x1100;
	[sflag:s17] =	ssyncadd.s32 $0xFFFFC180  }
0x26e: {  	[tilespmem:s9], [sflag:$0x1] =	stream.indirect.gather [hbm4b:s7+s8], $0x80, s18, s8, $0xb8;
	[tilespmem:$0x1F000] =	vst v63  }
0x26f: {  	_ =	swait.ge [sflag:s19], $0x3E80  }
0x270: {  	[sflag:s19] =	ssyncset.done $0x0  }
0x271: {  	s24 =	simm.s32 $0x1180;
	[sflag:s19] =	ssyncadd.s32 $0xFFFFC180  }
0x272: {  	[tilespmem:s11], [sflag:$0x2] =	stream.indirect.gather [hbm4b:s7+s8], $0x80, s24, s8, $0xb8;
	[tilespmem:$0x1F000] =	vst v63  }
0x273: {  	_ =	swait.ge [sflag:s14], $0x3E80  }
0x274: {  	[sflag:s14] =	ssyncset.done $0x0  }
0x275: {  	s10 =	simm.s32 $0x2900;
	[sflag:s14] =	ssyncadd.s32 $0xFFFFC180  }
0x276: {  	[spmem:s1] =	stream.indirect.scatter.add.f32 [tilespmem:s9], [sflag:$0x3], $0x80, s10, s8, $0xb8;
	[tilespmem:$0x1F000] =	vst v63  }
0x277: {  	_ =	swait.ge [sflag:s15], $0x3E80  }
0x278: {  	[sflag:s15] =	ssyncset.done $0x0  }
0x279: {  	s12 =	simm.s32 $0x2980;
	[sflag:s15] =	ssyncadd.s32 $0xFFFFC180  }
0x27a: {  	[spmem:s1] =	stream.indirect.scatter.add.f32 [tilespmem:s11], [sflag:$0x4], $0x80, s12, s8, $0xb8;
	[tilespmem:$0x1F000] =	vst v63  }
0x27b: {  	_ =	swait.ge [sflag:s17], $0x3E80  }
0x27c: {  	[sflag:s17] =	ssyncset.done $0x0  }
0x27d: {  	s18 =	simm.s32 $0x1200;
	[sflag:s17] =	ssyncadd.s32 $0xFFFFC180  }
0x27e: {  	[tilespmem:s9], [sflag:$0x1] =	stream.indirect.gather [hbm4b:s7+s8], $0x80, s18, s8, $0xb8;
	[tilespmem:$0x1F000] =	vst v63  }
0x27f: {  	_ =	swait.ge [sflag:s19], $0x3E80  }
0x280: {  	[sflag:s19] =	ssyncset.done $0x0  }
0x281: {  	s24 =	simm.s32 $0x1280;
	[sflag:s19] =	ssyncadd.s32 $0xFFFFC180  }
0x282: {  	[tilespmem:s11], [sflag:$0x2] =	stream.indirect.gather [hbm4b:s7+s8], $0x80, s24, s8, $0xb8;
	[tilespmem:$0x1F000] =	vst v63  }
0x283: {  	_ =	swait.ge [sflag:s14], $0x3E80  }
0x284: {  	[sflag:s14] =	ssyncset.done $0x0  }
0x285: {  	[sflag:s14] =	ssyncadd.s32 $0xFFFFC180  }
0x286: {  	[spmem:s1] =	stream.indirect.scatter.add.f32 [tilespmem:s9], [sflag:$0x3], $0x80, s31, s8, $0xb8;
	[tilespmem:$0x1F000] =	vst v63  }
0x287: {  	_ =	swait.ge [sflag:s15], $0x3E80  }
0x288: {  	[sflag:s15] =	ssyncset.done $0x0  }
0x289: {  	[sflag:s15] =	ssyncadd.s32 $0xFFFFC180  }
0x28a: {  	[spmem:s1] =	stream.indirect.scatter.add.f32 [tilespmem:s11], [sflag:$0x4], $0x80, s30, s8, $0xb8;
	[tilespmem:$0x1F000] =	vst v63  }
0x28b: {  	_ =	swait.ge [sflag:s17], $0x3E80  }
0x28c: {  	[sflag:s17] =	ssyncset.done $0x0  }
0x28d: {  	[sflag:s17] =	ssyncadd.s32 $0xFFFFC180  }
0x28e: {  	[tilespmem:s9], [sflag:$0x1] =	stream.indirect.gather [hbm4b:s7+s8], $0x80, s29, s8, $0xb8;
	[tilespmem:$0x1F000] =	vst v63  }
0x28f: {  	_ =	swait.ge [sflag:s19], $0x3E80  }
0x290: {  	[sflag:s19] =	ssyncset.done $0x0  }
0x291: {  	[sflag:s19] =	ssyncadd.s32 $0xFFFFC180  }
0x292: {  	[tilespmem:s11], [sflag:$0x2] =	stream.indirect.gather [hbm4b:s7+s8], $0x80, s28, s8, $0xb8;
	[tilespmem:$0x1F000] =	vst v63  }
0x293: {  	_ =	swait.ge [sflag:s14], $0x3E80  }
0x294: {  	[sflag:s14] =	ssyncset.done $0x0  }
0x295: {  	[sflag:s14] =	ssyncadd.s32 $0xFFFFC180  }
0x296: {  	[spmem:s1] =	stream.indirect.scatter.add.f32 [tilespmem:s9], [sflag:$0x3], $0x80, s26, s8, $0xb8;
	[tilespmem:$0x1F000] =	vst v63  }
0x297: {  	_ =	swait.ge [sflag:s15], $0x3E80  }
0x298: {  	[sflag:s15] =	ssyncset.done $0x0  }
0x299: {  	[sflag:s15] =	ssyncadd.s32 $0xFFFFC180  }
0x29a: {  	[spmem:s1] =	stream.indirect.scatter.add.f32 [tilespmem:s11], [sflag:$0x4], $0x80, s25, s8, $0xb8;
	[tilespmem:$0x1F000] =	vst v63  }
0x29b: {  	_ =	swait.ge [sflag:s17], $0x3E80  }
0x29c: {  	[sflag:s17] =	ssyncset.done $0x0  }
0x29d: {  	[sflag:s17] =	ssyncadd.s32 $0xFFFFC180  }
0x29e: {  	[tilespmem:s9], [sflag:$0x1] =	stream.indirect.gather [hbm4b:s7+s8], $0x80, s22, s8, $0xb8;
	[tilespmem:$0x1F000] =	vst v63  }
0x29f: {  	_ =	swait.ge [sflag:s19], $0x3E80  }
0x2a0: {  	[sflag:s19] =	ssyncset.done $0x0  }
0x2a1: {  	[sflag:s19] =	ssyncadd.s32 $0xFFFFC180  }
0x2a2: {  	[tilespmem:s11], [sflag:$0x2] =	stream.indirect.gather [hbm4b:s7+s8], $0x80, s21, s8, $0xb8;
	[tilespmem:$0x1F000] =	vst v63  }
0x2a3: {  	_ =	swait.ge [sflag:s14], $0x3E80  }
0x2a4: {  	[sflag:s14] =	ssyncset.done $0x0  }
0x2a5: {  	[sflag:s14] =	ssyncadd.s32 $0xFFFFC180  }
0x2a6: {  	[spmem:s1] =	stream.indirect.scatter.add.f32 [tilespmem:s9], [sflag:$0x3], $0x80, s20, s8, $0xb8;
	[tilespmem:$0x1F000] =	vst v63  }
0x2a7: {  	_ =	swait.ge [sflag:s15], $0x3E80  }
0x2a8: {  	[sflag:s15] =	ssyncset.done $0x0  }
0x2a9: {  	[sflag:s15] =	ssyncadd.s32 $0xFFFFC180  }
0x2aa: {  	[spmem:s1] =	stream.indirect.scatter.add.f32 [tilespmem:s11], [sflag:$0x4], $0x80, s16, s8, $0xb8;
	[tilespmem:$0x1F000] =	vst v63  }
0x2ab: {  	_ =	swait.ge [sflag:s17], $0x3E80  }
0x2ac: {  	[sflag:s17] =	ssyncset.done $0x0  }
0x2ad: {  	[sflag:s17] =	ssyncadd.s32 $0xFFFFC180  }
0x2ae: {  	[tilespmem:s9], [sflag:$0x1] =	stream.indirect.gather [hbm4b:s7+s8], $0x80, s13, s8, $0xb8;
	[tilespmem:$0x1F000] =	vst v63  }
0x2af: {  	_ =	swait.ge [sflag:s19], $0x3E80  }
0x2b0: {  	[sflag:s19] =	ssyncset.done $0x0  }
0x2b1: {  	[sflag:s19] =	ssyncadd.s32 $0xFFFFC180  }
0x2b2: {  	[tilespmem:s11], [sflag:$0x2] =	stream.indirect.gather [hbm4b:s7+s8], $0x80, s4, s8, $0xb8;
	[tilespmem:$0x1F000] =	vst v63  }
0x2b3: {  	_ =	swait.ge [sflag:s14], $0x3E80  }
0x2b4: {  	[sflag:s14] =	ssyncset.done $0x0  }
0x2b5: {  	[sflag:s14] =	ssyncadd.s32 $0xFFFFC180  }
0x2b6: {  	[spmem:s1] =	stream.indirect.scatter.add.f32 [tilespmem:s9], [sflag:$0x3], $0x80, s3, s8, $0xb8;
	[tilespmem:$0x1F000] =	vst v63  }
0x2b7: {  	_ =	swait.ge [sflag:s15], $0x3E80  }
0x2b8: {  	[sflag:s15] =	ssyncset.done $0x0  }
0x2b9: {  	[sflag:s15] =	ssyncadd.s32 $0xFFFFC180  }
0x2ba: {  	[spmem:s1] =	stream.indirect.scatter.add.f32 [tilespmem:s11], [sflag:$0x4], $0x80, s0, s8, $0xb8;
	[tilespmem:$0x1F000] =	vst v63  }
0x2bb: {  	_ =	swait.ge [sflag:s17], $0x3E80  }
0x2bc: {  	[sflag:s17] =	ssyncset.done $0x0  }
0x2bd: {  	[sflag:s17] =	ssyncadd.s32 $0xFFFFC180  }
0x2be: {  	_ =	swait.ge [sflag:s19], $0x3E80  }
0x2bf: {  	[sflag:s19] =	ssyncset.done $0x0  }
0x2c0: {  	[sflag:s19] =	ssyncadd.s32 $0xFFFFC180  }
0x2c1: {  	s29 =	stileid.u32;
	[bflag:$0x0] =	sbarrier.arrive $0xFFFF  }
0x2c2: {  	s30 =	sshll.u32 s29, $0x6;
	s26 =	rddreg [dreg:$0xc]  }
0x2c3: {  	s0 =	sor.u32 $0x1C06, s30;
	s28 =	rddreg [dreg:$0xe]  }
0x2c4: {  	[dreg:$0xf] =	wrdreg s0  }
0x2c5: {  	[hbm:s26], [sflag:s0] =	dma.local [spmem:s28], $0x2800  }
0x2c6: {  	s0 =	rddreg [dreg:$0x10]  }
0x2c7: {  	s0 =	ssub.s32 $0x2, s0  }
0x2c8: {  	s31 =	sshrl.u32 s0, $0x1  }
0x2c9: {  	s10 =	ssub.s32 s0, s31  }
0x2ca: {  	s10 =	smax.u32 s10, $0x1  }
0x2cb: {  	s10 =	sadd.s32 $0xFFFFFFFF, s10  }
0x2cc: {  	p1 =	sne.s32 s10, $0x0  }
.Ltmp0:
0x2cd: {  	_ = 	snop;
	(pc) =	sbr.rel @!p1 .LBB2_3-.Ltmp0, $2  }
0x2ce: {  	_ =	sdelay $0x2  }
0x2cf: {  	_ =	swait.ge [sflag:s2], $0x2800  }
0x2d0: {  	s2 =	simm.s32 $0x6;
	s13 =	simm.s32 $0xC00  }
0x2d1: {  	s3 =	simm.s32 $0x2400;
	s4 =	simm.s32 $0xD00;
	s5 =	simm.s32 $0xD80  }
0x2d2: {  	s21 =	simm.s32 $0x2580;
	s22 =	simm.s32 $0xE00;
	s24 =	simm.s32 $0xE80  }
0x2d3: {  	s25 =	simm.s32 $0x2600;
	s26 =	simm.s32 $0x2680;
	s28 =	simm.s32 $0xF00  }
0x2d4: {  	s29 =	simm.s32 $0xF80;
	s30 =	simm.s32 $0x2700;
	s31 =	simm.s32 $0x2780  }
.LBB2_2:
0x2d5: {  	[sflag:s2] =	ssyncset.done $0x0  }
0x2d6: {  	s16 =	rddreg [dreg:$0x4];
	[sflag:s2] =	ssyncadd.s32 $0xFFFFD800  }
0x2d7: {  	[tilespmem:s6], [sflag:$0x6] =	stream.linear.gather [hbm4b:s16+s6], $0xA00, $0x38;
	[tilespmem:$0x1F000] =	vst v63  }
0x2d8: {  	_ =	swait.ge [sflag:s2], $0xA00  }
0x2d9: {  	[sflag:s2] =	ssyncset.done $0x0  }
0x2da: {  	s12 =	simm.s32 $0x1800;
	s0 =	rddreg [dreg:$0x5];
	[sflag:s2] =	ssyncadd.s32 $0xFFFFF600  }
0x2db: {  	[tilespmem:s12], [sflag:$0x6] =	stream.linear.gather [hbm4b:s0+s6], $0xA00, $0x38;
	[tilespmem:$0x1F000] =	vst v63  }
0x2dc: {  	_ =	swait.ge [sflag:s2], $0xA00  }
0x2dd: {  	s20 =	simm.s32 @!p0 $0x1C06;
	[sflag:s2] =	ssyncset.done $0x0;
	s16 =	rddreg [dreg:$0x3]  }
0x2de: {  	s0 =	simm.s32 @!p0 $0x6;
	s18 =	rddreg [dreg:$0xd];
	[sflag:s2] =	ssyncadd.s32 $0xFFFFF600  }
0x2df: {  	[spmem:s18], [sflag:s20] =	dma.local @!p0 [hbm:s16], $0x28000  }
0x2e0: {  	_ =	swait.ge @!p0 [sflag:s0], $0x28000  }
0x2e1: {  	[sflag:s0] =	ssyncset.done @!p0 $0x0  }
0x2e2: {  	[sflag:s0] =	ssyncadd.s32 @!p0 $0xFFFD8000  }
0x2e3: {  	[bflag:$0x0] =	sbarrier.arrive $0xFFFF  }
0x2e4: {  	[tilespmem:s9], [sflag:$0x1] =	stream.indirect.gather [hbm4b:s7+s8], $0x80, s6, s8, $0xb8;
	[tilespmem:$0x1F000] =	vst v63  }
0x2e5: {  	s20 =	simm.s32 $0x80  }
0x2e6: {  	[tilespmem:s11], [sflag:$0x2] =	stream.indirect.gather [hbm4b:s7+s8], $0x80, s20, s8, $0xb8;
	[tilespmem:$0x1F000] =	vst v63  }
0x2e7: {  	s18 =	rddreg [dreg:$0x6]  }
0x2e8: {  	[tilespmem:s13], [sflag:$0x5] =	stream.linear.gather [hbm4b:s18+s6], $0xA00, $0x38;
	[tilespmem:$0x1F000] =	vst v63  }
0x2e9: {  	s0 =	rddreg [dreg:$0x7]  }
0x2ea: {  	[tilespmem:s3], [sflag:$0x5] =	stream.linear.gather [hbm4b:s0+s6], $0xA00, $0x38;
	[tilespmem:$0x1F000] =	vst v63  }
0x2eb: {  	_ =	swait.ge [sflag:s14], $0x3E80  }
0x2ec: {  	[sflag:s14] =	ssyncset.done $0x0  }
0x2ed: {  	[sflag:s14] =	ssyncadd.s32 $0xFFFFC180  }
0x2ee: {  	[spmem:s1] =	stream.indirect.scatter.add.f32 [tilespmem:s9], [sflag:$0x3], $0x80, s12, s8, $0xb8;
	[tilespmem:$0x1F000] =	vst v63  }
0x2ef: {  	_ =	swait.ge [sflag:s15], $0x3E80  }
0x2f0: {  	[sflag:s15] =	ssyncset.done $0x0  }
0x2f1: {  	s16 =	simm.s32 $0x1880;
	[sflag:s15] =	ssyncadd.s32 $0xFFFFC180  }
0x2f2: {  	[spmem:s1] =	stream.indirect.scatter.add.f32 [tilespmem:s11], [sflag:$0x4], $0x80, s16, s8, $0xb8;
	[tilespmem:$0x1F000] =	vst v63  }
0x2f3: {  	_ =	swait.ge [sflag:s17], $0x3E80  }
0x2f4: {  	[sflag:s17] =	ssyncset.done $0x0  }
0x2f5: {  	s18 =	simm.s32 $0x100;
	[sflag:s17] =	ssyncadd.s32 $0xFFFFC180  }
0x2f6: {  	[tilespmem:s9], [sflag:$0x1] =	stream.indirect.gather [hbm4b:s7+s8], $0x80, s18, s8, $0xb8;
	[tilespmem:$0x1F000] =	vst v63  }
0x2f7: {  	_ =	swait.ge [sflag:s19], $0x3E80  }
0x2f8: {  	[sflag:s19] =	ssyncset.done $0x0  }
0x2f9: {  	s20 =	simm.s32 $0x180;
	[sflag:s19] =	ssyncadd.s32 $0xFFFFC180  }
0x2fa: {  	[tilespmem:s11], [sflag:$0x2] =	stream.indirect.gather [hbm4b:s7+s8], $0x80, s20, s8, $0xb8;
	[tilespmem:$0x1F000] =	vst v63  }
0x2fb: {  	_ =	swait.ge [sflag:s14], $0x3E80  }
0x2fc: {  	[sflag:s14] =	ssyncset.done $0x0  }
0x2fd: {  	s16 =	simm.s32 $0x1900;
	[sflag:s14] =	ssyncadd.s32 $0xFFFFC180  }
0x2fe: {  	[spmem:s1] =	stream.indirect.scatter.add.f32 [tilespmem:s9], [sflag:$0x3], $0x80, s16, s8, $0xb8;
	[tilespmem:$0x1F000] =	vst v63  }
0x2ff: {  	_ =	swait.ge [sflag:s15], $0x3E80  }
0x300: {  	[sflag:s15] =	ssyncset.done $0x0  }
0x301: {  	s18 =	simm.s32 $0x1980;
	[sflag:s15] =	ssyncadd.s32 $0xFFFFC180  }
0x302: {  	[spmem:s1] =	stream.indirect.scatter.add.f32 [tilespmem:s11], [sflag:$0x4], $0x80, s18, s8, $0xb8;
	[tilespmem:$0x1F000] =	vst v63  }
0x303: {  	_ =	swait.ge [sflag:s17], $0x3E80  }
0x304: {  	[sflag:s17] =	ssyncset.done $0x0  }
0x305: {  	s20 =	simm.s32 $0x200;
	[sflag:s17] =	ssyncadd.s32 $0xFFFFC180  }
0x306: {  	[tilespmem:s9], [sflag:$0x1] =	stream.indirect.gather [hbm4b:s7+s8], $0x80, s20, s8, $0xb8;
	[tilespmem:$0x1F000] =	vst v63  }
0x307: {  	_ =	swait.ge [sflag:s19], $0x3E80  }
0x308: {  	[sflag:s19] =	ssyncset.done $0x0  }
0x309: {  	s16 =	simm.s32 $0x280;
	[sflag:s19] =	ssyncadd.s32 $0xFFFFC180  }
0x30a: {  	[tilespmem:s11], [sflag:$0x2] =	stream.indirect.gather [hbm4b:s7+s8], $0x80, s16, s8, $0xb8;
	[tilespmem:$0x1F000] =	vst v63  }
0x30b: {  	_ =	swait.ge [sflag:s14], $0x3E80  }
0x30c: {  	[sflag:s14] =	ssyncset.done $0x0  }
0x30d: {  	s18 =	simm.s32 $0x1A00;
	[sflag:s14] =	ssyncadd.s32 $0xFFFFC180  }
0x30e: {  	[spmem:s1] =	stream.indirect.scatter.add.f32 [tilespmem:s9], [sflag:$0x3], $0x80, s18, s8, $0xb8;
	[tilespmem:$0x1F000] =	vst v63  }
0x30f: {  	_ =	swait.ge [sflag:s15], $0x3E80  }
0x310: {  	[sflag:s15] =	ssyncset.done $0x0  }
0x311: {  	s20 =	simm.s32 $0x1A80;
	[sflag:s15] =	ssyncadd.s32 $0xFFFFC180  }
0x312: {  	[spmem:s1] =	stream.indirect.scatter.add.f32 [tilespmem:s11], [sflag:$0x4], $0x80, s20, s8, $0xb8;
	[tilespmem:$0x1F000] =	vst v63  }
0x313: {  	_ =	swait.ge [sflag:s17], $0x3E80  }
0x314: {  	[sflag:s17] =	ssyncset.done $0x0  }
0x315: {  	s16 =	simm.s32 $0x300;
	[sflag:s17] =	ssyncadd.s32 $0xFFFFC180  }
0x316: {  	[tilespmem:s9], [sflag:$0x1] =	stream.indirect.gather [hbm4b:s7+s8], $0x80, s16, s8, $0xb8;
	[tilespmem:$0x1F000] =	vst v63  }
0x317: {  	_ =	swait.ge [sflag:s19], $0x3E80  }
0x318: {  	[sflag:s19] =	ssyncset.done $0x0  }
0x319: {  	s18 =	simm.s32 $0x380;
	[sflag:s19] =	ssyncadd.s32 $0xFFFFC180  }
0x31a: {  	[tilespmem:s11], [sflag:$0x2] =	stream.indirect.gather [hbm4b:s7+s8], $0x80, s18, s8, $0xb8;
	[tilespmem:$0x1F000] =	vst v63  }
0x31b: {  	_ =	swait.ge [sflag:s14], $0x3E80  }
0x31c: {  	[sflag:s14] =	ssyncset.done $0x0  }
0x31d: {  	s20 =	simm.s32 $0x1B00;
	[sflag:s14] =	ssyncadd.s32 $0xFFFFC180  }
0x31e: {  	[spmem:s1] =	stream.indirect.scatter.add.f32 [tilespmem:s9], [sflag:$0x3], $0x80, s20, s8, $0xb8;
	[tilespmem:$0x1F000] =	vst v63  }
0x31f: {  	_ =	swait.ge [sflag:s15], $0x3E80  }
0x320: {  	[sflag:s15] =	ssyncset.done $0x0  }
0x321: {  	s16 =	simm.s32 $0x1B80;
	[sflag:s15] =	ssyncadd.s32 $0xFFFFC180  }
0x322: {  	[spmem:s1] =	stream.indirect.scatter.add.f32 [tilespmem:s11], [sflag:$0x4], $0x80, s16, s8, $0xb8;
	[tilespmem:$0x1F000] =	vst v63  }
0x323: {  	_ =	swait.ge [sflag:s17], $0x3E80  }
0x324: {  	[sflag:s17] =	ssyncset.done $0x0  }
0x325: {  	s18 =	simm.s32 $0x400;
	[sflag:s17] =	ssyncadd.s32 $0xFFFFC180  }
0x326: {  	[tilespmem:s9], [sflag:$0x1] =	stream.indirect.gather [hbm4b:s7+s8], $0x80, s18, s8, $0xb8;
	[tilespmem:$0x1F000] =	vst v63  }
0x327: {  	_ =	swait.ge [sflag:s19], $0x3E80  }
0x328: {  	[sflag:s19] =	ssyncset.done $0x0  }
0x329: {  	s20 =	simm.s32 $0x480;
	[sflag:s19] =	ssyncadd.s32 $0xFFFFC180  }
0x32a: {  	[tilespmem:s11], [sflag:$0x2] =	stream.indirect.gather [hbm4b:s7+s8], $0x80, s20, s8, $0xb8;
	[tilespmem:$0x1F000] =	vst v63  }
0x32b: {  	_ =	swait.ge [sflag:s14], $0x3E80  }
0x32c: {  	[sflag:s14] =	ssyncset.done $0x0  }
0x32d: {  	s16 =	simm.s32 $0x1C00;
	[sflag:s14] =	ssyncadd.s32 $0xFFFFC180  }
0x32e: {  	[spmem:s1] =	stream.indirect.scatter.add.f32 [tilespmem:s9], [sflag:$0x3], $0x80, s16, s8, $0xb8;
	[tilespmem:$0x1F000] =	vst v63  }
0x32f: {  	_ =	swait.ge [sflag:s15], $0x3E80  }
0x330: {  	[sflag:s15] =	ssyncset.done $0x0  }
0x331: {  	s18 =	simm.s32 $0x1C80;
	[sflag:s15] =	ssyncadd.s32 $0xFFFFC180  }
0x332: {  	[spmem:s1] =	stream.indirect.scatter.add.f32 [tilespmem:s11], [sflag:$0x4], $0x80, s18, s8, $0xb8;
	[tilespmem:$0x1F000] =	vst v63  }
0x333: {  	_ =	swait.ge [sflag:s17], $0x3E80  }
0x334: {  	[sflag:s17] =	ssyncset.done $0x0  }
0x335: {  	s20 =	simm.s32 $0x500;
	[sflag:s17] =	ssyncadd.s32 $0xFFFFC180  }
0x336: {  	[tilespmem:s9], [sflag:$0x1] =	stream.indirect.gather [hbm4b:s7+s8], $0x80, s20, s8, $0xb8;
	[tilespmem:$0x1F000] =	vst v63  }
0x337: {  	_ =	swait.ge [sflag:s19], $0x3E80  }
0x338: {  	[sflag:s19] =	ssyncset.done $0x0  }
0x339: {  	s16 =	simm.s32 $0x580;
	[sflag:s19] =	ssyncadd.s32 $0xFFFFC180  }
0x33a: {  	[tilespmem:s11], [sflag:$0x2] =	stream.indirect.gather [hbm4b:s7+s8], $0x80, s16, s8, $0xb8;
	[tilespmem:$0x1F000] =	vst v63  }
0x33b: {  	_ =	swait.ge [sflag:s14], $0x3E80  }
0x33c: {  	[sflag:s14] =	ssyncset.done $0x0  }
0x33d: {  	s18 =	simm.s32 $0x1D00;
	[sflag:s14] =	ssyncadd.s32 $0xFFFFC180  }
0x33e: {  	[spmem:s1] =	stream.indirect.scatter.add.f32 [tilespmem:s9], [sflag:$0x3], $0x80, s18, s8, $0xb8;
	[tilespmem:$0x1F000] =	vst v63  }
0x33f: {  	_ =	swait.ge [sflag:s15], $0x3E80  }
0x340: {  	[sflag:s15] =	ssyncset.done $0x0  }
0x341: {  	s20 =	simm.s32 $0x1D80;
	[sflag:s15] =	ssyncadd.s32 $0xFFFFC180  }
0x342: {  	[spmem:s1] =	stream.indirect.scatter.add.f32 [tilespmem:s11], [sflag:$0x4], $0x80, s20, s8, $0xb8;
	[tilespmem:$0x1F000] =	vst v63  }
0x343: {  	_ =	swait.ge [sflag:s17], $0x3E80  }
0x344: {  	[sflag:s17] =	ssyncset.done $0x0  }
0x345: {  	s16 =	simm.s32 $0x600;
	[sflag:s17] =	ssyncadd.s32 $0xFFFFC180  }
0x346: {  	[tilespmem:s9], [sflag:$0x1] =	stream.indirect.gather [hbm4b:s7+s8], $0x80, s16, s8, $0xb8;
	[tilespmem:$0x1F000] =	vst v63  }
0x347: {  	_ =	swait.ge [sflag:s19], $0x3E80  }
0x348: {  	[sflag:s19] =	ssyncset.done $0x0  }
0x349: {  	s18 =	simm.s32 $0x680;
	[sflag:s19] =	ssyncadd.s32 $0xFFFFC180  }
0x34a: {  	[tilespmem:s11], [sflag:$0x2] =	stream.indirect.gather [hbm4b:s7+s8], $0x80, s18, s8, $0xb8;
	[tilespmem:$0x1F000] =	vst v63  }
0x34b: {  	_ =	swait.ge [sflag:s14], $0x3E80  }
0x34c: {  	[sflag:s14] =	ssyncset.done $0x0  }
0x34d: {  	s20 =	simm.s32 $0x1E00;
	[sflag:s14] =	ssyncadd.s32 $0xFFFFC180  }
0x34e: {  	[spmem:s1] =	stream.indirect.scatter.add.f32 [tilespmem:s9], [sflag:$0x3], $0x80, s20, s8, $0xb8;
	[tilespmem:$0x1F000] =	vst v63  }
0x34f: {  	_ =	swait.ge [sflag:s15], $0x3E80  }
0x350: {  	[sflag:s15] =	ssyncset.done $0x0  }
0x351: {  	s16 =	simm.s32 $0x1E80;
	[sflag:s15] =	ssyncadd.s32 $0xFFFFC180  }
0x352: {  	[spmem:s1] =	stream.indirect.scatter.add.f32 [tilespmem:s11], [sflag:$0x4], $0x80, s16, s8, $0xb8;
	[tilespmem:$0x1F000] =	vst v63  }
0x353: {  	_ =	swait.ge [sflag:s17], $0x3E80  }
0x354: {  	[sflag:s17] =	ssyncset.done $0x0  }
0x355: {  	s18 =	simm.s32 $0x700;
	[sflag:s17] =	ssyncadd.s32 $0xFFFFC180  }
0x356: {  	[tilespmem:s9], [sflag:$0x1] =	stream.indirect.gather [hbm4b:s7+s8], $0x80, s18, s8, $0xb8;
	[tilespmem:$0x1F000] =	vst v63  }
0x357: {  	_ =	swait.ge [sflag:s19], $0x3E80  }
0x358: {  	[sflag:s19] =	ssyncset.done $0x0  }
0x359: {  	s20 =	simm.s32 $0x780;
	[sflag:s19] =	ssyncadd.s32 $0xFFFFC180  }
0x35a: {  	[tilespmem:s11], [sflag:$0x2] =	stream.indirect.gather [hbm4b:s7+s8], $0x80, s20, s8, $0xb8;
	[tilespmem:$0x1F000] =	vst v63  }
0x35b: {  	_ =	swait.ge [sflag:s14], $0x3E80  }
0x35c: {  	[sflag:s14] =	ssyncset.done $0x0  }
0x35d: {  	s16 =	simm.s32 $0x1F00;
	[sflag:s14] =	ssyncadd.s32 $0xFFFFC180  }
0x35e: {  	[spmem:s1] =	stream.indirect.scatter.add.f32 [tilespmem:s9], [sflag:$0x3], $0x80, s16, s8, $0xb8;
	[tilespmem:$0x1F000] =	vst v63  }
0x35f: {  	_ =	swait.ge [sflag:s15], $0x3E80  }
0x360: {  	[sflag:s15] =	ssyncset.done $0x0  }
0x361: {  	s18 =	simm.s32 $0x1F80;
	[sflag:s15] =	ssyncadd.s32 $0xFFFFC180  }
0x362: {  	[spmem:s1] =	stream.indirect.scatter.add.f32 [tilespmem:s11], [sflag:$0x4], $0x80, s18, s8, $0xb8;
	[tilespmem:$0x1F000] =	vst v63  }
0x363: {  	_ =	swait.ge [sflag:s17], $0x3E80  }
0x364: {  	[sflag:s17] =	ssyncset.done $0x0  }
0x365: {  	s20 =	simm.s32 $0x800;
	[sflag:s17] =	ssyncadd.s32 $0xFFFFC180  }
0x366: {  	[tilespmem:s9], [sflag:$0x1] =	stream.indirect.gather [hbm4b:s7+s8], $0x80, s20, s8, $0xb8;
	[tilespmem:$0x1F000] =	vst v63  }
0x367: {  	_ =	swait.ge [sflag:s19], $0x3E80  }
0x368: {  	[sflag:s19] =	ssyncset.done $0x0  }
0x369: {  	s16 =	simm.s32 $0x880;
	[sflag:s19] =	ssyncadd.s32 $0xFFFFC180  }
0x36a: {  	[tilespmem:s11], [sflag:$0x2] =	stream.indirect.gather [hbm4b:s7+s8], $0x80, s16, s8, $0xb8;
	[tilespmem:$0x1F000] =	vst v63  }
0x36b: {  	_ =	swait.ge [sflag:s14], $0x3E80  }
0x36c: {  	[sflag:s14] =	ssyncset.done $0x0  }
0x36d: {  	s18 =	simm.s32 $0x2000;
	[sflag:s14] =	ssyncadd.s32 $0xFFFFC180  }
0x36e: {  	[spmem:s1] =	stream.indirect.scatter.add.f32 [tilespmem:s9], [sflag:$0x3], $0x80, s18, s8, $0xb8;
	[tilespmem:$0x1F000] =	vst v63  }
0x36f: {  	_ =	swait.ge [sflag:s15], $0x3E80  }
0x370: {  	[sflag:s15] =	ssyncset.done $0x0  }
0x371: {  	s20 =	simm.s32 $0x2080;
	[sflag:s15] =	ssyncadd.s32 $0xFFFFC180  }
0x372: {  	[spmem:s1] =	stream.indirect.scatter.add.f32 [tilespmem:s11], [sflag:$0x4], $0x80, s20, s8, $0xb8;
	[tilespmem:$0x1F000] =	vst v63  }
0x373: {  	_ =	swait.ge [sflag:s17], $0x3E80  }
0x374: {  	[sflag:s17] =	ssyncset.done $0x0  }
0x375: {  	s16 =	simm.s32 $0x900;
	[sflag:s17] =	ssyncadd.s32 $0xFFFFC180  }
0x376: {  	[tilespmem:s9], [sflag:$0x1] =	stream.indirect.gather [hbm4b:s7+s8], $0x80, s16, s8, $0xb8;
	[tilespmem:$0x1F000] =	vst v63  }
0x377: {  	_ =	swait.ge [sflag:s19], $0x3E80  }
0x378: {  	[sflag:s19] =	ssyncset.done $0x0  }
0x379: {  	s18 =	simm.s32 $0x980;
	[sflag:s19] =	ssyncadd.s32 $0xFFFFC180  }
0x37a: {  	[tilespmem:s11], [sflag:$0x2] =	stream.indirect.gather [hbm4b:s7+s8], $0x80, s18, s8, $0xb8;
	[tilespmem:$0x1F000] =	vst v63  }
0x37b: {  	_ =	swait.ge [sflag:s14], $0x3E80  }
0x37c: {  	[sflag:s14] =	ssyncset.done $0x0  }
0x37d: {  	s20 =	simm.s32 $0x2100;
	[sflag:s14] =	ssyncadd.s32 $0xFFFFC180  }
0x37e: {  	[spmem:s1] =	stream.indirect.scatter.add.f32 [tilespmem:s9], [sflag:$0x3], $0x80, s20, s8, $0xb8;
	[tilespmem:$0x1F000] =	vst v63  }
0x37f: {  	_ =	swait.ge [sflag:s15], $0x3E80  }
0x380: {  	[sflag:s15] =	ssyncset.done $0x0  }
0x381: {  	s16 =	simm.s32 $0x2180;
	[sflag:s15] =	ssyncadd.s32 $0xFFFFC180  }
0x382: {  	[spmem:s1] =	stream.indirect.scatter.add.f32 [tilespmem:s11], [sflag:$0x4], $0x80, s16, s8, $0xb8;
	[tilespmem:$0x1F000] =	vst v63  }
0x383: {  	_ =	swait.ge [sflag:s23], $0xA00  }
0x384: {  	[sflag:s23] =	ssyncset.done $0x0  }
0x385: {  	[sflag:s23] =	ssyncadd.s32 $0xFFFFF600  }
0x386: {  	_ =	swait.ge [sflag:s23], $0xA00  }
0x387: {  	[sflag:s23] =	ssyncset.done $0x0  }
0x388: {  	[sflag:s23] =	ssyncadd.s32 $0xFFFFF600  }
0x389: {  	_ =	swait.ge [sflag:s17], $0x3E80  }
0x38a: {  	[sflag:s17] =	ssyncset.done $0x0  }
0x38b: {  	[sflag:s17] =	ssyncadd.s32 $0xFFFFC180  }
0x38c: {  	[tilespmem:s9], [sflag:$0x1] =	stream.indirect.gather [hbm4b:s7+s8], $0x80, s13, s8, $0xb8;
	[tilespmem:$0x1F000] =	vst v63  }
0x38d: {  	_ =	swait.ge [sflag:s19], $0x3E80  }
0x38e: {  	[sflag:s19] =	ssyncset.done $0x0  }
0x38f: {  	s20 =	simm.s32 $0xC80;
	[sflag:s19] =	ssyncadd.s32 $0xFFFFC180  }
0x390: {  	[tilespmem:s11], [sflag:$0x2] =	stream.indirect.gather [hbm4b:s7+s8], $0x80, s20, s8, $0xb8;
	[tilespmem:$0x1F000] =	vst v63  }
0x391: {  	s18 =	rddreg [dreg:$0x8]  }
0x392: {  	[tilespmem:s6], [sflag:$0x5] =	stream.linear.gather [hbm4b:s18+s6], $0xA00, $0x38;
	[tilespmem:$0x1F000] =	vst v63  }
0x393: {  	s0 =	rddreg [dreg:$0x9]  }
0x394: {  	[tilespmem:s12], [sflag:$0x5] =	stream.linear.gather [hbm4b:s0+s6], $0xA00, $0x38;
	[tilespmem:$0x1F000] =	vst v63  }
0x395: {  	_ =	swait.ge [sflag:s14], $0x3E80  }
0x396: {  	[sflag:s14] =	ssyncset.done $0x0  }
0x397: {  	[sflag:s14] =	ssyncadd.s32 $0xFFFFC180  }
0x398: {  	[spmem:s1] =	stream.indirect.scatter.add.f32 [tilespmem:s9], [sflag:$0x3], $0x80, s3, s8, $0xb8;
	[tilespmem:$0x1F000] =	vst v63  }
0x399: {  	_ =	swait.ge [sflag:s15], $0x3E80  }
0x39a: {  	[sflag:s15] =	ssyncset.done $0x0  }
0x39b: {  	s0 =	simm.s32 $0x2480;
	[sflag:s15] =	ssyncadd.s32 $0xFFFFC180  }
0x39c: {  	[spmem:s1] =	stream.indirect.scatter.add.f32 [tilespmem:s11], [sflag:$0x4], $0x80, s0, s8, $0xb8;
	[tilespmem:$0x1F000] =	vst v63  }
0x39d: {  	_ =	swait.ge [sflag:s17], $0x3E80  }
0x39e: {  	[sflag:s17] =	ssyncset.done $0x0  }
0x39f: {  	[sflag:s17] =	ssyncadd.s32 $0xFFFFC180  }
0x3a0: {  	[tilespmem:s9], [sflag:$0x1] =	stream.indirect.gather [hbm4b:s7+s8], $0x80, s4, s8, $0xb8;
	[tilespmem:$0x1F000] =	vst v63  }
0x3a1: {  	_ =	swait.ge [sflag:s19], $0x3E80  }
0x3a2: {  	[sflag:s19] =	ssyncset.done $0x0  }
0x3a3: {  	[sflag:s19] =	ssyncadd.s32 $0xFFFFC180  }
0x3a4: {  	[tilespmem:s11], [sflag:$0x2] =	stream.indirect.gather [hbm4b:s7+s8], $0x80, s5, s8, $0xb8;
	[tilespmem:$0x1F000] =	vst v63  }
0x3a5: {  	_ =	swait.ge [sflag:s14], $0x3E80  }
0x3a6: {  	[sflag:s14] =	ssyncset.done $0x0  }
0x3a7: {  	s20 =	simm.s32 $0x2500;
	[sflag:s14] =	ssyncadd.s32 $0xFFFFC180  }
0x3a8: {  	[spmem:s1] =	stream.indirect.scatter.add.f32 [tilespmem:s9], [sflag:$0x3], $0x80, s20, s8, $0xb8;
	[tilespmem:$0x1F000] =	vst v63  }
0x3a9: {  	_ =	swait.ge [sflag:s15], $0x3E80  }
0x3aa: {  	[sflag:s15] =	ssyncset.done $0x0  }
0x3ab: {  	[sflag:s15] =	ssyncadd.s32 $0xFFFFC180  }
0x3ac: {  	[spmem:s1] =	stream.indirect.scatter.add.f32 [tilespmem:s11], [sflag:$0x4], $0x80, s21, s8, $0xb8;
	[tilespmem:$0x1F000] =	vst v63  }
0x3ad: {  	_ =	swait.ge [sflag:s17], $0x3E80  }
0x3ae: {  	[sflag:s17] =	ssyncset.done $0x0  }
0x3af: {  	[sflag:s17] =	ssyncadd.s32 $0xFFFFC180  }
0x3b0: {  	[tilespmem:s9], [sflag:$0x1] =	stream.indirect.gather [hbm4b:s7+s8], $0x80, s22, s8, $0xb8;
	[tilespmem:$0x1F000] =	vst v63  }
0x3b1: {  	_ =	swait.ge [sflag:s19], $0x3E80  }
0x3b2: {  	[sflag:s19] =	ssyncset.done $0x0  }
0x3b3: {  	[sflag:s19] =	ssyncadd.s32 $0xFFFFC180  }
0x3b4: {  	[tilespmem:s11], [sflag:$0x2] =	stream.indirect.gather [hbm4b:s7+s8], $0x80, s24, s8, $0xb8;
	[tilespmem:$0x1F000] =	vst v63  }
0x3b5: {  	_ =	swait.ge [sflag:s14], $0x3E80  }
0x3b6: {  	[sflag:s14] =	ssyncset.done $0x0  }
0x3b7: {  	[sflag:s14] =	ssyncadd.s32 $0xFFFFC180  }
0x3b8: {  	[spmem:s1] =	stream.indirect.scatter.add.f32 [tilespmem:s9], [sflag:$0x3], $0x80, s25, s8, $0xb8;
	[tilespmem:$0x1F000] =	vst v63  }
0x3b9: {  	_ =	swait.ge [sflag:s15], $0x3E80  }
0x3ba: {  	[sflag:s15] =	ssyncset.done $0x0  }
0x3bb: {  	[sflag:s15] =	ssyncadd.s32 $0xFFFFC180  }
0x3bc: {  	[spmem:s1] =	stream.indirect.scatter.add.f32 [tilespmem:s11], [sflag:$0x4], $0x80, s26, s8, $0xb8;
	[tilespmem:$0x1F000] =	vst v63  }
0x3bd: {  	_ =	swait.ge [sflag:s17], $0x3E80  }
0x3be: {  	[sflag:s17] =	ssyncset.done $0x0  }
0x3bf: {  	[sflag:s17] =	ssyncadd.s32 $0xFFFFC180  }
0x3c0: {  	[tilespmem:s9], [sflag:$0x1] =	stream.indirect.gather [hbm4b:s7+s8], $0x80, s28, s8, $0xb8;
	[tilespmem:$0x1F000] =	vst v63  }
0x3c1: {  	_ =	swait.ge [sflag:s19], $0x3E80  }
0x3c2: {  	[sflag:s19] =	ssyncset.done $0x0  }
0x3c3: {  	[sflag:s19] =	ssyncadd.s32 $0xFFFFC180  }
0x3c4: {  	[tilespmem:s11], [sflag:$0x2] =	stream.indirect.gather [hbm4b:s7+s8], $0x80, s29, s8, $0xb8;
	[tilespmem:$0x1F000] =	vst v63  }
0x3c5: {  	_ =	swait.ge [sflag:s14], $0x3E80  }
0x3c6: {  	[sflag:s14] =	ssyncset.done $0x0  }
0x3c7: {  	[sflag:s14] =	ssyncadd.s32 $0xFFFFC180  }
0x3c8: {  	[spmem:s1] =	stream.indirect.scatter.add.f32 [tilespmem:s9], [sflag:$0x3], $0x80, s30, s8, $0xb8;
	[tilespmem:$0x1F000] =	vst v63  }
0x3c9: {  	_ =	swait.ge [sflag:s15], $0x3E80  }
0x3ca: {  	[sflag:s15] =	ssyncset.done $0x0  }
0x3cb: {  	[sflag:s15] =	ssyncadd.s32 $0xFFFFC180  }
0x3cc: {  	[spmem:s1] =	stream.indirect.scatter.add.f32 [tilespmem:s11], [sflag:$0x4], $0x80, s31, s8, $0xb8;
	[tilespmem:$0x1F000] =	vst v63  }
0x3cd: {  	_ =	swait.ge [sflag:s17], $0x3E80  }
0x3ce: {  	[sflag:s17] =	ssyncset.done $0x0  }
0x3cf: {  	s18 =	simm.s32 $0x1000;
	[sflag:s17] =	ssyncadd.s32 $0xFFFFC180  }
0x3d0: {  	[tilespmem:s9], [sflag:$0x1] =	stream.indirect.gather [hbm4b:s7+s8], $0x80, s18, s8, $0xb8;
	[tilespmem:$0x1F000] =	vst v63  }
0x3d1: {  	_ =	swait.ge [sflag:s19], $0x3E80  }
0x3d2: {  	[sflag:s19] =	ssyncset.done $0x0  }
0x3d3: {  	s18 =	simm.s32 $0x1080;
	[sflag:s19] =	ssyncadd.s32 $0xFFFFC180  }
0x3d4: {  	[tilespmem:s11], [sflag:$0x2] =	stream.indirect.gather [hbm4b:s7+s8], $0x80, s18, s8, $0xb8;
	[tilespmem:$0x1F000] =	vst v63  }
0x3d5: {  	_ =	swait.ge [sflag:s14], $0x3E80  }
0x3d6: {  	[sflag:s14] =	ssyncset.done $0x0  }
0x3d7: {  	s18 =	simm.s32 $0x2800;
	[sflag:s14] =	ssyncadd.s32 $0xFFFFC180  }
0x3d8: {  	[spmem:s1] =	stream.indirect.scatter.add.f32 [tilespmem:s9], [sflag:$0x3], $0x80, s18, s8, $0xb8;
	[tilespmem:$0x1F000] =	vst v63  }
0x3d9: {  	_ =	swait.ge [sflag:s15], $0x3E80  }
0x3da: {  	[sflag:s15] =	ssyncset.done $0x0  }
0x3db: {  	s18 =	simm.s32 $0x2880;
	[sflag:s15] =	ssyncadd.s32 $0xFFFFC180  }
0x3dc: {  	[spmem:s1] =	stream.indirect.scatter.add.f32 [tilespmem:s11], [sflag:$0x4], $0x80, s18, s8, $0xb8;
	[tilespmem:$0x1F000] =	vst v63  }
0x3dd: {  	_ =	swait.ge [sflag:s17], $0x3E80  }
0x3de: {  	[sflag:s17] =	ssyncset.done $0x0  }
0x3df: {  	s18 =	simm.s32 $0x1100;
	[sflag:s17] =	ssyncadd.s32 $0xFFFFC180  }
0x3e0: {  	[tilespmem:s9], [sflag:$0x1] =	stream.indirect.gather [hbm4b:s7+s8], $0x80, s18, s8, $0xb8;
	[tilespmem:$0x1F000] =	vst v63  }
0x3e1: {  	_ =	swait.ge [sflag:s19], $0x3E80  }
0x3e2: {  	[sflag:s19] =	ssyncset.done $0x0  }
0x3e3: {  	s18 =	simm.s32 $0x1180;
	[sflag:s19] =	ssyncadd.s32 $0xFFFFC180  }
0x3e4: {  	[tilespmem:s11], [sflag:$0x2] =	stream.indirect.gather [hbm4b:s7+s8], $0x80, s18, s8, $0xb8;
	[tilespmem:$0x1F000] =	vst v63  }
0x3e5: {  	_ =	swait.ge [sflag:s14], $0x3E80  }
0x3e6: {  	[sflag:s14] =	ssyncset.done $0x0  }
0x3e7: {  	s18 =	simm.s32 $0x2900;
	[sflag:s14] =	ssyncadd.s32 $0xFFFFC180  }
0x3e8: {  	[spmem:s1] =	stream.indirect.scatter.add.f32 [tilespmem:s9], [sflag:$0x3], $0x80, s18, s8, $0xb8;
	[tilespmem:$0x1F000] =	vst v63  }
0x3e9: {  	_ =	swait.ge [sflag:s15], $0x3E80  }
0x3ea: {  	[sflag:s15] =	ssyncset.done $0x0  }
0x3eb: {  	s18 =	simm.s32 $0x2980;
	[sflag:s15] =	ssyncadd.s32 $0xFFFFC180  }
0x3ec: {  	[spmem:s1] =	stream.indirect.scatter.add.f32 [tilespmem:s11], [sflag:$0x4], $0x80, s18, s8, $0xb8;
	[tilespmem:$0x1F000] =	vst v63  }
0x3ed: {  	_ =	swait.ge [sflag:s17], $0x3E80  }
0x3ee: {  	[sflag:s17] =	ssyncset.done $0x0  }
0x3ef: {  	s18 =	simm.s32 $0x1200;
	[sflag:s17] =	ssyncadd.s32 $0xFFFFC180  }
0x3f0: {  	[tilespmem:s9], [sflag:$0x1] =	stream.indirect.gather [hbm4b:s7+s8], $0x80, s18, s8, $0xb8;
	[tilespmem:$0x1F000] =	vst v63  }
0x3f1: {  	_ =	swait.ge [sflag:s19], $0x3E80  }
0x3f2: {  	[sflag:s19] =	ssyncset.done $0x0  }
0x3f3: {  	s18 =	simm.s32 $0x1280;
	[sflag:s19] =	ssyncadd.s32 $0xFFFFC180  }
0x3f4: {  	[tilespmem:s11], [sflag:$0x2] =	stream.indirect.gather [hbm4b:s7+s8], $0x80, s18, s8, $0xb8;
	[tilespmem:$0x1F000] =	vst v63  }
0x3f5: {  	_ =	swait.ge [sflag:s14], $0x3E80  }
0x3f6: {  	[sflag:s14] =	ssyncset.done $0x0  }
0x3f7: {  	s18 =	simm.s32 $0x2A00;
	[sflag:s14] =	ssyncadd.s32 $0xFFFFC180  }
0x3f8: {  	[spmem:s1] =	stream.indirect.scatter.add.f32 [tilespmem:s9], [sflag:$0x3], $0x80, s18, s8, $0xb8;
	[tilespmem:$0x1F000] =	vst v63  }
0x3f9: {  	_ =	swait.ge [sflag:s15], $0x3E80  }
0x3fa: {  	[sflag:s15] =	ssyncset.done $0x0  }
0x3fb: {  	s18 =	simm.s32 $0x2A80;
	[sflag:s15] =	ssyncadd.s32 $0xFFFFC180  }
0x3fc: {  	[spmem:s1] =	stream.indirect.scatter.add.f32 [tilespmem:s11], [sflag:$0x4], $0x80, s18, s8, $0xb8;
	[tilespmem:$0x1F000] =	vst v63  }
0x3fd: {  	_ =	swait.ge [sflag:s17], $0x3E80  }
0x3fe: {  	[sflag:s17] =	ssyncset.done $0x0  }
0x3ff: {  	s18 =	simm.s32 $0x1300;
	[sflag:s17] =	ssyncadd.s32 $0xFFFFC180  }
0x400: {  	[tilespmem:s9], [sflag:$0x1] =	stream.indirect.gather [hbm4b:s7+s8], $0x80, s18, s8, $0xb8;
	[tilespmem:$0x1F000] =	vst v63  }
0x401: {  	_ =	swait.ge [sflag:s19], $0x3E80  }
0x402: {  	[sflag:s19] =	ssyncset.done $0x0  }
0x403: {  	s18 =	simm.s32 $0x1380;
	[sflag:s19] =	ssyncadd.s32 $0xFFFFC180  }
0x404: {  	[tilespmem:s11], [sflag:$0x2] =	stream.indirect.gather [hbm4b:s7+s8], $0x80, s18, s8, $0xb8;
	[tilespmem:$0x1F000] =	vst v63  }
0x405: {  	_ =	swait.ge [sflag:s14], $0x3E80  }
0x406: {  	[sflag:s14] =	ssyncset.done $0x0  }
0x407: {  	s18 =	simm.s32 $0x2B00;
	[sflag:s14] =	ssyncadd.s32 $0xFFFFC180  }
0x408: {  	[spmem:s1] =	stream.indirect.scatter.add.f32 [tilespmem:s9], [sflag:$0x3], $0x80, s18, s8, $0xb8;
	[tilespmem:$0x1F000] =	vst v63  }
0x409: {  	_ =	swait.ge [sflag:s15], $0x3E80  }
0x40a: {  	[sflag:s15] =	ssyncset.done $0x0  }
0x40b: {  	s18 =	simm.s32 $0x2B80;
	[sflag:s15] =	ssyncadd.s32 $0xFFFFC180  }
0x40c: {  	[spmem:s1] =	stream.indirect.scatter.add.f32 [tilespmem:s11], [sflag:$0x4], $0x80, s18, s8, $0xb8;
	[tilespmem:$0x1F000] =	vst v63  }
0x40d: {  	_ =	swait.ge [sflag:s17], $0x3E80  }
0x40e: {  	[sflag:s17] =	ssyncset.done $0x0  }
0x40f: {  	s18 =	simm.s32 $0x1400;
	[sflag:s17] =	ssyncadd.s32 $0xFFFFC180  }
0x410: {  	[tilespmem:s9], [sflag:$0x1] =	stream.indirect.gather [hbm4b:s7+s8], $0x80, s18, s8, $0xb8;
	[tilespmem:$0x1F000] =	vst v63  }
0x411: {  	_ =	swait.ge [sflag:s19], $0x3E80  }
0x412: {  	[sflag:s19] =	ssyncset.done $0x0  }
0x413: {  	s18 =	simm.s32 $0x1480;
	[sflag:s19] =	ssyncadd.s32 $0xFFFFC180  }
0x414: {  	[tilespmem:s11], [sflag:$0x2] =	stream.indirect.gather [hbm4b:s7+s8], $0x80, s18, s8, $0xb8;
	[tilespmem:$0x1F000] =	vst v63  }
0x415: {  	_ =	swait.ge [sflag:s14], $0x3E80  }
0x416: {  	[sflag:s14] =	ssyncset.done $0x0  }
0x417: {  	s18 =	simm.s32 $0x2C00;
	[sflag:s14] =	ssyncadd.s32 $0xFFFFC180  }
0x418: {  	[spmem:s1] =	stream.indirect.scatter.add.f32 [tilespmem:s9], [sflag:$0x3], $0x80, s18, s8, $0xb8;
	[tilespmem:$0x1F000] =	vst v63  }
0x419: {  	_ =	swait.ge [sflag:s15], $0x3E80  }
0x41a: {  	[sflag:s15] =	ssyncset.done $0x0  }
0x41b: {  	s18 =	simm.s32 $0x2C80;
	[sflag:s15] =	ssyncadd.s32 $0xFFFFC180  }
0x41c: {  	[spmem:s1] =	stream.indirect.scatter.add.f32 [tilespmem:s11], [sflag:$0x4], $0x80, s18, s8, $0xb8;
	[tilespmem:$0x1F000] =	vst v63  }
0x41d: {  	_ =	swait.ge [sflag:s17], $0x3E80  }
0x41e: {  	[sflag:s17] =	ssyncset.done $0x0  }
0x41f: {  	s18 =	simm.s32 $0x1500;
	[sflag:s17] =	ssyncadd.s32 $0xFFFFC180  }
0x420: {  	[tilespmem:s9], [sflag:$0x1] =	stream.indirect.gather [hbm4b:s7+s8], $0x80, s18, s8, $0xb8;
	[tilespmem:$0x1F000] =	vst v63  }
0x421: {  	_ =	swait.ge [sflag:s19], $0x3E80  }
0x422: {  	[sflag:s19] =	ssyncset.done $0x0  }
0x423: {  	s18 =	simm.s32 $0x1580;
	[sflag:s19] =	ssyncadd.s32 $0xFFFFC180  }
0x424: {  	[tilespmem:s11], [sflag:$0x2] =	stream.indirect.gather [hbm4b:s7+s8], $0x80, s18, s8, $0xb8;
	[tilespmem:$0x1F000] =	vst v63  }
0x425: {  	_ =	swait.ge [sflag:s14], $0x3E80  }
0x426: {  	[sflag:s14] =	ssyncset.done $0x0  }
0x427: {  	s18 =	simm.s32 $0x2D00;
	[sflag:s14] =	ssyncadd.s32 $0xFFFFC180  }
0x428: {  	[spmem:s1] =	stream.indirect.scatter.add.f32 [tilespmem:s9], [sflag:$0x3], $0x80, s18, s8, $0xb8;
	[tilespmem:$0x1F000] =	vst v63  }
0x429: {  	_ =	swait.ge [sflag:s15], $0x3E80  }
0x42a: {  	[sflag:s15] =	ssyncset.done $0x0  }
0x42b: {  	s18 =	simm.s32 $0x2D80;
	[sflag:s15] =	ssyncadd.s32 $0xFFFFC180  }
0x42c: {  	[spmem:s1] =	stream.indirect.scatter.add.f32 [tilespmem:s11], [sflag:$0x4], $0x80, s18, s8, $0xb8;
	[tilespmem:$0x1F000] =	vst v63  }
0x42d: {  	_ =	swait.ge [sflag:s23], $0xA00  }
0x42e: {  	[sflag:s23] =	ssyncset.done $0x0  }
0x42f: {  	[sflag:s23] =	ssyncadd.s32 $0xFFFFF600  }
0x430: {  	_ =	swait.ge [sflag:s23], $0xA00  }
0x431: {  	[sflag:s23] =	ssyncset.done $0x0  }
0x432: {  	[sflag:s23] =	ssyncadd.s32 $0xFFFFF600  }
0x433: {  	_ =	swait.ge [sflag:s17], $0x3E80  }
0x434: {  	[sflag:s17] =	ssyncset.done $0x0  }
0x435: {  	[sflag:s17] =	ssyncadd.s32 $0xFFFFC180  }
0x436: {  	[tilespmem:s9], [sflag:$0x1] =	stream.indirect.gather [hbm4b:s7+s8], $0x80, s6, s8, $0xb8;
	[tilespmem:$0x1F000] =	vst v63  }
0x437: {  	_ =	swait.ge [sflag:s19], $0x3E80  }
0x438: {  	[sflag:s19] =	ssyncset.done $0x0  }
0x439: {  	s18 =	simm.s32 $0x80;
	[sflag:s19] =	ssyncadd.s32 $0xFFFFC180  }
0x43a: {  	[tilespmem:s11], [sflag:$0x2] =	stream.indirect.gather [hbm4b:s7+s8], $0x80, s18, s8, $0xb8;
	[tilespmem:$0x1F000] =	vst v63  }
0x43b: {  	s16 =	rddreg [dreg:$0xa]  }
0x43c: {  	[tilespmem:s13], [sflag:$0x5] =	stream.linear.gather [hbm4b:s16+s6], $0xA00, $0x38;
	[tilespmem:$0x1F000] =	vst v63  }
0x43d: {  	s18 =	rddreg [dreg:$0xb]  }
0x43e: {  	[tilespmem:s3], [sflag:$0x5] =	stream.linear.gather [hbm4b:s18+s6], $0xA00, $0x38;
	[tilespmem:$0x1F000] =	vst v63  }
0x43f: {  	_ =	swait.ge [sflag:s14], $0x3E80  }
0x440: {  	[sflag:s14] =	ssyncset.done $0x0  }
0x441: {  	[sflag:s14] =	ssyncadd.s32 $0xFFFFC180  }
0x442: {  	[spmem:s1] =	stream.indirect.scatter.add.f32 [tilespmem:s9], [sflag:$0x3], $0x80, s12, s8, $0xb8;
	[tilespmem:$0x1F000] =	vst v63  }
0x443: {  	_ =	swait.ge [sflag:s15], $0x3E80  }
0x444: {  	[sflag:s15] =	ssyncset.done $0x0  }
0x445: {  	s16 =	simm.s32 $0x1880;
	[sflag:s15] =	ssyncadd.s32 $0xFFFFC180  }
0x446: {  	[spmem:s1] =	stream.indirect.scatter.add.f32 [tilespmem:s11], [sflag:$0x4], $0x80, s16, s8, $0xb8;
	[tilespmem:$0x1F000] =	vst v63  }
0x447: {  	_ =	swait.ge [sflag:s17], $0x3E80  }
0x448: {  	[sflag:s17] =	ssyncset.done $0x0  }
0x449: {  	s18 =	simm.s32 $0x100;
	[sflag:s17] =	ssyncadd.s32 $0xFFFFC180  }
0x44a: {  	[tilespmem:s9], [sflag:$0x1] =	stream.indirect.gather [hbm4b:s7+s8], $0x80, s18, s8, $0xb8;
	[tilespmem:$0x1F000] =	vst v63  }
0x44b: {  	_ =	swait.ge [sflag:s19], $0x3E80  }
0x44c: {  	[sflag:s19] =	ssyncset.done $0x0  }
0x44d: {  	s16 =	simm.s32 $0x180;
	[sflag:s19] =	ssyncadd.s32 $0xFFFFC180  }
0x44e: {  	[tilespmem:s11], [sflag:$0x2] =	stream.indirect.gather [hbm4b:s7+s8], $0x80, s16, s8, $0xb8;
	[tilespmem:$0x1F000] =	vst v63  }
0x44f: {  	_ =	swait.ge [sflag:s14], $0x3E80  }
0x450: {  	[sflag:s14] =	ssyncset.done $0x0  }
0x451: {  	s18 =	simm.s32 $0x1900;
	[sflag:s14] =	ssyncadd.s32 $0xFFFFC180  }
0x452: {  	[spmem:s1] =	stream.indirect.scatter.add.f32 [tilespmem:s9], [sflag:$0x3], $0x80, s18, s8, $0xb8;
	[tilespmem:$0x1F000] =	vst v63  }
0x453: {  	_ =	swait.ge [sflag:s15], $0x3E80  }
0x454: {  	[sflag:s15] =	ssyncset.done $0x0  }
0x455: {  	s16 =	simm.s32 $0x1980;
	[sflag:s15] =	ssyncadd.s32 $0xFFFFC180  }
0x456: {  	[spmem:s1] =	stream.indirect.scatter.add.f32 [tilespmem:s11], [sflag:$0x4], $0x80, s16, s8, $0xb8;
	[tilespmem:$0x1F000] =	vst v63  }
0x457: {  	_ =	swait.ge [sflag:s17], $0x3E80  }
0x458: {  	[sflag:s17] =	ssyncset.done $0x0  }
0x459: {  	s18 =	simm.s32 $0x200;
	[sflag:s17] =	ssyncadd.s32 $0xFFFFC180  }
0x45a: {  	[tilespmem:s9], [sflag:$0x1] =	stream.indirect.gather [hbm4b:s7+s8], $0x80, s18, s8, $0xb8;
	[tilespmem:$0x1F000] =	vst v63  }
0x45b: {  	_ =	swait.ge [sflag:s19], $0x3E80  }
0x45c: {  	[sflag:s19] =	ssyncset.done $0x0  }
0x45d: {  	s16 =	simm.s32 $0x280;
	[sflag:s19] =	ssyncadd.s32 $0xFFFFC180  }
0x45e: {  	[tilespmem:s11], [sflag:$0x2] =	stream.indirect.gather [hbm4b:s7+s8], $0x80, s16, s8, $0xb8;
	[tilespmem:$0x1F000] =	vst v63  }
0x45f: {  	_ =	swait.ge [sflag:s14], $0x3E80  }
0x460: {  	[sflag:s14] =	ssyncset.done $0x0  }
0x461: {  	s18 =	simm.s32 $0x1A00;
	[sflag:s14] =	ssyncadd.s32 $0xFFFFC180  }
0x462: {  	[spmem:s1] =	stream.indirect.scatter.add.f32 [tilespmem:s9], [sflag:$0x3], $0x80, s18, s8, $0xb8;
	[tilespmem:$0x1F000] =	vst v63  }
0x463: {  	_ =	swait.ge [sflag:s15], $0x3E80  }
0x464: {  	[sflag:s15] =	ssyncset.done $0x0  }
0x465: {  	s16 =	simm.s32 $0x1A80;
	[sflag:s15] =	ssyncadd.s32 $0xFFFFC180  }
0x466: {  	[spmem:s1] =	stream.indirect.scatter.add.f32 [tilespmem:s11], [sflag:$0x4], $0x80, s16, s8, $0xb8;
	[tilespmem:$0x1F000] =	vst v63  }
0x467: {  	_ =	swait.ge [sflag:s17], $0x3E80  }
0x468: {  	[sflag:s17] =	ssyncset.done $0x0  }
0x469: {  	s18 =	simm.s32 $0x300;
	[sflag:s17] =	ssyncadd.s32 $0xFFFFC180  }
0x46a: {  	[tilespmem:s9], [sflag:$0x1] =	stream.indirect.gather [hbm4b:s7+s8], $0x80, s18, s8, $0xb8;
	[tilespmem:$0x1F000] =	vst v63  }
0x46b: {  	_ =	swait.ge [sflag:s19], $0x3E80  }
0x46c: {  	[sflag:s19] =	ssyncset.done $0x0  }
0x46d: {  	s16 =	simm.s32 $0x380;
	[sflag:s19] =	ssyncadd.s32 $0xFFFFC180  }
0x46e: {  	[tilespmem:s11], [sflag:$0x2] =	stream.indirect.gather [hbm4b:s7+s8], $0x80, s16, s8, $0xb8;
	[tilespmem:$0x1F000] =	vst v63  }
0x46f: {  	_ =	swait.ge [sflag:s14], $0x3E80  }
0x470: {  	[sflag:s14] =	ssyncset.done $0x0  }
0x471: {  	s18 =	simm.s32 $0x1B00;
	[sflag:s14] =	ssyncadd.s32 $0xFFFFC180  }
0x472: {  	[spmem:s1] =	stream.indirect.scatter.add.f32 [tilespmem:s9], [sflag:$0x3], $0x80, s18, s8, $0xb8;
	[tilespmem:$0x1F000] =	vst v63  }
0x473: {  	_ =	swait.ge [sflag:s15], $0x3E80  }
0x474: {  	[sflag:s15] =	ssyncset.done $0x0  }
0x475: {  	s16 =	simm.s32 $0x1B80;
	[sflag:s15] =	ssyncadd.s32 $0xFFFFC180  }
0x476: {  	[spmem:s1] =	stream.indirect.scatter.add.f32 [tilespmem:s11], [sflag:$0x4], $0x80, s16, s8, $0xb8;
	[tilespmem:$0x1F000] =	vst v63  }
0x477: {  	_ =	swait.ge [sflag:s17], $0x3E80  }
0x478: {  	[sflag:s17] =	ssyncset.done $0x0  }
0x479: {  	s18 =	simm.s32 $0x400;
	[sflag:s17] =	ssyncadd.s32 $0xFFFFC180  }
0x47a: {  	[tilespmem:s9], [sflag:$0x1] =	stream.indirect.gather [hbm4b:s7+s8], $0x80, s18, s8, $0xb8;
	[tilespmem:$0x1F000] =	vst v63  }
0x47b: {  	_ =	swait.ge [sflag:s19], $0x3E80  }
0x47c: {  	[sflag:s19] =	ssyncset.done $0x0  }
0x47d: {  	s16 =	simm.s32 $0x480;
	[sflag:s19] =	ssyncadd.s32 $0xFFFFC180  }
0x47e: {  	[tilespmem:s11], [sflag:$0x2] =	stream.indirect.gather [hbm4b:s7+s8], $0x80, s16, s8, $0xb8;
	[tilespmem:$0x1F000] =	vst v63  }
0x47f: {  	_ =	swait.ge [sflag:s14], $0x3E80  }
0x480: {  	[sflag:s14] =	ssyncset.done $0x0  }
0x481: {  	s18 =	simm.s32 $0x1C00;
	[sflag:s14] =	ssyncadd.s32 $0xFFFFC180  }
0x482: {  	[spmem:s1] =	stream.indirect.scatter.add.f32 [tilespmem:s9], [sflag:$0x3], $0x80, s18, s8, $0xb8;
	[tilespmem:$0x1F000] =	vst v63  }
0x483: {  	_ =	swait.ge [sflag:s15], $0x3E80  }
0x484: {  	[sflag:s15] =	ssyncset.done $0x0  }
0x485: {  	s16 =	simm.s32 $0x1C80;
	[sflag:s15] =	ssyncadd.s32 $0xFFFFC180  }
0x486: {  	[spmem:s1] =	stream.indirect.scatter.add.f32 [tilespmem:s11], [sflag:$0x4], $0x80, s16, s8, $0xb8;
	[tilespmem:$0x1F000] =	vst v63  }
0x487: {  	_ =	swait.ge [sflag:s17], $0x3E80  }
0x488: {  	[sflag:s17] =	ssyncset.done $0x0  }
0x489: {  	s18 =	simm.s32 $0x500;
	[sflag:s17] =	ssyncadd.s32 $0xFFFFC180  }
0x48a: {  	[tilespmem:s9], [sflag:$0x1] =	stream.indirect.gather [hbm4b:s7+s8], $0x80, s18, s8, $0xb8;
	[tilespmem:$0x1F000] =	vst v63  }
0x48b: {  	_ =	swait.ge [sflag:s19], $0x3E80  }
0x48c: {  	[sflag:s19] =	ssyncset.done $0x0  }
0x48d: {  	s16 =	simm.s32 $0x580;
	[sflag:s19] =	ssyncadd.s32 $0xFFFFC180  }
0x48e: {  	[tilespmem:s11], [sflag:$0x2] =	stream.indirect.gather [hbm4b:s7+s8], $0x80, s16, s8, $0xb8;
	[tilespmem:$0x1F000] =	vst v63  }
0x48f: {  	_ =	swait.ge [sflag:s14], $0x3E80  }
0x490: {  	[sflag:s14] =	ssyncset.done $0x0  }
0x491: {  	s18 =	simm.s32 $0x1D00;
	[sflag:s14] =	ssyncadd.s32 $0xFFFFC180  }
0x492: {  	[spmem:s1] =	stream.indirect.scatter.add.f32 [tilespmem:s9], [sflag:$0x3], $0x80, s18, s8, $0xb8;
	[tilespmem:$0x1F000] =	vst v63  }
0x493: {  	_ =	swait.ge [sflag:s15], $0x3E80  }
0x494: {  	[sflag:s15] =	ssyncset.done $0x0  }
0x495: {  	s16 =	simm.s32 $0x1D80;
	[sflag:s15] =	ssyncadd.s32 $0xFFFFC180  }
0x496: {  	[spmem:s1] =	stream.indirect.scatter.add.f32 [tilespmem:s11], [sflag:$0x4], $0x80, s16, s8, $0xb8;
	[tilespmem:$0x1F000] =	vst v63  }
0x497: {  	_ =	swait.ge [sflag:s17], $0x3E80  }
0x498: {  	[sflag:s17] =	ssyncset.done $0x0  }
0x499: {  	s18 =	simm.s32 $0x600;
	[sflag:s17] =	ssyncadd.s32 $0xFFFFC180  }
0x49a: {  	[tilespmem:s9], [sflag:$0x1] =	stream.indirect.gather [hbm4b:s7+s8], $0x80, s18, s8, $0xb8;
	[tilespmem:$0x1F000] =	vst v63  }
0x49b: {  	_ =	swait.ge [sflag:s19], $0x3E80  }
0x49c: {  	[sflag:s19] =	ssyncset.done $0x0  }
0x49d: {  	s16 =	simm.s32 $0x680;
	[sflag:s19] =	ssyncadd.s32 $0xFFFFC180  }
0x49e: {  	[tilespmem:s11], [sflag:$0x2] =	stream.indirect.gather [hbm4b:s7+s8], $0x80, s16, s8, $0xb8;
	[tilespmem:$0x1F000] =	vst v63  }
0x49f: {  	_ =	swait.ge [sflag:s14], $0x3E80  }
0x4a0: {  	[sflag:s14] =	ssyncset.done $0x0  }
0x4a1: {  	s18 =	simm.s32 $0x1E00;
	[sflag:s14] =	ssyncadd.s32 $0xFFFFC180  }
0x4a2: {  	[spmem:s1] =	stream.indirect.scatter.add.f32 [tilespmem:s9], [sflag:$0x3], $0x80, s18, s8, $0xb8;
	[tilespmem:$0x1F000] =	vst v63  }
0x4a3: {  	_ =	swait.ge [sflag:s15], $0x3E80  }
0x4a4: {  	[sflag:s15] =	ssyncset.done $0x0  }
0x4a5: {  	s16 =	simm.s32 $0x1E80;
	[sflag:s15] =	ssyncadd.s32 $0xFFFFC180  }
0x4a6: {  	[spmem:s1] =	stream.indirect.scatter.add.f32 [tilespmem:s11], [sflag:$0x4], $0x80, s16, s8, $0xb8;
	[tilespmem:$0x1F000] =	vst v63  }
0x4a7: {  	_ =	swait.ge [sflag:s17], $0x3E80  }
0x4a8: {  	[sflag:s17] =	ssyncset.done $0x0  }
0x4a9: {  	s18 =	simm.s32 $0x700;
	[sflag:s17] =	ssyncadd.s32 $0xFFFFC180  }
0x4aa: {  	[tilespmem:s9], [sflag:$0x1] =	stream.indirect.gather [hbm4b:s7+s8], $0x80, s18, s8, $0xb8;
	[tilespmem:$0x1F000] =	vst v63  }
0x4ab: {  	_ =	swait.ge [sflag:s19], $0x3E80  }
0x4ac: {  	[sflag:s19] =	ssyncset.done $0x0  }
0x4ad: {  	s16 =	simm.s32 $0x780;
	[sflag:s19] =	ssyncadd.s32 $0xFFFFC180  }
0x4ae: {  	[tilespmem:s11], [sflag:$0x2] =	stream.indirect.gather [hbm4b:s7+s8], $0x80, s16, s8, $0xb8;
	[tilespmem:$0x1F000] =	vst v63  }
0x4af: {  	_ =	swait.ge [sflag:s14], $0x3E80  }
0x4b0: {  	[sflag:s14] =	ssyncset.done $0x0  }
0x4b1: {  	s18 =	simm.s32 $0x1F00;
	[sflag:s14] =	ssyncadd.s32 $0xFFFFC180  }
0x4b2: {  	[spmem:s1] =	stream.indirect.scatter.add.f32 [tilespmem:s9], [sflag:$0x3], $0x80, s18, s8, $0xb8;
	[tilespmem:$0x1F000] =	vst v63  }
0x4b3: {  	_ =	swait.ge [sflag:s15], $0x3E80  }
0x4b4: {  	[sflag:s15] =	ssyncset.done $0x0  }
0x4b5: {  	s16 =	simm.s32 $0x1F80;
	[sflag:s15] =	ssyncadd.s32 $0xFFFFC180  }
0x4b6: {  	[spmem:s1] =	stream.indirect.scatter.add.f32 [tilespmem:s11], [sflag:$0x4], $0x80, s16, s8, $0xb8;
	[tilespmem:$0x1F000] =	vst v63  }
0x4b7: {  	_ =	swait.ge [sflag:s17], $0x3E80  }
0x4b8: {  	[sflag:s17] =	ssyncset.done $0x0  }
0x4b9: {  	s18 =	simm.s32 $0x800;
	[sflag:s17] =	ssyncadd.s32 $0xFFFFC180  }
0x4ba: {  	[tilespmem:s9], [sflag:$0x1] =	stream.indirect.gather [hbm4b:s7+s8], $0x80, s18, s8, $0xb8;
	[tilespmem:$0x1F000] =	vst v63  }
0x4bb: {  	_ =	swait.ge [sflag:s19], $0x3E80  }
0x4bc: {  	[sflag:s19] =	ssyncset.done $0x0  }
0x4bd: {  	s16 =	simm.s32 $0x880;
	[sflag:s19] =	ssyncadd.s32 $0xFFFFC180  }
0x4be: {  	[tilespmem:s11], [sflag:$0x2] =	stream.indirect.gather [hbm4b:s7+s8], $0x80, s16, s8, $0xb8;
	[tilespmem:$0x1F000] =	vst v63  }
0x4bf: {  	_ =	swait.ge [sflag:s14], $0x3E80  }
0x4c0: {  	[sflag:s14] =	ssyncset.done $0x0  }
0x4c1: {  	s18 =	simm.s32 $0x2000;
	[sflag:s14] =	ssyncadd.s32 $0xFFFFC180  }
0x4c2: {  	[spmem:s1] =	stream.indirect.scatter.add.f32 [tilespmem:s9], [sflag:$0x3], $0x80, s18, s8, $0xb8;
	[tilespmem:$0x1F000] =	vst v63  }
0x4c3: {  	_ =	swait.ge [sflag:s15], $0x3E80  }
0x4c4: {  	[sflag:s15] =	ssyncset.done $0x0  }
0x4c5: {  	s16 =	simm.s32 $0x2080;
	[sflag:s15] =	ssyncadd.s32 $0xFFFFC180  }
0x4c6: {  	[spmem:s1] =	stream.indirect.scatter.add.f32 [tilespmem:s11], [sflag:$0x4], $0x80, s16, s8, $0xb8;
	[tilespmem:$0x1F000] =	vst v63  }
0x4c7: {  	_ =	swait.ge [sflag:s17], $0x3E80  }
0x4c8: {  	[sflag:s17] =	ssyncset.done $0x0  }
0x4c9: {  	s18 =	simm.s32 $0x900;
	[sflag:s17] =	ssyncadd.s32 $0xFFFFC180  }
0x4ca: {  	[tilespmem:s9], [sflag:$0x1] =	stream.indirect.gather [hbm4b:s7+s8], $0x80, s18, s8, $0xb8;
	[tilespmem:$0x1F000] =	vst v63  }
0x4cb: {  	_ =	swait.ge [sflag:s19], $0x3E80  }
0x4cc: {  	[sflag:s19] =	ssyncset.done $0x0  }
0x4cd: {  	s16 =	simm.s32 $0x980;
	[sflag:s19] =	ssyncadd.s32 $0xFFFFC180  }
0x4ce: {  	[tilespmem:s11], [sflag:$0x2] =	stream.indirect.gather [hbm4b:s7+s8], $0x80, s16, s8, $0xb8;
	[tilespmem:$0x1F000] =	vst v63  }
0x4cf: {  	_ =	swait.ge [sflag:s14], $0x3E80  }
0x4d0: {  	[sflag:s14] =	ssyncset.done $0x0  }
0x4d1: {  	s18 =	simm.s32 $0x2100;
	[sflag:s14] =	ssyncadd.s32 $0xFFFFC180  }
0x4d2: {  	[spmem:s1] =	stream.indirect.scatter.add.f32 [tilespmem:s9], [sflag:$0x3], $0x80, s18, s8, $0xb8;
	[tilespmem:$0x1F000] =	vst v63  }
0x4d3: {  	_ =	swait.ge [sflag:s15], $0x3E80  }
0x4d4: {  	[sflag:s15] =	ssyncset.done $0x0  }
0x4d5: {  	s16 =	simm.s32 $0x2180;
	[sflag:s15] =	ssyncadd.s32 $0xFFFFC180  }
0x4d6: {  	[spmem:s1] =	stream.indirect.scatter.add.f32 [tilespmem:s11], [sflag:$0x4], $0x80, s16, s8, $0xb8;
	[tilespmem:$0x1F000] =	vst v63  }
0x4d7: {  	_ =	swait.ge [sflag:s23], $0xA00  }
0x4d8: {  	[sflag:s23] =	ssyncset.done $0x0  }
0x4d9: {  	[sflag:s23] =	ssyncadd.s32 $0xFFFFF600  }
0x4da: {  	_ =	swait.ge [sflag:s23], $0xA00  }
0x4db: {  	[sflag:s23] =	ssyncset.done $0x0  }
0x4dc: {  	[sflag:s23] =	ssyncadd.s32 $0xFFFFF600  }
0x4dd: {  	_ =	swait.ge [sflag:s17], $0x3E80  }
0x4de: {  	[sflag:s17] =	ssyncset.done $0x0  }
0x4df: {  	[sflag:s17] =	ssyncadd.s32 $0xFFFFC180  }
0x4e0: {  	[tilespmem:s9], [sflag:$0x1] =	stream.indirect.gather [hbm4b:s7+s8], $0x80, s13, s8, $0xb8;
	[tilespmem:$0x1F000] =	vst v63  }
0x4e1: {  	_ =	swait.ge [sflag:s19], $0x3E80  }
0x4e2: {  	[sflag:s19] =	ssyncset.done $0x0  }
0x4e3: {  	s18 =	simm.s32 $0xC80;
	[sflag:s19] =	ssyncadd.s32 $0xFFFFC180  }
0x4e4: {  	[tilespmem:s11], [sflag:$0x2] =	stream.indirect.gather [hbm4b:s7+s8], $0x80, s18, s8, $0xb8;
	[tilespmem:$0x1F000] =	vst v63  }
0x4e5: {  	_ =	swait.ge [sflag:s14], $0x3E80  }
0x4e6: {  	[sflag:s14] =	ssyncset.done $0x0  }
0x4e7: {  	[sflag:s14] =	ssyncadd.s32 $0xFFFFC180  }
0x4e8: {  	[spmem:s1] =	stream.indirect.scatter.add.f32 [tilespmem:s9], [sflag:$0x3], $0x80, s3, s8, $0xb8;
	[tilespmem:$0x1F000] =	vst v63  }
0x4e9: {  	_ =	swait.ge [sflag:s15], $0x3E80  }
0x4ea: {  	[sflag:s15] =	ssyncset.done $0x0  }
0x4eb: {  	[sflag:s15] =	ssyncadd.s32 $0xFFFFC180  }
0x4ec: {  	[spmem:s1] =	stream.indirect.scatter.add.f32 [tilespmem:s11], [sflag:$0x4], $0x80, s0, s8, $0xb8;
	[tilespmem:$0x1F000] =	vst v63  }
0x4ed: {  	_ =	swait.ge [sflag:s17], $0x3E80  }
0x4ee: {  	[sflag:s17] =	ssyncset.done $0x0  }
0x4ef: {  	[sflag:s17] =	ssyncadd.s32 $0xFFFFC180  }
0x4f0: {  	[tilespmem:s9], [sflag:$0x1] =	stream.indirect.gather [hbm4b:s7+s8], $0x80, s4, s8, $0xb8;
	[tilespmem:$0x1F000] =	vst v63  }
0x4f1: {  	_ =	swait.ge [sflag:s19], $0x3E80  }
0x4f2: {  	[sflag:s19] =	ssyncset.done $0x0  }
0x4f3: {  	[sflag:s19] =	ssyncadd.s32 $0xFFFFC180  }
0x4f4: {  	[tilespmem:s11], [sflag:$0x2] =	stream.indirect.gather [hbm4b:s7+s8], $0x80, s5, s8, $0xb8;
	[tilespmem:$0x1F000] =	vst v63  }
0x4f5: {  	_ =	swait.ge [sflag:s14], $0x3E80  }
0x4f6: {  	[sflag:s14] =	ssyncset.done $0x0  }
0x4f7: {  	[sflag:s14] =	ssyncadd.s32 $0xFFFFC180  }
0x4f8: {  	[spmem:s1] =	stream.indirect.scatter.add.f32 [tilespmem:s9], [sflag:$0x3], $0x80, s20, s8, $0xb8;
	[tilespmem:$0x1F000] =	vst v63  }
0x4f9: {  	_ =	swait.ge [sflag:s15], $0x3E80  }
0x4fa: {  	[sflag:s15] =	ssyncset.done $0x0  }
0x4fb: {  	[sflag:s15] =	ssyncadd.s32 $0xFFFFC180  }
0x4fc: {  	[spmem:s1] =	stream.indirect.scatter.add.f32 [tilespmem:s11], [sflag:$0x4], $0x80, s21, s8, $0xb8;
	[tilespmem:$0x1F000] =	vst v63  }
0x4fd: {  	_ =	swait.ge [sflag:s17], $0x3E80  }
0x4fe: {  	[sflag:s17] =	ssyncset.done $0x0  }
0x4ff: {  	[sflag:s17] =	ssyncadd.s32 $0xFFFFC180  }
0x500: {  	[tilespmem:s9], [sflag:$0x1] =	stream.indirect.gather [hbm4b:s7+s8], $0x80, s22, s8, $0xb8;
	[tilespmem:$0x1F000] =	vst v63  }
0x501: {  	_ =	swait.ge [sflag:s19], $0x3E80  }
0x502: {  	[sflag:s19] =	ssyncset.done $0x0  }
0x503: {  	[sflag:s19] =	ssyncadd.s32 $0xFFFFC180  }
0x504: {  	[tilespmem:s11], [sflag:$0x2] =	stream.indirect.gather [hbm4b:s7+s8], $0x80, s24, s8, $0xb8;
	[tilespmem:$0x1F000] =	vst v63  }
0x505: {  	_ =	swait.ge [sflag:s14], $0x3E80  }
0x506: {  	[sflag:s14] =	ssyncset.done $0x0  }
0x507: {  	[sflag:s14] =	ssyncadd.s32 $0xFFFFC180  }
0x508: {  	[spmem:s1] =	stream.indirect.scatter.add.f32 [tilespmem:s9], [sflag:$0x3], $0x80, s25, s8, $0xb8;
	[tilespmem:$0x1F000] =	vst v63  }
0x509: {  	_ =	swait.ge [sflag:s15], $0x3E80  }
0x50a: {  	[sflag:s15] =	ssyncset.done $0x0  }
0x50b: {  	[sflag:s15] =	ssyncadd.s32 $0xFFFFC180  }
0x50c: {  	[spmem:s1] =	stream.indirect.scatter.add.f32 [tilespmem:s11], [sflag:$0x4], $0x80, s26, s8, $0xb8;
	[tilespmem:$0x1F000] =	vst v63  }
0x50d: {  	_ =	swait.ge [sflag:s17], $0x3E80  }
0x50e: {  	[sflag:s17] =	ssyncset.done $0x0  }
0x50f: {  	[sflag:s17] =	ssyncadd.s32 $0xFFFFC180  }
0x510: {  	[tilespmem:s9], [sflag:$0x1] =	stream.indirect.gather [hbm4b:s7+s8], $0x80, s28, s8, $0xb8;
	[tilespmem:$0x1F000] =	vst v63  }
0x511: {  	_ =	swait.ge [sflag:s19], $0x3E80  }
0x512: {  	[sflag:s19] =	ssyncset.done $0x0  }
0x513: {  	[sflag:s19] =	ssyncadd.s32 $0xFFFFC180  }
0x514: {  	[tilespmem:s11], [sflag:$0x2] =	stream.indirect.gather [hbm4b:s7+s8], $0x80, s29, s8, $0xb8;
	[tilespmem:$0x1F000] =	vst v63  }
0x515: {  	_ =	swait.ge [sflag:s14], $0x3E80  }
0x516: {  	[sflag:s14] =	ssyncset.done $0x0  }
0x517: {  	[sflag:s14] =	ssyncadd.s32 $0xFFFFC180  }
0x518: {  	[spmem:s1] =	stream.indirect.scatter.add.f32 [tilespmem:s9], [sflag:$0x3], $0x80, s30, s8, $0xb8;
	[tilespmem:$0x1F000] =	vst v63  }
0x519: {  	_ =	swait.ge [sflag:s15], $0x3E80  }
0x51a: {  	[sflag:s15] =	ssyncset.done $0x0  }
0x51b: {  	[sflag:s15] =	ssyncadd.s32 $0xFFFFC180  }
0x51c: {  	[spmem:s1] =	stream.indirect.scatter.add.f32 [tilespmem:s11], [sflag:$0x4], $0x80, s31, s8, $0xb8;
	[tilespmem:$0x1F000] =	vst v63  }
0x51d: {  	_ =	swait.ge [sflag:s17], $0x3E80  }
0x51e: {  	[sflag:s17] =	ssyncset.done $0x0  }
0x51f: {  	s12 =	simm.s32 $0x1000;
	[sflag:s17] =	ssyncadd.s32 $0xFFFFC180  }
0x520: {  	[tilespmem:s9], [sflag:$0x1] =	stream.indirect.gather [hbm4b:s7+s8], $0x80, s12, s8, $0xb8;
	[tilespmem:$0x1F000] =	vst v63  }
0x521: {  	_ =	swait.ge [sflag:s19], $0x3E80  }
0x522: {  	[sflag:s19] =	ssyncset.done $0x0  }
0x523: {  	s16 =	simm.s32 $0x1080;
	[sflag:s19] =	ssyncadd.s32 $0xFFFFC180  }
0x524: {  	[tilespmem:s11], [sflag:$0x2] =	stream.indirect.gather [hbm4b:s7+s8], $0x80, s16, s8, $0xb8;
	[tilespmem:$0x1F000] =	vst v63  }
0x525: {  	_ =	swait.ge [sflag:s14], $0x3E80  }
0x526: {  	[sflag:s14] =	ssyncset.done $0x0  }
0x527: {  	s18 =	simm.s32 $0x2800;
	[sflag:s14] =	ssyncadd.s32 $0xFFFFC180  }
0x528: {  	[spmem:s1] =	stream.indirect.scatter.add.f32 [tilespmem:s9], [sflag:$0x3], $0x80, s18, s8, $0xb8;
	[tilespmem:$0x1F000] =	vst v63  }
0x529: {  	_ =	swait.ge [sflag:s15], $0x3E80  }
0x52a: {  	[sflag:s15] =	ssyncset.done $0x0  }
0x52b: {  	s20 =	simm.s32 $0x2880;
	[sflag:s15] =	ssyncadd.s32 $0xFFFFC180  }
0x52c: {  	[spmem:s1] =	stream.indirect.scatter.add.f32 [tilespmem:s11], [sflag:$0x4], $0x80, s20, s8, $0xb8;
	[tilespmem:$0x1F000] =	vst v63  }
0x52d: {  	_ =	swait.ge [sflag:s17], $0x3E80  }
0x52e: {  	[sflag:s17] =	ssyncset.done $0x0  }
0x52f: {  	s12 =	simm.s32 $0x1100;
	[sflag:s17] =	ssyncadd.s32 $0xFFFFC180  }
0x530: {  	[tilespmem:s9], [sflag:$0x1] =	stream.indirect.gather [hbm4b:s7+s8], $0x80, s12, s8, $0xb8;
	[tilespmem:$0x1F000] =	vst v63  }
0x531: {  	_ =	swait.ge [sflag:s19], $0x3E80  }
0x532: {  	[sflag:s19] =	ssyncset.done $0x0  }
0x533: {  	s16 =	simm.s32 $0x1180;
	[sflag:s19] =	ssyncadd.s32 $0xFFFFC180  }
0x534: {  	[tilespmem:s11], [sflag:$0x2] =	stream.indirect.gather [hbm4b:s7+s8], $0x80, s16, s8, $0xb8;
	[tilespmem:$0x1F000] =	vst v63  }
0x535: {  	_ =	swait.ge [sflag:s14], $0x3E80  }
0x536: {  	[sflag:s14] =	ssyncset.done $0x0  }
0x537: {  	s18 =	simm.s32 $0x2900;
	[sflag:s14] =	ssyncadd.s32 $0xFFFFC180  }
0x538: {  	[spmem:s1] =	stream.indirect.scatter.add.f32 [tilespmem:s9], [sflag:$0x3], $0x80, s18, s8, $0xb8;
	[tilespmem:$0x1F000] =	vst v63  }
0x539: {  	_ =	swait.ge [sflag:s15], $0x3E80  }
0x53a: {  	[sflag:s15] =	ssyncset.done $0x0  }
0x53b: {  	s20 =	simm.s32 $0x2980;
	[sflag:s15] =	ssyncadd.s32 $0xFFFFC180  }
0x53c: {  	[spmem:s1] =	stream.indirect.scatter.add.f32 [tilespmem:s11], [sflag:$0x4], $0x80, s20, s8, $0xb8;
	[tilespmem:$0x1F000] =	vst v63  }
0x53d: {  	_ =	swait.ge [sflag:s17], $0x3E80  }
0x53e: {  	[sflag:s17] =	ssyncset.done $0x0  }
0x53f: {  	s12 =	simm.s32 $0x1200;
	[sflag:s17] =	ssyncadd.s32 $0xFFFFC180  }
0x540: {  	[tilespmem:s9], [sflag:$0x1] =	stream.indirect.gather [hbm4b:s7+s8], $0x80, s12, s8, $0xb8;
	[tilespmem:$0x1F000] =	vst v63  }
0x541: {  	_ =	swait.ge [sflag:s19], $0x3E80  }
0x542: {  	[sflag:s19] =	ssyncset.done $0x0  }
0x543: {  	s16 =	simm.s32 $0x1280;
	[sflag:s19] =	ssyncadd.s32 $0xFFFFC180  }
0x544: {  	[tilespmem:s11], [sflag:$0x2] =	stream.indirect.gather [hbm4b:s7+s8], $0x80, s16, s8, $0xb8;
	[tilespmem:$0x1F000] =	vst v63  }
0x545: {  	_ =	swait.ge [sflag:s14], $0x3E80  }
0x546: {  	[sflag:s14] =	ssyncset.done $0x0  }
0x547: {  	s18 =	simm.s32 $0x2A00;
	[sflag:s14] =	ssyncadd.s32 $0xFFFFC180  }
0x548: {  	[spmem:s1] =	stream.indirect.scatter.add.f32 [tilespmem:s9], [sflag:$0x3], $0x80, s18, s8, $0xb8;
	[tilespmem:$0x1F000] =	vst v63  }
0x549: {  	_ =	swait.ge [sflag:s15], $0x3E80  }
0x54a: {  	[sflag:s15] =	ssyncset.done $0x0  }
0x54b: {  	s20 =	simm.s32 $0x2A80;
	[sflag:s15] =	ssyncadd.s32 $0xFFFFC180  }
0x54c: {  	[spmem:s1] =	stream.indirect.scatter.add.f32 [tilespmem:s11], [sflag:$0x4], $0x80, s20, s8, $0xb8;
	[tilespmem:$0x1F000] =	vst v63  }
0x54d: {  	_ =	swait.ge [sflag:s17], $0x3E80  }
0x54e: {  	[sflag:s17] =	ssyncset.done $0x0  }
0x54f: {  	s12 =	simm.s32 $0x1300;
	[sflag:s17] =	ssyncadd.s32 $0xFFFFC180  }
0x550: {  	[tilespmem:s9], [sflag:$0x1] =	stream.indirect.gather [hbm4b:s7+s8], $0x80, s12, s8, $0xb8;
	[tilespmem:$0x1F000] =	vst v63  }
0x551: {  	_ =	swait.ge [sflag:s19], $0x3E80  }
0x552: {  	[sflag:s19] =	ssyncset.done $0x0  }
0x553: {  	s16 =	simm.s32 $0x1380;
	[sflag:s19] =	ssyncadd.s32 $0xFFFFC180  }
0x554: {  	[tilespmem:s11], [sflag:$0x2] =	stream.indirect.gather [hbm4b:s7+s8], $0x80, s16, s8, $0xb8;
	[tilespmem:$0x1F000] =	vst v63  }
0x555: {  	_ =	swait.ge [sflag:s14], $0x3E80  }
0x556: {  	[sflag:s14] =	ssyncset.done $0x0  }
0x557: {  	s18 =	simm.s32 $0x2B00;
	[sflag:s14] =	ssyncadd.s32 $0xFFFFC180  }
0x558: {  	[spmem:s1] =	stream.indirect.scatter.add.f32 [tilespmem:s9], [sflag:$0x3], $0x80, s18, s8, $0xb8;
	[tilespmem:$0x1F000] =	vst v63  }
0x559: {  	_ =	swait.ge [sflag:s15], $0x3E80  }
0x55a: {  	[sflag:s15] =	ssyncset.done $0x0  }
0x55b: {  	s20 =	simm.s32 $0x2B80;
	[sflag:s15] =	ssyncadd.s32 $0xFFFFC180  }
0x55c: {  	[spmem:s1] =	stream.indirect.scatter.add.f32 [tilespmem:s11], [sflag:$0x4], $0x80, s20, s8, $0xb8;
	[tilespmem:$0x1F000] =	vst v63  }
0x55d: {  	_ =	swait.ge [sflag:s17], $0x3E80  }
0x55e: {  	[sflag:s17] =	ssyncset.done $0x0  }
0x55f: {  	s12 =	simm.s32 $0x1400;
	[sflag:s17] =	ssyncadd.s32 $0xFFFFC180  }
0x560: {  	[tilespmem:s9], [sflag:$0x1] =	stream.indirect.gather [hbm4b:s7+s8], $0x80, s12, s8, $0xb8;
	[tilespmem:$0x1F000] =	vst v63  }
0x561: {  	_ =	swait.ge [sflag:s19], $0x3E80  }
0x562: {  	[sflag:s19] =	ssyncset.done $0x0  }
0x563: {  	s16 =	simm.s32 $0x1480;
	[sflag:s19] =	ssyncadd.s32 $0xFFFFC180  }
0x564: {  	[tilespmem:s11], [sflag:$0x2] =	stream.indirect.gather [hbm4b:s7+s8], $0x80, s16, s8, $0xb8;
	[tilespmem:$0x1F000] =	vst v63  }
0x565: {  	_ =	swait.ge [sflag:s14], $0x3E80  }
0x566: {  	[sflag:s14] =	ssyncset.done $0x0  }
0x567: {  	s18 =	simm.s32 $0x2C00;
	[sflag:s14] =	ssyncadd.s32 $0xFFFFC180  }
0x568: {  	[spmem:s1] =	stream.indirect.scatter.add.f32 [tilespmem:s9], [sflag:$0x3], $0x80, s18, s8, $0xb8;
	[tilespmem:$0x1F000] =	vst v63  }
0x569: {  	_ =	swait.ge [sflag:s15], $0x3E80  }
0x56a: {  	[sflag:s15] =	ssyncset.done $0x0  }
0x56b: {  	s20 =	simm.s32 $0x2C80;
	[sflag:s15] =	ssyncadd.s32 $0xFFFFC180  }
0x56c: {  	[spmem:s1] =	stream.indirect.scatter.add.f32 [tilespmem:s11], [sflag:$0x4], $0x80, s20, s8, $0xb8;
	[tilespmem:$0x1F000] =	vst v63  }
0x56d: {  	_ =	swait.ge [sflag:s17], $0x3E80  }
0x56e: {  	[sflag:s17] =	ssyncset.done $0x0  }
0x56f: {  	s12 =	simm.s32 $0x1500;
	[sflag:s17] =	ssyncadd.s32 $0xFFFFC180  }
0x570: {  	[tilespmem:s9], [sflag:$0x1] =	stream.indirect.gather [hbm4b:s7+s8], $0x80, s12, s8, $0xb8;
	[tilespmem:$0x1F000] =	vst v63  }
0x571: {  	_ =	swait.ge [sflag:s19], $0x3E80  }
0x572: {  	[sflag:s19] =	ssyncset.done $0x0  }
0x573: {  	s16 =	simm.s32 $0x1580;
	[sflag:s19] =	ssyncadd.s32 $0xFFFFC180  }
0x574: {  	[tilespmem:s11], [sflag:$0x2] =	stream.indirect.gather [hbm4b:s7+s8], $0x80, s16, s8, $0xb8;
	[tilespmem:$0x1F000] =	vst v63  }
0x575: {  	_ =	swait.ge [sflag:s14], $0x3E80  }
0x576: {  	[sflag:s14] =	ssyncset.done $0x0  }
0x577: {  	s18 =	simm.s32 $0x2D00;
	[sflag:s14] =	ssyncadd.s32 $0xFFFFC180  }
0x578: {  	[spmem:s1] =	stream.indirect.scatter.add.f32 [tilespmem:s9], [sflag:$0x3], $0x80, s18, s8, $0xb8;
	[tilespmem:$0x1F000] =	vst v63  }
0x579: {  	_ =	swait.ge [sflag:s15], $0x3E80  }
0x57a: {  	[sflag:s15] =	ssyncset.done $0x0  }
0x57b: {  	s20 =	simm.s32 $0x2D80;
	[sflag:s15] =	ssyncadd.s32 $0xFFFFC180  }
0x57c: {  	[spmem:s1] =	stream.indirect.scatter.add.f32 [tilespmem:s11], [sflag:$0x4], $0x80, s20, s8, $0xb8;
	[tilespmem:$0x1F000] =	vst v63  }
0x57d: {  	_ =	swait.ge [sflag:s17], $0x3E80  }
0x57e: {  	[sflag:s17] =	ssyncset.done $0x0  }
0x57f: {  	[sflag:s17] =	ssyncadd.s32 $0xFFFFC180  }
0x580: {  	_ =	swait.ge [sflag:s19], $0x3E80  }
0x581: {  	[sflag:s19] =	ssyncset.done $0x0  }
0x582: {  	s10 =	sadd.s32 $0xFFFFFFFF, s10;
	[sflag:s19] =	ssyncadd.s32 $0xFFFFC180  }
0x583: {  	p1 =	sne.s32 s10, $0x0;
	[bflag:$0x0] =	sbarrier.arrive $0xFFFF  }
.Ltmp1:
0x584: {  	s0 =	rddreg [dreg:$0xc];
	(pc) =	sbr.rel @p1 .LBB2_2-.Ltmp1, $4  }
0x585: {  	s12 =	rddreg [dreg:$0xe]  }
0x586: {  	s20 =	rddreg [dreg:$0xf]  }
0x587: {  	[hbm:s0], [sflag:s20] =	dma.local [spmem:s12], $0x2800  }
0x588: {  	_ =	swait.ge [sflag:s2], $0x2800  }
.LBB2_3:
0x589: {  	s0 =	simm.s32 $0x6  }
0x58a: {  	[sflag:s0] =	ssyncset.done $0x0  }
0x58b: {  	[sflag:s0] =	ssyncadd.s32 $0xFFFFD800  }
0x58c: {  	_ =	sfence.sel $0x180000  }
0x58d: {  	[bflag:$0x0] =	sbarrier.arrive $0xFFFF  }
0x58e: {  	_ =	strace $0x9000004D  }
0x58f: {  	[bflag:$0x2] =	sbarrier.arrive $0xFFFF  }
0x590: {  	s0 =	rddreg [dreg:$0x2]  }
0x591: {  	s0 =	sadd.s32 @!p0 $0x100000, s0  }
0x592: {  	[sflag:s0] =	ssyncadd.tile.s32 @!p0 $0x1;
	_ =	shalt  }
.Lfunc_end2:
_tile_overlayer_lowered:
.L_overlay_start_2:
0x593: {  	(tag) =	ssettag $0x2  }
0x594: {  	s0 =	rddreg [dreg:$0x0];
	s2 =	stileid.u32  }
0x595: {  	s1 =	rddreg [dreg:$0x1];
	p0 =	sne.s32 s2, $0x0  }
0x596: {  	s3 =	rddreg [dreg:$0x2];
	[bflag:$0x3] =	sbarrier.arrive $0xFFFF;
	s2 =	simm.s32 @!p0 $0x1C06  }
0x597: {  	[timem:s3], [sflag:s2] =	dma.local @!p0 [hbm:s0], s1  }
0x598: {  	s0 =	simm.s32 @!p0 $0x6  }
0x599: {  	_ =	swait.ge @!p0 [sflag:s0], s1  }
0x59a: {  	s1 =	ssub.s32 @!p0 $0x0, s1;
	[sflag:s0] =	ssyncset.done @!p0 $0x0  }
0x59b: {  	[sflag:s0] =	ssyncadd.s32 @!p0 s1  }
0x59c: {  	[bflag:$0x3] =	sbarrier.arrive $0xFFFF  }
0x59d: {  	_ =	shalt  }

// kernel: kernel.8.cloned.1.call-start
scs
__scs_entry_jumppad:
0x0: {  	(pc) =	sbr.rel $0x88, $3  }
0x1: {  	(tag) =	ssettag $0x0;
	lr =	simm.s32 $0x1  }
0x2: {  	[smem:$0x3F99] =	sst lr;
	_ =	strace $0xD0000000  }
0x3: {  	_ = 	snop  }
0x4: {  	_ = 	snop  }
0x5: {  	_ = 	snop  }
0x6: {  	_ = 	snop  }
0x7: {  	_ = 	snop  }
__scs_overlays_trampoline_lowered:
0x8: {  	[smem:$0x3FA8] =	sst s0  }
0x9: {  	[smem:$0x3FA9] =	sst s1  }
0xa: {  	[smem:$0x3FAA] =	sst s2  }
0xb: {  	[smem:$0x3FAB] =	sst s3  }
0xc: {  	[smem:$0x3FAC] =	sst s4  }
0xd: {  	[smem:$0x3FAD] =	sst s5  }
0xe: {  	[smem:$0x3FAE] =	sst s6  }
0xf: {  	[smem:$0x3FAF] =	sst s7  }
0x10: {  	[smem:$0x3FB0] =	sst s8  }
0x11: {  	[smem:$0x3FB1] =	sst s9;
	s0 =	simm.s32 @!p0 $0x0  }
0x12: {  	s1 =	sld [smem:$0x3F97];
	s0 =	simm.s32 @p0 $0x1  }
0x13: {  	[smem:$0x3FB2] =	sst s0;
	s0 =	simm.s32 @!p1 $0x0  }
0x14: {  	s2 =	sld [smem:$0x3F96];
	s0 =	simm.s32 @p1 $0x1  }
0x15: {  	[smem:$0x3FB3] =	sst s0;
	s0 =	simm.s32 @!p2 $0x0  }
0x16: {  	s3 =	sld [smem:$0x3FDB];
	s0 =	simm.s32 @p2 $0x1  }
0x17: {  	s4 =	simm.s32 $0x1BF5;
	[smem:$0x3FB5] =	sst s0  }
0x18: {  	s0 =	sld [smem:$0x3F98];
	_ =	swait.ge [sflag:s4], $0x0  }
0x19: {  	s7 =	sld [smem:$0x3F99]  }
0x1a: {  	s8 =	sadd.s32 $0xFFFFE003, lr  }
0x1b: {  	s9 =	sadd.s32 $0xFFFFFEF7, lr;
	s5 =	simm.s32 $0xFFFFFFFF;
	p2 =	slt.u32 s8, $0xFFFFF086  }
0x1c: {  	p1 =	slt.u32 s9, $0xF7A;
	s5 =	simm.s32 @!p2 $0x0  }
0x1d: {  	s5 =	simm.s32 @p1 $0x1;
	p0 =	seq.s32 s7, s2  }
0x1e: {  	s7 =	smul.u32 @!p0 $0xF7A, s2;
	p2 =	seq.s32 @!p0 s5, $0x0  }
0x1f: {  	s9 =	smul.u32 $0xF7A, s1;
	s8 =	simm.s32 @!p0 $0x1BF5;
	p2 =	por !p2, p0  }
0x20: {  	[sflag:s8] =	ssyncset.s32 @!p0 $0xFFFFF086;
	s6 =	sadd.s32 @!p0 s3, s7;
	s7 =	simm.s32 @!p0 $0x108  }
0x21: {  	s3 =	sadd.s32 s3, s9;
	s6 =	sadd.s32 @!p0 $0x88, s6;
	s7 =	simm.s32 @p2 $0x1082  }
0x22: {  	[simem:s7], [sflag:s8] =	dma.local @!p0 [hbm:s6], $0xF7A  }
0x23: {  	s9 =	sor.u32 $0xD0000000, s2;
	s6 =	simm.s32 $0x108;
	_ =	swait.ge @!p0 [sflag:s8], $0x0  }
0x24: {  	s3 =	sadd.s32 $0x88, s3;
	s6 =	simm.s32 @!p1 $0x1082;
	[sflag:s4] =	ssyncset.s32 $0xFFFFF086  }
0x25: {  	[simem:s6], [sflag:s4] =	dma.local [hbm:s3], $0xF7A  }
0x26: {  	[smem:$0x3F99] =	sst s1;
	(tag) =	ssettag s2;
	_ =	strace s9  }
0x27: {  	s1 =	sld [smem:$0x3FA9]  }
0x28: {  	s2 =	sld [smem:$0x3FAA]  }
0x29: {  	s4 =	sld [smem:$0x3FAC]  }
0x2a: {  	p0 =	seq.s32 s5, $0x0;
	s5 =	sld [smem:$0x3FAD]  }
0x2b: {  	s6 =	sld [smem:$0x3FAE]  }
0x2c: {  	s7 =	sld [smem:$0x3FAF]  }
0x2d: {  	s3 =	simm.s32 $0x108;
	s8 =	sld [smem:$0x3FB0]  }
0x2e: {  	s3 =	simm.s32 @!p0 $0x1082;
	s9 =	sld [smem:$0x3FB1]  }
0x2f: {  	lr =	sadd.s32 s0, s3;
	s0 =	sld [smem:$0x3FA8]  }
0x30: {  	s3 =	sld [smem:$0x3FAB]  }
0x31: {  	[smem:$0x3FB4] =	sst s10  }
0x32: {  	s10 =	sld [smem:$0x3FB2];
	_ =	sdelay $0x3  }
0x33: {  	p0 =	seq.s32 s10, $0x1;
	s10 =	sld [smem:$0x3FB4];
	_ =	sdelay $0x3  }
0x34: {  	[smem:$0x3FB4] =	sst s10  }
0x35: {  	s10 =	sld [smem:$0x3FB3];
	_ =	sdelay $0x3  }
0x36: {  	p1 =	seq.s32 s10, $0x1;
	s10 =	sld [smem:$0x3FB4];
	_ =	sdelay $0x3  }
0x37: {  	[smem:$0x3FB4] =	sst s10  }
0x38: {  	s10 =	sld [smem:$0x3FB5]  }
0x39: {  	_ = 	snop;
	(pc) =	sbr.ind lr, $3  }
0x3a: {  	_ = 	snop  }
0x3b: {  	_ = 	snop  }
0x3c: {  	p2 =	seq.s32 s10, $0x1;
	s10 =	sld [smem:$0x3FB4]  }
0x3d: {  	_ =	shalt  }
0x3e: {  	_ =	shalt  }
0x3f: {  	_ =	shalt  }
0x40: {  	_ =	shalt  }
0x41: {  	_ =	shalt  }
0x42: {  	_ =	shalt  }
0x43: {  	_ =	shalt  }
0x44: {  	_ =	shalt  }
0x45: {  	_ =	shalt  }
0x46: {  	_ =	shalt  }
0x47: {  	_ =	shalt  }
0x48: {  	_ =	shalt  }
0x49: {  	_ =	shalt  }
0x4a: {  	_ =	shalt  }
0x4b: {  	_ =	shalt  }
0x4c: {  	_ =	shalt  }
0x4d: {  	_ =	shalt  }
0x4e: {  	_ =	shalt  }
0x4f: {  	_ =	shalt  }
0x50: {  	_ =	shalt  }
0x51: {  	_ =	shalt  }
0x52: {  	_ =	shalt  }
0x53: {  	_ =	shalt  }
0x54: {  	_ =	shalt  }
0x55: {  	_ =	shalt  }
0x56: {  	_ =	shalt  }
0x57: {  	_ =	shalt  }
0x58: {  	_ =	shalt  }
0x59: {  	_ =	shalt  }
0x5a: {  	_ =	shalt  }
0x5b: {  	_ =	shalt  }
0x5c: {  	_ =	shalt  }
0x5d: {  	_ =	shalt  }
0x5e: {  	_ =	shalt  }
0x5f: {  	_ =	shalt  }
0x60: {  	_ =	shalt  }
0x61: {  	_ =	shalt  }
0x62: {  	_ =	shalt  }
0x63: {  	_ =	shalt  }
0x64: {  	_ =	shalt  }
0x65: {  	_ =	shalt  }
0x66: {  	_ =	shalt  }
0x67: {  	_ =	shalt  }
0x68: {  	_ =	shalt  }
0x69: {  	_ =	shalt  }
0x6a: {  	_ =	shalt  }
0x6b: {  	_ =	shalt  }
0x6c: {  	_ =	shalt  }
0x6d: {  	_ =	shalt  }
0x6e: {  	_ =	shalt  }
0x6f: {  	_ =	shalt  }
0x70: {  	_ =	shalt  }
0x71: {  	_ =	shalt  }
0x72: {  	_ =	shalt  }
0x73: {  	_ =	shalt  }
0x74: {  	_ =	shalt  }
0x75: {  	_ =	shalt  }
0x76: {  	_ =	shalt  }
0x77: {  	_ =	shalt  }
0x78: {  	_ =	shalt  }
0x79: {  	_ =	shalt  }
0x7a: {  	_ =	shalt  }
0x7b: {  	_ =	shalt  }
0x7c: {  	_ =	shalt  }
0x7d: {  	_ =	shalt  }
0x7e: {  	_ =	shalt  }
0x7f: {  	_ =	shalt  }
0x80: {  	_ =	shalt  }
0x81: {  	_ =	shalt  }
0x82: {  	_ =	shalt  }
0x83: {  	_ =	shalt  }
0x84: {  	_ =	shalt  }
0x85: {  	_ =	shalt  }
0x86: {  	_ =	shalt  }
0x87: {  	_ =	shalt  }
.Lfunc_end0:
.L_simem_size_0:
called_computation_lowered:
.L_overlay_start_0:
0x88: {  	s2 =	sld [smem:$0x3FD9]  }
0x89: {  	s3 =	sld [smem:$0x3FFE];
	_ =	sdelay $0x1  }
0x8a: {  	s1 =	srdreg.scid  }
0x8b: {  	s0 =	sand.u32 $0x1, s1  }
0x8c: {  	s16 =	sshll.u32 s0, $0xA;
	s2 =	sadd.s32 s3, s2  }
0x8d: {  	s2 =	sadd.s32 s2, s16  }
0x8e: {  	[smem:$0x3FC0] =	sst s2  }
0x8f: {  	_ = 	snop  }
0x90: {  	(tm) =	ssettm $0x1  }
0x91: {  	s17 =	sld [smem:$0x3FFB];
	_ =	sdelay $0x3  }
0x92: {  	_ =	strace s17  }
0x93: {  	s2 =	sld [smem:$0x3FFC];
	_ =	sdelay $0x3  }
0x94: {  	_ =	strace s2  }
0x95: {  	s2 =	sld [smem:$0x3FFD];
	_ =	sdelay $0x3  }
0x96: {  	_ =	strace s2  }
0x97: {  	_ =	strace $0x8FFFFFFF  }
0x98: {  	s18 =	sld [smem:$0x3FDB];
	_ =	sdelay $0x1  }
0x99: {  	s19 =	simm.s32 $_scs_section_size  }
0x9a: {  	s4 =	simm.s32 $_size__tile_overlayer_lowered;
	s5 =	simm.s32 $_tile_overlayer_lowered  }
0x9b: {  	s22 =	simm.s32 $0x1BFF;
	s21 =	sshll.u32 s5, $0x1;
	s2 =	sadd.s32 s19, s18  }
0x9c: {  	s6 =	simm.s32 $0x0;
	s20 =	sshll.u32 s4, $0x1;
	s4 =	sadd.s32 s21, s2  }
0x9d: {  	[timem:s6], [sflag:s22] =	dma.local [hbm:s4], s20  }
0x9e: {  	_ =	swait.ge [sflag:s22], s20  }
0x9f: {  	s3 =	ssub.s32 $0x0, s20;
	[sflag:s22] =	ssyncset.done $0x0  }
0xa0: {  	[sflag:s22] =	ssyncadd.s32 s3;
	_ =	sdelay $0x1  }
0xa1: {  	s23 =	simm.s32 $0x1B8B  }
0xa2: {  	_ =	swait.ge [sflag:s23], $0x1  }
0xa3: {  	[sflag:s23] =	ssyncset.done $0x0  }
0xa4: {  	s25 =	simm.s32 $0x1B8E;
	s24 =	sld [smem:$0x3FFE];
	[sflag:s23] =	ssyncadd.s32 $0xFFFFFFFF  }
0xa5: {  	s26 =	simm.s32 $execute0_lowered;
	[smem:$0x3FD2] =	sst s25  }
0xa6: {  	s4 =	sshll.u32 s26, $0x1;
	_ =	strace $0x80000046;
	[dreg:$0x1] =	wrdreg $0xFFFFFFFF  }
0xa7: {  	s28 =	simm.s32 $_size_execute0_lowered;
	s2 =	sadd.s32 s2, s4;
	[dreg:$0x0] =	wrdreg $0x0  }
0xa8: {  	s4 =	sshll.u32 s28, $0x1;
	[dreg:$0x2] =	wrdreg s2  }
0xa9: {  	[dreg:$0x3] =	wrdreg s4  }
0xaa: {  	[dreg:$0x4] =	wrdreg $0xC0  }
0xab: {  	_ =	task [dreg:s6], $0x5FFFF  }
0xac: {  	[dreg:$0x1] =	wrdreg $0xFFFFFFFF  }
0xad: {  	[dreg:$0x0] =	wrdreg $0x60  }
0xae: {  	[dreg:$0x2] =	wrdreg s24  }
0xaf: {  	[dreg:$0x3] =	wrdreg $0x68000  }
0xb0: {  	[dreg:$0x4] =	wrdreg $0x9  }
0xb1: {  	_ =	task.clear_ibuf [dreg:s6], $0x5FFFF;
	_ =	strace $0x90000046  }
0xb2: {  	s29 =	simm.s32 $0x9;
	_ =	strace $0x80000048  }
0xb3: {  	_ =	swait.ge [sflag:s29], $0x1  }
0xb4: {  	[sflag:s29] =	ssyncadd.s32 $0xFFFFFFFF  }
0xb5: {  	_ =	strace $0x90000048  }
0xb6: {  	_ =	sfence  }
0xb7: {  	s30 =	sld [smem:$0x0];
	_ =	sdelay $0x2  }
0xb8: {  	s31 =	sshll.u32 s1, $0xD;
	s1 =	sshrl.u32 s1, $0x2  }
0xb9: {  	s3 =	sand.u32 $0x4000, s31;
	s1 =	sadd.s32 s1, s30  }
0xba: {  	s0 =	sor.u32 s3, s0;
	s1 =	sshll.u32 s1, $0x11  }
0xbb: {  	s0 =	sor.u32 s1, s0  }
0xbc: {  	s0 =	sadd.s32 $0x8F2B, s0  }
0xbd: {  	[sflag:s0] =	ssyncadd.remote.s32 $0x1  }
0xbe: {  	_ =	sfence.sel $0xFFFF  }
0xbf: {  	[dreg:$0x0] =	wrdreg $0xFFFFFFFF;
	(pc) =	sbr.abs _section_cstart, $3  }
0xc0: {  	[dreg:$0x1] =	wrdreg $0xFFFFFFFF  }
0xc1: {  	_ =	task.clear_ibuf [dreg:s6], $0x2FFFF;
	_ =	strace $0x9FFFFFFF  }
0xc2: {  	(tm) =	ssettm $0x7FFFFFFF  }
0xc3: {  	_ =	shalt  }
tec
execute0_lowered:
.L_overlay_start_1:
0x0: {  	(tag) =	ssettag $0x1  }
0x1: {  	s0 =	srdreg.scid  }
0x2: {  	s13 =	stileid.u32;
	s4 =	rddreg [dreg:$0x0]  }
0x3: {  	s1 =	rddreg [dreg:$0x1];
	s2 =	simm.s32 $0x0;
	s10 =	simm.s32 $0x2800  }
0x4: {  	s11 =	simm.s32 $0x80;
	s12 =	simm.s32 $0x1;
	s15 =	simm.s32 $0x0  }
0x5: {  	s3 =	sand.u32 $0x1, s0;
	[smem:$0x7FF] =	sst s2;
	s7 =	smul.u32 $0x14000, s13  }
0x6: {  	s8 =	smul.u32 $0x50000, s13;
	p0 =	sne.s32 s13, $0x0;
	s0 =	sshll.u32 s3, $0x4  }
0x7: {  	s6 =	smul.u32 $0x140000, s3;
	s31 =	ssub.s32 $0x2, s3;
	s3 =	sadd.s32 $0xC000, s4  }
0x8: {  	s0 =	sor.u32 s13, s0;
	s9 =	sshrl.u32 s31, $0x1;
	s8 =	sshrl.u32 s8, $0x2  }
0x9: {  	s13 =	sshll.u32 s13, $0x6;
	s5 =	smul.u32 $0x500, s0;
	s0 =	rddreg [dreg:$0x2]  }
0xa: {  	_ =	strace $0x80000047;
	s6 =	sadd.s32 s7, s6;
	s7 =	ssub.s32 s31, s9  }
0xb: {  	s14 =	sadd.s32 s8, s1;
	s8 =	sshrl.u32 @!p0 s1, $0x3;
	s9 =	simm.s32 $0x7D  }
0xc: {  	s13 =	sor.u32 $0x1C02, s13;
	s6 =	sshrl.u32 s6, $0x3;
	s5 =	sadd.s32 s5, s4  }
0xd: {  	s14 =	sshrl.u32 s14, $0x3;
	s6 =	sadd.s32 s6, s4;
	s4 =	sadd.s32 $0x2000, s5  }
0xe: {  	v0 =	vimm.f32 $1.000000000e+00;
	s5 =	sadd.s32 $0x34000, s6;
	s6 =	smax.u32 s7, $0x1;
	s7 =	simm.s32 $0x2  }
.LBB2_1:
0xf: {  	[tilespmem:s2], [sflag:$0x2] =	stream.linear.gather [hbm4b:s4+s2], $0x2800, $0x38;
	[tilespmem:$0x9000] =	vst v63  }
0x10: {  	_ =	swait.ge [sflag:s7], $0x2800  }
0x11: {  	[sflag:s7] =	ssyncset.done $0x0  }
0x12: {  	s16 =	simm.s32 @!p0 $0x1C02;
	[sflag:s7] =	ssyncadd.s32 $0xFFFFD800  }
0x13: {  	[spmem:s8], [sflag:s16] =	dma.local @!p0 [hbm:s3], $0x28000  }
0x14: {  	s16 =	simm.s32 @!p0 $0x2  }
0x15: {  	_ =	swait.ge @!p0 [sflag:s16], $0x28000  }
0x16: {  	[sflag:s16] =	ssyncset.done @!p0 $0x0  }
0x17: {  	s17 =	simm.s32 $0x0;
	[sflag:s16] =	ssyncadd.s32 @!p0 $0xFFFD8000;
	s16 =	simm.s32 $0x200  }
.LBB2_2:
0x18: {  	p1 =	sne.s32 s16, $0xF800;
	[tilespmem:s17+$0x2800] =	vst v0;
	s17 =	smov.u32 s16;
	s16 =	sadd.s32 $0x200, s16  }
.Ltmp0:
0x19: {  	(pc) =	sbr.rel @p1 .LBB2_2-.Ltmp0, $2  }
0x1a: {  	_ =	sdelay $0x2  }
0x1b: {  	s17 =	sshra.s32 s17, $0x2  }
0x1c: {  	[tilespmem:s17+$0x2800] =	vst v0  }
0x1d: {  	[bflag:$0x0] =	sbarrier.arrive $0xFFFF  }
0x1e: {  	[spmem:s1] =	stream.indirect.scatter.add.f32 [tilespmem:s10], [sflag:$0x1], $0x10, s2, s9, $0xb8;
	[tilespmem:$0x9000] =	vst v63  }
0x1f: {  	_ = 	snop  }
0x20: {  	[spmem:s1] =	stream.indirect.scatter.add.f32 [tilespmem:s10], [sflag:$0x1], $0x10, s11, s9, $0xb8;
	[tilespmem:$0x9000] =	vst v63  }
0x21: {  	s16 =	simm.s32 $0x100  }
0x22: {  	[spmem:s1] =	stream.indirect.scatter.add.f32 [tilespmem:s10], [sflag:$0x1], $0x10, s16, s9, $0xb8;
	[tilespmem:$0x9000] =	vst v63  }
0x23: {  	_ =	swait.ge [sflag:s12], $0x7D0  }
0x24: {  	s16 =	simm.s32 $0x600;
	[sflag:s12] =	ssyncset.done $0x0  }
.LBB2_4:
0x25: {  	s17 =	sshra.s32 s16, $0x2;
	[sflag:s12] =	ssyncadd.s32 $0xFFFFF830;
	p1 =	sne.s32 s16, $0x9E00  }
0x26: {  	[spmem:s1] =	stream.indirect.scatter.add.f32 [tilespmem:s10], [sflag:$0x1], $0x10, s17, s9, $0xb8;
	[tilespmem:$0x9000] =	vst v63  }
.Ltmp1:
0x27: {  	_ = 	snop;
	(pc) =	sbr.rel @p1 .LBB2_4-.Ltmp1, $4  }
0x28: {  	_ = 	snop  }
0x29: {  	s16 =	sadd.s32 $0x200, s16  }
0x2a: {  	_ =	swait.ge [sflag:s12], $0x7D0  }
0x2b: {  	[sflag:s12] =	ssyncset.done $0x0  }
0x2c: {  	[sflag:s12] =	ssyncadd.s32 $0xFFFFF830  }
0x2d: {  	_ =	swait.ge [sflag:s12], $0x7D0  }
0x2e: {  	[sflag:s12] =	ssyncset.done $0x0  }
0x2f: {  	[sflag:s12] =	ssyncadd.s32 $0xFFFFF830  }
0x30: {  	_ =	swait.ge [sflag:s12], $0x7D0  }
0x31: {  	s15 =	sadd.s32 $0x1, s15;
	[sflag:s12] =	ssyncset.done $0x0  }
0x32: {  	p1 =	sne.s32 s15, s6;
	[sflag:s12] =	ssyncadd.s32 $0xFFFFF830  }
.Ltmp2:
0x33: {  	[bflag:$0x0] =	sbarrier.arrive $0xFFFF;
	(pc) =	sbr.rel @p1 .LBB2_1-.Ltmp2, $4  }
0x34: {  	[hbm:s5], [sflag:s13] =	dma.local [spmem:s14], $0x2800  }
0x35: {  	_ =	swait.ge [sflag:s7], $0x2800  }
0x36: {  	[sflag:s7] =	ssyncset.done $0x0  }
0x37: {  	[sflag:s7] =	ssyncadd.s32 $0xFFFFD800  }
0x38: {  	_ =	sfence.sel $0x180000  }
0x39: {  	[bflag:$0x0] =	sbarrier.arrive $0xFFFF  }
0x3a: {  	_ =	strace $0x90000047  }
0x3b: {  	s0 =	sadd.s32 @!p0 $0x100000, s0;
	[bflag:$0x2] =	sbarrier.arrive $0xFFFF  }
0x3c: {  	[sflag:s0] =	ssyncadd.tile.s32 @!p0 $0x1;
	_ =	shalt  }
.Lfunc_end2:
_tile_overlayer_lowered:
.L_overlay_start_2:
0x3d: {  	(tag) =	ssettag $0x2  }
0x3e: {  	s0 =	rddreg [dreg:$0x0];
	s2 =	stileid.u32  }
0x3f: {  	s1 =	rddreg [dreg:$0x1];
	p0 =	sne.s32 s2, $0x0  }
0x40: {  	s3 =	rddreg [dreg:$0x2];
	[bflag:$0x3] =	sbarrier.arrive $0xFFFF;
	s2 =	simm.s32 @!p0 $0x1C02  }
0x41: {  	[timem:s3], [sflag:s2] =	dma.local @!p0 [hbm:s0], s1  }
0x42: {  	s0 =	simm.s32 @!p0 $0x2  }
0x43: {  	_ =	swait.ge @!p0 [sflag:s0], s1  }
0x44: {  	s1 =	ssub.s32 @!p0 $0x0, s1;
	[sflag:s0] =	ssyncset.done @!p0 $0x0  }
0x45: {  	[sflag:s0] =	ssyncadd.s32 @!p0 s1  }
0x46: {  	[bflag:$0x3] =	sbarrier.arrive $0xFFFF  }
0x47: {  	_ =	shalt  }

</sc_bundles>
